<compile_context>
chip_gen: v7x
topology: tpu7x:2x2x1
jax: 0.10.2.dev20260603
libtpu: 0.0.44.dev20260713+nightly
codegen_flags: <defaults>
</compile_context>

<pallas_src>
import functools

import jax
import jax.numpy as jnp
from jax import lax
from jax.experimental import pallas as pl
from jax.experimental.pallas import tpu as pltpu
from jax.experimental.pallas import tpu_sc as plsc

BATCH = 4096
INPUT_DIM = 39
N_CONT = 13
N_CAT = 26
VOCAB = 100000
EMB = 32
LANES = 16
OUT_DIM = N_CONT + N_CAT * EMB

NUM_CORES = 2
NUM_SUBCORES = 16
NUM_WORKERS = NUM_CORES * NUM_SUBCORES
B_PER_W = BATCH // NUM_WORKERS
VREGS_PER_TABLE = B_PER_W // LANES

_mesh = plsc.VectorSubcoreMesh(
    core_axis_name="c", subcore_axis_name="s",
    num_cores=NUM_CORES, num_subcores=NUM_SUBCORES,
)


@functools.partial(
    pl.kernel,
    out_type=jax.ShapeDtypeStruct((OUT_DIM, BATCH), jnp.float32),
    mesh=_mesh,
    compiler_params=pltpu.CompilerParams(
        use_tc_tiling_on_sc=False, needs_layout_passes=False),
    scratch_types=[
        pltpu.VMEM((N_CAT, B_PER_W), jnp.float32),
        pltpu.VMEM((OUT_DIM, B_PER_W), jnp.float32),
        pltpu.SemaphoreType.DMA,
    ],
)
def _emb_kernel(tt_hbm, xt_hbm, out_hbm, xi_v, asm_v, sem):
    wid = lax.axis_index("s") * NUM_CORES + lax.axis_index("c")
    base_b = wid * B_PER_W

    pltpu.sync_copy(
        xt_hbm.at[pl.ds(N_CONT, N_CAT), pl.ds(base_b, B_PER_W)], xi_v)
    pltpu.sync_copy(xt_hbm.at[pl.ds(0, N_CONT), pl.ds(base_b, B_PER_W)],
                    asm_v.at[pl.ds(0, N_CONT), :])

    def table_bytes_wait():
        pltpu.make_async_copy(
            xt_hbm.at[pl.ds(0, EMB), pl.ds(0, B_PER_W)],
            asm_v.at[pl.ds(N_CONT, EMB), :],
            sem).wait()

    def per_table(j, carry):
        vjs = [
            xi_v[j, pl.ds(h * LANES, LANES)].astype(jnp.int32)
            for h in range(VREGS_PER_TABLE)
        ]
        row0 = N_CONT + j * EMB
        for e in range(EMB):
            base = (j * EMB + e) * VOCAB
            for h in range(VREGS_PER_TABLE):
                flat_idx = vjs[h] + base
                pltpu.async_copy(
                    tt_hbm.at[flat_idx],
                    asm_v.at[row0 + e, pl.ds(h * LANES, LANES)],
                    sem)

        @pl.when(j > 7)
        def _():
            table_bytes_wait()

        return carry

    lax.fori_loop(0, N_CAT, per_table, 0)
    for _ in range(8):
        table_bytes_wait()

    pltpu.sync_copy(asm_v, out_hbm.at[:, pl.ds(base_b, B_PER_W)])


def kernel(x, tables):
    xt = x.T
    tt = jnp.transpose(tables, (0, 2, 1)).reshape(N_CAT * EMB * VOCAB)
    out_t = _emb_kernel(tt, xt)
    return out_t.T

# --- scband reference (transcript-rebuilt; emitter-appended) ---
"""Pipeline reference for scband-embedding-generator-1047972020802 (READ-ONLY COPY).

The authoritative reference and input builder live on the scoring server;
editing this copy changes nothing except your own understanding.
"""

import jax, jax.numpy as jnp
import numpy as np

BATCH = 4096
INPUT_DIM = 39
N_CONT = 13
N_CAT = 26
VOCAB = 100000
EMB = 32


def setup_inputs(seed: int = 0) -> dict:
    key = jax.random.key(seed)
    kx, kt = jax.random.split(key)
    # x holds both continuous and categorical columns; categorical columns
    # (indices 13..38) must be valid integer ids when cast to int.
    x = jax.random.randint(kx, (BATCH, INPUT_DIM), 0, VOCAB).astype(jnp.float32)
    # 26 embedding tables, each [VOCAB, EMB] (stacked since all share shape).
    tables = jax.random.normal(kt, (N_CAT, VOCAB, EMB), dtype=jnp.float32) * 0.01
    return {"x": x, "tables": tables}


def reference(x, tables):
    # Faithful translation of EmbeddingGenerator.forward:
    # iterate features in order; continuous -> passthrough column,
    # categorical -> embedding lookup; concat along feature axis.
    cols = []
    cat_feat_counter = 0
    for feat_init_idx in range(INPUT_DIM):
        if feat_init_idx < N_CONT:
            cols.append(x[:, feat_init_idx].astype(jnp.float32).reshape(-1, 1))
        else:
            idx = x[:, feat_init_idx].astype(jnp.int32)
            cols.append(jnp.take(tables[cat_feat_counter], idx, axis=0))
            cat_feat_counter += 1
    post_embeddings = jnp.concatenate(cols, axis=1)  # [BATCH, 13 + 26*32] = [BATCH, 845]
    return post_embeddings

if __name__ == "__main__":
    import jax
    _d = setup_inputs()
    print(jax.jit(kernel)(*tuple(_d.values())))

</pallas_src>

<mosaic_0001>
#map = affine_map<(d0, d1) -> (0)>
#map1 = affine_map<(d0, d1) -> (0, 0)>
module attributes {stable_mosaic.version = 14 : i64} {
  func.func @_emb_kernel(%arg0: i32, %arg1: i32, %arg2: memref<83200000xf32, #tpu.memory_space<hbm>>, %arg3: memref<39x4096xf32, #tpu.memory_space<hbm>>, %arg4: memref<845x4096xf32, #tpu.memory_space<hbm>>, %arg5: memref<26x128xf32, #tpu.memory_space<vmem>>, %arg6: memref<845x128xf32, #tpu.memory_space<vmem>>, %arg7: memref<!tpu.dma_semaphore, #tpu.memory_space<semaphore_mem>>) attributes {dimension_semantics = [#tpu.dimension_semantics<core_parallel>, #tpu.dimension_semantics<subcore_parallel>], iteration_bounds = array<i64: 2, 16>, scalar_prefetch = 0 : i64, scratch_operands = 3 : i64, tpu.core_type = #tpu.core_type<sc_vector_subcore>, window_params = [{transform_indices = #map}, {transform_indices = #map1}, {transform_indices = #map1}]} {
    %mul3A = arith.constant 2 : i32
    %mul3A_0 = arith.muli %arg1, %mul3A : i32
    %add3A = arith.addi %mul3A_0, %arg0 : i32
    %mul3A_1 = arith.constant 128 : i32
    %mul3A_2 = arith.muli %add3A, %mul3A_1 : i32
    "tpu.region"() ({
      %run_scoped3A = tpu.sem_alloc : memref<!tpu.dma_semaphore, #tpu.memory_space<semaphore_mem>>
      %dma_start3A = arith.constant 13 : i32
      %dma_start3A_103 = tpu.memref_slice %arg3[%dma_start3A, %mul3A_2] : memref<39x4096xf32, #tpu.memory_space<hbm>> -> memref<26x128xf32, #tpu.memory_space<hbm>>
      %dma_start3A_104 = arith.constant 13 : i32
      %dma_start3A_105 = tpu.memref_slice %arg3[%dma_start3A_104, %mul3A_2] : memref<39x4096xf32, #tpu.memory_space<hbm>> -> memref<26x128xf32, #tpu.memory_space<hbm>>
      tpu.enqueue_dma source(%dma_start3A_105 : memref<26x128xf32, #tpu.memory_space<hbm>>) target(%arg5 : memref<26x128xf32, #tpu.memory_space<vmem>>) target_semaphore(%run_scoped3A : memref<!tpu.dma_semaphore, #tpu.memory_space<semaphore_mem>>)
      %dma_wait3A_106 = arith.constant 13 : i32
      %dma_wait3A_107 = tpu.memref_slice %arg3[%dma_wait3A_106, %mul3A_2] : memref<39x4096xf32, #tpu.memory_space<hbm>> -> memref<26x128xf32, #tpu.memory_space<hbm>>
      %dma_wait3A_108 = arith.constant 13 : i32
      %dma_wait3A_109 = tpu.memref_slice %arg3[%dma_wait3A_108, %mul3A_2] : memref<39x4096xf32, #tpu.memory_space<hbm>> -> memref<26x128xf32, #tpu.memory_space<hbm>>
      tpu.wait_dma2 semaphore(%run_scoped3A : memref<!tpu.dma_semaphore, #tpu.memory_space<semaphore_mem>>) src(%dma_wait3A_109 : memref<26x128xf32, #tpu.memory_space<hbm>>) dst(%arg5 : memref<26x128xf32, #tpu.memory_space<vmem>>)
      tpu.yield
    }) : () -> ()
    "tpu.region"() ({
      %run_scoped3A = tpu.sem_alloc : memref<!tpu.dma_semaphore, #tpu.memory_space<semaphore_mem>>
      %dma_start3A = arith.constant 0 : i32
      %dma_start3A_103 = arith.constant 0 : i32
      %dma_start3A_104 = tpu.memref_slice %arg6[%dma_start3A, %dma_start3A_103] : memref<845x128xf32, #tpu.memory_space<vmem>> -> memref<13x128xf32, #tpu.memory_space<vmem>>
      %dma_start3A_105 = arith.constant 0 : i32
      %dma_start3A_106 = tpu.memref_slice %arg3[%dma_start3A_105, %mul3A_2] : memref<39x4096xf32, #tpu.memory_space<hbm>> -> memref<13x128xf32, #tpu.memory_space<hbm>>
      %dma_start3A_107 = arith.constant 0 : i32
      %dma_start3A_108 = arith.constant 0 : i32
      %dma_start3A_109 = tpu.memref_slice %arg6[%dma_start3A_107, %dma_start3A_108] : memref<845x128xf32, #tpu.memory_space<vmem>> -> memref<13x128xf32, #tpu.memory_space<vmem>>
      %dma_start3A_110 = arith.constant 0 : i32
      %dma_start3A_111 = tpu.memref_slice %arg3[%dma_start3A_110, %mul3A_2] : memref<39x4096xf32, #tpu.memory_space<hbm>> -> memref<13x128xf32, #tpu.memory_space<hbm>>
      tpu.enqueue_dma source(%dma_start3A_111 : memref<13x128xf32, #tpu.memory_space<hbm>>) target(%dma_start3A_109 : memref<13x128xf32, #tpu.memory_space<vmem>>) target_semaphore(%run_scoped3A : memref<!tpu.dma_semaphore, #tpu.memory_space<semaphore_mem>>)
      %dma_wait3A_112 = arith.constant 0 : i32
      %dma_wait3A_113 = arith.constant 0 : i32
      %dma_wait3A_114 = tpu.memref_slice %arg6[%dma_wait3A_112, %dma_wait3A_113] : memref<845x128xf32, #tpu.memory_space<vmem>> -> memref<13x128xf32, #tpu.memory_space<vmem>>
      %dma_wait3A_115 = arith.constant 0 : i32
      %dma_wait3A_116 = tpu.memref_slice %arg3[%dma_wait3A_115, %mul3A_2] : memref<39x4096xf32, #tpu.memory_space<hbm>> -> memref<13x128xf32, #tpu.memory_space<hbm>>
      %dma_wait3A_117 = arith.constant 0 : i32
      %dma_wait3A_118 = arith.constant 0 : i32
      %dma_wait3A_119 = tpu.memref_slice %arg6[%dma_wait3A_117, %dma_wait3A_118] : memref<845x128xf32, #tpu.memory_space<vmem>> -> memref<13x128xf32, #tpu.memory_space<vmem>>
      %dma_wait3A_120 = arith.constant 0 : i32
      %dma_wait3A_121 = tpu.memref_slice %arg3[%dma_wait3A_120, %mul3A_2] : memref<39x4096xf32, #tpu.memory_space<hbm>> -> memref<13x128xf32, #tpu.memory_space<hbm>>
      tpu.wait_dma2 semaphore(%run_scoped3A : memref<!tpu.dma_semaphore, #tpu.memory_space<semaphore_mem>>) src(%dma_wait3A_121 : memref<13x128xf32, #tpu.memory_space<hbm>>) dst(%dma_wait3A_119 : memref<13x128xf32, #tpu.memory_space<vmem>>)
      tpu.yield
    }) : () -> ()
    %scan3A = arith.constant 0 : i32
    %scan3A_3 = arith.constant 0 : i32
    %scan3A_4 = arith.constant 26 : i32
    %scan3A_5 = arith.addi %scan3A_3, %scan3A_4 : i32
    %scan3A_6 = arith.constant 1 : i32
    scf.for %scan3A_103 = %scan3A_3 to %scan3A_5 step %scan3A_6  : i32 {
      %get3A = arith.index_cast %scan3A_103 : i32 to index
      %get3A_104 = arith.constant 0 : index
      %get3A_105 = tpu.vector_load %arg5[%get3A, %get3A_104] {strides = array<i32>} : memref<26x128xf32, #tpu.memory_space<vmem>>, vector<16xf32>,
      %convert_element_type3A = arith.fptosi %get3A_105 : vector<16xf32> to vector<16xi32>
      %get3A_106 = arith.index_cast %scan3A_103 : i32 to index
      %get3A_107 = arith.constant 16 : index
      %get3A_108 = tpu.vector_load %arg5[%get3A_106, %get3A_107] {strides = array<i32>} : memref<26x128xf32, #tpu.memory_space<vmem>>, vector<16xf32>,
      %convert_element_type3A_109 = arith.fptosi %get3A_108 : vector<16xf32> to vector<16xi32>
      %get3A_110 = arith.index_cast %scan3A_103 : i32 to index
      %get3A_111 = arith.constant 32 : index
      %get3A_112 = tpu.vector_load %arg5[%get3A_110, %get3A_111] {strides = array<i32>} : memref<26x128xf32, #tpu.memory_space<vmem>>, vector<16xf32>,
      %convert_element_type3A_113 = arith.fptosi %get3A_112 : vector<16xf32> to vector<16xi32>
      %get3A_114 = arith.index_cast %scan3A_103 : i32 to index
      %get3A_115 = arith.constant 48 : index
      %get3A_116 = tpu.vector_load %arg5[%get3A_114, %get3A_115] {strides = array<i32>} : memref<26x128xf32, #tpu.memory_space<vmem>>, vector<16xf32>,
      %convert_element_type3A_117 = arith.fptosi %get3A_116 : vector<16xf32> to vector<16xi32>
      %get3A_118 = arith.index_cast %scan3A_103 : i32 to index
      %get3A_119 = arith.constant 64 : index
      %get3A_120 = tpu.vector_load %arg5[%get3A_118, %get3A_119] {strides = array<i32>} : memref<26x128xf32, #tpu.memory_space<vmem>>, vector<16xf32>,
      %convert_element_type3A_121 = arith.fptosi %get3A_120 : vector<16xf32> to vector<16xi32>
      %get3A_122 = arith.index_cast %scan3A_103 : i32 to index
      %get3A_123 = arith.constant 80 : index
      %get3A_124 = tpu.vector_load %arg5[%get3A_122, %get3A_123] {strides = array<i32>} : memref<26x128xf32, #tpu.memory_space<vmem>>, vector<16xf32>,
      %convert_element_type3A_125 = arith.fptosi %get3A_124 : vector<16xf32> to vector<16xi32>
      %get3A_126 = arith.index_cast %scan3A_103 : i32 to index
      %get3A_127 = arith.constant 96 : index
      %get3A_128 = tpu.vector_load %arg5[%get3A_126, %get3A_127] {strides = array<i32>} : memref<26x128xf32, #tpu.memory_space<vmem>>, vector<16xf32>,
      %convert_element_type3A_129 = arith.fptosi %get3A_128 : vector<16xf32> to vector<16xi32>
      %get3A_130 = arith.index_cast %scan3A_103 : i32 to index
      %get3A_131 = arith.constant 112 : index
      %get3A_132 = tpu.vector_load %arg5[%get3A_130, %get3A_131] {strides = array<i32>} : memref<26x128xf32, #tpu.memory_space<vmem>>, vector<16xf32>,
      %convert_element_type3A_133 = arith.fptosi %get3A_132 : vector<16xf32> to vector<16xi32>
      %mul3A_134 = arith.constant 32 : i32
      %mul3A_135 = arith.muli %scan3A_103, %mul3A_134 : i32
      %add3A_136 = arith.constant 13 : i32
      %add3A_137 = arith.addi %add3A_136, %mul3A_135 : i32
      %mul3A_138 = arith.constant 32 : i32
      %mul3A_139 = arith.muli %scan3A_103, %mul3A_138 : i32
      %add3A_140 = arith.constant 0 : i32
      %add3A_141 = arith.addi %mul3A_139, %add3A_140 : i32
      %mul3A_142 = arith.constant 100000 : i32
      %mul3A_143 = arith.muli %add3A_141, %mul3A_142 : i32
      %add3A_144 = vector.broadcast %mul3A_143 : i32 to vector<16xi32>
      %add3A_145 = arith.addi %convert_element_type3A, %add3A_144 : vector<16xi32>
      %add3A_146 = arith.constant 0 : i32
      %add3A_147 = arith.addi %add3A_137, %add3A_146 : i32
      %dma_start3A = arith.constant 0 : i32
      %dma_start3A_148 = tpu.memref_slice %arg6[%add3A_147, %dma_start3A] : memref<845x128xf32, #tpu.memory_space<vmem>> -> memref<1x16xf32, #tpu.memory_space<vmem>>
      %dma_start3A_149 = tpu.memref_squeeze %dma_start3A_148 : memref<1x16xf32, #tpu.memory_space<vmem>> -> memref<16xf32, #tpu.memory_space<vmem>>
      %dma_start3A_150 = arith.constant 0 : i32
      %dma_start3A_151 = tpu.memref_slice %arg2[%dma_start3A_150] : memref<83200000xf32, #tpu.memory_space<hbm>> -> memref<83200000xf32, #tpu.memory_space<hbm>>
      tpu.enqueue_indirect_dma source(%dma_start3A_151 : memref<83200000xf32, #tpu.memory_space<hbm>>) target(%dma_start3A_149 : memref<16xf32, #tpu.memory_space<vmem>>) offsets(%add3A_145 : vector<16xi32>) semaphore(%arg7 : memref<!tpu.dma_semaphore, #tpu.memory_space<semaphore_mem>>)
      %add3A_152 = vector.broadcast %mul3A_143 : i32 to vector<16xi32>
      %add3A_153 = arith.addi %convert_element_type3A_109, %add3A_152 : vector<16xi32>
      %add3A_154 = arith.constant 0 : i32
      %add3A_155 = arith.addi %add3A_137, %add3A_154 : i32
      %dma_start3A_156 = arith.constant 16 : i32
      %dma_start3A_157 = tpu.memref_slice %arg6[%add3A_155, %dma_start3A_156] : memref<845x128xf32, #tpu.memory_space<vmem>> -> memref<1x16xf32, #tpu.memory_space<vmem>>
      %dma_start3A_158 = tpu.memref_squeeze %dma_start3A_157 : memref<1x16xf32, #tpu.memory_space<vmem>> -> memref<16xf32, #tpu.memory_space<vmem>>
      %dma_start3A_159 = arith.constant 0 : i32
      %dma_start3A_160 = tpu.memref_slice %arg2[%dma_start3A_159] : memref<83200000xf32, #tpu.memory_space<hbm>> -> memref<83200000xf32, #tpu.memory_space<hbm>>
      tpu.enqueue_indirect_dma source(%dma_start3A_160 : memref<83200000xf32, #tpu.memory_space<hbm>>) target(%dma_start3A_158 : memref<16xf32, #tpu.memory_space<vmem>>) offsets(%add3A_153 : vector<16xi32>) semaphore(%arg7 : memref<!tpu.dma_semaphore, #tpu.memory_space<semaphore_mem>>)
      %add3A_161 = vector.broadcast %mul3A_143 : i32 to vector<16xi32>
      %add3A_162 = arith.addi %convert_element_type3A_113, %add3A_161 : vector<16xi32>
      %add3A_163 = arith.constant 0 : i32
      %add3A_164 = arith.addi %add3A_137, %add3A_163 : i32
      %dma_start3A_165 = arith.constant 32 : i32
      %dma_start3A_166 = tpu.memref_slice %arg6[%add3A_164, %dma_start3A_165] : memref<845x128xf32, #tpu.memory_space<vmem>> -> memref<1x16xf32, #tpu.memory_space<vmem>>
      %dma_start3A_167 = tpu.memref_squeeze %dma_start3A_166 : memref<1x16xf32, #tpu.memory_space<vmem>> -> memref<16xf32, #tpu.memory_space<vmem>>
      %dma_start3A_168 = arith.constant 0 : i32
      %dma_start3A_169 = tpu.memref_slice %arg2[%dma_start3A_168] : memref<83200000xf32, #tpu.memory_space<hbm>> -> memref<83200000xf32, #tpu.memory_space<hbm>>
      tpu.enqueue_indirect_dma source(%dma_start3A_169 : memref<83200000xf32, #tpu.memory_space<hbm>>) target(%dma_start3A_167 : memref<16xf32, #tpu.memory_space<vmem>>) offsets(%add3A_162 : vector<16xi32>) semaphore(%arg7 : memref<!tpu.dma_semaphore, #tpu.memory_space<semaphore_mem>>)
      %add3A_170 = vector.broadcast %mul3A_143 : i32 to vector<16xi32>
      %add3A_171 = arith.addi %convert_element_type3A_117, %add3A_170 : vector<16xi32>
      %add3A_172 = arith.constant 0 : i32
      %add3A_173 = arith.addi %add3A_137, %add3A_172 : i32
      %dma_start3A_174 = arith.constant 48 : i32
      %dma_start3A_175 = tpu.memref_slice %arg6[%add3A_173, %dma_start3A_174] : memref<845x128xf32, #tpu.memory_space<vmem>> -> memref<1x16xf32, #tpu.memory_space<vmem>>
      %dma_start3A_176 = tpu.memref_squeeze %dma_start3A_175 : memref<1x16xf32, #tpu.memory_space<vmem>> -> memref<16xf32, #tpu.memory_space<vmem>>
      %dma_start3A_177 = arith.constant 0 : i32
      %dma_start3A_178 = tpu.memref_slice %arg2[%dma_start3A_177] : memref<83200000xf32, #tpu.memory_space<hbm>> -> memref<83200000xf32, #tpu.memory_space<hbm>>
      tpu.enqueue_indirect_dma source(%dma_start3A_178 : memref<83200000xf32, #tpu.memory_space<hbm>>) target(%dma_start3A_176 : memref<16xf32, #tpu.memory_space<vmem>>) offsets(%add3A_171 : vector<16xi32>) semaphore(%arg7 : memref<!tpu.dma_semaphore, #tpu.memory_space<semaphore_mem>>)
      %add3A_179 = vector.broadcast %mul3A_143 : i32 to vector<16xi32>
      %add3A_180 = arith.addi %convert_element_type3A_121, %add3A_179 : vector<16xi32>
      %add3A_181 = arith.constant 0 : i32
      %add3A_182 = arith.addi %add3A_137, %add3A_181 : i32
      %dma_start3A_183 = arith.constant 64 : i32
      %dma_start3A_184 = tpu.memref_slice %arg6[%add3A_182, %dma_start3A_183] : memref<845x128xf32, #tpu.memory_space<vmem>> -> memref<1x16xf32, #tpu.memory_space<vmem>>
      %dma_start3A_185 = tpu.memref_squeeze %dma_start3A_184 : memref<1x16xf32, #tpu.memory_space<vmem>> -> memref<16xf32, #tpu.memory_space<vmem>>
      %dma_start3A_186 = arith.constant 0 : i32
      %dma_start3A_187 = tpu.memref_slice %arg2[%dma_start3A_186] : memref<83200000xf32, #tpu.memory_space<hbm>> -> memref<83200000xf32, #tpu.memory_space<hbm>>
      tpu.enqueue_indirect_dma source(%dma_start3A_187 : memref<83200000xf32, #tpu.memory_space<hbm>>) target(%dma_start3A_185 : memref<16xf32, #tpu.memory_space<vmem>>) offsets(%add3A_180 : vector<16xi32>) semaphore(%arg7 : memref<!tpu.dma_semaphore, #tpu.memory_space<semaphore_mem>>)
      %add3A_188 = vector.broadcast %mul3A_143 : i32 to vector<16xi32>
      %add3A_189 = arith.addi %convert_element_type3A_125, %add3A_188 : vector<16xi32>
      %add3A_190 = arith.constant 0 : i32
      %add3A_191 = arith.addi %add3A_137, %add3A_190 : i32
      %dma_start3A_192 = arith.constant 80 : i32
      %dma_start3A_193 = tpu.memref_slice %arg6[%add3A_191, %dma_start3A_192] : memref<845x128xf32, #tpu.memory_space<vmem>> -> memref<1x16xf32, #tpu.memory_space<vmem>>
      %dma_start3A_194 = tpu.memref_squeeze %dma_start3A_193 : memref<1x16xf32, #tpu.memory_space<vmem>> -> memref<16xf32, #tpu.memory_space<vmem>>
      %dma_start3A_195 = arith.constant 0 : i32
      %dma_start3A_196 = tpu.memref_slice %arg2[%dma_start3A_195] : memref<83200000xf32, #tpu.memory_space<hbm>> -> memref<83200000xf32, #tpu.memory_space<hbm>>
      tpu.enqueue_indirect_dma source(%dma_start3A_196 : memref<83200000xf32, #tpu.memory_space<hbm>>) target(%dma_start3A_194 : memref<16xf32, #tpu.memory_space<vmem>>) offsets(%add3A_189 : vector<16xi32>) semaphore(%arg7 : memref<!tpu.dma_semaphore, #tpu.memory_space<semaphore_mem>>)
      %add3A_197 = vector.broadcast %mul3A_143 : i32 to vector<16xi32>
      %add3A_198 = arith.addi %convert_element_type3A_129, %add3A_197 : vector<16xi32>
      %add3A_199 = arith.constant 0 : i32
      %add3A_200 = arith.addi %add3A_137, %add3A_199 : i32
      %dma_start3A_201 = arith.constant 96 : i32
      %dma_start3A_202 = tpu.memref_slice %arg6[%add3A_200, %dma_start3A_201] : memref<845x128xf32, #tpu.memory_space<vmem>> -> memref<1x16xf32, #tpu.memory_space<vmem>>
      %dma_start3A_203 = tpu.memref_squeeze %dma_start3A_202 : memref<1x16xf32, #tpu.memory_space<vmem>> -> memref<16xf32, #tpu.memory_space<vmem>>
      %dma_start3A_204 = arith.constant 0 : i32
      %dma_start3A_205 = tpu.memref_slice %arg2[%dma_start3A_204] : memref<83200000xf32, #tpu.memory_space<hbm>> -> memref<83200000xf32, #tpu.memory_space<hbm>>
      tpu.enqueue_indirect_dma source(%dma_start3A_205 : memref<83200000xf32, #tpu.memory_space<hbm>>) target(%dma_start3A_203 : memref<16xf32, #tpu.memory_space<vmem>>) offsets(%add3A_198 : vector<16xi32>) semaphore(%arg7 : memref<!tpu.dma_semaphore, #tpu.memory_space<semaphore_mem>>)
      %add3A_206 = vector.broadcast %mul3A_143 : i32 to vector<16xi32>
      %add3A_207 = arith.addi %convert_element_type3A_133, %add3A_206 : vector<16xi32>
      %add3A_208 = arith.constant 0 : i32
      %add3A_209 = arith.addi %add3A_137, %add3A_208 : i32
      %dma_start3A_210 = arith.constant 112 : i32
      %dma_start3A_211 = tpu.memref_slice %arg6[%add3A_209, %dma_start3A_210] : memref<845x128xf32, #tpu.memory_space<vmem>> -> memref<1x16xf32, #tpu.memory_space<vmem>>
      %dma_start3A_212 = tpu.memref_squeeze %dma_start3A_211 : memref<1x16xf32, #tpu.memory_space<vmem>> -> memref<16xf32, #tpu.memory_space<vmem>>
      %dma_start3A_213 = arith.constant 0 : i32
      %dma_start3A_214 = tpu.memref_slice %arg2[%dma_start3A_213] : memref<83200000xf32, #tpu.memory_space<hbm>> -> memref<83200000xf32, #tpu.memory_space<hbm>>
      tpu.enqueue_indirect_dma source(%dma_start3A_214 : memref<83200000xf32, #tpu.memory_space<hbm>>) target(%dma_start3A_212 : memref<16xf32, #tpu.memory_space<vmem>>) offsets(%add3A_207 : vector<16xi32>) semaphore(%arg7 : memref<!tpu.dma_semaphore, #tpu.memory_space<semaphore_mem>>)
      %mul3A_215 = arith.constant 32 : i32
      %mul3A_216 = arith.muli %scan3A_103, %mul3A_215 : i32
      %add3A_217 = arith.constant 1 : i32
      %add3A_218 = arith.addi %mul3A_216, %add3A_217 : i32
      %mul3A_219 = arith.constant 100000 : i32
      %mul3A_220 = arith.muli %add3A_218, %mul3A_219 : i32
      %add3A_221 = vector.broadcast %mul3A_220 : i32 to vector<16xi32>
      %add3A_222 = arith.addi %convert_element_type3A, %add3A_221 : vector<16xi32>
      %add3A_223 = arith.constant 1 : i32
      %add3A_224 = arith.addi %add3A_137, %add3A_223 : i32
      %dma_start3A_225 = arith.constant 0 : i32
      %dma_start3A_226 = tpu.memref_slice %arg6[%add3A_224, %dma_start3A_225] : memref<845x128xf32, #tpu.memory_space<vmem>> -> memref<1x16xf32, #tpu.memory_space<vmem>>
      %dma_start3A_227 = tpu.memref_squeeze %dma_start3A_226 : memref<1x16xf32, #tpu.memory_space<vmem>> -> memref<16xf32, #tpu.memory_space<vmem>>
      %dma_start3A_228 = arith.constant 0 : i32
      %dma_start3A_229 = tpu.memref_slice %arg2[%dma_start3A_228] : memref<83200000xf32, #tpu.memory_space<hbm>> -> memref<83200000xf32, #tpu.memory_space<hbm>>
      tpu.enqueue_indirect_dma source(%dma_start3A_229 : memref<83200000xf32, #tpu.memory_space<hbm>>) target(%dma_start3A_227 : memref<16xf32, #tpu.memory_space<vmem>>) offsets(%add3A_222 : vector<16xi32>) semaphore(%arg7 : memref<!tpu.dma_semaphore, #tpu.memory_space<semaphore_mem>>)
      %add3A_230 = vector.broadcast %mul3A_220 : i32 to vector<16xi32>
      %add3A_231 = arith.addi %convert_element_type3A_109, %add3A_230 : vector<16xi32>
      %add3A_232 = arith.constant 1 : i32
      %add3A_233 = arith.addi %add3A_137, %add3A_232 : i32
      %dma_start3A_234 = arith.constant 16 : i32
      %dma_start3A_235 = tpu.memref_slice %arg6[%add3A_233, %dma_start3A_234] : memref<845x128xf32, #tpu.memory_space<vmem>> -> memref<1x16xf32, #tpu.memory_space<vmem>>
      %dma_start3A_236 = tpu.memref_squeeze %dma_start3A_235 : memref<1x16xf32, #tpu.memory_space<vmem>> -> memref<16xf32, #tpu.memory_space<vmem>>
      %dma_start3A_237 = arith.constant 0 : i32
      %dma_start3A_238 = tpu.memref_slice %arg2[%dma_start3A_237] : memref<83200000xf32, #tpu.memory_space<hbm>> -> memref<83200000xf32, #tpu.memory_space<hbm>>
      tpu.enqueue_indirect_dma source(%dma_start3A_238 : memref<83200000xf32, #tpu.memory_space<hbm>>) target(%dma_start3A_236 : memref<16xf32, #tpu.memory_space<vmem>>) offsets(%add3A_231 : vector<16xi32>) semaphore(%arg7 : memref<!tpu.dma_semaphore, #tpu.memory_space<semaphore_mem>>)
      %add3A_239 = vector.broadcast %mul3A_220 : i32 to vector<16xi32>
      %add3A_240 = arith.addi %convert_element_type3A_113, %add3A_239 : vector<16xi32>
      %add3A_241 = arith.constant 1 : i32
      %add3A_242 = arith.addi %add3A_137, %add3A_241 : i32
      %dma_start3A_243 = arith.constant 32 : i32
      %dma_start3A_244 = tpu.memref_slice %arg6[%add3A_242, %dma_start3A_243] : memref<845x128xf32, #tpu.memory_space<vmem>> -> memref<1x16xf32, #tpu.memory_space<vmem>>
      %dma_start3A_245 = tpu.memref_squeeze %dma_start3A_244 : memref<1x16xf32, #tpu.memory_space<vmem>> -> memref<16xf32, #tpu.memory_space<vmem>>
      %dma_start3A_246 = arith.constant 0 : i32
      %dma_start3A_247 = tpu.memref_slice %arg2[%dma_start3A_246] : memref<83200000xf32, #tpu.memory_space<hbm>> -> memref<83200000xf32, #tpu.memory_space<hbm>>
      tpu.enqueue_indirect_dma source(%dma_start3A_247 : memref<83200000xf32, #tpu.memory_space<hbm>>) target(%dma_start3A_245 : memref<16xf32, #tpu.memory_space<vmem>>) offsets(%add3A_240 : vector<16xi32>) semaphore(%arg7 : memref<!tpu.dma_semaphore, #tpu.memory_space<semaphore_mem>>)
      %add3A_248 = vector.broadcast %mul3A_220 : i32 to vector<16xi32>
      %add3A_249 = arith.addi %convert_element_type3A_117, %add3A_248 : vector<16xi32>
      %add3A_250 = arith.constant 1 : i32
      %add3A_251 = arith.addi %add3A_137, %add3A_250 : i32
      %dma_start3A_252 = arith.constant 48 : i32
      %dma_start3A_253 = tpu.memref_slice %arg6[%add3A_251, %dma_start3A_252] : memref<845x128xf32, #tpu.memory_space<vmem>> -> memref<1x16xf32, #tpu.memory_space<vmem>>
      %dma_start3A_254 = tpu.memref_squeeze %dma_start3A_253 : memref<1x16xf32, #tpu.memory_space<vmem>> -> memref<16xf32, #tpu.memory_space<vmem>>
      %dma_start3A_255 = arith.constant 0 : i32
      %dma_start3A_256 = tpu.memref_slice %arg2[%dma_start3A_255] : memref<83200000xf32, #tpu.memory_space<hbm>> -> memref<83200000xf32, #tpu.memory_space<hbm>>
      tpu.enqueue_indirect_dma source(%dma_start3A_256 : memref<83200000xf32, #tpu.memory_space<hbm>>) target(%dma_start3A_254 : memref<16xf32, #tpu.memory_space<vmem>>) offsets(%add3A_249 : vector<16xi32>) semaphore(%arg7 : memref<!tpu.dma_semaphore, #tpu.memory_space<semaphore_mem>>)
      %add3A_257 = vector.broadcast %mul3A_220 : i32 to vector<16xi32>
      %add3A_258 = arith.addi %convert_element_type3A_121, %add3A_257 : vector<16xi32>
      %add3A_259 = arith.constant 1 : i32
      %add3A_260 = arith.addi %add3A_137, %add3A_259 : i32
      %dma_start3A_261 = arith.constant 64 : i32
      %dma_start3A_262 = tpu.memref_slice %arg6[%add3A_260, %dma_start3A_261] : memref<845x128xf32, #tpu.memory_space<vmem>> -> memref<1x16xf32, #tpu.memory_space<vmem>>
      %dma_start3A_263 = tpu.memref_squeeze %dma_start3A_262 : memref<1x16xf32, #tpu.memory_space<vmem>> -> memref<16xf32, #tpu.memory_space<vmem>>
      %dma_start3A_264 = arith.constant 0 : i32
      %dma_start3A_265 = tpu.memref_slice %arg2[%dma_start3A_264] : memref<83200000xf32, #tpu.memory_space<hbm>> -> memref<83200000xf32, #tpu.memory_space<hbm>>
      tpu.enqueue_indirect_dma source(%dma_start3A_265 : memref<83200000xf32, #tpu.memory_space<hbm>>) target(%dma_start3A_263 : memref<16xf32, #tpu.memory_space<vmem>>) offsets(%add3A_258 : vector<16xi32>) semaphore(%arg7 : memref<!tpu.dma_semaphore, #tpu.memory_space<semaphore_mem>>)
      %add3A_266 = vector.broadcast %mul3A_220 : i32 to vector<16xi32>
      %add3A_267 = arith.addi %convert_element_type3A_125, %add3A_266 : vector<16xi32>
      %add3A_268 = arith.constant 1 : i32
      %add3A_269 = arith.addi %add3A_137, %add3A_268 : i32
      %dma_start3A_270 = arith.constant 80 : i32
      %dma_start3A_271 = tpu.memref_slice %arg6[%add3A_269, %dma_start3A_270] : memref<845x128xf32, #tpu.memory_space<vmem>> -> memref<1x16xf32, #tpu.memory_space<vmem>>
      %dma_start3A_272 = tpu.memref_squeeze %dma_start3A_271 : memref<1x16xf32, #tpu.memory_space<vmem>> -> memref<16xf32, #tpu.memory_space<vmem>>
      %dma_start3A_273 = arith.constant 0 : i32
      %dma_start3A_274 = tpu.memref_slice %arg2[%dma_start3A_273] : memref<83200000xf32, #tpu.memory_space<hbm>> -> memref<83200000xf32, #tpu.memory_space<hbm>>
      tpu.enqueue_indirect_dma source(%dma_start3A_274 : memref<83200000xf32, #tpu.memory_space<hbm>>) target(%dma_start3A_272 : memref<16xf32, #tpu.memory_space<vmem>>) offsets(%add3A_267 : vector<16xi32>) semaphore(%arg7 : memref<!tpu.dma_semaphore, #tpu.memory_space<semaphore_mem>>)
      %add3A_275 = vector.broadcast %mul3A_220 : i32 to vector<16xi32>
      %add3A_276 = arith.addi %convert_element_type3A_129, %add3A_275 : vector<16xi32>
      %add3A_277 = arith.constant 1 : i32
      %add3A_278 = arith.addi %add3A_137, %add3A_277 : i32
      %dma_start3A_279 = arith.constant 96 : i32
      %dma_start3A_280 = tpu.memref_slice %arg6[%add3A_278, %dma_start3A_279] : memref<845x128xf32, #tpu.memory_space<vmem>> -> memref<1x16xf32, #tpu.memory_space<vmem>>
      %dma_start3A_281 = tpu.memref_squeeze %dma_start3A_280 : memref<1x16xf32, #tpu.memory_space<vmem>> -> memref<16xf32, #tpu.memory_space<vmem>>
      %dma_start3A_282 = arith.constant 0 : i32
      %dma_start3A_283 = tpu.memref_slice %arg2[%dma_start3A_282] : memref<83200000xf32, #tpu.memory_space<hbm>> -> memref<83200000xf32, #tpu.memory_space<hbm>>
      tpu.enqueue_indirect_dma source(%dma_start3A_283 : memref<83200000xf32, #tpu.memory_space<hbm>>) target(%dma_start3A_281 : memref<16xf32, #tpu.memory_space<vmem>>) offsets(%add3A_276 : vector<16xi32>) semaphore(%arg7 : memref<!tpu.dma_semaphore, #tpu.memory_space<semaphore_mem>>)
      %add3A_284 = vector.broadcast %mul3A_220 : i32 to vector<16xi32>
      %add3A_285 = arith.addi %convert_element_type3A_133, %add3A_284 : vector<16xi32>
      %add3A_286 = arith.constant 1 : i32
      %add3A_287 = arith.addi %add3A_137, %add3A_286 : i32
      %dma_start3A_288 = arith.constant 112 : i32
      %dma_start3A_289 = tpu.memref_slice %arg6[%add3A_287, %dma_start3A_288] : memref<845x128xf32, #tpu.memory_space<vmem>> -> memref<1x16xf32, #tpu.memory_space<vmem>>
      %dma_start3A_290 = tpu.memref_squeeze %dma_start3A_289 : memref<1x16xf32, #tpu.memory_space<vmem>> -> memref<16xf32, #tpu.memory_space<vmem>>
      %dma_start3A_291 = arith.constant 0 : i32
      %dma_start3A_292 = tpu.memref_slice %arg2[%dma_start3A_291] : memref<83200000xf32, #tpu.memory_space<hbm>> -> memref<83200000xf32, #tpu.memory_space<hbm>>
      tpu.enqueue_indirect_dma source(%dma_start3A_292 : memref<83200000xf32, #tpu.memory_space<hbm>>) target(%dma_start3A_290 : memref<16xf32, #tpu.memory_space<vmem>>) offsets(%add3A_285 : vector<16xi32>) semaphore(%arg7 : memref<!tpu.dma_semaphore, #tpu.memory_space<semaphore_mem>>)
      %mul3A_293 = arith.constant 32 : i32
      %mul3A_294 = arith.muli %scan3A_103, %mul3A_293 : i32
      %add3A_295 = arith.constant 2 : i32
      %add3A_296 = arith.addi %mul3A_294, %add3A_295 : i32
      %mul3A_297 = arith.constant 100000 : i32
      %mul3A_298 = arith.muli %add3A_296, %mul3A_297 : i32
      %add3A_299 = vector.broadcast %mul3A_298 : i32 to vector<16xi32>
      %add3A_300 = arith.addi %convert_element_type3A, %add3A_299 : vector<16xi32>
      %add3A_301 = arith.constant 2 : i32
      %add3A_302 = arith.addi %add3A_137, %add3A_301 : i32
      %dma_start3A_303 = arith.constant 0 : i32
      %dma_start3A_304 = tpu.memref_slice %arg6[%add3A_302, %dma_start3A_303] : memref<845x128xf32, #tpu.memory_space<vmem>> -> memref<1x16xf32, #tpu.memory_space<vmem>>
      %dma_start3A_305 = tpu.memref_squeeze %dma_start3A_304 : memref<1x16xf32, #tpu.memory_space<vmem>> -> memref<16xf32, #tpu.memory_space<vmem>>
      %dma_start3A_306 = arith.constant 0 : i32
      %dma_start3A_307 = tpu.memref_slice %arg2[%dma_start3A_306] : memref<83200000xf32, #tpu.memory_space<hbm>> -> memref<83200000xf32, #tpu.memory_space<hbm>>
      tpu.enqueue_indirect_dma source(%dma_start3A_307 : memref<83200000xf32, #tpu.memory_space<hbm>>) target(%dma_start3A_305 : memref<16xf32, #tpu.memory_space<vmem>>) offsets(%add3A_300 : vector<16xi32>) semaphore(%arg7 : memref<!tpu.dma_semaphore, #tpu.memory_space<semaphore_mem>>)
      %add3A_308 = vector.broadcast %mul3A_298 : i32 to vector<16xi32>
      %add3A_309 = arith.addi %convert_element_type3A_109, %add3A_308 : vector<16xi32>
      %add3A_310 = arith.constant 2 : i32
      %add3A_311 = arith.addi %add3A_137, %add3A_310 : i32
      %dma_start3A_312 = arith.constant 16 : i32
      %dma_start3A_313 = tpu.memref_slice %arg6[%add3A_311, %dma_start3A_312] : memref<845x128xf32, #tpu.memory_space<vmem>> -> memref<1x16xf32, #tpu.memory_space<vmem>>
      %dma_start3A_314 = tpu.memref_squeeze %dma_start3A_313 : memref<1x16xf32, #tpu.memory_space<vmem>> -> memref<16xf32, #tpu.memory_space<vmem>>
      %dma_start3A_315 = arith.constant 0 : i32
      %dma_start3A_316 = tpu.memref_slice %arg2[%dma_start3A_315] : memref<83200000xf32, #tpu.memory_space<hbm>> -> memref<83200000xf32, #tpu.memory_space<hbm>>
      tpu.enqueue_indirect_dma source(%dma_start3A_316 : memref<83200000xf32, #tpu.memory_space<hbm>>) target(%dma_start3A_314 : memref<16xf32, #tpu.memory_space<vmem>>) offsets(%add3A_309 : vector<16xi32>) semaphore(%arg7 : memref<!tpu.dma_semaphore, #tpu.memory_space<semaphore_mem>>)
      %add3A_317 = vector.broadcast %mul3A_298 : i32 to vector<16xi32>
      %add3A_318 = arith.addi %convert_element_type3A_113, %add3A_317 : vector<16xi32>
      %add3A_319 = arith.constant 2 : i32
      %add3A_320 = arith.addi %add3A_137, %add3A_319 : i32
      %dma_start3A_321 = arith.constant 32 : i32
      %dma_start3A_322 = tpu.memref_slice %arg6[%add3A_320, %dma_start3A_321] : memref<845x128xf32, #tpu.memory_space<vmem>> -> memref<1x16xf32, #tpu.memory_space<vmem>>
      %dma_start3A_323 = tpu.memref_squeeze %dma_start3A_322 : memref<1x16xf32, #tpu.memory_space<vmem>> -> memref<16xf32, #tpu.memory_space<vmem>>
      %dma_start3A_324 = arith.constant 0 : i32
      %dma_start3A_325 = tpu.memref_slice %arg2[%dma_start3A_324] : memref<83200000xf32, #tpu.memory_space<hbm>> -> memref<83200000xf32, #tpu.memory_space<hbm>>
      tpu.enqueue_indirect_dma source(%dma_start3A_325 : memref<83200000xf32, #tpu.memory_space<hbm>>) target(%dma_start3A_323 : memref<16xf32, #tpu.memory_space<vmem>>) offsets(%add3A_318 : vector<16xi32>) semaphore(%arg7 : memref<!tpu.dma_semaphore, #tpu.memory_space<semaphore_mem>>)
      %add3A_326 = vector.broadcast %mul3A_298 : i32 to vector<16xi32>
      %add3A_327 = arith.addi %convert_element_type3A_117, %add3A_326 : vector<16xi32>
      %add3A_328 = arith.constant 2 : i32
      %add3A_329 = arith.addi %add3A_137, %add3A_328 : i32
      %dma_start3A_330 = arith.constant 48 : i32
      %dma_start3A_331 = tpu.memref_slice %arg6[%add3A_329, %dma_start3A_330] : memref<845x128xf32, #tpu.memory_space<vmem>> -> memref<1x16xf32, #tpu.memory_space<vmem>>
      %dma_start3A_332 = tpu.memref_squeeze %dma_start3A_331 : memref<1x16xf32, #tpu.memory_space<vmem>> -> memref<16xf32, #tpu.memory_space<vmem>>
      %dma_start3A_333 = arith.constant 0 : i32
      %dma_start3A_334 = tpu.memref_slice %arg2[%dma_start3A_333] : memref<83200000xf32, #tpu.memory_space<hbm>> -> memref<83200000xf32, #tpu.memory_space<hbm>>
      tpu.enqueue_indirect_dma source(%dma_start3A_334 : memref<83200000xf32, #tpu.memory_space<hbm>>) target(%dma_start3A_332 : memref<16xf32, #tpu.memory_space<vmem>>) offsets(%add3A_327 : vector<16xi32>) semaphore(%arg7 : memref<!tpu.dma_semaphore, #tpu.memory_space<semaphore_mem>>)
      %add3A_335 = vector.broadcast %mul3A_298 : i32 to vector<16xi32>
      %add3A_336 = arith.addi %convert_element_type3A_121, %add3A_335 : vector<16xi32>
      %add3A_337 = arith.constant 2 : i32
      %add3A_338 = arith.addi %add3A_137, %add3A_337 : i32
      %dma_start3A_339 = arith.constant 64 : i32
      %dma_start3A_340 = tpu.memref_slice %arg6[%add3A_338, %dma_start3A_339] : memref<845x128xf32, #tpu.memory_space<vmem>> -> memref<1x16xf32, #tpu.memory_space<vmem>>
      %dma_start3A_341 = tpu.memref_squeeze %dma_start3A_340 : memref<1x16xf32, #tpu.memory_space<vmem>> -> memref<16xf32, #tpu.memory_space<vmem>>
      %dma_start3A_342 = arith.constant 0 : i32
      %dma_start3A_343 = tpu.memref_slice %arg2[%dma_start3A_342] : memref<83200000xf32, #tpu.memory_space<hbm>> -> memref<83200000xf32, #tpu.memory_space<hbm>>
      tpu.enqueue_indirect_dma source(%dma_start3A_343 : memref<83200000xf32, #tpu.memory_space<hbm>>) target(%dma_start3A_341 : memref<16xf32, #tpu.memory_space<vmem>>) offsets(%add3A_336 : vector<16xi32>) semaphore(%arg7 : memref<!tpu.dma_semaphore, #tpu.memory_space<semaphore_mem>>)
      %add3A_344 = vector.broadcast %mul3A_298 : i32 to vector<16xi32>
      %add3A_345 = arith.addi %convert_element_type3A_125, %add3A_344 : vector<16xi32>
      %add3A_346 = arith.constant 2 : i32
      %add3A_347 = arith.addi %add3A_137, %add3A_346 : i32
      %dma_start3A_348 = arith.constant 80 : i32
      %dma_start3A_349 = tpu.memref_slice %arg6[%add3A_347, %dma_start3A_348] : memref<845x128xf32, #tpu.memory_space<vmem>> -> memref<1x16xf32, #tpu.memory_space<vmem>>
      %dma_start3A_350 = tpu.memref_squeeze %dma_start3A_349 : memref<1x16xf32, #tpu.memory_space<vmem>> -> memref<16xf32, #tpu.memory_space<vmem>>
      %dma_start3A_351 = arith.constant 0 : i32
      %dma_start3A_352 = tpu.memref_slice %arg2[%dma_start3A_351] : memref<83200000xf32, #tpu.memory_space<hbm>> -> memref<83200000xf32, #tpu.memory_space<hbm>>
      tpu.enqueue_indirect_dma source(%dma_start3A_352 : memref<83200000xf32, #tpu.memory_space<hbm>>) target(%dma_start3A_350 : memref<16xf32, #tpu.memory_space<vmem>>) offsets(%add3A_345 : vector<16xi32>) semaphore(%arg7 : memref<!tpu.dma_semaphore, #tpu.memory_space<semaphore_mem>>)
      %add3A_353 = vector.broadcast %mul3A_298 : i32 to vector<16xi32>
      %add3A_354 = arith.addi %convert_element_type3A_129, %add3A_353 : vector<16xi32>
      %add3A_355 = arith.constant 2 : i32
      %add3A_356 = arith.addi %add3A_137, %add3A_355 : i32
      %dma_start3A_357 = arith.constant 96 : i32
      %dma_start3A_358 = tpu.memref_slice %arg6[%add3A_356, %dma_start3A_357] : memref<845x128xf32, #tpu.memory_space<vmem>> -> memref<1x16xf32, #tpu.memory_space<vmem>>
      %dma_start3A_359 = tpu.memref_squeeze %dma_start3A_358 : memref<1x16xf32, #tpu.memory_space<vmem>> -> memref<16xf32, #tpu.memory_space<vmem>>
      %dma_start3A_360 = arith.constant 0 : i32
      %dma_start3A_361 = tpu.memref_slice %arg2[%dma_start3A_360] : memref<83200000xf32, #tpu.memory_space<hbm>> -> memref<83200000xf32, #tpu.memory_space<hbm>>
      tpu.enqueue_indirect_dma source(%dma_start3A_361 : memref<83200000xf32, #tpu.memory_space<hbm>>) target(%dma_start3A_359 : memref<16xf32, #tpu.memory_space<vmem>>) offsets(%add3A_354 : vector<16xi32>) semaphore(%arg7 : memref<!tpu.dma_semaphore, #tpu.memory_space<semaphore_mem>>)
      %add3A_362 = vector.broadcast %mul3A_298 : i32 to vector<16xi32>
      %add3A_363 = arith.addi %convert_element_type3A_133, %add3A_362 : vector<16xi32>
      %add3A_364 = arith.constant 2 : i32
      %add3A_365 = arith.addi %add3A_137, %add3A_364 : i32
      %dma_start3A_366 = arith.constant 112 : i32
      %dma_start3A_367 = tpu.memref_slice %arg6[%add3A_365, %dma_start3A_366] : memref<845x128xf32, #tpu.memory_space<vmem>> -> memref<1x16xf32, #tpu.memory_space<vmem>>
      %dma_start3A_368 = tpu.memref_squeeze %dma_start3A_367 : memref<1x16xf32, #tpu.memory_space<vmem>> -> memref<16xf32, #tpu.memory_space<vmem>>
      %dma_start3A_369 = arith.constant 0 : i32
      %dma_start3A_370 = tpu.memref_slice %arg2[%dma_start3A_369] : memref<83200000xf32, #tpu.memory_space<hbm>> -> memref<83200000xf32, #tpu.memory_space<hbm>>
      tpu.enqueue_indirect_dma source(%dma_start3A_370 : memref<83200000xf32, #tpu.memory_space<hbm>>) target(%dma_start3A_368 : memref<16xf32, #tpu.memory_space<vmem>>) offsets(%add3A_363 : vector<16xi32>) semaphore(%arg7 : memref<!tpu.dma_semaphore, #tpu.memory_space<semaphore_mem>>)
      %mul3A_371 = arith.constant 32 : i32
      %mul3A_372 = arith.muli %scan3A_103, %mul3A_371 : i32
      %add3A_373 = arith.constant 3 : i32
      %add3A_374 = arith.addi %mul3A_372, %add3A_373 : i32
      %mul3A_375 = arith.constant 100000 : i32
      %mul3A_376 = arith.muli %add3A_374, %mul3A_375 : i32
      %add3A_377 = vector.broadcast %mul3A_376 : i32 to vector<16xi32>
      %add3A_378 = arith.addi %convert_element_type3A, %add3A_377 : vector<16xi32>
      %add3A_379 = arith.constant 3 : i32
      %add3A_380 = arith.addi %add3A_137, %add3A_379 : i32
      %dma_start3A_381 = arith.constant 0 : i32
      %dma_start3A_382 = tpu.memref_slice %arg6[%add3A_380, %dma_start3A_381] : memref<845x128xf32, #tpu.memory_space<vmem>> -> memref<1x16xf32, #tpu.memory_space<vmem>>
      %dma_start3A_383 = tpu.memref_squeeze %dma_start3A_382 : memref<1x16xf32, #tpu.memory_space<vmem>> -> memref<16xf32, #tpu.memory_space<vmem>>
      %dma_start3A_384 = arith.constant 0 : i32
      %dma_start3A_385 = tpu.memref_slice %arg2[%dma_start3A_384] : memref<83200000xf32, #tpu.memory_space<hbm>> -> memref<83200000xf32, #tpu.memory_space<hbm>>
      tpu.enqueue_indirect_dma source(%dma_start3A_385 : memref<83200000xf32, #tpu.memory_space<hbm>>) target(%dma_start3A_383 : memref<16xf32, #tpu.memory_space<vmem>>) offsets(%add3A_378 : vector<16xi32>) semaphore(%arg7 : memref<!tpu.dma_semaphore, #tpu.memory_space<semaphore_mem>>)
      %add3A_386 = vector.broadcast %mul3A_376 : i32 to vector<16xi32>
      %add3A_387 = arith.addi %convert_element_type3A_109, %add3A_386 : vector<16xi32>
      %add3A_388 = arith.constant 3 : i32
      %add3A_389 = arith.addi %add3A_137, %add3A_388 : i32
      %dma_start3A_390 = arith.constant 16 : i32
      %dma_start3A_391 = tpu.memref_slice %arg6[%add3A_389, %dma_start3A_390] : memref<845x128xf32, #tpu.memory_space<vmem>> -> memref<1x16xf32, #tpu.memory_space<vmem>>
      %dma_start3A_392 = tpu.memref_squeeze %dma_start3A_391 : memref<1x16xf32, #tpu.memory_space<vmem>> -> memref<16xf32, #tpu.memory_space<vmem>>
      %dma_start3A_393 = arith.constant 0 : i32
      %dma_start3A_394 = tpu.memref_slice %arg2[%dma_start3A_393] : memref<83200000xf32, #tpu.memory_space<hbm>> -> memref<83200000xf32, #tpu.memory_space<hbm>>
      tpu.enqueue_indirect_dma source(%dma_start3A_394 : memref<83200000xf32, #tpu.memory_space<hbm>>) target(%dma_start3A_392 : memref<16xf32, #tpu.memory_space<vmem>>) offsets(%add3A_387 : vector<16xi32>) semaphore(%arg7 : memref<!tpu.dma_semaphore, #tpu.memory_space<semaphore_mem>>)
      %add3A_395 = vector.broadcast %mul3A_376 : i32 to vector<16xi32>
      %add3A_396 = arith.addi %convert_element_type3A_113, %add3A_395 : vector<16xi32>
      %add3A_397 = arith.constant 3 : i32
      %add3A_398 = arith.addi %add3A_137, %add3A_397 : i32
      %dma_start3A_399 = arith.constant 32 : i32
      %dma_start3A_400 = tpu.memref_slice %arg6[%add3A_398, %dma_start3A_399] : memref<845x128xf32, #tpu.memory_space<vmem>> -> memref<1x16xf32, #tpu.memory_space<vmem>>
      %dma_start3A_401 = tpu.memref_squeeze %dma_start3A_400 : memref<1x16xf32, #tpu.memory_space<vmem>> -> memref<16xf32, #tpu.memory_space<vmem>>
      %dma_start3A_402 = arith.constant 0 : i32
      %dma_start3A_403 = tpu.memref_slice %arg2[%dma_start3A_402] : memref<83200000xf32, #tpu.memory_space<hbm>> -> memref<83200000xf32, #tpu.memory_space<hbm>>
      tpu.enqueue_indirect_dma source(%dma_start3A_403 : memref<83200000xf32, #tpu.memory_space<hbm>>) target(%dma_start3A_401 : memref<16xf32, #tpu.memory_space<vmem>>) offsets(%add3A_396 : vector<16xi32>) semaphore(%arg7 : memref<!tpu.dma_semaphore, #tpu.memory_space<semaphore_mem>>)
      %add3A_404 = vector.broadcast %mul3A_376 : i32 to vector<16xi32>
      %add3A_405 = arith.addi %convert_element_type3A_117, %add3A_404 : vector<16xi32>
      %add3A_406 = arith.constant 3 : i32
      %add3A_407 = arith.addi %add3A_137, %add3A_406 : i32
      %dma_start3A_408 = arith.constant 48 : i32
      %dma_start3A_409 = tpu.memref_slice %arg6[%add3A_407, %dma_start3A_408] : memref<845x128xf32, #tpu.memory_space<vmem>> -> memref<1x16xf32, #tpu.memory_space<vmem>>
      %dma_start3A_410 = tpu.memref_squeeze %dma_start3A_409 : memref<1x16xf32, #tpu.memory_space<vmem>> -> memref<16xf32, #tpu.memory_space<vmem>>
      %dma_start3A_411 = arith.constant 0 : i32
      %dma_start3A_412 = tpu.memref_slice %arg2[%dma_start3A_411] : memref<83200000xf32, #tpu.memory_space<hbm>> -> memref<83200000xf32, #tpu.memory_space<hbm>>
      tpu.enqueue_indirect_dma source(%dma_start3A_412 : memref<83200000xf32, #tpu.memory_space<hbm>>) target(%dma_start3A_410 : memref<16xf32, #tpu.memory_space<vmem>>) offsets(%add3A_405 : vector<16xi32>) semaphore(%arg7 : memref<!tpu.dma_semaphore, #tpu.memory_space<semaphore_mem>>)
      %add3A_413 = vector.broadcast %mul3A_376 : i32 to vector<16xi32>
      %add3A_414 = arith.addi %convert_element_type3A_121, %add3A_413 : vector<16xi32>
      %add3A_415 = arith.constant 3 : i32
      %add3A_416 = arith.addi %add3A_137, %add3A_415 : i32
      %dma_start3A_417 = arith.constant 64 : i32
      %dma_start3A_418 = tpu.memref_slice %arg6[%add3A_416, %dma_start3A_417] : memref<845x128xf32, #tpu.memory_space<vmem>> -> memref<1x16xf32, #tpu.memory_space<vmem>>
      %dma_start3A_419 = tpu.memref_squeeze %dma_start3A_418 : memref<1x16xf32, #tpu.memory_space<vmem>> -> memref<16xf32, #tpu.memory_space<vmem>>
      %dma_start3A_420 = arith.constant 0 : i32
      %dma_start3A_421 = tpu.memref_slice %arg2[%dma_start3A_420] : memref<83200000xf32, #tpu.memory_space<hbm>> -> memref<83200000xf32, #tpu.memory_space<hbm>>
      tpu.enqueue_indirect_dma source(%dma_start3A_421 : memref<83200000xf32, #tpu.memory_space<hbm>>) target(%dma_start3A_419 : memref<16xf32, #tpu.memory_space<vmem>>) offsets(%add3A_414 : vector<16xi32>) semaphore(%arg7 : memref<!tpu.dma_semaphore, #tpu.memory_space<semaphore_mem>>)
      %add3A_422 = vector.broadcast %mul3A_376 : i32 to vector<16xi32>
      %add3A_423 = arith.addi %convert_element_type3A_125, %add3A_422 : vector<16xi32>
      %add3A_424 = arith.constant 3 : i32
      %add3A_425 = arith.addi %add3A_137, %add3A_424 : i32
      %dma_start3A_426 = arith.constant 80 : i32
      %dma_start3A_427 = tpu.memref_slice %arg6[%add3A_425, %dma_start3A_426] : memref<845x128xf32, #tpu.memory_space<vmem>> -> memref<1x16xf32, #tpu.memory_space<vmem>>
      %dma_start3A_428 = tpu.memref_squeeze %dma_start3A_427 : memref<1x16xf32, #tpu.memory_space<vmem>> -> memref<16xf32, #tpu.memory_space<vmem>>
      %dma_start3A_429 = arith.constant 0 : i32
      %dma_start3A_430 = tpu.memref_slice %arg2[%dma_start3A_429] : memref<83200000xf32, #tpu.memory_space<hbm>> -> memref<83200000xf32, #tpu.memory_space<hbm>>
      tpu.enqueue_indirect_dma source(%dma_start3A_430 : memref<83200000xf32, #tpu.memory_space<hbm>>) target(%dma_start3A_428 : memref<16xf32, #tpu.memory_space<vmem>>) offsets(%add3A_423 : vector<16xi32>) semaphore(%arg7 : memref<!tpu.dma_semaphore, #tpu.memory_space<semaphore_mem>>)
      %add3A_431 = vector.broadcast %mul3A_376 : i32 to vector<16xi32>
      %add3A_432 = arith.addi %convert_element_type3A_129, %add3A_431 : vector<16xi32>
      %add3A_433 = arith.constant 3 : i32
      %add3A_434 = arith.addi %add3A_137, %add3A_433 : i32
      %dma_start3A_435 = arith.constant 96 : i32
      %dma_start3A_436 = tpu.memref_slice %arg6[%add3A_434, %dma_start3A_435] : memref<845x128xf32, #tpu.memory_space<vmem>> -> memref<1x16xf32, #tpu.memory_space<vmem>>
      %dma_start3A_437 = tpu.memref_squeeze %dma_start3A_436 : memref<1x16xf32, #tpu.memory_space<vmem>> -> memref<16xf32, #tpu.memory_space<vmem>>
      %dma_start3A_438 = arith.constant 0 : i32
      %dma_start3A_439 = tpu.memref_slice %arg2[%dma_start3A_438] : memref<83200000xf32, #tpu.memory_space<hbm>> -> memref<83200000xf32, #tpu.memory_space<hbm>>
      tpu.enqueue_indirect_dma source(%dma_start3A_439 : memref<83200000xf32, #tpu.memory_space<hbm>>) target(%dma_start3A_437 : memref<16xf32, #tpu.memory_space<vmem>>) offsets(%add3A_432 : vector<16xi32>) semaphore(%arg7 : memref<!tpu.dma_semaphore, #tpu.memory_space<semaphore_mem>>)
      %add3A_440 = vector.broadcast %mul3A_376 : i32 to vector<16xi32>
      %add3A_441 = arith.addi %convert_element_type3A_133, %add3A_440 : vector<16xi32>
      %add3A_442 = arith.constant 3 : i32
      %add3A_443 = arith.addi %add3A_137, %add3A_442 : i32
      %dma_start3A_444 = arith.constant 112 : i32
      %dma_start3A_445 = tpu.memref_slice %arg6[%add3A_443, %dma_start3A_444] : memref<845x128xf32, #tpu.memory_space<vmem>> -> memref<1x16xf32, #tpu.memory_space<vmem>>
      %dma_start3A_446 = tpu.memref_squeeze %dma_start3A_445 : memref<1x16xf32, #tpu.memory_space<vmem>> -> memref<16xf32, #tpu.memory_space<vmem>>
      %dma_start3A_447 = arith.constant 0 : i32
      %dma_start3A_448 = tpu.memref_slice %arg2[%dma_start3A_447] : memref<83200000xf32, #tpu.memory_space<hbm>> -> memref<83200000xf32, #tpu.memory_space<hbm>>
      tpu.enqueue_indirect_dma source(%dma_start3A_448 : memref<83200000xf32, #tpu.memory_space<hbm>>) target(%dma_start3A_446 : memref<16xf32, #tpu.memory_space<vmem>>) offsets(%add3A_441 : vector<16xi32>) semaphore(%arg7 : memref<!tpu.dma_semaphore, #tpu.memory_space<semaphore_mem>>)
      %mul3A_449 = arith.constant 32 : i32
      %mul3A_450 = arith.muli %scan3A_103, %mul3A_449 : i32
      %add3A_451 = arith.constant 4 : i32
      %add3A_452 = arith.addi %mul3A_450, %add3A_451 : i32
      %mul3A_453 = arith.constant 100000 : i32
      %mul3A_454 = arith.muli %add3A_452, %mul3A_453 : i32
      %add3A_455 = vector.broadcast %mul3A_454 : i32 to vector<16xi32>
      %add3A_456 = arith.addi %convert_element_type3A, %add3A_455 : vector<16xi32>
      %add3A_457 = arith.constant 4 : i32
      %add3A_458 = arith.addi %add3A_137, %add3A_457 : i32
      %dma_start3A_459 = arith.constant 0 : i32
      %dma_start3A_460 = tpu.memref_slice %arg6[%add3A_458, %dma_start3A_459] : memref<845x128xf32, #tpu.memory_space<vmem>> -> memref<1x16xf32, #tpu.memory_space<vmem>>
      %dma_start3A_461 = tpu.memref_squeeze %dma_start3A_460 : memref<1x16xf32, #tpu.memory_space<vmem>> -> memref<16xf32, #tpu.memory_space<vmem>>
      %dma_start3A_462 = arith.constant 0 : i32
      %dma_start3A_463 = tpu.memref_slice %arg2[%dma_start3A_462] : memref<83200000xf32, #tpu.memory_space<hbm>> -> memref<83200000xf32, #tpu.memory_space<hbm>>
      tpu.enqueue_indirect_dma source(%dma_start3A_463 : memref<83200000xf32, #tpu.memory_space<hbm>>) target(%dma_start3A_461 : memref<16xf32, #tpu.memory_space<vmem>>) offsets(%add3A_456 : vector<16xi32>) semaphore(%arg7 : memref<!tpu.dma_semaphore, #tpu.memory_space<semaphore_mem>>)
      %add3A_464 = vector.broadcast %mul3A_454 : i32 to vector<16xi32>
      %add3A_465 = arith.addi %convert_element_type3A_109, %add3A_464 : vector<16xi32>
      %add3A_466 = arith.constant 4 : i32
      %add3A_467 = arith.addi %add3A_137, %add3A_466 : i32
      %dma_start3A_468 = arith.constant 16 : i32
      %dma_start3A_469 = tpu.memref_slice %arg6[%add3A_467, %dma_start3A_468] : memref<845x128xf32, #tpu.memory_space<vmem>> -> memref<1x16xf32, #tpu.memory_space<vmem>>
      %dma_start3A_470 = tpu.memref_squeeze %dma_start3A_469 : memref<1x16xf32, #tpu.memory_space<vmem>> -> memref<16xf32, #tpu.memory_space<vmem>>
      %dma_start3A_471 = arith.constant 0 : i32
      %dma_start3A_472 = tpu.memref_slice %arg2[%dma_start3A_471] : memref<83200000xf32, #tpu.memory_space<hbm>> -> memref<83200000xf32, #tpu.memory_space<hbm>>
      tpu.enqueue_indirect_dma source(%dma_start3A_472 : memref<83200000xf32, #tpu.memory_space<hbm>>) target(%dma_start3A_470 : memref<16xf32, #tpu.memory_space<vmem>>) offsets(%add3A_465 : vector<16xi32>) semaphore(%arg7 : memref<!tpu.dma_semaphore, #tpu.memory_space<semaphore_mem>>)
      %add3A_473 = vector.broadcast %mul3A_454 : i32 to vector<16xi32>
      %add3A_474 = arith.addi %convert_element_type3A_113, %add3A_473 : vector<16xi32>
      %add3A_475 = arith.constant 4 : i32
      %add3A_476 = arith.addi %add3A_137, %add3A_475 : i32
      %dma_start3A_477 = arith.constant 32 : i32
      %dma_start3A_478 = tpu.memref_slice %arg6[%add3A_476, %dma_start3A_477] : memref<845x128xf32, #tpu.memory_space<vmem>> -> memref<1x16xf32, #tpu.memory_space<vmem>>
      %dma_start3A_479 = tpu.memref_squeeze %dma_start3A_478 : memref<1x16xf32, #tpu.memory_space<vmem>> -> memref<16xf32, #tpu.memory_space<vmem>>
      %dma_start3A_480 = arith.constant 0 : i32
      %dma_start3A_481 = tpu.memref_slice %arg2[%dma_start3A_480] : memref<83200000xf32, #tpu.memory_space<hbm>> -> memref<83200000xf32, #tpu.memory_space<hbm>>
      tpu.enqueue_indirect_dma source(%dma_start3A_481 : memref<83200000xf32, #tpu.memory_space<hbm>>) target(%dma_start3A_479 : memref<16xf32, #tpu.memory_space<vmem>>) offsets(%add3A_474 : vector<16xi32>) semaphore(%arg7 : memref<!tpu.dma_semaphore, #tpu.memory_space<semaphore_mem>>)
      %add3A_482 = vector.broadcast %mul3A_454 : i32 to vector<16xi32>
      %add3A_483 = arith.addi %convert_element_type3A_117, %add3A_482 : vector<16xi32>
      %add3A_484 = arith.constant 4 : i32
      %add3A_485 = arith.addi %add3A_137, %add3A_484 : i32
      %dma_start3A_486 = arith.constant 48 : i32
      %dma_start3A_487 = tpu.memref_slice %arg6[%add3A_485, %dma_start3A_486] : memref<845x128xf32, #tpu.memory_space<vmem>> -> memref<1x16xf32, #tpu.memory_space<vmem>>
      %dma_start3A_488 = tpu.memref_squeeze %dma_start3A_487 : memref<1x16xf32, #tpu.memory_space<vmem>> -> memref<16xf32, #tpu.memory_space<vmem>>
      %dma_start3A_489 = arith.constant 0 : i32
      %dma_start3A_490 = tpu.memref_slice %arg2[%dma_start3A_489] : memref<83200000xf32, #tpu.memory_space<hbm>> -> memref<83200000xf32, #tpu.memory_space<hbm>>
      tpu.enqueue_indirect_dma source(%dma_start3A_490 : memref<83200000xf32, #tpu.memory_space<hbm>>) target(%dma_start3A_488 : memref<16xf32, #tpu.memory_space<vmem>>) offsets(%add3A_483 : vector<16xi32>) semaphore(%arg7 : memref<!tpu.dma_semaphore, #tpu.memory_space<semaphore_mem>>)
      %add3A_491 = vector.broadcast %mul3A_454 : i32 to vector<16xi32>
      %add3A_492 = arith.addi %convert_element_type3A_121, %add3A_491 : vector<16xi32>
      %add3A_493 = arith.constant 4 : i32
      %add3A_494 = arith.addi %add3A_137, %add3A_493 : i32
      %dma_start3A_495 = arith.constant 64 : i32
      %dma_start3A_496 = tpu.memref_slice %arg6[%add3A_494, %dma_start3A_495] : memref<845x128xf32, #tpu.memory_space<vmem>> -> memref<1x16xf32, #tpu.memory_space<vmem>>
      %dma_start3A_497 = tpu.memref_squeeze %dma_start3A_496 : memref<1x16xf32, #tpu.memory_space<vmem>> -> memref<16xf32, #tpu.memory_space<vmem>>
      %dma_start3A_498 = arith.constant 0 : i32
      %dma_start3A_499 = tpu.memref_slice %arg2[%dma_start3A_498] : memref<83200000xf32, #tpu.memory_space<hbm>> -> memref<83200000xf32, #tpu.memory_space<hbm>>
      tpu.enqueue_indirect_dma source(%dma_start3A_499 : memref<83200000xf32, #tpu.memory_space<hbm>>) target(%dma_start3A_497 : memref<16xf32, #tpu.memory_space<vmem>>) offsets(%add3A_492 : vector<16xi32>) semaphore(%arg7 : memref<!tpu.dma_semaphore, #tpu.memory_space<semaphore_mem>>)
      %add3A_500 = vector.broadcast %mul3A_454 : i32 to vector<16xi32>
      %add3A_501 = arith.addi %convert_element_type3A_125, %add3A_500 : vector<16xi32>
      %add3A_502 = arith.constant 4 : i32
      %add3A_503 = arith.addi %add3A_137, %add3A_502 : i32
      %dma_start3A_504 = arith.constant 80 : i32
      %dma_start3A_505 = tpu.memref_slice %arg6[%add3A_503, %dma_start3A_504] : memref<845x128xf32, #tpu.memory_space<vmem>> -> memref<1x16xf32, #tpu.memory_space<vmem>>
      %dma_start3A_506 = tpu.memref_squeeze %dma_start3A_505 : memref<1x16xf32, #tpu.memory_space<vmem>> -> memref<16xf32, #tpu.memory_space<vmem>>
      %dma_start3A_507 = arith.constant 0 : i32
      %dma_start3A_508 = tpu.memref_slice %arg2[%dma_start3A_507] : memref<83200000xf32, #tpu.memory_space<hbm>> -> memref<83200000xf32, #tpu.memory_space<hbm>>
      tpu.enqueue_indirect_dma source(%dma_start3A_508 : memref<83200000xf32, #tpu.memory_space<hbm>>) target(%dma_start3A_506 : memref<16xf32, #tpu.memory_space<vmem>>) offsets(%add3A_501 : vector<16xi32>) semaphore(%arg7 : memref<!tpu.dma_semaphore, #tpu.memory_space<semaphore_mem>>)
      %add3A_509 = vector.broadcast %mul3A_454 : i32 to vector<16xi32>
      %add3A_510 = arith.addi %convert_element_type3A_129, %add3A_509 : vector<16xi32>
      %add3A_511 = arith.constant 4 : i32
      %add3A_512 = arith.addi %add3A_137, %add3A_511 : i32
      %dma_start3A_513 = arith.constant 96 : i32
      %dma_start3A_514 = tpu.memref_slice %arg6[%add3A_512, %dma_start3A_513] : memref<845x128xf32, #tpu.memory_space<vmem>> -> memref<1x16xf32, #tpu.memory_space<vmem>>
      %dma_start3A_515 = tpu.memref_squeeze %dma_start3A_514 : memref<1x16xf32, #tpu.memory_space<vmem>> -> memref<16xf32, #tpu.memory_space<vmem>>
      %dma_start3A_516 = arith.constant 0 : i32
      %dma_start3A_517 = tpu.memref_slice %arg2[%dma_start3A_516] : memref<83200000xf32, #tpu.memory_space<hbm>> -> memref<83200000xf32, #tpu.memory_space<hbm>>
      tpu.enqueue_indirect_dma source(%dma_start3A_517 : memref<83200000xf32, #tpu.memory_space<hbm>>) target(%dma_start3A_515 : memref<16xf32, #tpu.memory_space<vmem>>) offsets(%add3A_510 : vector<16xi32>) semaphore(%arg7 : memref<!tpu.dma_semaphore, #tpu.memory_space<semaphore_mem>>)
      %add3A_518 = vector.broadcast %mul3A_454 : i32 to vector<16xi32>
      %add3A_519 = arith.addi %convert_element_type3A_133, %add3A_518 : vector<16xi32>
      %add3A_520 = arith.constant 4 : i32
      %add3A_521 = arith.addi %add3A_137, %add3A_520 : i32
      %dma_start3A_522 = arith.constant 112 : i32
      %dma_start3A_523 = tpu.memref_slice %arg6[%add3A_521, %dma_start3A_522] : memref<845x128xf32, #tpu.memory_space<vmem>> -> memref<1x16xf32, #tpu.memory_space<vmem>>
      %dma_start3A_524 = tpu.memref_squeeze %dma_start3A_523 : memref<1x16xf32, #tpu.memory_space<vmem>> -> memref<16xf32, #tpu.memory_space<vmem>>
      %dma_start3A_525 = arith.constant 0 : i32
      %dma_start3A_526 = tpu.memref_slice %arg2[%dma_start3A_525] : memref<83200000xf32, #tpu.memory_space<hbm>> -> memref<83200000xf32, #tpu.memory_space<hbm>>
      tpu.enqueue_indirect_dma source(%dma_start3A_526 : memref<83200000xf32, #tpu.memory_space<hbm>>) target(%dma_start3A_524 : memref<16xf32, #tpu.memory_space<vmem>>) offsets(%add3A_519 : vector<16xi32>) semaphore(%arg7 : memref<!tpu.dma_semaphore, #tpu.memory_space<semaphore_mem>>)
      %mul3A_527 = arith.constant 32 : i32
      %mul3A_528 = arith.muli %scan3A_103, %mul3A_527 : i32
      %add3A_529 = arith.constant 5 : i32
      %add3A_530 = arith.addi %mul3A_528, %add3A_529 : i32
      %mul3A_531 = arith.constant 100000 : i32
      %mul3A_532 = arith.muli %add3A_530, %mul3A_531 : i32
      %add3A_533 = vector.broadcast %mul3A_532 : i32 to vector<16xi32>
      %add3A_534 = arith.addi %convert_element_type3A, %add3A_533 : vector<16xi32>
      %add3A_535 = arith.constant 5 : i32
      %add3A_536 = arith.addi %add3A_137, %add3A_535 : i32
      %dma_start3A_537 = arith.constant 0 : i32
      %dma_start3A_538 = tpu.memref_slice %arg6[%add3A_536, %dma_start3A_537] : memref<845x128xf32, #tpu.memory_space<vmem>> -> memref<1x16xf32, #tpu.memory_space<vmem>>
      %dma_start3A_539 = tpu.memref_squeeze %dma_start3A_538 : memref<1x16xf32, #tpu.memory_space<vmem>> -> memref<16xf32, #tpu.memory_space<vmem>>
      %dma_start3A_540 = arith.constant 0 : i32
      %dma_start3A_541 = tpu.memref_slice %arg2[%dma_start3A_540] : memref<83200000xf32, #tpu.memory_space<hbm>> -> memref<83200000xf32, #tpu.memory_space<hbm>>
      tpu.enqueue_indirect_dma source(%dma_start3A_541 : memref<83200000xf32, #tpu.memory_space<hbm>>) target(%dma_start3A_539 : memref<16xf32, #tpu.memory_space<vmem>>) offsets(%add3A_534 : vector<16xi32>) semaphore(%arg7 : memref<!tpu.dma_semaphore, #tpu.memory_space<semaphore_mem>>)
      %add3A_542 = vector.broadcast %mul3A_532 : i32 to vector<16xi32>
      %add3A_543 = arith.addi %convert_element_type3A_109, %add3A_542 : vector<16xi32>
      %add3A_544 = arith.constant 5 : i32
      %add3A_545 = arith.addi %add3A_137, %add3A_544 : i32
      %dma_start3A_546 = arith.constant 16 : i32
      %dma_start3A_547 = tpu.memref_slice %arg6[%add3A_545, %dma_start3A_546] : memref<845x128xf32, #tpu.memory_space<vmem>> -> memref<1x16xf32, #tpu.memory_space<vmem>>
      %dma_start3A_548 = tpu.memref_squeeze %dma_start3A_547 : memref<1x16xf32, #tpu.memory_space<vmem>> -> memref<16xf32, #tpu.memory_space<vmem>>
      %dma_start3A_549 = arith.constant 0 : i32
      %dma_start3A_550 = tpu.memref_slice %arg2[%dma_start3A_549] : memref<83200000xf32, #tpu.memory_space<hbm>> -> memref<83200000xf32, #tpu.memory_space<hbm>>
      tpu.enqueue_indirect_dma source(%dma_start3A_550 : memref<83200000xf32, #tpu.memory_space<hbm>>) target(%dma_start3A_548 : memref<16xf32, #tpu.memory_space<vmem>>) offsets(%add3A_543 : vector<16xi32>) semaphore(%arg7 : memref<!tpu.dma_semaphore, #tpu.memory_space<semaphore_mem>>)
      %add3A_551 = vector.broadcast %mul3A_532 : i32 to vector<16xi32>
      %add3A_552 = arith.addi %convert_element_type3A_113, %add3A_551 : vector<16xi32>
      %add3A_553 = arith.constant 5 : i32
      %add3A_554 = arith.addi %add3A_137, %add3A_553 : i32
      %dma_start3A_555 = arith.constant 32 : i32
      %dma_start3A_556 = tpu.memref_slice %arg6[%add3A_554, %dma_start3A_555] : memref<845x128xf32, #tpu.memory_space<vmem>> -> memref<1x16xf32, #tpu.memory_space<vmem>>
      %dma_start3A_557 = tpu.memref_squeeze %dma_start3A_556 : memref<1x16xf32, #tpu.memory_space<vmem>> -> memref<16xf32, #tpu.memory_space<vmem>>
      %dma_start3A_558 = arith.constant 0 : i32
      %dma_start3A_559 = tpu.memref_slice %arg2[%dma_start3A_558] : memref<83200000xf32, #tpu.memory_space<hbm>> -> memref<83200000xf32, #tpu.memory_space<hbm>>
      tpu.enqueue_indirect_dma source(%dma_start3A_559 : memref<83200000xf32, #tpu.memory_space<hbm>>) target(%dma_start3A_557 : memref<16xf32, #tpu.memory_space<vmem>>) offsets(%add3A_552 : vector<16xi32>) semaphore(%arg7 : memref<!tpu.dma_semaphore, #tpu.memory_space<semaphore_mem>>)
      %add3A_560 = vector.broadcast %mul3A_532 : i32 to vector<16xi32>
      %add3A_561 = arith.addi %convert_element_type3A_117, %add3A_560 : vector<16xi32>
      %add3A_562 = arith.constant 5 : i32
      %add3A_563 = arith.addi %add3A_137, %add3A_562 : i32
      %dma_start3A_564 = arith.constant 48 : i32
      %dma_start3A_565 = tpu.memref_slice %arg6[%add3A_563, %dma_start3A_564] : memref<845x128xf32, #tpu.memory_space<vmem>> -> memref<1x16xf32, #tpu.memory_space<vmem>>
      %dma_start3A_566 = tpu.memref_squeeze %dma_start3A_565 : memref<1x16xf32, #tpu.memory_space<vmem>> -> memref<16xf32, #tpu.memory_space<vmem>>
      %dma_start3A_567 = arith.constant 0 : i32
      %dma_start3A_568 = tpu.memref_slice %arg2[%dma_start3A_567] : memref<83200000xf32, #tpu.memory_space<hbm>> -> memref<83200000xf32, #tpu.memory_space<hbm>>
      tpu.enqueue_indirect_dma source(%dma_start3A_568 : memref<83200000xf32, #tpu.memory_space<hbm>>) target(%dma_start3A_566 : memref<16xf32, #tpu.memory_space<vmem>>) offsets(%add3A_561 : vector<16xi32>) semaphore(%arg7 : memref<!tpu.dma_semaphore, #tpu.memory_space<semaphore_mem>>)
      %add3A_569 = vector.broadcast %mul3A_532 : i32 to vector<16xi32>
      %add3A_570 = arith.addi %convert_element_type3A_121, %add3A_569 : vector<16xi32>
      %add3A_571 = arith.constant 5 : i32
      %add3A_572 = arith.addi %add3A_137, %add3A_571 : i32
      %dma_start3A_573 = arith.constant 64 : i32
      %dma_start3A_574 = tpu.memref_slice %arg6[%add3A_572, %dma_start3A_573] : memref<845x128xf32, #tpu.memory_space<vmem>> -> memref<1x16xf32, #tpu.memory_space<vmem>>
      %dma_start3A_575 = tpu.memref_squeeze %dma_start3A_574 : memref<1x16xf32, #tpu.memory_space<vmem>> -> memref<16xf32, #tpu.memory_space<vmem>>
      %dma_start3A_576 = arith.constant 0 : i32
      %dma_start3A_577 = tpu.memref_slice %arg2[%dma_start3A_576] : memref<83200000xf32, #tpu.memory_space<hbm>> -> memref<83200000xf32, #tpu.memory_space<hbm>>
      tpu.enqueue_indirect_dma source(%dma_start3A_577 : memref<83200000xf32, #tpu.memory_space<hbm>>) target(%dma_start3A_575 : memref<16xf32, #tpu.memory_space<vmem>>) offsets(%add3A_570 : vector<16xi32>) semaphore(%arg7 : memref<!tpu.dma_semaphore, #tpu.memory_space<semaphore_mem>>)
      %add3A_578 = vector.broadcast %mul3A_532 : i32 to vector<16xi32>
      %add3A_579 = arith.addi %convert_element_type3A_125, %add3A_578 : vector<16xi32>
      %add3A_580 = arith.constant 5 : i32
      %add3A_581 = arith.addi %add3A_137, %add3A_580 : i32
      %dma_start3A_582 = arith.constant 80 : i32
      %dma_start3A_583 = tpu.memref_slice %arg6[%add3A_581, %dma_start3A_582] : memref<845x128xf32, #tpu.memory_space<vmem>> -> memref<1x16xf32, #tpu.memory_space<vmem>>
      %dma_start3A_584 = tpu.memref_squeeze %dma_start3A_583 : memref<1x16xf32, #tpu.memory_space<vmem>> -> memref<16xf32, #tpu.memory_space<vmem>>
      %dma_start3A_585 = arith.constant 0 : i32
      %dma_start3A_586 = tpu.memref_slice %arg2[%dma_start3A_585] : memref<83200000xf32, #tpu.memory_space<hbm>> -> memref<83200000xf32, #tpu.memory_space<hbm>>
      tpu.enqueue_indirect_dma source(%dma_start3A_586 : memref<83200000xf32, #tpu.memory_space<hbm>>) target(%dma_start3A_584 : memref<16xf32, #tpu.memory_space<vmem>>) offsets(%add3A_579 : vector<16xi32>) semaphore(%arg7 : memref<!tpu.dma_semaphore, #tpu.memory_space<semaphore_mem>>)
      %add3A_587 = vector.broadcast %mul3A_532 : i32 to vector<16xi32>
      %add3A_588 = arith.addi %convert_element_type3A_129, %add3A_587 : vector<16xi32>
      %add3A_589 = arith.constant 5 : i32
      %add3A_590 = arith.addi %add3A_137, %add3A_589 : i32
      %dma_start3A_591 = arith.constant 96 : i32
      %dma_start3A_592 = tpu.memref_slice %arg6[%add3A_590, %dma_start3A_591] : memref<845x128xf32, #tpu.memory_space<vmem>> -> memref<1x16xf32, #tpu.memory_space<vmem>>
      %dma_start3A_593 = tpu.memref_squeeze %dma_start3A_592 : memref<1x16xf32, #tpu.memory_space<vmem>> -> memref<16xf32, #tpu.memory_space<vmem>>
      %dma_start3A_594 = arith.constant 0 : i32
      %dma_start3A_595 = tpu.memref_slice %arg2[%dma_start3A_594] : memref<83200000xf32, #tpu.memory_space<hbm>> -> memref<83200000xf32, #tpu.memory_space<hbm>>
      tpu.enqueue_indirect_dma source(%dma_start3A_595 : memref<83200000xf32, #tpu.memory_space<hbm>>) target(%dma_start3A_593 : memref<16xf32, #tpu.memory_space<vmem>>) offsets(%add3A_588 : vector<16xi32>) semaphore(%arg7 : memref<!tpu.dma_semaphore, #tpu.memory_space<semaphore_mem>>)
      %add3A_596 = vector.broadcast %mul3A_532 : i32 to vector<16xi32>
      %add3A_597 = arith.addi %convert_element_type3A_133, %add3A_596 : vector<16xi32>
      %add3A_598 = arith.constant 5 : i32
      %add3A_599 = arith.addi %add3A_137, %add3A_598 : i32
      %dma_start3A_600 = arith.constant 112 : i32
      %dma_start3A_601 = tpu.memref_slice %arg6[%add3A_599, %dma_start3A_600] : memref<845x128xf32, #tpu.memory_space<vmem>> -> memref<1x16xf32, #tpu.memory_space<vmem>>
      %dma_start3A_602 = tpu.memref_squeeze %dma_start3A_601 : memref<1x16xf32, #tpu.memory_space<vmem>> -> memref<16xf32, #tpu.memory_space<vmem>>
      %dma_start3A_603 = arith.constant 0 : i32
      %dma_start3A_604 = tpu.memref_slice %arg2[%dma_start3A_603] : memref<83200000xf32, #tpu.memory_space<hbm>> -> memref<83200000xf32, #tpu.memory_space<hbm>>
      tpu.enqueue_indirect_dma source(%dma_start3A_604 : memref<83200000xf32, #tpu.memory_space<hbm>>) target(%dma_start3A_602 : memref<16xf32, #tpu.memory_space<vmem>>) offsets(%add3A_597 : vector<16xi32>) semaphore(%arg7 : memref<!tpu.dma_semaphore, #tpu.memory_space<semaphore_mem>>)
      %mul3A_605 = arith.constant 32 : i32
      %mul3A_606 = arith.muli %scan3A_103, %mul3A_605 : i32
      %add3A_607 = arith.constant 6 : i32
      %add3A_608 = arith.addi %mul3A_606, %add3A_607 : i32
      %mul3A_609 = arith.constant 100000 : i32
      %mul3A_610 = arith.muli %add3A_608, %mul3A_609 : i32
      %add3A_611 = vector.broadcast %mul3A_610 : i32 to vector<16xi32>
      %add3A_612 = arith.addi %convert_element_type3A, %add3A_611 : vector<16xi32>
      %add3A_613 = arith.constant 6 : i32
      %add3A_614 = arith.addi %add3A_137, %add3A_613 : i32
      %dma_start3A_615 = arith.constant 0 : i32
      %dma_start3A_616 = tpu.memref_slice %arg6[%add3A_614, %dma_start3A_615] : memref<845x128xf32, #tpu.memory_space<vmem>> -> memref<1x16xf32, #tpu.memory_space<vmem>>
      %dma_start3A_617 = tpu.memref_squeeze %dma_start3A_616 : memref<1x16xf32, #tpu.memory_space<vmem>> -> memref<16xf32, #tpu.memory_space<vmem>>
      %dma_start3A_618 = arith.constant 0 : i32
      %dma_start3A_619 = tpu.memref_slice %arg2[%dma_start3A_618] : memref<83200000xf32, #tpu.memory_space<hbm>> -> memref<83200000xf32, #tpu.memory_space<hbm>>
      tpu.enqueue_indirect_dma source(%dma_start3A_619 : memref<83200000xf32, #tpu.memory_space<hbm>>) target(%dma_start3A_617 : memref<16xf32, #tpu.memory_space<vmem>>) offsets(%add3A_612 : vector<16xi32>) semaphore(%arg7 : memref<!tpu.dma_semaphore, #tpu.memory_space<semaphore_mem>>)
      %add3A_620 = vector.broadcast %mul3A_610 : i32 to vector<16xi32>
      %add3A_621 = arith.addi %convert_element_type3A_109, %add3A_620 : vector<16xi32>
      %add3A_622 = arith.constant 6 : i32
      %add3A_623 = arith.addi %add3A_137, %add3A_622 : i32
      %dma_start3A_624 = arith.constant 16 : i32
      %dma_start3A_625 = tpu.memref_slice %arg6[%add3A_623, %dma_start3A_624] : memref<845x128xf32, #tpu.memory_space<vmem>> -> memref<1x16xf32, #tpu.memory_space<vmem>>
      %dma_start3A_626 = tpu.memref_squeeze %dma_start3A_625 : memref<1x16xf32, #tpu.memory_space<vmem>> -> memref<16xf32, #tpu.memory_space<vmem>>
      %dma_start3A_627 = arith.constant 0 : i32
      %dma_start3A_628 = tpu.memref_slice %arg2[%dma_start3A_627] : memref<83200000xf32, #tpu.memory_space<hbm>> -> memref<83200000xf32, #tpu.memory_space<hbm>>
      tpu.enqueue_indirect_dma source(%dma_start3A_628 : memref<83200000xf32, #tpu.memory_space<hbm>>) target(%dma_start3A_626 : memref<16xf32, #tpu.memory_space<vmem>>) offsets(%add3A_621 : vector<16xi32>) semaphore(%arg7 : memref<!tpu.dma_semaphore, #tpu.memory_space<semaphore_mem>>)
      %add3A_629 = vector.broadcast %mul3A_610 : i32 to vector<16xi32>
      %add3A_630 = arith.addi %convert_element_type3A_113, %add3A_629 : vector<16xi32>
      %add3A_631 = arith.constant 6 : i32
      %add3A_632 = arith.addi %add3A_137, %add3A_631 : i32
      %dma_start3A_633 = arith.constant 32 : i32
      %dma_start3A_634 = tpu.memref_slice %arg6[%add3A_632, %dma_start3A_633] : memref<845x128xf32, #tpu.memory_space<vmem>> -> memref<1x16xf32, #tpu.memory_space<vmem>>
      %dma_start3A_635 = tpu.memref_squeeze %dma_start3A_634 : memref<1x16xf32, #tpu.memory_space<vmem>> -> memref<16xf32, #tpu.memory_space<vmem>>
      %dma_start3A_636 = arith.constant 0 : i32
      %dma_start3A_637 = tpu.memref_slice %arg2[%dma_start3A_636] : memref<83200000xf32, #tpu.memory_space<hbm>> -> memref<83200000xf32, #tpu.memory_space<hbm>>
      tpu.enqueue_indirect_dma source(%dma_start3A_637 : memref<83200000xf32, #tpu.memory_space<hbm>>) target(%dma_start3A_635 : memref<16xf32, #tpu.memory_space<vmem>>) offsets(%add3A_630 : vector<16xi32>) semaphore(%arg7 : memref<!tpu.dma_semaphore, #tpu.memory_space<semaphore_mem>>)
      %add3A_638 = vector.broadcast %mul3A_610 : i32 to vector<16xi32>
      %add3A_639 = arith.addi %convert_element_type3A_117, %add3A_638 : vector<16xi32>
      %add3A_640 = arith.constant 6 : i32
      %add3A_641 = arith.addi %add3A_137, %add3A_640 : i32
      %dma_start3A_642 = arith.constant 48 : i32
      %dma_start3A_643 = tpu.memref_slice %arg6[%add3A_641, %dma_start3A_642] : memref<845x128xf32, #tpu.memory_space<vmem>> -> memref<1x16xf32, #tpu.memory_space<vmem>>
      %dma_start3A_644 = tpu.memref_squeeze %dma_start3A_643 : memref<1x16xf32, #tpu.memory_space<vmem>> -> memref<16xf32, #tpu.memory_space<vmem>>
      %dma_start3A_645 = arith.constant 0 : i32
      %dma_start3A_646 = tpu.memref_slice %arg2[%dma_start3A_645] : memref<83200000xf32, #tpu.memory_space<hbm>> -> memref<83200000xf32, #tpu.memory_space<hbm>>
      tpu.enqueue_indirect_dma source(%dma_start3A_646 : memref<83200000xf32, #tpu.memory_space<hbm>>) target(%dma_start3A_644 : memref<16xf32, #tpu.memory_space<vmem>>) offsets(%add3A_639 : vector<16xi32>) semaphore(%arg7 : memref<!tpu.dma_semaphore, #tpu.memory_space<semaphore_mem>>)
      %add3A_647 = vector.broadcast %mul3A_610 : i32 to vector<16xi32>
      %add3A_648 = arith.addi %convert_element_type3A_121, %add3A_647 : vector<16xi32>
      %add3A_649 = arith.constant 6 : i32
      %add3A_650 = arith.addi %add3A_137, %add3A_649 : i32
      %dma_start3A_651 = arith.constant 64 : i32
      %dma_start3A_652 = tpu.memref_slice %arg6[%add3A_650, %dma_start3A_651] : memref<845x128xf32, #tpu.memory_space<vmem>> -> memref<1x16xf32, #tpu.memory_space<vmem>>
      %dma_start3A_653 = tpu.memref_squeeze %dma_start3A_652 : memref<1x16xf32, #tpu.memory_space<vmem>> -> memref<16xf32, #tpu.memory_space<vmem>>
      %dma_start3A_654 = arith.constant 0 : i32
      %dma_start3A_655 = tpu.memref_slice %arg2[%dma_start3A_654] : memref<83200000xf32, #tpu.memory_space<hbm>> -> memref<83200000xf32, #tpu.memory_space<hbm>>
      tpu.enqueue_indirect_dma source(%dma_start3A_655 : memref<83200000xf32, #tpu.memory_space<hbm>>) target(%dma_start3A_653 : memref<16xf32, #tpu.memory_space<vmem>>) offsets(%add3A_648 : vector<16xi32>) semaphore(%arg7 : memref<!tpu.dma_semaphore, #tpu.memory_space<semaphore_mem>>)
      %add3A_656 = vector.broadcast %mul3A_610 : i32 to vector<16xi32>
      %add3A_657 = arith.addi %convert_element_type3A_125, %add3A_656 : vector<16xi32>
      %add3A_658 = arith.constant 6 : i32
      %add3A_659 = arith.addi %add3A_137, %add3A_658 : i32
      %dma_start3A_660 = arith.constant 80 : i32
      %dma_start3A_661 = tpu.memref_slice %arg6[%add3A_659, %dma_start3A_660] : memref<845x128xf32, #tpu.memory_space<vmem>> -> memref<1x16xf32, #tpu.memory_space<vmem>>
      %dma_start3A_662 = tpu.memref_squeeze %dma_start3A_661 : memref<1x16xf32, #tpu.memory_space<vmem>> -> memref<16xf32, #tpu.memory_space<vmem>>
      %dma_start3A_663 = arith.constant 0 : i32
      %dma_start3A_664 = tpu.memref_slice %arg2[%dma_start3A_663] : memref<83200000xf32, #tpu.memory_space<hbm>> -> memref<83200000xf32, #tpu.memory_space<hbm>>
      tpu.enqueue_indirect_dma source(%dma_start3A_664 : memref<83200000xf32, #tpu.memory_space<hbm>>) target(%dma_start3A_662 : memref<16xf32, #tpu.memory_space<vmem>>) offsets(%add3A_657 : vector<16xi32>) semaphore(%arg7 : memref<!tpu.dma_semaphore, #tpu.memory_space<semaphore_mem>>)
      %add3A_665 = vector.broadcast %mul3A_610 : i32 to vector<16xi32>
      %add3A_666 = arith.addi %convert_element_type3A_129, %add3A_665 : vector<16xi32>
      %add3A_667 = arith.constant 6 : i32
      %add3A_668 = arith.addi %add3A_137, %add3A_667 : i32
      %dma_start3A_669 = arith.constant 96 : i32
      %dma_start3A_670 = tpu.memref_slice %arg6[%add3A_668, %dma_start3A_669] : memref<845x128xf32, #tpu.memory_space<vmem>> -> memref<1x16xf32, #tpu.memory_space<vmem>>
      %dma_start3A_671 = tpu.memref_squeeze %dma_start3A_670 : memref<1x16xf32, #tpu.memory_space<vmem>> -> memref<16xf32, #tpu.memory_space<vmem>>
      %dma_start3A_672 = arith.constant 0 : i32
      %dma_start3A_673 = tpu.memref_slice %arg2[%dma_start3A_672] : memref<83200000xf32, #tpu.memory_space<hbm>> -> memref<83200000xf32, #tpu.memory_space<hbm>>
      tpu.enqueue_indirect_dma source(%dma_start3A_673 : memref<83200000xf32, #tpu.memory_space<hbm>>) target(%dma_start3A_671 : memref<16xf32, #tpu.memory_space<vmem>>) offsets(%add3A_666 : vector<16xi32>) semaphore(%arg7 : memref<!tpu.dma_semaphore, #tpu.memory_space<semaphore_mem>>)
      %add3A_674 = vector.broadcast %mul3A_610 : i32 to vector<16xi32>
      %add3A_675 = arith.addi %convert_element_type3A_133, %add3A_674 : vector<16xi32>
      %add3A_676 = arith.constant 6 : i32
      %add3A_677 = arith.addi %add3A_137, %add3A_676 : i32
      %dma_start3A_678 = arith.constant 112 : i32
      %dma_start3A_679 = tpu.memref_slice %arg6[%add3A_677, %dma_start3A_678] : memref<845x128xf32, #tpu.memory_space<vmem>> -> memref<1x16xf32, #tpu.memory_space<vmem>>
      %dma_start3A_680 = tpu.memref_squeeze %dma_start3A_679 : memref<1x16xf32, #tpu.memory_space<vmem>> -> memref<16xf32, #tpu.memory_space<vmem>>
      %dma_start3A_681 = arith.constant 0 : i32
      %dma_start3A_682 = tpu.memref_slice %arg2[%dma_start3A_681] : memref<83200000xf32, #tpu.memory_space<hbm>> -> memref<83200000xf32, #tpu.memory_space<hbm>>
      tpu.enqueue_indirect_dma source(%dma_start3A_682 : memref<83200000xf32, #tpu.memory_space<hbm>>) target(%dma_start3A_680 : memref<16xf32, #tpu.memory_space<vmem>>) offsets(%add3A_675 : vector<16xi32>) semaphore(%arg7 : memref<!tpu.dma_semaphore, #tpu.memory_space<semaphore_mem>>)
      %mul3A_683 = arith.constant 32 : i32
      %mul3A_684 = arith.muli %scan3A_103, %mul3A_683 : i32
      %add3A_685 = arith.constant 7 : i32
      %add3A_686 = arith.addi %mul3A_684, %add3A_685 : i32
      %mul3A_687 = arith.constant 100000 : i32
      %mul3A_688 = arith.muli %add3A_686, %mul3A_687 : i32
      %add3A_689 = vector.broadcast %mul3A_688 : i32 to vector<16xi32>
      %add3A_690 = arith.addi %convert_element_type3A, %add3A_689 : vector<16xi32>
      %add3A_691 = arith.constant 7 : i32
      %add3A_692 = arith.addi %add3A_137, %add3A_691 : i32
      %dma_start3A_693 = arith.constant 0 : i32
      %dma_start3A_694 = tpu.memref_slice %arg6[%add3A_692, %dma_start3A_693] : memref<845x128xf32, #tpu.memory_space<vmem>> -> memref<1x16xf32, #tpu.memory_space<vmem>>
      %dma_start3A_695 = tpu.memref_squeeze %dma_start3A_694 : memref<1x16xf32, #tpu.memory_space<vmem>> -> memref<16xf32, #tpu.memory_space<vmem>>
      %dma_start3A_696 = arith.constant 0 : i32
      %dma_start3A_697 = tpu.memref_slice %arg2[%dma_start3A_696] : memref<83200000xf32, #tpu.memory_space<hbm>> -> memref<83200000xf32, #tpu.memory_space<hbm>>
      tpu.enqueue_indirect_dma source(%dma_start3A_697 : memref<83200000xf32, #tpu.memory_space<hbm>>) target(%dma_start3A_695 : memref<16xf32, #tpu.memory_space<vmem>>) offsets(%add3A_690 : vector<16xi32>) semaphore(%arg7 : memref<!tpu.dma_semaphore, #tpu.memory_space<semaphore_mem>>)
      %add3A_698 = vector.broadcast %mul3A_688 : i32 to vector<16xi32>
      %add3A_699 = arith.addi %convert_element_type3A_109, %add3A_698 : vector<16xi32>
      %add3A_700 = arith.constant 7 : i32
      %add3A_701 = arith.addi %add3A_137, %add3A_700 : i32
      %dma_start3A_702 = arith.constant 16 : i32
      %dma_start3A_703 = tpu.memref_slice %arg6[%add3A_701, %dma_start3A_702] : memref<845x128xf32, #tpu.memory_space<vmem>> -> memref<1x16xf32, #tpu.memory_space<vmem>>
      %dma_start3A_704 = tpu.memref_squeeze %dma_start3A_703 : memref<1x16xf32, #tpu.memory_space<vmem>> -> memref<16xf32, #tpu.memory_space<vmem>>
      %dma_start3A_705 = arith.constant 0 : i32
      %dma_start3A_706 = tpu.memref_slice %arg2[%dma_start3A_705] : memref<83200000xf32, #tpu.memory_space<hbm>> -> memref<83200000xf32, #tpu.memory_space<hbm>>
      tpu.enqueue_indirect_dma source(%dma_start3A_706 : memref<83200000xf32, #tpu.memory_space<hbm>>) target(%dma_start3A_704 : memref<16xf32, #tpu.memory_space<vmem>>) offsets(%add3A_699 : vector<16xi32>) semaphore(%arg7 : memref<!tpu.dma_semaphore, #tpu.memory_space<semaphore_mem>>)
      %add3A_707 = vector.broadcast %mul3A_688 : i32 to vector<16xi32>
      %add3A_708 = arith.addi %convert_element_type3A_113, %add3A_707 : vector<16xi32>
      %add3A_709 = arith.constant 7 : i32
      %add3A_710 = arith.addi %add3A_137, %add3A_709 : i32
      %dma_start3A_711 = arith.constant 32 : i32
      %dma_start3A_712 = tpu.memref_slice %arg6[%add3A_710, %dma_start3A_711] : memref<845x128xf32, #tpu.memory_space<vmem>> -> memref<1x16xf32, #tpu.memory_space<vmem>>
      %dma_start3A_713 = tpu.memref_squeeze %dma_start3A_712 : memref<1x16xf32, #tpu.memory_space<vmem>> -> memref<16xf32, #tpu.memory_space<vmem>>
      %dma_start3A_714 = arith.constant 0 : i32
      %dma_start3A_715 = tpu.memref_slice %arg2[%dma_start3A_714] : memref<83200000xf32, #tpu.memory_space<hbm>> -> memref<83200000xf32, #tpu.memory_space<hbm>>
      tpu.enqueue_indirect_dma source(%dma_start3A_715 : memref<83200000xf32, #tpu.memory_space<hbm>>) target(%dma_start3A_713 : memref<16xf32, #tpu.memory_space<vmem>>) offsets(%add3A_708 : vector<16xi32>) semaphore(%arg7 : memref<!tpu.dma_semaphore, #tpu.memory_space<semaphore_mem>>)
      %add3A_716 = vector.broadcast %mul3A_688 : i32 to vector<16xi32>
      %add3A_717 = arith.addi %convert_element_type3A_117, %add3A_716 : vector<16xi32>
      %add3A_718 = arith.constant 7 : i32
      %add3A_719 = arith.addi %add3A_137, %add3A_718 : i32
      %dma_start3A_720 = arith.constant 48 : i32
      %dma_start3A_721 = tpu.memref_slice %arg6[%add3A_719, %dma_start3A_720] : memref<845x128xf32, #tpu.memory_space<vmem>> -> memref<1x16xf32, #tpu.memory_space<vmem>>
      %dma_start3A_722 = tpu.memref_squeeze %dma_start3A_721 : memref<1x16xf32, #tpu.memory_space<vmem>> -> memref<16xf32, #tpu.memory_space<vmem>>
      %dma_start3A_723 = arith.constant 0 : i32
      %dma_start3A_724 = tpu.memref_slice %arg2[%dma_start3A_723] : memref<83200000xf32, #tpu.memory_space<hbm>> -> memref<83200000xf32, #tpu.memory_space<hbm>>
      tpu.enqueue_indirect_dma source(%dma_start3A_724 : memref<83200000xf32, #tpu.memory_space<hbm>>) target(%dma_start3A_722 : memref<16xf32, #tpu.memory_space<vmem>>) offsets(%add3A_717 : vector<16xi32>) semaphore(%arg7 : memref<!tpu.dma_semaphore, #tpu.memory_space<semaphore_mem>>)
      %add3A_725 = vector.broadcast %mul3A_688 : i32 to vector<16xi32>
      %add3A_726 = arith.addi %convert_element_type3A_121, %add3A_725 : vector<16xi32>
      %add3A_727 = arith.constant 7 : i32
      %add3A_728 = arith.addi %add3A_137, %add3A_727 : i32
      %dma_start3A_729 = arith.constant 64 : i32
      %dma_start3A_730 = tpu.memref_slice %arg6[%add3A_728, %dma_start3A_729] : memref<845x128xf32, #tpu.memory_space<vmem>> -> memref<1x16xf32, #tpu.memory_space<vmem>>
      %dma_start3A_731 = tpu.memref_squeeze %dma_start3A_730 : memref<1x16xf32, #tpu.memory_space<vmem>> -> memref<16xf32, #tpu.memory_space<vmem>>
      %dma_start3A_732 = arith.constant 0 : i32
      %dma_start3A_733 = tpu.memref_slice %arg2[%dma_start3A_732] : memref<83200000xf32, #tpu.memory_space<hbm>> -> memref<83200000xf32, #tpu.memory_space<hbm>>
      tpu.enqueue_indirect_dma source(%dma_start3A_733 : memref<83200000xf32, #tpu.memory_space<hbm>>) target(%dma_start3A_731 : memref<16xf32, #tpu.memory_space<vmem>>) offsets(%add3A_726 : vector<16xi32>) semaphore(%arg7 : memref<!tpu.dma_semaphore, #tpu.memory_space<semaphore_mem>>)
      %add3A_734 = vector.broadcast %mul3A_688 : i32 to vector<16xi32>
      %add3A_735 = arith.addi %convert_element_type3A_125, %add3A_734 : vector<16xi32>
      %add3A_736 = arith.constant 7 : i32
      %add3A_737 = arith.addi %add3A_137, %add3A_736 : i32
      %dma_start3A_738 = arith.constant 80 : i32
      %dma_start3A_739 = tpu.memref_slice %arg6[%add3A_737, %dma_start3A_738] : memref<845x128xf32, #tpu.memory_space<vmem>> -> memref<1x16xf32, #tpu.memory_space<vmem>>
      %dma_start3A_740 = tpu.memref_squeeze %dma_start3A_739 : memref<1x16xf32, #tpu.memory_space<vmem>> -> memref<16xf32, #tpu.memory_space<vmem>>
      %dma_start3A_741 = arith.constant 0 : i32
      %dma_start3A_742 = tpu.memref_slice %arg2[%dma_start3A_741] : memref<83200000xf32, #tpu.memory_space<hbm>> -> memref<83200000xf32, #tpu.memory_space<hbm>>
      tpu.enqueue_indirect_dma source(%dma_start3A_742 : memref<83200000xf32, #tpu.memory_space<hbm>>) target(%dma_start3A_740 : memref<16xf32, #tpu.memory_space<vmem>>) offsets(%add3A_735 : vector<16xi32>) semaphore(%arg7 : memref<!tpu.dma_semaphore, #tpu.memory_space<semaphore_mem>>)
      %add3A_743 = vector.broadcast %mul3A_688 : i32 to vector<16xi32>
      %add3A_744 = arith.addi %convert_element_type3A_129, %add3A_743 : vector<16xi32>
      %add3A_745 = arith.constant 7 : i32
      %add3A_746 = arith.addi %add3A_137, %add3A_745 : i32
      %dma_start3A_747 = arith.constant 96 : i32
      %dma_start3A_748 = tpu.memref_slice %arg6[%add3A_746, %dma_start3A_747] : memref<845x128xf32, #tpu.memory_space<vmem>> -> memref<1x16xf32, #tpu.memory_space<vmem>>
      %dma_start3A_749 = tpu.memref_squeeze %dma_start3A_748 : memref<1x16xf32, #tpu.memory_space<vmem>> -> memref<16xf32, #tpu.memory_space<vmem>>
      %dma_start3A_750 = arith.constant 0 : i32
      %dma_start3A_751 = tpu.memref_slice %arg2[%dma_start3A_750] : memref<83200000xf32, #tpu.memory_space<hbm>> -> memref<83200000xf32, #tpu.memory_space<hbm>>
      tpu.enqueue_indirect_dma source(%dma_start3A_751 : memref<83200000xf32, #tpu.memory_space<hbm>>) target(%dma_start3A_749 : memref<16xf32, #tpu.memory_space<vmem>>) offsets(%add3A_744 : vector<16xi32>) semaphore(%arg7 : memref<!tpu.dma_semaphore, #tpu.memory_space<semaphore_mem>>)
      %add3A_752 = vector.broadcast %mul3A_688 : i32 to vector<16xi32>
      %add3A_753 = arith.addi %convert_element_type3A_133, %add3A_752 : vector<16xi32>
      %add3A_754 = arith.constant 7 : i32
      %add3A_755 = arith.addi %add3A_137, %add3A_754 : i32
      %dma_start3A_756 = arith.constant 112 : i32
      %dma_start3A_757 = tpu.memref_slice %arg6[%add3A_755, %dma_start3A_756] : memref<845x128xf32, #tpu.memory_space<vmem>> -> memref<1x16xf32, #tpu.memory_space<vmem>>
      %dma_start3A_758 = tpu.memref_squeeze %dma_start3A_757 : memref<1x16xf32, #tpu.memory_space<vmem>> -> memref<16xf32, #tpu.memory_space<vmem>>
      %dma_start3A_759 = arith.constant 0 : i32
      %dma_start3A_760 = tpu.memref_slice %arg2[%dma_start3A_759] : memref<83200000xf32, #tpu.memory_space<hbm>> -> memref<83200000xf32, #tpu.memory_space<hbm>>
      tpu.enqueue_indirect_dma source(%dma_start3A_760 : memref<83200000xf32, #tpu.memory_space<hbm>>) target(%dma_start3A_758 : memref<16xf32, #tpu.memory_space<vmem>>) offsets(%add3A_753 : vector<16xi32>) semaphore(%arg7 : memref<!tpu.dma_semaphore, #tpu.memory_space<semaphore_mem>>)
      %mul3A_761 = arith.constant 32 : i32
      %mul3A_762 = arith.muli %scan3A_103, %mul3A_761 : i32
      %add3A_763 = arith.constant 8 : i32
      %add3A_764 = arith.addi %mul3A_762, %add3A_763 : i32
      %mul3A_765 = arith.constant 100000 : i32
      %mul3A_766 = arith.muli %add3A_764, %mul3A_765 : i32
      %add3A_767 = vector.broadcast %mul3A_766 : i32 to vector<16xi32>
      %add3A_768 = arith.addi %convert_element_type3A, %add3A_767 : vector<16xi32>
      %add3A_769 = arith.constant 8 : i32
      %add3A_770 = arith.addi %add3A_137, %add3A_769 : i32
      %dma_start3A_771 = arith.constant 0 : i32
      %dma_start3A_772 = tpu.memref_slice %arg6[%add3A_770, %dma_start3A_771] : memref<845x128xf32, #tpu.memory_space<vmem>> -> memref<1x16xf32, #tpu.memory_space<vmem>>
      %dma_start3A_773 = tpu.memref_squeeze %dma_start3A_772 : memref<1x16xf32, #tpu.memory_space<vmem>> -> memref<16xf32, #tpu.memory_space<vmem>>
      %dma_start3A_774 = arith.constant 0 : i32
      %dma_start3A_775 = tpu.memref_slice %arg2[%dma_start3A_774] : memref<83200000xf32, #tpu.memory_space<hbm>> -> memref<83200000xf32, #tpu.memory_space<hbm>>
      tpu.enqueue_indirect_dma source(%dma_start3A_775 : memref<83200000xf32, #tpu.memory_space<hbm>>) target(%dma_start3A_773 : memref<16xf32, #tpu.memory_space<vmem>>) offsets(%add3A_768 : vector<16xi32>) semaphore(%arg7 : memref<!tpu.dma_semaphore, #tpu.memory_space<semaphore_mem>>)
      %add3A_776 = vector.broadcast %mul3A_766 : i32 to vector<16xi32>
      %add3A_777 = arith.addi %convert_element_type3A_109, %add3A_776 : vector<16xi32>
      %add3A_778 = arith.constant 8 : i32
      %add3A_779 = arith.addi %add3A_137, %add3A_778 : i32
      %dma_start3A_780 = arith.constant 16 : i32
      %dma_start3A_781 = tpu.memref_slice %arg6[%add3A_779, %dma_start3A_780] : memref<845x128xf32, #tpu.memory_space<vmem>> -> memref<1x16xf32, #tpu.memory_space<vmem>>
      %dma_start3A_782 = tpu.memref_squeeze %dma_start3A_781 : memref<1x16xf32, #tpu.memory_space<vmem>> -> memref<16xf32, #tpu.memory_space<vmem>>
      %dma_start3A_783 = arith.constant 0 : i32
      %dma_start3A_784 = tpu.memref_slice %arg2[%dma_start3A_783] : memref<83200000xf32, #tpu.memory_space<hbm>> -> memref<83200000xf32, #tpu.memory_space<hbm>>
      tpu.enqueue_indirect_dma source(%dma_start3A_784 : memref<83200000xf32, #tpu.memory_space<hbm>>) target(%dma_start3A_782 : memref<16xf32, #tpu.memory_space<vmem>>) offsets(%add3A_777 : vector<16xi32>) semaphore(%arg7 : memref<!tpu.dma_semaphore, #tpu.memory_space<semaphore_mem>>)
      %add3A_785 = vector.broadcast %mul3A_766 : i32 to vector<16xi32>
      %add3A_786 = arith.addi %convert_element_type3A_113, %add3A_785 : vector<16xi32>
      %add3A_787 = arith.constant 8 : i32
      %add3A_788 = arith.addi %add3A_137, %add3A_787 : i32
      %dma_start3A_789 = arith.constant 32 : i32
      %dma_start3A_790 = tpu.memref_slice %arg6[%add3A_788, %dma_start3A_789] : memref<845x128xf32, #tpu.memory_space<vmem>> -> memref<1x16xf32, #tpu.memory_space<vmem>>
      %dma_start3A_791 = tpu.memref_squeeze %dma_start3A_790 : memref<1x16xf32, #tpu.memory_space<vmem>> -> memref<16xf32, #tpu.memory_space<vmem>>
      %dma_start3A_792 = arith.constant 0 : i32
      %dma_start3A_793 = tpu.memref_slice %arg2[%dma_start3A_792] : memref<83200000xf32, #tpu.memory_space<hbm>> -> memref<83200000xf32, #tpu.memory_space<hbm>>
      tpu.enqueue_indirect_dma source(%dma_start3A_793 : memref<83200000xf32, #tpu.memory_space<hbm>>) target(%dma_start3A_791 : memref<16xf32, #tpu.memory_space<vmem>>) offsets(%add3A_786 : vector<16xi32>) semaphore(%arg7 : memref<!tpu.dma_semaphore, #tpu.memory_space<semaphore_mem>>)
      %add3A_794 = vector.broadcast %mul3A_766 : i32 to vector<16xi32>
      %add3A_795 = arith.addi %convert_element_type3A_117, %add3A_794 : vector<16xi32>
      %add3A_796 = arith.constant 8 : i32
      %add3A_797 = arith.addi %add3A_137, %add3A_796 : i32
      %dma_start3A_798 = arith.constant 48 : i32
      %dma_start3A_799 = tpu.memref_slice %arg6[%add3A_797, %dma_start3A_798] : memref<845x128xf32, #tpu.memory_space<vmem>> -> memref<1x16xf32, #tpu.memory_space<vmem>>
      %dma_start3A_800 = tpu.memref_squeeze %dma_start3A_799 : memref<1x16xf32, #tpu.memory_space<vmem>> -> memref<16xf32, #tpu.memory_space<vmem>>
      %dma_start3A_801 = arith.constant 0 : i32
      %dma_start3A_802 = tpu.memref_slice %arg2[%dma_start3A_801] : memref<83200000xf32, #tpu.memory_space<hbm>> -> memref<83200000xf32, #tpu.memory_space<hbm>>
      tpu.enqueue_indirect_dma source(%dma_start3A_802 : memref<83200000xf32, #tpu.memory_space<hbm>>) target(%dma_start3A_800 : memref<16xf32, #tpu.memory_space<vmem>>) offsets(%add3A_795 : vector<16xi32>) semaphore(%arg7 : memref<!tpu.dma_semaphore, #tpu.memory_space<semaphore_mem>>)
      %add3A_803 = vector.broadcast %mul3A_766 : i32 to vector<16xi32>
      %add3A_804 = arith.addi %convert_element_type3A_121, %add3A_803 : vector<16xi32>
      %add3A_805 = arith.constant 8 : i32
      %add3A_806 = arith.addi %add3A_137, %add3A_805 : i32
      %dma_start3A_807 = arith.constant 64 : i32
      %dma_start3A_808 = tpu.memref_slice %arg6[%add3A_806, %dma_start3A_807] : memref<845x128xf32, #tpu.memory_space<vmem>> -> memref<1x16xf32, #tpu.memory_space<vmem>>
      %dma_start3A_809 = tpu.memref_squeeze %dma_start3A_808 : memref<1x16xf32, #tpu.memory_space<vmem>> -> memref<16xf32, #tpu.memory_space<vmem>>
      %dma_start3A_810 = arith.constant 0 : i32
      %dma_start3A_811 = tpu.memref_slice %arg2[%dma_start3A_810] : memref<83200000xf32, #tpu.memory_space<hbm>> -> memref<83200000xf32, #tpu.memory_space<hbm>>
      tpu.enqueue_indirect_dma source(%dma_start3A_811 : memref<83200000xf32, #tpu.memory_space<hbm>>) target(%dma_start3A_809 : memref<16xf32, #tpu.memory_space<vmem>>) offsets(%add3A_804 : vector<16xi32>) semaphore(%arg7 : memref<!tpu.dma_semaphore, #tpu.memory_space<semaphore_mem>>)
      %add3A_812 = vector.broadcast %mul3A_766 : i32 to vector<16xi32>
      %add3A_813 = arith.addi %convert_element_type3A_125, %add3A_812 : vector<16xi32>
      %add3A_814 = arith.constant 8 : i32
      %add3A_815 = arith.addi %add3A_137, %add3A_814 : i32
      %dma_start3A_816 = arith.constant 80 : i32
      %dma_start3A_817 = tpu.memref_slice %arg6[%add3A_815, %dma_start3A_816] : memref<845x128xf32, #tpu.memory_space<vmem>> -> memref<1x16xf32, #tpu.memory_space<vmem>>
      %dma_start3A_818 = tpu.memref_squeeze %dma_start3A_817 : memref<1x16xf32, #tpu.memory_space<vmem>> -> memref<16xf32, #tpu.memory_space<vmem>>
      %dma_start3A_819 = arith.constant 0 : i32
      %dma_start3A_820 = tpu.memref_slice %arg2[%dma_start3A_819] : memref<83200000xf32, #tpu.memory_space<hbm>> -> memref<83200000xf32, #tpu.memory_space<hbm>>
      tpu.enqueue_indirect_dma source(%dma_start3A_820 : memref<83200000xf32, #tpu.memory_space<hbm>>) target(%dma_start3A_818 : memref<16xf32, #tpu.memory_space<vmem>>) offsets(%add3A_813 : vector<16xi32>) semaphore(%arg7 : memref<!tpu.dma_semaphore, #tpu.memory_space<semaphore_mem>>)
      %add3A_821 = vector.broadcast %mul3A_766 : i32 to vector<16xi32>
      %add3A_822 = arith.addi %convert_element_type3A_129, %add3A_821 : vector<16xi32>
      %add3A_823 = arith.constant 8 : i32
      %add3A_824 = arith.addi %add3A_137, %add3A_823 : i32
      %dma_start3A_825 = arith.constant 96 : i32
      %dma_start3A_826 = tpu.memref_slice %arg6[%add3A_824, %dma_start3A_825] : memref<845x128xf32, #tpu.memory_space<vmem>> -> memref<1x16xf32, #tpu.memory_space<vmem>>
      %dma_start3A_827 = tpu.memref_squeeze %dma_start3A_826 : memref<1x16xf32, #tpu.memory_space<vmem>> -> memref<16xf32, #tpu.memory_space<vmem>>
      %dma_start3A_828 = arith.constant 0 : i32
      %dma_start3A_829 = tpu.memref_slice %arg2[%dma_start3A_828] : memref<83200000xf32, #tpu.memory_space<hbm>> -> memref<83200000xf32, #tpu.memory_space<hbm>>
      tpu.enqueue_indirect_dma source(%dma_start3A_829 : memref<83200000xf32, #tpu.memory_space<hbm>>) target(%dma_start3A_827 : memref<16xf32, #tpu.memory_space<vmem>>) offsets(%add3A_822 : vector<16xi32>) semaphore(%arg7 : memref<!tpu.dma_semaphore, #tpu.memory_space<semaphore_mem>>)
      %add3A_830 = vector.broadcast %mul3A_766 : i32 to vector<16xi32>
      %add3A_831 = arith.addi %convert_element_type3A_133, %add3A_830 : vector<16xi32>
      %add3A_832 = arith.constant 8 : i32
      %add3A_833 = arith.addi %add3A_137, %add3A_832 : i32
      %dma_start3A_834 = arith.constant 112 : i32
      %dma_start3A_835 = tpu.memref_slice %arg6[%add3A_833, %dma_start3A_834] : memref<845x128xf32, #tpu.memory_space<vmem>> -> memref<1x16xf32, #tpu.memory_space<vmem>>
      %dma_start3A_836 = tpu.memref_squeeze %dma_start3A_835 : memref<1x16xf32, #tpu.memory_space<vmem>> -> memref<16xf32, #tpu.memory_space<vmem>>
      %dma_start3A_837 = arith.constant 0 : i32
      %dma_start3A_838 = tpu.memref_slice %arg2[%dma_start3A_837] : memref<83200000xf32, #tpu.memory_space<hbm>> -> memref<83200000xf32, #tpu.memory_space<hbm>>
      tpu.enqueue_indirect_dma source(%dma_start3A_838 : memref<83200000xf32, #tpu.memory_space<hbm>>) target(%dma_start3A_836 : memref<16xf32, #tpu.memory_space<vmem>>) offsets(%add3A_831 : vector<16xi32>) semaphore(%arg7 : memref<!tpu.dma_semaphore, #tpu.memory_space<semaphore_mem>>)
      %mul3A_839 = arith.constant 32 : i32
      %mul3A_840 = arith.muli %scan3A_103, %mul3A_839 : i32
      %add3A_841 = arith.constant 9 : i32
      %add3A_842 = arith.addi %mul3A_840, %add3A_841 : i32
      %mul3A_843 = arith.constant 100000 : i32
      %mul3A_844 = arith.muli %add3A_842, %mul3A_843 : i32
      %add3A_845 = vector.broadcast %mul3A_844 : i32 to vector<16xi32>
      %add3A_846 = arith.addi %convert_element_type3A, %add3A_845 : vector<16xi32>
      %add3A_847 = arith.constant 9 : i32
      %add3A_848 = arith.addi %add3A_137, %add3A_847 : i32
      %dma_start3A_849 = arith.constant 0 : i32
      %dma_start3A_850 = tpu.memref_slice %arg6[%add3A_848, %dma_start3A_849] : memref<845x128xf32, #tpu.memory_space<vmem>> -> memref<1x16xf32, #tpu.memory_space<vmem>>
      %dma_start3A_851 = tpu.memref_squeeze %dma_start3A_850 : memref<1x16xf32, #tpu.memory_space<vmem>> -> memref<16xf32, #tpu.memory_space<vmem>>
      %dma_start3A_852 = arith.constant 0 : i32
      %dma_start3A_853 = tpu.memref_slice %arg2[%dma_start3A_852] : memref<83200000xf32, #tpu.memory_space<hbm>> -> memref<83200000xf32, #tpu.memory_space<hbm>>
      tpu.enqueue_indirect_dma source(%dma_start3A_853 : memref<83200000xf32, #tpu.memory_space<hbm>>) target(%dma_start3A_851 : memref<16xf32, #tpu.memory_space<vmem>>) offsets(%add3A_846 : vector<16xi32>) semaphore(%arg7 : memref<!tpu.dma_semaphore, #tpu.memory_space<semaphore_mem>>)
      %add3A_854 = vector.broadcast %mul3A_844 : i32 to vector<16xi32>
      %add3A_855 = arith.addi %convert_element_type3A_109, %add3A_854 : vector<16xi32>
      %add3A_856 = arith.constant 9 : i32
      %add3A_857 = arith.addi %add3A_137, %add3A_856 : i32
      %dma_start3A_858 = arith.constant 16 : i32
      %dma_start3A_859 = tpu.memref_slice %arg6[%add3A_857, %dma_start3A_858] : memref<845x128xf32, #tpu.memory_space<vmem>> -> memref<1x16xf32, #tpu.memory_space<vmem>>
      %dma_start3A_860 = tpu.memref_squeeze %dma_start3A_859 : memref<1x16xf32, #tpu.memory_space<vmem>> -> memref<16xf32, #tpu.memory_space<vmem>>
      %dma_start3A_861 = arith.constant 0 : i32
      %dma_start3A_862 = tpu.memref_slice %arg2[%dma_start3A_861] : memref<83200000xf32, #tpu.memory_space<hbm>> -> memref<83200000xf32, #tpu.memory_space<hbm>>
      tpu.enqueue_indirect_dma source(%dma_start3A_862 : memref<83200000xf32, #tpu.memory_space<hbm>>) target(%dma_start3A_860 : memref<16xf32, #tpu.memory_space<vmem>>) offsets(%add3A_855 : vector<16xi32>) semaphore(%arg7 : memref<!tpu.dma_semaphore, #tpu.memory_space<semaphore_mem>>)
      %add3A_863 = vector.broadcast %mul3A_844 : i32 to vector<16xi32>
      %add3A_864 = arith.addi %convert_element_type3A_113, %add3A_863 : vector<16xi32>
      %add3A_865 = arith.constant 9 : i32
      %add3A_866 = arith.addi %add3A_137, %add3A_865 : i32
      %dma_start3A_867 = arith.constant 32 : i32
      %dma_start3A_868 = tpu.memref_slice %arg6[%add3A_866, %dma_start3A_867] : memref<845x128xf32, #tpu.memory_space<vmem>> -> memref<1x16xf32, #tpu.memory_space<vmem>>
      %dma_start3A_869 = tpu.memref_squeeze %dma_start3A_868 : memref<1x16xf32, #tpu.memory_space<vmem>> -> memref<16xf32, #tpu.memory_space<vmem>>
      %dma_start3A_870 = arith.constant 0 : i32
      %dma_start3A_871 = tpu.memref_slice %arg2[%dma_start3A_870] : memref<83200000xf32, #tpu.memory_space<hbm>> -> memref<83200000xf32, #tpu.memory_space<hbm>>
      tpu.enqueue_indirect_dma source(%dma_start3A_871 : memref<83200000xf32, #tpu.memory_space<hbm>>) target(%dma_start3A_869 : memref<16xf32, #tpu.memory_space<vmem>>) offsets(%add3A_864 : vector<16xi32>) semaphore(%arg7 : memref<!tpu.dma_semaphore, #tpu.memory_space<semaphore_mem>>)
      %add3A_872 = vector.broadcast %mul3A_844 : i32 to vector<16xi32>
      %add3A_873 = arith.addi %convert_element_type3A_117, %add3A_872 : vector<16xi32>
      %add3A_874 = arith.constant 9 : i32
      %add3A_875 = arith.addi %add3A_137, %add3A_874 : i32
      %dma_start3A_876 = arith.constant 48 : i32
      %dma_start3A_877 = tpu.memref_slice %arg6[%add3A_875, %dma_start3A_876] : memref<845x128xf32, #tpu.memory_space<vmem>> -> memref<1x16xf32, #tpu.memory_space<vmem>>
      %dma_start3A_878 = tpu.memref_squeeze %dma_start3A_877 : memref<1x16xf32, #tpu.memory_space<vmem>> -> memref<16xf32, #tpu.memory_space<vmem>>
      %dma_start3A_879 = arith.constant 0 : i32
      %dma_start3A_880 = tpu.memref_slice %arg2[%dma_start3A_879] : memref<83200000xf32, #tpu.memory_space<hbm>> -> memref<83200000xf32, #tpu.memory_space<hbm>>
      tpu.enqueue_indirect_dma source(%dma_start3A_880 : memref<83200000xf32, #tpu.memory_space<hbm>>) target(%dma_start3A_878 : memref<16xf32, #tpu.memory_space<vmem>>) offsets(%add3A_873 : vector<16xi32>) semaphore(%arg7 : memref<!tpu.dma_semaphore, #tpu.memory_space<semaphore_mem>>)
      %add3A_881 = vector.broadcast %mul3A_844 : i32 to vector<16xi32>
      %add3A_882 = arith.addi %convert_element_type3A_121, %add3A_881 : vector<16xi32>
      %add3A_883 = arith.constant 9 : i32
      %add3A_884 = arith.addi %add3A_137, %add3A_883 : i32
      %dma_start3A_885 = arith.constant 64 : i32
      %dma_start3A_886 = tpu.memref_slice %arg6[%add3A_884, %dma_start3A_885] : memref<845x128xf32, #tpu.memory_space<vmem>> -> memref<1x16xf32, #tpu.memory_space<vmem>>
      %dma_start3A_887 = tpu.memref_squeeze %dma_start3A_886 : memref<1x16xf32, #tpu.memory_space<vmem>> -> memref<16xf32, #tpu.memory_space<vmem>>
      %dma_start3A_888 = arith.constant 0 : i32
      %dma_start3A_889 = tpu.memref_slice %arg2[%dma_start3A_888] : memref<83200000xf32, #tpu.memory_space<hbm>> -> memref<83200000xf32, #tpu.memory_space<hbm>>
      tpu.enqueue_indirect_dma source(%dma_start3A_889 : memref<83200000xf32, #tpu.memory_space<hbm>>) target(%dma_start3A_887 : memref<16xf32, #tpu.memory_space<vmem>>) offsets(%add3A_882 : vector<16xi32>) semaphore(%arg7 : memref<!tpu.dma_semaphore, #tpu.memory_space<semaphore_mem>>)
      %add3A_890 = vector.broadcast %mul3A_844 : i32 to vector<16xi32>
      %add3A_891 = arith.addi %convert_element_type3A_125, %add3A_890 : vector<16xi32>
      %add3A_892 = arith.constant 9 : i32
      %add3A_893 = arith.addi %add3A_137, %add3A_892 : i32
      %dma_start3A_894 = arith.constant 80 : i32
      %dma_start3A_895 = tpu.memref_slice %arg6[%add3A_893, %dma_start3A_894] : memref<845x128xf32, #tpu.memory_space<vmem>> -> memref<1x16xf32, #tpu.memory_space<vmem>>
      %dma_start3A_896 = tpu.memref_squeeze %dma_start3A_895 : memref<1x16xf32, #tpu.memory_space<vmem>> -> memref<16xf32, #tpu.memory_space<vmem>>
      %dma_start3A_897 = arith.constant 0 : i32
      %dma_start3A_898 = tpu.memref_slice %arg2[%dma_start3A_897] : memref<83200000xf32, #tpu.memory_space<hbm>> -> memref<83200000xf32, #tpu.memory_space<hbm>>
      tpu.enqueue_indirect_dma source(%dma_start3A_898 : memref<83200000xf32, #tpu.memory_space<hbm>>) target(%dma_start3A_896 : memref<16xf32, #tpu.memory_space<vmem>>) offsets(%add3A_891 : vector<16xi32>) semaphore(%arg7 : memref<!tpu.dma_semaphore, #tpu.memory_space<semaphore_mem>>)
      %add3A_899 = vector.broadcast %mul3A_844 : i32 to vector<16xi32>
      %add3A_900 = arith.addi %convert_element_type3A_129, %add3A_899 : vector<16xi32>
      %add3A_901 = arith.constant 9 : i32
      %add3A_902 = arith.addi %add3A_137, %add3A_901 : i32
      %dma_start3A_903 = arith.constant 96 : i32
      %dma_start3A_904 = tpu.memref_slice %arg6[%add3A_902, %dma_start3A_903] : memref<845x128xf32, #tpu.memory_space<vmem>> -> memref<1x16xf32, #tpu.memory_space<vmem>>
      %dma_start3A_905 = tpu.memref_squeeze %dma_start3A_904 : memref<1x16xf32, #tpu.memory_space<vmem>> -> memref<16xf32, #tpu.memory_space<vmem>>
      %dma_start3A_906 = arith.constant 0 : i32
      %dma_start3A_907 = tpu.memref_slice %arg2[%dma_start3A_906] : memref<83200000xf32, #tpu.memory_space<hbm>> -> memref<83200000xf32, #tpu.memory_space<hbm>>
      tpu.enqueue_indirect_dma source(%dma_start3A_907 : memref<83200000xf32, #tpu.memory_space<hbm>>) target(%dma_start3A_905 : memref<16xf32, #tpu.memory_space<vmem>>) offsets(%add3A_900 : vector<16xi32>) semaphore(%arg7 : memref<!tpu.dma_semaphore, #tpu.memory_space<semaphore_mem>>)
      %add3A_908 = vector.broadcast %mul3A_844 : i32 to vector<16xi32>
      %add3A_909 = arith.addi %convert_element_type3A_133, %add3A_908 : vector<16xi32>
      %add3A_910 = arith.constant 9 : i32
      %add3A_911 = arith.addi %add3A_137, %add3A_910 : i32
      %dma_start3A_912 = arith.constant 112 : i32
      %dma_start3A_913 = tpu.memref_slice %arg6[%add3A_911, %dma_start3A_912] : memref<845x128xf32, #tpu.memory_space<vmem>> -> memref<1x16xf32, #tpu.memory_space<vmem>>
      %dma_start3A_914 = tpu.memref_squeeze %dma_start3A_913 : memref<1x16xf32, #tpu.memory_space<vmem>> -> memref<16xf32, #tpu.memory_space<vmem>>
      %dma_start3A_915 = arith.constant 0 : i32
      %dma_start3A_916 = tpu.memref_slice %arg2[%dma_start3A_915] : memref<83200000xf32, #tpu.memory_space<hbm>> -> memref<83200000xf32, #tpu.memory_space<hbm>>
      tpu.enqueue_indirect_dma source(%dma_start3A_916 : memref<83200000xf32, #tpu.memory_space<hbm>>) target(%dma_start3A_914 : memref<16xf32, #tpu.memory_space<vmem>>) offsets(%add3A_909 : vector<16xi32>) semaphore(%arg7 : memref<!tpu.dma_semaphore, #tpu.memory_space<semaphore_mem>>)
      %mul3A_917 = arith.constant 32 : i32
      %mul3A_918 = arith.muli %scan3A_103, %mul3A_917 : i32
      %add3A_919 = arith.constant 10 : i32
      %add3A_920 = arith.addi %mul3A_918, %add3A_919 : i32
      %mul3A_921 = arith.constant 100000 : i32
      %mul3A_922 = arith.muli %add3A_920, %mul3A_921 : i32
      %add3A_923 = vector.broadcast %mul3A_922 : i32 to vector<16xi32>
      %add3A_924 = arith.addi %convert_element_type3A, %add3A_923 : vector<16xi32>
      %add3A_925 = arith.constant 10 : i32
      %add3A_926 = arith.addi %add3A_137, %add3A_925 : i32
      %dma_start3A_927 = arith.constant 0 : i32
      %dma_start3A_928 = tpu.memref_slice %arg6[%add3A_926, %dma_start3A_927] : memref<845x128xf32, #tpu.memory_space<vmem>> -> memref<1x16xf32, #tpu.memory_space<vmem>>
      %dma_start3A_929 = tpu.memref_squeeze %dma_start3A_928 : memref<1x16xf32, #tpu.memory_space<vmem>> -> memref<16xf32, #tpu.memory_space<vmem>>
      %dma_start3A_930 = arith.constant 0 : i32
      %dma_start3A_931 = tpu.memref_slice %arg2[%dma_start3A_930] : memref<83200000xf32, #tpu.memory_space<hbm>> -> memref<83200000xf32, #tpu.memory_space<hbm>>
      tpu.enqueue_indirect_dma source(%dma_start3A_931 : memref<83200000xf32, #tpu.memory_space<hbm>>) target(%dma_start3A_929 : memref<16xf32, #tpu.memory_space<vmem>>) offsets(%add3A_924 : vector<16xi32>) semaphore(%arg7 : memref<!tpu.dma_semaphore, #tpu.memory_space<semaphore_mem>>)
      %add3A_932 = vector.broadcast %mul3A_922 : i32 to vector<16xi32>
      %add3A_933 = arith.addi %convert_element_type3A_109, %add3A_932 : vector<16xi32>
      %add3A_934 = arith.constant 10 : i32
      %add3A_935 = arith.addi %add3A_137, %add3A_934 : i32
      %dma_start3A_936 = arith.constant 16 : i32
      %dma_start3A_937 = tpu.memref_slice %arg6[%add3A_935, %dma_start3A_936] : memref<845x128xf32, #tpu.memory_space<vmem>> -> memref<1x16xf32, #tpu.memory_space<vmem>>
      %dma_start3A_938 = tpu.memref_squeeze %dma_start3A_937 : memref<1x16xf32, #tpu.memory_space<vmem>> -> memref<16xf32, #tpu.memory_space<vmem>>
      %dma_start3A_939 = arith.constant 0 : i32
      %dma_start3A_940 = tpu.memref_slice %arg2[%dma_start3A_939] : memref<83200000xf32, #tpu.memory_space<hbm>> -> memref<83200000xf32, #tpu.memory_space<hbm>>
      tpu.enqueue_indirect_dma source(%dma_start3A_940 : memref<83200000xf32, #tpu.memory_space<hbm>>) target(%dma_start3A_938 : memref<16xf32, #tpu.memory_space<vmem>>) offsets(%add3A_933 : vector<16xi32>) semaphore(%arg7 : memref<!tpu.dma_semaphore, #tpu.memory_space<semaphore_mem>>)
      %add3A_941 = vector.broadcast %mul3A_922 : i32 to vector<16xi32>
      %add3A_942 = arith.addi %convert_element_type3A_113, %add3A_941 : vector<16xi32>
      %add3A_943 = arith.constant 10 : i32
      %add3A_944 = arith.addi %add3A_137, %add3A_943 : i32
      %dma_start3A_945 = arith.constant 32 : i32
      %dma_start3A_946 = tpu.memref_slice %arg6[%add3A_944, %dma_start3A_945] : memref<845x128xf32, #tpu.memory_space<vmem>> -> memref<1x16xf32, #tpu.memory_space<vmem>>
      %dma_start3A_947 = tpu.memref_squeeze %dma_start3A_946 : memref<1x16xf32, #tpu.memory_space<vmem>> -> memref<16xf32, #tpu.memory_space<vmem>>
      %dma_start3A_948 = arith.constant 0 : i32
      %dma_start3A_949 = tpu.memref_slice %arg2[%dma_start3A_948] : memref<83200000xf32, #tpu.memory_space<hbm>> -> memref<83200000xf32, #tpu.memory_space<hbm>>
      tpu.enqueue_indirect_dma source(%dma_start3A_949 : memref<83200000xf32, #tpu.memory_space<hbm>>) target(%dma_start3A_947 : memref<16xf32, #tpu.memory_space<vmem>>) offsets(%add3A_942 : vector<16xi32>) semaphore(%arg7 : memref<!tpu.dma_semaphore, #tpu.memory_space<semaphore_mem>>)
      %add3A_950 = vector.broadcast %mul3A_922 : i32 to vector<16xi32>
      %add3A_951 = arith.addi %convert_element_type3A_117, %add3A_950 : vector<16xi32>
      %add3A_952 = arith.constant 10 : i32
      %add3A_953 = arith.addi %add3A_137, %add3A_952 : i32
      %dma_start3A_954 = arith.constant 48 : i32
      %dma_start3A_955 = tpu.memref_slice %arg6[%add3A_953, %dma_start3A_954] : memref<845x128xf32, #tpu.memory_space<vmem>> -> memref<1x16xf32, #tpu.memory_space<vmem>>
      %dma_start3A_956 = tpu.memref_squeeze %dma_start3A_955 : memref<1x16xf32, #tpu.memory_space<vmem>> -> memref<16xf32, #tpu.memory_space<vmem>>
      %dma_start3A_957 = arith.constant 0 : i32
      %dma_start3A_958 = tpu.memref_slice %arg2[%dma_start3A_957] : memref<83200000xf32, #tpu.memory_space<hbm>> -> memref<83200000xf32, #tpu.memory_space<hbm>>
      tpu.enqueue_indirect_dma source(%dma_start3A_958 : memref<83200000xf32, #tpu.memory_space<hbm>>) target(%dma_start3A_956 : memref<16xf32, #tpu.memory_space<vmem>>) offsets(%add3A_951 : vector<16xi32>) semaphore(%arg7 : memref<!tpu.dma_semaphore, #tpu.memory_space<semaphore_mem>>)
      %add3A_959 = vector.broadcast %mul3A_922 : i32 to vector<16xi32>
      %add3A_960 = arith.addi %convert_element_type3A_121, %add3A_959 : vector<16xi32>
      %add3A_961 = arith.constant 10 : i32
      %add3A_962 = arith.addi %add3A_137, %add3A_961 : i32
      %dma_start3A_963 = arith.constant 64 : i32
      %dma_start3A_964 = tpu.memref_slice %arg6[%add3A_962, %dma_start3A_963] : memref<845x128xf32, #tpu.memory_space<vmem>> -> memref<1x16xf32, #tpu.memory_space<vmem>>
      %dma_start3A_965 = tpu.memref_squeeze %dma_start3A_964 : memref<1x16xf32, #tpu.memory_space<vmem>> -> memref<16xf32, #tpu.memory_space<vmem>>
      %dma_start3A_966 = arith.constant 0 : i32
      %dma_start3A_967 = tpu.memref_slice %arg2[%dma_start3A_966] : memref<83200000xf32, #tpu.memory_space<hbm>> -> memref<83200000xf32, #tpu.memory_space<hbm>>
      tpu.enqueue_indirect_dma source(%dma_start3A_967 : memref<83200000xf32, #tpu.memory_space<hbm>>) target(%dma_start3A_965 : memref<16xf32, #tpu.memory_space<vmem>>) offsets(%add3A_960 : vector<16xi32>) semaphore(%arg7 : memref<!tpu.dma_semaphore, #tpu.memory_space<semaphore_mem>>)
      %add3A_968 = vector.broadcast %mul3A_922 : i32 to vector<16xi32>
      %add3A_969 = arith.addi %convert_element_type3A_125, %add3A_968 : vector<16xi32>
      %add3A_970 = arith.constant 10 : i32
      %add3A_971 = arith.addi %add3A_137, %add3A_970 : i32
      %dma_start3A_972 = arith.constant 80 : i32
      %dma_start3A_973 = tpu.memref_slice %arg6[%add3A_971, %dma_start3A_972] : memref<845x128xf32, #tpu.memory_space<vmem>> -> memref<1x16xf32, #tpu.memory_space<vmem>>
      %dma_start3A_974 = tpu.memref_squeeze %dma_start3A_973 : memref<1x16xf32, #tpu.memory_space<vmem>> -> memref<16xf32, #tpu.memory_space<vmem>>
      %dma_start3A_975 = arith.constant 0 : i32
      %dma_start3A_976 = tpu.memref_slice %arg2[%dma_start3A_975] : memref<83200000xf32, #tpu.memory_space<hbm>> -> memref<83200000xf32, #tpu.memory_space<hbm>>
      tpu.enqueue_indirect_dma source(%dma_start3A_976 : memref<83200000xf32, #tpu.memory_space<hbm>>) target(%dma_start3A_974 : memref<16xf32, #tpu.memory_space<vmem>>) offsets(%add3A_969 : vector<16xi32>) semaphore(%arg7 : memref<!tpu.dma_semaphore, #tpu.memory_space<semaphore_mem>>)
      %add3A_977 = vector.broadcast %mul3A_922 : i32 to vector<16xi32>
      %add3A_978 = arith.addi %convert_element_type3A_129, %add3A_977 : vector<16xi32>
      %add3A_979 = arith.constant 10 : i32
      %add3A_980 = arith.addi %add3A_137, %add3A_979 : i32
      %dma_start3A_981 = arith.constant 96 : i32
      %dma_start3A_982 = tpu.memref_slice %arg6[%add3A_980, %dma_start3A_981] : memref<845x128xf32, #tpu.memory_space<vmem>> -> memref<1x16xf32, #tpu.memory_space<vmem>>
      %dma_start3A_983 = tpu.memref_squeeze %dma_start3A_982 : memref<1x16xf32, #tpu.memory_space<vmem>> -> memref<16xf32, #tpu.memory_space<vmem>>
      %dma_start3A_984 = arith.constant 0 : i32
      %dma_start3A_985 = tpu.memref_slice %arg2[%dma_start3A_984] : memref<83200000xf32, #tpu.memory_space<hbm>> -> memref<83200000xf32, #tpu.memory_space<hbm>>
      tpu.enqueue_indirect_dma source(%dma_start3A_985 : memref<83200000xf32, #tpu.memory_space<hbm>>) target(%dma_start3A_983 : memref<16xf32, #tpu.memory_space<vmem>>) offsets(%add3A_978 : vector<16xi32>) semaphore(%arg7 : memref<!tpu.dma_semaphore, #tpu.memory_space<semaphore_mem>>)
      %add3A_986 = vector.broadcast %mul3A_922 : i32 to vector<16xi32>
      %add3A_987 = arith.addi %convert_element_type3A_133, %add3A_986 : vector<16xi32>
      %add3A_988 = arith.constant 10 : i32
      %add3A_989 = arith.addi %add3A_137, %add3A_988 : i32
      %dma_start3A_990 = arith.constant 112 : i32
      %dma_start3A_991 = tpu.memref_slice %arg6[%add3A_989, %dma_start3A_990] : memref<845x128xf32, #tpu.memory_space<vmem>> -> memref<1x16xf32, #tpu.memory_space<vmem>>
      %dma_start3A_992 = tpu.memref_squeeze %dma_start3A_991 : memref<1x16xf32, #tpu.memory_space<vmem>> -> memref<16xf32, #tpu.memory_space<vmem>>
      %dma_start3A_993 = arith.constant 0 : i32
      %dma_start3A_994 = tpu.memref_slice %arg2[%dma_start3A_993] : memref<83200000xf32, #tpu.memory_space<hbm>> -> memref<83200000xf32, #tpu.memory_space<hbm>>
      tpu.enqueue_indirect_dma source(%dma_start3A_994 : memref<83200000xf32, #tpu.memory_space<hbm>>) target(%dma_start3A_992 : memref<16xf32, #tpu.memory_space<vmem>>) offsets(%add3A_987 : vector<16xi32>) semaphore(%arg7 : memref<!tpu.dma_semaphore, #tpu.memory_space<semaphore_mem>>)
      %mul3A_995 = arith.constant 32 : i32
      %mul3A_996 = arith.muli %scan3A_103, %mul3A_995 : i32
      %add3A_997 = arith.constant 11 : i32
      %add3A_998 = arith.addi %mul3A_996, %add3A_997 : i32
      %mul3A_999 = arith.constant 100000 : i32
      %mul3A_1000 = arith.muli %add3A_998, %mul3A_999 : i32
      %add3A_1001 = vector.broadcast %mul3A_1000 : i32 to vector<16xi32>
      %add3A_1002 = arith.addi %convert_element_type3A, %add3A_1001 : vector<16xi32>
      %add3A_1003 = arith.constant 11 : i32
      %add3A_1004 = arith.addi %add3A_137, %add3A_1003 : i32
      %dma_start3A_1005 = arith.constant 0 : i32
      %dma_start3A_1006 = tpu.memref_slice %arg6[%add3A_1004, %dma_start3A_1005] : memref<845x128xf32, #tpu.memory_space<vmem>> -> memref<1x16xf32, #tpu.memory_space<vmem>>
      %dma_start3A_1007 = tpu.memref_squeeze %dma_start3A_1006 : memref<1x16xf32, #tpu.memory_space<vmem>> -> memref<16xf32, #tpu.memory_space<vmem>>
      %dma_start3A_1008 = arith.constant 0 : i32
      %dma_start3A_1009 = tpu.memref_slice %arg2[%dma_start3A_1008] : memref<83200000xf32, #tpu.memory_space<hbm>> -> memref<83200000xf32, #tpu.memory_space<hbm>>
      tpu.enqueue_indirect_dma source(%dma_start3A_1009 : memref<83200000xf32, #tpu.memory_space<hbm>>) target(%dma_start3A_1007 : memref<16xf32, #tpu.memory_space<vmem>>) offsets(%add3A_1002 : vector<16xi32>) semaphore(%arg7 : memref<!tpu.dma_semaphore, #tpu.memory_space<semaphore_mem>>)
      %add3A_1010 = vector.broadcast %mul3A_1000 : i32 to vector<16xi32>
      %add3A_1011 = arith.addi %convert_element_type3A_109, %add3A_1010 : vector<16xi32>
      %add3A_1012 = arith.constant 11 : i32
      %add3A_1013 = arith.addi %add3A_137, %add3A_1012 : i32
      %dma_start3A_1014 = arith.constant 16 : i32
      %dma_start3A_1015 = tpu.memref_slice %arg6[%add3A_1013, %dma_start3A_1014] : memref<845x128xf32, #tpu.memory_space<vmem>> -> memref<1x16xf32, #tpu.memory_space<vmem>>
      %dma_start3A_1016 = tpu.memref_squeeze %dma_start3A_1015 : memref<1x16xf32, #tpu.memory_space<vmem>> -> memref<16xf32, #tpu.memory_space<vmem>>
      %dma_start3A_1017 = arith.constant 0 : i32
      %dma_start3A_1018 = tpu.memref_slice %arg2[%dma_start3A_1017] : memref<83200000xf32, #tpu.memory_space<hbm>> -> memref<83200000xf32, #tpu.memory_space<hbm>>
      tpu.enqueue_indirect_dma source(%dma_start3A_1018 : memref<83200000xf32, #tpu.memory_space<hbm>>) target(%dma_start3A_1016 : memref<16xf32, #tpu.memory_space<vmem>>) offsets(%add3A_1011 : vector<16xi32>) semaphore(%arg7 : memref<!tpu.dma_semaphore, #tpu.memory_space<semaphore_mem>>)
      %add3A_1019 = vector.broadcast %mul3A_1000 : i32 to vector<16xi32>
      %add3A_1020 = arith.addi %convert_element_type3A_113, %add3A_1019 : vector<16xi32>
      %add3A_1021 = arith.constant 11 : i32
      %add3A_1022 = arith.addi %add3A_137, %add3A_1021 : i32
      %dma_start3A_1023 = arith.constant 32 : i32
      %dma_start3A_1024 = tpu.memref_slice %arg6[%add3A_1022, %dma_start3A_1023] : memref<845x128xf32, #tpu.memory_space<vmem>> -> memref<1x16xf32, #tpu.memory_space<vmem>>
      %dma_start3A_1025 = tpu.memref_squeeze %dma_start3A_1024 : memref<1x16xf32, #tpu.memory_space<vmem>> -> memref<16xf32, #tpu.memory_space<vmem>>
      %dma_start3A_1026 = arith.constant 0 : i32
      %dma_start3A_1027 = tpu.memref_slice %arg2[%dma_start3A_1026] : memref<83200000xf32, #tpu.memory_space<hbm>> -> memref<83200000xf32, #tpu.memory_space<hbm>>
      tpu.enqueue_indirect_dma source(%dma_start3A_1027 : memref<83200000xf32, #tpu.memory_space<hbm>>) target(%dma_start3A_1025 : memref<16xf32, #tpu.memory_space<vmem>>) offsets(%add3A_1020 : vector<16xi32>) semaphore(%arg7 : memref<!tpu.dma_semaphore, #tpu.memory_space<semaphore_mem>>)
      %add3A_1028 = vector.broadcast %mul3A_1000 : i32 to vector<16xi32>
      %add3A_1029 = arith.addi %convert_element_type3A_117, %add3A_1028 : vector<16xi32>
      %add3A_1030 = arith.constant 11 : i32
      %add3A_1031 = arith.addi %add3A_137, %add3A_1030 : i32
      %dma_start3A_1032 = arith.constant 48 : i32
      %dma_start3A_1033 = tpu.memref_slice %arg6[%add3A_1031, %dma_start3A_1032] : memref<845x128xf32, #tpu.memory_space<vmem>> -> memref<1x16xf32, #tpu.memory_space<vmem>>
      %dma_start3A_1034 = tpu.memref_squeeze %dma_start3A_1033 : memref<1x16xf32, #tpu.memory_space<vmem>> -> memref<16xf32, #tpu.memory_space<vmem>>
      %dma_start3A_1035 = arith.constant 0 : i32
      %dma_start3A_1036 = tpu.memref_slice %arg2[%dma_start3A_1035] : memref<83200000xf32, #tpu.memory_space<hbm>> -> memref<83200000xf32, #tpu.memory_space<hbm>>
      tpu.enqueue_indirect_dma source(%dma_start3A_1036 : memref<83200000xf32, #tpu.memory_space<hbm>>) target(%dma_start3A_1034 : memref<16xf32, #tpu.memory_space<vmem>>) offsets(%add3A_1029 : vector<16xi32>) semaphore(%arg7 : memref<!tpu.dma_semaphore, #tpu.memory_space<semaphore_mem>>)
      %add3A_1037 = vector.broadcast %mul3A_1000 : i32 to vector<16xi32>
      %add3A_1038 = arith.addi %convert_element_type3A_121, %add3A_1037 : vector<16xi32>
      %add3A_1039 = arith.constant 11 : i32
      %add3A_1040 = arith.addi %add3A_137, %add3A_1039 : i32
      %dma_start3A_1041 = arith.constant 64 : i32
      %dma_start3A_1042 = tpu.memref_slice %arg6[%add3A_1040, %dma_start3A_1041] : memref<845x128xf32, #tpu.memory_space<vmem>> -> memref<1x16xf32, #tpu.memory_space<vmem>>
      %dma_start3A_1043 = tpu.memref_squeeze %dma_start3A_1042 : memref<1x16xf32, #tpu.memory_space<vmem>> -> memref<16xf32, #tpu.memory_space<vmem>>
      %dma_start3A_1044 = arith.constant 0 : i32
      %dma_start3A_1045 = tpu.memref_slice %arg2[%dma_start3A_1044] : memref<83200000xf32, #tpu.memory_space<hbm>> -> memref<83200000xf32, #tpu.memory_space<hbm>>
      tpu.enqueue_indirect_dma source(%dma_start3A_1045 : memref<83200000xf32, #tpu.memory_space<hbm>>) target(%dma_start3A_1043 : memref<16xf32, #tpu.memory_space<vmem>>) offsets(%add3A_1038 : vector<16xi32>) semaphore(%arg7 : memref<!tpu.dma_semaphore, #tpu.memory_space<semaphore_mem>>)
      %add3A_1046 = vector.broadcast %mul3A_1000 : i32 to vector<16xi32>
      %add3A_1047 = arith.addi %convert_element_type3A_125, %add3A_1046 : vector<16xi32>
      %add3A_1048 = arith.constant 11 : i32
      %add3A_1049 = arith.addi %add3A_137, %add3A_1048 : i32
      %dma_start3A_1050 = arith.constant 80 : i32
      %dma_start3A_1051 = tpu.memref_slice %arg6[%add3A_1049, %dma_start3A_1050] : memref<845x128xf32, #tpu.memory_space<vmem>> -> memref<1x16xf32, #tpu.memory_space<vmem>>
      %dma_start3A_1052 = tpu.memref_squeeze %dma_start3A_1051 : memref<1x16xf32, #tpu.memory_space<vmem>> -> memref<16xf32, #tpu.memory_space<vmem>>
      %dma_start3A_1053 = arith.constant 0 : i32
      %dma_start3A_1054 = tpu.memref_slice %arg2[%dma_start3A_1053] : memref<83200000xf32, #tpu.memory_space<hbm>> -> memref<83200000xf32, #tpu.memory_space<hbm>>
      tpu.enqueue_indirect_dma source(%dma_start3A_1054 : memref<83200000xf32, #tpu.memory_space<hbm>>) target(%dma_start3A_1052 : memref<16xf32, #tpu.memory_space<vmem>>) offsets(%add3A_1047 : vector<16xi32>) semaphore(%arg7 : memref<!tpu.dma_semaphore, #tpu.memory_space<semaphore_mem>>)
      %add3A_1055 = vector.broadcast %mul3A_1000 : i32 to vector<16xi32>
      %add3A_1056 = arith.addi %convert_element_type3A_129, %add3A_1055 : vector<16xi32>
      %add3A_1057 = arith.constant 11 : i32
      %add3A_1058 = arith.addi %add3A_137, %add3A_1057 : i32
      %dma_start3A_1059 = arith.constant 96 : i32
      %dma_start3A_1060 = tpu.memref_slice %arg6[%add3A_1058, %dma_start3A_1059] : memref<845x128xf32, #tpu.memory_space<vmem>> -> memref<1x16xf32, #tpu.memory_space<vmem>>
      %dma_start3A_1061 = tpu.memref_squeeze %dma_start3A_1060 : memref<1x16xf32, #tpu.memory_space<vmem>> -> memref<16xf32, #tpu.memory_space<vmem>>
      %dma_start3A_1062 = arith.constant 0 : i32
      %dma_start3A_1063 = tpu.memref_slice %arg2[%dma_start3A_1062] : memref<83200000xf32, #tpu.memory_space<hbm>> -> memref<83200000xf32, #tpu.memory_space<hbm>>
      tpu.enqueue_indirect_dma source(%dma_start3A_1063 : memref<83200000xf32, #tpu.memory_space<hbm>>) target(%dma_start3A_1061 : memref<16xf32, #tpu.memory_space<vmem>>) offsets(%add3A_1056 : vector<16xi32>) semaphore(%arg7 : memref<!tpu.dma_semaphore, #tpu.memory_space<semaphore_mem>>)
      %add3A_1064 = vector.broadcast %mul3A_1000 : i32 to vector<16xi32>
      %add3A_1065 = arith.addi %convert_element_type3A_133, %add3A_1064 : vector<16xi32>
      %add3A_1066 = arith.constant 11 : i32
      %add3A_1067 = arith.addi %add3A_137, %add3A_1066 : i32
      %dma_start3A_1068 = arith.constant 112 : i32
      %dma_start3A_1069 = tpu.memref_slice %arg6[%add3A_1067, %dma_start3A_1068] : memref<845x128xf32, #tpu.memory_space<vmem>> -> memref<1x16xf32, #tpu.memory_space<vmem>>
      %dma_start3A_1070 = tpu.memref_squeeze %dma_start3A_1069 : memref<1x16xf32, #tpu.memory_space<vmem>> -> memref<16xf32, #tpu.memory_space<vmem>>
      %dma_start3A_1071 = arith.constant 0 : i32
      %dma_start3A_1072 = tpu.memref_slice %arg2[%dma_start3A_1071] : memref<83200000xf32, #tpu.memory_space<hbm>> -> memref<83200000xf32, #tpu.memory_space<hbm>>
      tpu.enqueue_indirect_dma source(%dma_start3A_1072 : memref<83200000xf32, #tpu.memory_space<hbm>>) target(%dma_start3A_1070 : memref<16xf32, #tpu.memory_space<vmem>>) offsets(%add3A_1065 : vector<16xi32>) semaphore(%arg7 : memref<!tpu.dma_semaphore, #tpu.memory_space<semaphore_mem>>)
      %mul3A_1073 = arith.constant 32 : i32
      %mul3A_1074 = arith.muli %scan3A_103, %mul3A_1073 : i32
      %add3A_1075 = arith.constant 12 : i32
      %add3A_1076 = arith.addi %mul3A_1074, %add3A_1075 : i32
      %mul3A_1077 = arith.constant 100000 : i32
      %mul3A_1078 = arith.muli %add3A_1076, %mul3A_1077 : i32
      %add3A_1079 = vector.broadcast %mul3A_1078 : i32 to vector<16xi32>
      %add3A_1080 = arith.addi %convert_element_type3A, %add3A_1079 : vector<16xi32>
      %add3A_1081 = arith.constant 12 : i32
      %add3A_1082 = arith.addi %add3A_137, %add3A_1081 : i32
      %dma_start3A_1083 = arith.constant 0 : i32
      %dma_start3A_1084 = tpu.memref_slice %arg6[%add3A_1082, %dma_start3A_1083] : memref<845x128xf32, #tpu.memory_space<vmem>> -> memref<1x16xf32, #tpu.memory_space<vmem>>
      %dma_start3A_1085 = tpu.memref_squeeze %dma_start3A_1084 : memref<1x16xf32, #tpu.memory_space<vmem>> -> memref<16xf32, #tpu.memory_space<vmem>>
      %dma_start3A_1086 = arith.constant 0 : i32
      %dma_start3A_1087 = tpu.memref_slice %arg2[%dma_start3A_1086] : memref<83200000xf32, #tpu.memory_space<hbm>> -> memref<83200000xf32, #tpu.memory_space<hbm>>
      tpu.enqueue_indirect_dma source(%dma_start3A_1087 : memref<83200000xf32, #tpu.memory_space<hbm>>) target(%dma_start3A_1085 : memref<16xf32, #tpu.memory_space<vmem>>) offsets(%add3A_1080 : vector<16xi32>) semaphore(%arg7 : memref<!tpu.dma_semaphore, #tpu.memory_space<semaphore_mem>>)
      %add3A_1088 = vector.broadcast %mul3A_1078 : i32 to vector<16xi32>
      %add3A_1089 = arith.addi %convert_element_type3A_109, %add3A_1088 : vector<16xi32>
      %add3A_1090 = arith.constant 12 : i32
      %add3A_1091 = arith.addi %add3A_137, %add3A_1090 : i32
      %dma_start3A_1092 = arith.constant 16 : i32
      %dma_start3A_1093 = tpu.memref_slice %arg6[%add3A_1091, %dma_start3A_1092] : memref<845x128xf32, #tpu.memory_space<vmem>> -> memref<1x16xf32, #tpu.memory_space<vmem>>
      %dma_start3A_1094 = tpu.memref_squeeze %dma_start3A_1093 : memref<1x16xf32, #tpu.memory_space<vmem>> -> memref<16xf32, #tpu.memory_space<vmem>>
      %dma_start3A_1095 = arith.constant 0 : i32
      %dma_start3A_1096 = tpu.memref_slice %arg2[%dma_start3A_1095] : memref<83200000xf32, #tpu.memory_space<hbm>> -> memref<83200000xf32, #tpu.memory_space<hbm>>
      tpu.enqueue_indirect_dma source(%dma_start3A_1096 : memref<83200000xf32, #tpu.memory_space<hbm>>) target(%dma_start3A_1094 : memref<16xf32, #tpu.memory_space<vmem>>) offsets(%add3A_1089 : vector<16xi32>) semaphore(%arg7 : memref<!tpu.dma_semaphore, #tpu.memory_space<semaphore_mem>>)
      %add3A_1097 = vector.broadcast %mul3A_1078 : i32 to vector<16xi32>
      %add3A_1098 = arith.addi %convert_element_type3A_113, %add3A_1097 : vector<16xi32>
      %add3A_1099 = arith.constant 12 : i32
      %add3A_1100 = arith.addi %add3A_137, %add3A_1099 : i32
      %dma_start3A_1101 = arith.constant 32 : i32
      %dma_start3A_1102 = tpu.memref_slice %arg6[%add3A_1100, %dma_start3A_1101] : memref<845x128xf32, #tpu.memory_space<vmem>> -> memref<1x16xf32, #tpu.memory_space<vmem>>
      %dma_start3A_1103 = tpu.memref_squeeze %dma_start3A_1102 : memref<1x16xf32, #tpu.memory_space<vmem>> -> memref<16xf32, #tpu.memory_space<vmem>>
      %dma_start3A_1104 = arith.constant 0 : i32
      %dma_start3A_1105 = tpu.memref_slice %arg2[%dma_start3A_1104] : memref<83200000xf32, #tpu.memory_space<hbm>> -> memref<83200000xf32, #tpu.memory_space<hbm>>
      tpu.enqueue_indirect_dma source(%dma_start3A_1105 : memref<83200000xf32, #tpu.memory_space<hbm>>) target(%dma_start3A_1103 : memref<16xf32, #tpu.memory_space<vmem>>) offsets(%add3A_1098 : vector<16xi32>) semaphore(%arg7 : memref<!tpu.dma_semaphore, #tpu.memory_space<semaphore_mem>>)
      %add3A_1106 = vector.broadcast %mul3A_1078 : i32 to vector<16xi32>
      %add3A_1107 = arith.addi %convert_element_type3A_117, %add3A_1106 : vector<16xi32>
      %add3A_1108 = arith.constant 12 : i32
      %add3A_1109 = arith.addi %add3A_137, %add3A_1108 : i32
      %dma_start3A_1110 = arith.constant 48 : i32
      %dma_start3A_1111 = tpu.memref_slice %arg6[%add3A_1109, %dma_start3A_1110] : memref<845x128xf32, #tpu.memory_space<vmem>> -> memref<1x16xf32, #tpu.memory_space<vmem>>
      %dma_start3A_1112 = tpu.memref_squeeze %dma_start3A_1111 : memref<1x16xf32, #tpu.memory_space<vmem>> -> memref<16xf32, #tpu.memory_space<vmem>>
      %dma_start3A_1113 = arith.constant 0 : i32
      %dma_start3A_1114 = tpu.memref_slice %arg2[%dma_start3A_1113] : memref<83200000xf32, #tpu.memory_space<hbm>> -> memref<83200000xf32, #tpu.memory_space<hbm>>
      tpu.enqueue_indirect_dma source(%dma_start3A_1114 : memref<83200000xf32, #tpu.memory_space<hbm>>) target(%dma_start3A_1112 : memref<16xf32, #tpu.memory_space<vmem>>) offsets(%add3A_1107 : vector<16xi32>) semaphore(%arg7 : memref<!tpu.dma_semaphore, #tpu.memory_space<semaphore_mem>>)
      %add3A_1115 = vector.broadcast %mul3A_1078 : i32 to vector<16xi32>
      %add3A_1116 = arith.addi %convert_element_type3A_121, %add3A_1115 : vector<16xi32>
      %add3A_1117 = arith.constant 12 : i32
      %add3A_1118 = arith.addi %add3A_137, %add3A_1117 : i32
      %dma_start3A_1119 = arith.constant 64 : i32
      %dma_start3A_1120 = tpu.memref_slice %arg6[%add3A_1118, %dma_start3A_1119] : memref<845x128xf32, #tpu.memory_space<vmem>> -> memref<1x16xf32, #tpu.memory_space<vmem>>
      %dma_start3A_1121 = tpu.memref_squeeze %dma_start3A_1120 : memref<1x16xf32, #tpu.memory_space<vmem>> -> memref<16xf32, #tpu.memory_space<vmem>>
      %dma_start3A_1122 = arith.constant 0 : i32
      %dma_start3A_1123 = tpu.memref_slice %arg2[%dma_start3A_1122] : memref<83200000xf32, #tpu.memory_space<hbm>> -> memref<83200000xf32, #tpu.memory_space<hbm>>
      tpu.enqueue_indirect_dma source(%dma_start3A_1123 : memref<83200000xf32, #tpu.memory_space<hbm>>) target(%dma_start3A_1121 : memref<16xf32, #tpu.memory_space<vmem>>) offsets(%add3A_1116 : vector<16xi32>) semaphore(%arg7 : memref<!tpu.dma_semaphore, #tpu.memory_space<semaphore_mem>>)
      %add3A_1124 = vector.broadcast %mul3A_1078 : i32 to vector<16xi32>
      %add3A_1125 = arith.addi %convert_element_type3A_125, %add3A_1124 : vector<16xi32>
      %add3A_1126 = arith.constant 12 : i32
      %add3A_1127 = arith.addi %add3A_137, %add3A_1126 : i32
      %dma_start3A_1128 = arith.constant 80 : i32
      %dma_start3A_1129 = tpu.memref_slice %arg6[%add3A_1127, %dma_start3A_1128] : memref<845x128xf32, #tpu.memory_space<vmem>> -> memref<1x16xf32, #tpu.memory_space<vmem>>
      %dma_start3A_1130 = tpu.memref_squeeze %dma_start3A_1129 : memref<1x16xf32, #tpu.memory_space<vmem>> -> memref<16xf32, #tpu.memory_space<vmem>>
      %dma_start3A_1131 = arith.constant 0 : i32
      %dma_start3A_1132 = tpu.memref_slice %arg2[%dma_start3A_1131] : memref<83200000xf32, #tpu.memory_space<hbm>> -> memref<83200000xf32, #tpu.memory_space<hbm>>
      tpu.enqueue_indirect_dma source(%dma_start3A_1132 : memref<83200000xf32, #tpu.memory_space<hbm>>) target(%dma_start3A_1130 : memref<16xf32, #tpu.memory_space<vmem>>) offsets(%add3A_1125 : vector<16xi32>) semaphore(%arg7 : memref<!tpu.dma_semaphore, #tpu.memory_space<semaphore_mem>>)
      %add3A_1133 = vector.broadcast %mul3A_1078 : i32 to vector<16xi32>
      %add3A_1134 = arith.addi %convert_element_type3A_129, %add3A_1133 : vector<16xi32>
      %add3A_1135 = arith.constant 12 : i32
      %add3A_1136 = arith.addi %add3A_137, %add3A_1135 : i32
      %dma_start3A_1137 = arith.constant 96 : i32
      %dma_start3A_1138 = tpu.memref_slice %arg6[%add3A_1136, %dma_start3A_1137] : memref<845x128xf32, #tpu.memory_space<vmem>> -> memref<1x16xf32, #tpu.memory_space<vmem>>
      %dma_start3A_1139 = tpu.memref_squeeze %dma_start3A_1138 : memref<1x16xf32, #tpu.memory_space<vmem>> -> memref<16xf32, #tpu.memory_space<vmem>>
      %dma_start3A_1140 = arith.constant 0 : i32
      %dma_start3A_1141 = tpu.memref_slice %arg2[%dma_start3A_1140] : memref<83200000xf32, #tpu.memory_space<hbm>> -> memref<83200000xf32, #tpu.memory_space<hbm>>
      tpu.enqueue_indirect_dma source(%dma_start3A_1141 : memref<83200000xf32, #tpu.memory_space<hbm>>) target(%dma_start3A_1139 : memref<16xf32, #tpu.memory_space<vmem>>) offsets(%add3A_1134 : vector<16xi32>) semaphore(%arg7 : memref<!tpu.dma_semaphore, #tpu.memory_space<semaphore_mem>>)
      %add3A_1142 = vector.broadcast %mul3A_1078 : i32 to vector<16xi32>
      %add3A_1143 = arith.addi %convert_element_type3A_133, %add3A_1142 : vector<16xi32>
      %add3A_1144 = arith.constant 12 : i32
      %add3A_1145 = arith.addi %add3A_137, %add3A_1144 : i32
      %dma_start3A_1146 = arith.constant 112 : i32
      %dma_start3A_1147 = tpu.memref_slice %arg6[%add3A_1145, %dma_start3A_1146] : memref<845x128xf32, #tpu.memory_space<vmem>> -> memref<1x16xf32, #tpu.memory_space<vmem>>
      %dma_start3A_1148 = tpu.memref_squeeze %dma_start3A_1147 : memref<1x16xf32, #tpu.memory_space<vmem>> -> memref<16xf32, #tpu.memory_space<vmem>>
      %dma_start3A_1149 = arith.constant 0 : i32
      %dma_start3A_1150 = tpu.memref_slice %arg2[%dma_start3A_1149] : memref<83200000xf32, #tpu.memory_space<hbm>> -> memref<83200000xf32, #tpu.memory_space<hbm>>
      tpu.enqueue_indirect_dma source(%dma_start3A_1150 : memref<83200000xf32, #tpu.memory_space<hbm>>) target(%dma_start3A_1148 : memref<16xf32, #tpu.memory_space<vmem>>) offsets(%add3A_1143 : vector<16xi32>) semaphore(%arg7 : memref<!tpu.dma_semaphore, #tpu.memory_space<semaphore_mem>>)
      %mul3A_1151 = arith.constant 32 : i32
      %mul3A_1152 = arith.muli %scan3A_103, %mul3A_1151 : i32
      %add3A_1153 = arith.constant 13 : i32
      %add3A_1154 = arith.addi %mul3A_1152, %add3A_1153 : i32
      %mul3A_1155 = arith.constant 100000 : i32
      %mul3A_1156 = arith.muli %add3A_1154, %mul3A_1155 : i32
      %add3A_1157 = vector.broadcast %mul3A_1156 : i32 to vector<16xi32>
      %add3A_1158 = arith.addi %convert_element_type3A, %add3A_1157 : vector<16xi32>
      %add3A_1159 = arith.constant 13 : i32
      %add3A_1160 = arith.addi %add3A_137, %add3A_1159 : i32
      %dma_start3A_1161 = arith.constant 0 : i32
      %dma_start3A_1162 = tpu.memref_slice %arg6[%add3A_1160, %dma_start3A_1161] : memref<845x128xf32, #tpu.memory_space<vmem>> -> memref<1x16xf32, #tpu.memory_space<vmem>>
      %dma_start3A_1163 = tpu.memref_squeeze %dma_start3A_1162 : memref<1x16xf32, #tpu.memory_space<vmem>> -> memref<16xf32, #tpu.memory_space<vmem>>
      %dma_start3A_1164 = arith.constant 0 : i32
      %dma_start3A_1165 = tpu.memref_slice %arg2[%dma_start3A_1164] : memref<83200000xf32, #tpu.memory_space<hbm>> -> memref<83200000xf32, #tpu.memory_space<hbm>>
      tpu.enqueue_indirect_dma source(%dma_start3A_1165 : memref<83200000xf32, #tpu.memory_space<hbm>>) target(%dma_start3A_1163 : memref<16xf32, #tpu.memory_space<vmem>>) offsets(%add3A_1158 : vector<16xi32>) semaphore(%arg7 : memref<!tpu.dma_semaphore, #tpu.memory_space<semaphore_mem>>)
      %add3A_1166 = vector.broadcast %mul3A_1156 : i32 to vector<16xi32>
      %add3A_1167 = arith.addi %convert_element_type3A_109, %add3A_1166 : vector<16xi32>
      %add3A_1168 = arith.constant 13 : i32
      %add3A_1169 = arith.addi %add3A_137, %add3A_1168 : i32
      %dma_start3A_1170 = arith.constant 16 : i32
      %dma_start3A_1171 = tpu.memref_slice %arg6[%add3A_1169, %dma_start3A_1170] : memref<845x128xf32, #tpu.memory_space<vmem>> -> memref<1x16xf32, #tpu.memory_space<vmem>>
      %dma_start3A_1172 = tpu.memref_squeeze %dma_start3A_1171 : memref<1x16xf32, #tpu.memory_space<vmem>> -> memref<16xf32, #tpu.memory_space<vmem>>
      %dma_start3A_1173 = arith.constant 0 : i32
      %dma_start3A_1174 = tpu.memref_slice %arg2[%dma_start3A_1173] : memref<83200000xf32, #tpu.memory_space<hbm>> -> memref<83200000xf32, #tpu.memory_space<hbm>>
      tpu.enqueue_indirect_dma source(%dma_start3A_1174 : memref<83200000xf32, #tpu.memory_space<hbm>>) target(%dma_start3A_1172 : memref<16xf32, #tpu.memory_space<vmem>>) offsets(%add3A_1167 : vector<16xi32>) semaphore(%arg7 : memref<!tpu.dma_semaphore, #tpu.memory_space<semaphore_mem>>)
      %add3A_1175 = vector.broadcast %mul3A_1156 : i32 to vector<16xi32>
      %add3A_1176 = arith.addi %convert_element_type3A_113, %add3A_1175 : vector<16xi32>
      %add3A_1177 = arith.constant 13 : i32
      %add3A_1178 = arith.addi %add3A_137, %add3A_1177 : i32
      %dma_start3A_1179 = arith.constant 32 : i32
      %dma_start3A_1180 = tpu.memref_slice %arg6[%add3A_1178, %dma_start3A_1179] : memref<845x128xf32, #tpu.memory_space<vmem>> -> memref<1x16xf32, #tpu.memory_space<vmem>>
      %dma_start3A_1181 = tpu.memref_squeeze %dma_start3A_1180 : memref<1x16xf32, #tpu.memory_space<vmem>> -> memref<16xf32, #tpu.memory_space<vmem>>
      %dma_start3A_1182 = arith.constant 0 : i32
      %dma_start3A_1183 = tpu.memref_slice %arg2[%dma_start3A_1182] : memref<83200000xf32, #tpu.memory_space<hbm>> -> memref<83200000xf32, #tpu.memory_space<hbm>>
      tpu.enqueue_indirect_dma source(%dma_start3A_1183 : memref<83200000xf32, #tpu.memory_space<hbm>>) target(%dma_start3A_1181 : memref<16xf32, #tpu.memory_space<vmem>>) offsets(%add3A_1176 : vector<16xi32>) semaphore(%arg7 : memref<!tpu.dma_semaphore, #tpu.memory_space<semaphore_mem>>)
      %add3A_1184 = vector.broadcast %mul3A_1156 : i32 to vector<16xi32>
      %add3A_1185 = arith.addi %convert_element_type3A_117, %add3A_1184 : vector<16xi32>
      %add3A_1186 = arith.constant 13 : i32
      %add3A_1187 = arith.addi %add3A_137, %add3A_1186 : i32
      %dma_start3A_1188 = arith.constant 48 : i32
      %dma_start3A_1189 = tpu.memref_slice %arg6[%add3A_1187, %dma_start3A_1188] : memref<845x128xf32, #tpu.memory_space<vmem>> -> memref<1x16xf32, #tpu.memory_space<vmem>>
      %dma_start3A_1190 = tpu.memref_squeeze %dma_start3A_1189 : memref<1x16xf32, #tpu.memory_space<vmem>> -> memref<16xf32, #tpu.memory_space<vmem>>
      %dma_start3A_1191 = arith.constant 0 : i32
      %dma_start3A_1192 = tpu.memref_slice %arg2[%dma_start3A_1191] : memref<83200000xf32, #tpu.memory_space<hbm>> -> memref<83200000xf32, #tpu.memory_space<hbm>>
      tpu.enqueue_indirect_dma source(%dma_start3A_1192 : memref<83200000xf32, #tpu.memory_space<hbm>>) target(%dma_start3A_1190 : memref<16xf32, #tpu.memory_space<vmem>>) offsets(%add3A_1185 : vector<16xi32>) semaphore(%arg7 : memref<!tpu.dma_semaphore, #tpu.memory_space<semaphore_mem>>)
      %add3A_1193 = vector.broadcast %mul3A_1156 : i32 to vector<16xi32>
      %add3A_1194 = arith.addi %convert_element_type3A_121, %add3A_1193 : vector<16xi32>
      %add3A_1195 = arith.constant 13 : i32
      %add3A_1196 = arith.addi %add3A_137, %add3A_1195 : i32
      %dma_start3A_1197 = arith.constant 64 : i32
      %dma_start3A_1198 = tpu.memref_slice %arg6[%add3A_1196, %dma_start3A_1197] : memref<845x128xf32, #tpu.memory_space<vmem>> -> memref<1x16xf32, #tpu.memory_space<vmem>>
      %dma_start3A_1199 = tpu.memref_squeeze %dma_start3A_1198 : memref<1x16xf32, #tpu.memory_space<vmem>> -> memref<16xf32, #tpu.memory_space<vmem>>
      %dma_start3A_1200 = arith.constant 0 : i32
      %dma_start3A_1201 = tpu.memref_slice %arg2[%dma_start3A_1200] : memref<83200000xf32, #tpu.memory_space<hbm>> -> memref<83200000xf32, #tpu.memory_space<hbm>>
      tpu.enqueue_indirect_dma source(%dma_start3A_1201 : memref<83200000xf32, #tpu.memory_space<hbm>>) target(%dma_start3A_1199 : memref<16xf32, #tpu.memory_space<vmem>>) offsets(%add3A_1194 : vector<16xi32>) semaphore(%arg7 : memref<!tpu.dma_semaphore, #tpu.memory_space<semaphore_mem>>)
      %add3A_1202 = vector.broadcast %mul3A_1156 : i32 to vector<16xi32>
      %add3A_1203 = arith.addi %convert_element_type3A_125, %add3A_1202 : vector<16xi32>
      %add3A_1204 = arith.constant 13 : i32
      %add3A_1205 = arith.addi %add3A_137, %add3A_1204 : i32
      %dma_start3A_1206 = arith.constant 80 : i32
      %dma_start3A_1207 = tpu.memref_slice %arg6[%add3A_1205, %dma_start3A_1206] : memref<845x128xf32, #tpu.memory_space<vmem>> -> memref<1x16xf32, #tpu.memory_space<vmem>>
      %dma_start3A_1208 = tpu.memref_squeeze %dma_start3A_1207 : memref<1x16xf32, #tpu.memory_space<vmem>> -> memref<16xf32, #tpu.memory_space<vmem>>
      %dma_start3A_1209 = arith.constant 0 : i32
      %dma_start3A_1210 = tpu.memref_slice %arg2[%dma_start3A_1209] : memref<83200000xf32, #tpu.memory_space<hbm>> -> memref<83200000xf32, #tpu.memory_space<hbm>>
      tpu.enqueue_indirect_dma source(%dma_start3A_1210 : memref<83200000xf32, #tpu.memory_space<hbm>>) target(%dma_start3A_1208 : memref<16xf32, #tpu.memory_space<vmem>>) offsets(%add3A_1203 : vector<16xi32>) semaphore(%arg7 : memref<!tpu.dma_semaphore, #tpu.memory_space<semaphore_mem>>)
      %add3A_1211 = vector.broadcast %mul3A_1156 : i32 to vector<16xi32>
      %add3A_1212 = arith.addi %convert_element_type3A_129, %add3A_1211 : vector<16xi32>
      %add3A_1213 = arith.constant 13 : i32
      %add3A_1214 = arith.addi %add3A_137, %add3A_1213 : i32
      %dma_start3A_1215 = arith.constant 96 : i32
      %dma_start3A_1216 = tpu.memref_slice %arg6[%add3A_1214, %dma_start3A_1215] : memref<845x128xf32, #tpu.memory_space<vmem>> -> memref<1x16xf32, #tpu.memory_space<vmem>>
      %dma_start3A_1217 = tpu.memref_squeeze %dma_start3A_1216 : memref<1x16xf32, #tpu.memory_space<vmem>> -> memref<16xf32, #tpu.memory_space<vmem>>
      %dma_start3A_1218 = arith.constant 0 : i32
      %dma_start3A_1219 = tpu.memref_slice %arg2[%dma_start3A_1218] : memref<83200000xf32, #tpu.memory_space<hbm>> -> memref<83200000xf32, #tpu.memory_space<hbm>>
      tpu.enqueue_indirect_dma source(%dma_start3A_1219 : memref<83200000xf32, #tpu.memory_space<hbm>>) target(%dma_start3A_1217 : memref<16xf32, #tpu.memory_space<vmem>>) offsets(%add3A_1212 : vector<16xi32>) semaphore(%arg7 : memref<!tpu.dma_semaphore, #tpu.memory_space<semaphore_mem>>)
      %add3A_1220 = vector.broadcast %mul3A_1156 : i32 to vector<16xi32>
      %add3A_1221 = arith.addi %convert_element_type3A_133, %add3A_1220 : vector<16xi32>
      %add3A_1222 = arith.constant 13 : i32
      %add3A_1223 = arith.addi %add3A_137, %add3A_1222 : i32
      %dma_start3A_1224 = arith.constant 112 : i32
      %dma_start3A_1225 = tpu.memref_slice %arg6[%add3A_1223, %dma_start3A_1224] : memref<845x128xf32, #tpu.memory_space<vmem>> -> memref<1x16xf32, #tpu.memory_space<vmem>>
      %dma_start3A_1226 = tpu.memref_squeeze %dma_start3A_1225 : memref<1x16xf32, #tpu.memory_space<vmem>> -> memref<16xf32, #tpu.memory_space<vmem>>
      %dma_start3A_1227 = arith.constant 0 : i32
      %dma_start3A_1228 = tpu.memref_slice %arg2[%dma_start3A_1227] : memref<83200000xf32, #tpu.memory_space<hbm>> -> memref<83200000xf32, #tpu.memory_space<hbm>>
      tpu.enqueue_indirect_dma source(%dma_start3A_1228 : memref<83200000xf32, #tpu.memory_space<hbm>>) target(%dma_start3A_1226 : memref<16xf32, #tpu.memory_space<vmem>>) offsets(%add3A_1221 : vector<16xi32>) semaphore(%arg7 : memref<!tpu.dma_semaphore, #tpu.memory_space<semaphore_mem>>)
      %mul3A_1229 = arith.constant 32 : i32
      %mul3A_1230 = arith.muli %scan3A_103, %mul3A_1229 : i32
      %add3A_1231 = arith.constant 14 : i32
      %add3A_1232 = arith.addi %mul3A_1230, %add3A_1231 : i32
      %mul3A_1233 = arith.constant 100000 : i32
      %mul3A_1234 = arith.muli %add3A_1232, %mul3A_1233 : i32
      %add3A_1235 = vector.broadcast %mul3A_1234 : i32 to vector<16xi32>
      %add3A_1236 = arith.addi %convert_element_type3A, %add3A_1235 : vector<16xi32>
      %add3A_1237 = arith.constant 14 : i32
      %add3A_1238 = arith.addi %add3A_137, %add3A_1237 : i32
      %dma_start3A_1239 = arith.constant 0 : i32
      %dma_start3A_1240 = tpu.memref_slice %arg6[%add3A_1238, %dma_start3A_1239] : memref<845x128xf32, #tpu.memory_space<vmem>> -> memref<1x16xf32, #tpu.memory_space<vmem>>
      %dma_start3A_1241 = tpu.memref_squeeze %dma_start3A_1240 : memref<1x16xf32, #tpu.memory_space<vmem>> -> memref<16xf32, #tpu.memory_space<vmem>>
      %dma_start3A_1242 = arith.constant 0 : i32
      %dma_start3A_1243 = tpu.memref_slice %arg2[%dma_start3A_1242] : memref<83200000xf32, #tpu.memory_space<hbm>> -> memref<83200000xf32, #tpu.memory_space<hbm>>
      tpu.enqueue_indirect_dma source(%dma_start3A_1243 : memref<83200000xf32, #tpu.memory_space<hbm>>) target(%dma_start3A_1241 : memref<16xf32, #tpu.memory_space<vmem>>) offsets(%add3A_1236 : vector<16xi32>) semaphore(%arg7 : memref<!tpu.dma_semaphore, #tpu.memory_space<semaphore_mem>>)
      %add3A_1244 = vector.broadcast %mul3A_1234 : i32 to vector<16xi32>
      %add3A_1245 = arith.addi %convert_element_type3A_109, %add3A_1244 : vector<16xi32>
      %add3A_1246 = arith.constant 14 : i32
      %add3A_1247 = arith.addi %add3A_137, %add3A_1246 : i32
      %dma_start3A_1248 = arith.constant 16 : i32
      %dma_start3A_1249 = tpu.memref_slice %arg6[%add3A_1247, %dma_start3A_1248] : memref<845x128xf32, #tpu.memory_space<vmem>> -> memref<1x16xf32, #tpu.memory_space<vmem>>
      %dma_start3A_1250 = tpu.memref_squeeze %dma_start3A_1249 : memref<1x16xf32, #tpu.memory_space<vmem>> -> memref<16xf32, #tpu.memory_space<vmem>>
      %dma_start3A_1251 = arith.constant 0 : i32
      %dma_start3A_1252 = tpu.memref_slice %arg2[%dma_start3A_1251] : memref<83200000xf32, #tpu.memory_space<hbm>> -> memref<83200000xf32, #tpu.memory_space<hbm>>
      tpu.enqueue_indirect_dma source(%dma_start3A_1252 : memref<83200000xf32, #tpu.memory_space<hbm>>) target(%dma_start3A_1250 : memref<16xf32, #tpu.memory_space<vmem>>) offsets(%add3A_1245 : vector<16xi32>) semaphore(%arg7 : memref<!tpu.dma_semaphore, #tpu.memory_space<semaphore_mem>>)
      %add3A_1253 = vector.broadcast %mul3A_1234 : i32 to vector<16xi32>
      %add3A_1254 = arith.addi %convert_element_type3A_113, %add3A_1253 : vector<16xi32>
      %add3A_1255 = arith.constant 14 : i32
      %add3A_1256 = arith.addi %add3A_137, %add3A_1255 : i32
      %dma_start3A_1257 = arith.constant 32 : i32
      %dma_start3A_1258 = tpu.memref_slice %arg6[%add3A_1256, %dma_start3A_1257] : memref<845x128xf32, #tpu.memory_space<vmem>> -> memref<1x16xf32, #tpu.memory_space<vmem>>
      %dma_start3A_1259 = tpu.memref_squeeze %dma_start3A_1258 : memref<1x16xf32, #tpu.memory_space<vmem>> -> memref<16xf32, #tpu.memory_space<vmem>>
      %dma_start3A_1260 = arith.constant 0 : i32
      %dma_start3A_1261 = tpu.memref_slice %arg2[%dma_start3A_1260] : memref<83200000xf32, #tpu.memory_space<hbm>> -> memref<83200000xf32, #tpu.memory_space<hbm>>
      tpu.enqueue_indirect_dma source(%dma_start3A_1261 : memref<83200000xf32, #tpu.memory_space<hbm>>) target(%dma_start3A_1259 : memref<16xf32, #tpu.memory_space<vmem>>) offsets(%add3A_1254 : vector<16xi32>) semaphore(%arg7 : memref<!tpu.dma_semaphore, #tpu.memory_space<semaphore_mem>>)
      %add3A_1262 = vector.broadcast %mul3A_1234 : i32 to vector<16xi32>
      %add3A_1263 = arith.addi %convert_element_type3A_117, %add3A_1262 : vector<16xi32>
      %add3A_1264 = arith.constant 14 : i32
      %add3A_1265 = arith.addi %add3A_137, %add3A_1264 : i32
      %dma_start3A_1266 = arith.constant 48 : i32
      %dma_start3A_1267 = tpu.memref_slice %arg6[%add3A_1265, %dma_start3A_1266] : memref<845x128xf32, #tpu.memory_space<vmem>> -> memref<1x16xf32, #tpu.memory_space<vmem>>
      %dma_start3A_1268 = tpu.memref_squeeze %dma_start3A_1267 : memref<1x16xf32, #tpu.memory_space<vmem>> -> memref<16xf32, #tpu.memory_space<vmem>>
      %dma_start3A_1269 = arith.constant 0 : i32
      %dma_start3A_1270 = tpu.memref_slice %arg2[%dma_start3A_1269] : memref<83200000xf32, #tpu.memory_space<hbm>> -> memref<83200000xf32, #tpu.memory_space<hbm>>
      tpu.enqueue_indirect_dma source(%dma_start3A_1270 : memref<83200000xf32, #tpu.memory_space<hbm>>) target(%dma_start3A_1268 : memref<16xf32, #tpu.memory_space<vmem>>) offsets(%add3A_1263 : vector<16xi32>) semaphore(%arg7 : memref<!tpu.dma_semaphore, #tpu.memory_space<semaphore_mem>>)
      %add3A_1271 = vector.broadcast %mul3A_1234 : i32 to vector<16xi32>
      %add3A_1272 = arith.addi %convert_element_type3A_121, %add3A_1271 : vector<16xi32>
      %add3A_1273 = arith.constant 14 : i32
      %add3A_1274 = arith.addi %add3A_137, %add3A_1273 : i32
      %dma_start3A_1275 = arith.constant 64 : i32
      %dma_start3A_1276 = tpu.memref_slice %arg6[%add3A_1274, %dma_start3A_1275] : memref<845x128xf32, #tpu.memory_space<vmem>> -> memref<1x16xf32, #tpu.memory_space<vmem>>
      %dma_start3A_1277 = tpu.memref_squeeze %dma_start3A_1276 : memref<1x16xf32, #tpu.memory_space<vmem>> -> memref<16xf32, #tpu.memory_space<vmem>>
      %dma_start3A_1278 = arith.constant 0 : i32
      %dma_start3A_1279 = tpu.memref_slice %arg2[%dma_start3A_1278] : memref<83200000xf32, #tpu.memory_space<hbm>> -> memref<83200000xf32, #tpu.memory_space<hbm>>
      tpu.enqueue_indirect_dma source(%dma_start3A_1279 : memref<83200000xf32, #tpu.memory_space<hbm>>) target(%dma_start3A_1277 : memref<16xf32, #tpu.memory_space<vmem>>) offsets(%add3A_1272 : vector<16xi32>) semaphore(%arg7 : memref<!tpu.dma_semaphore, #tpu.memory_space<semaphore_mem>>)
      %add3A_1280 = vector.broadcast %mul3A_1234 : i32 to vector<16xi32>
      %add3A_1281 = arith.addi %convert_element_type3A_125, %add3A_1280 : vector<16xi32>
      %add3A_1282 = arith.constant 14 : i32
      %add3A_1283 = arith.addi %add3A_137, %add3A_1282 : i32
      %dma_start3A_1284 = arith.constant 80 : i32
      %dma_start3A_1285 = tpu.memref_slice %arg6[%add3A_1283, %dma_start3A_1284] : memref<845x128xf32, #tpu.memory_space<vmem>> -> memref<1x16xf32, #tpu.memory_space<vmem>>
      %dma_start3A_1286 = tpu.memref_squeeze %dma_start3A_1285 : memref<1x16xf32, #tpu.memory_space<vmem>> -> memref<16xf32, #tpu.memory_space<vmem>>
      %dma_start3A_1287 = arith.constant 0 : i32
      %dma_start3A_1288 = tpu.memref_slice %arg2[%dma_start3A_1287] : memref<83200000xf32, #tpu.memory_space<hbm>> -> memref<83200000xf32, #tpu.memory_space<hbm>>
      tpu.enqueue_indirect_dma source(%dma_start3A_1288 : memref<83200000xf32, #tpu.memory_space<hbm>>) target(%dma_start3A_1286 : memref<16xf32, #tpu.memory_space<vmem>>) offsets(%add3A_1281 : vector<16xi32>) semaphore(%arg7 : memref<!tpu.dma_semaphore, #tpu.memory_space<semaphore_mem>>)
      %add3A_1289 = vector.broadcast %mul3A_1234 : i32 to vector<16xi32>
      %add3A_1290 = arith.addi %convert_element_type3A_129, %add3A_1289 : vector<16xi32>
      %add3A_1291 = arith.constant 14 : i32
      %add3A_1292 = arith.addi %add3A_137, %add3A_1291 : i32
      %dma_start3A_1293 = arith.constant 96 : i32
      %dma_start3A_1294 = tpu.memref_slice %arg6[%add3A_1292, %dma_start3A_1293] : memref<845x128xf32, #tpu.memory_space<vmem>> -> memref<1x16xf32, #tpu.memory_space<vmem>>
      %dma_start3A_1295 = tpu.memref_squeeze %dma_start3A_1294 : memref<1x16xf32, #tpu.memory_space<vmem>> -> memref<16xf32, #tpu.memory_space<vmem>>
      %dma_start3A_1296 = arith.constant 0 : i32
      %dma_start3A_1297 = tpu.memref_slice %arg2[%dma_start3A_1296] : memref<83200000xf32, #tpu.memory_space<hbm>> -> memref<83200000xf32, #tpu.memory_space<hbm>>
      tpu.enqueue_indirect_dma source(%dma_start3A_1297 : memref<83200000xf32, #tpu.memory_space<hbm>>) target(%dma_start3A_1295 : memref<16xf32, #tpu.memory_space<vmem>>) offsets(%add3A_1290 : vector<16xi32>) semaphore(%arg7 : memref<!tpu.dma_semaphore, #tpu.memory_space<semaphore_mem>>)
      %add3A_1298 = vector.broadcast %mul3A_1234 : i32 to vector<16xi32>
      %add3A_1299 = arith.addi %convert_element_type3A_133, %add3A_1298 : vector<16xi32>
      %add3A_1300 = arith.constant 14 : i32
      %add3A_1301 = arith.addi %add3A_137, %add3A_1300 : i32
      %dma_start3A_1302 = arith.constant 112 : i32
      %dma_start3A_1303 = tpu.memref_slice %arg6[%add3A_1301, %dma_start3A_1302] : memref<845x128xf32, #tpu.memory_space<vmem>> -> memref<1x16xf32, #tpu.memory_space<vmem>>
      %dma_start3A_1304 = tpu.memref_squeeze %dma_start3A_1303 : memref<1x16xf32, #tpu.memory_space<vmem>> -> memref<16xf32, #tpu.memory_space<vmem>>
      %dma_start3A_1305 = arith.constant 0 : i32
      %dma_start3A_1306 = tpu.memref_slice %arg2[%dma_start3A_1305] : memref<83200000xf32, #tpu.memory_space<hbm>> -> memref<83200000xf32, #tpu.memory_space<hbm>>
      tpu.enqueue_indirect_dma source(%dma_start3A_1306 : memref<83200000xf32, #tpu.memory_space<hbm>>) target(%dma_start3A_1304 : memref<16xf32, #tpu.memory_space<vmem>>) offsets(%add3A_1299 : vector<16xi32>) semaphore(%arg7 : memref<!tpu.dma_semaphore, #tpu.memory_space<semaphore_mem>>)
      %mul3A_1307 = arith.constant 32 : i32
      %mul3A_1308 = arith.muli %scan3A_103, %mul3A_1307 : i32
      %add3A_1309 = arith.constant 15 : i32
      %add3A_1310 = arith.addi %mul3A_1308, %add3A_1309 : i32
      %mul3A_1311 = arith.constant 100000 : i32
      %mul3A_1312 = arith.muli %add3A_1310, %mul3A_1311 : i32
      %add3A_1313 = vector.broadcast %mul3A_1312 : i32 to vector<16xi32>
      %add3A_1314 = arith.addi %convert_element_type3A, %add3A_1313 : vector<16xi32>
      %add3A_1315 = arith.constant 15 : i32
      %add3A_1316 = arith.addi %add3A_137, %add3A_1315 : i32
      %dma_start3A_1317 = arith.constant 0 : i32
      %dma_start3A_1318 = tpu.memref_slice %arg6[%add3A_1316, %dma_start3A_1317] : memref<845x128xf32, #tpu.memory_space<vmem>> -> memref<1x16xf32, #tpu.memory_space<vmem>>
      %dma_start3A_1319 = tpu.memref_squeeze %dma_start3A_1318 : memref<1x16xf32, #tpu.memory_space<vmem>> -> memref<16xf32, #tpu.memory_space<vmem>>
      %dma_start3A_1320 = arith.constant 0 : i32
      %dma_start3A_1321 = tpu.memref_slice %arg2[%dma_start3A_1320] : memref<83200000xf32, #tpu.memory_space<hbm>> -> memref<83200000xf32, #tpu.memory_space<hbm>>
      tpu.enqueue_indirect_dma source(%dma_start3A_1321 : memref<83200000xf32, #tpu.memory_space<hbm>>) target(%dma_start3A_1319 : memref<16xf32, #tpu.memory_space<vmem>>) offsets(%add3A_1314 : vector<16xi32>) semaphore(%arg7 : memref<!tpu.dma_semaphore, #tpu.memory_space<semaphore_mem>>)
      %add3A_1322 = vector.broadcast %mul3A_1312 : i32 to vector<16xi32>
      %add3A_1323 = arith.addi %convert_element_type3A_109, %add3A_1322 : vector<16xi32>
      %add3A_1324 = arith.constant 15 : i32
      %add3A_1325 = arith.addi %add3A_137, %add3A_1324 : i32
      %dma_start3A_1326 = arith.constant 16 : i32
      %dma_start3A_1327 = tpu.memref_slice %arg6[%add3A_1325, %dma_start3A_1326] : memref<845x128xf32, #tpu.memory_space<vmem>> -> memref<1x16xf32, #tpu.memory_space<vmem>>
      %dma_start3A_1328 = tpu.memref_squeeze %dma_start3A_1327 : memref<1x16xf32, #tpu.memory_space<vmem>> -> memref<16xf32, #tpu.memory_space<vmem>>
      %dma_start3A_1329 = arith.constant 0 : i32
      %dma_start3A_1330 = tpu.memref_slice %arg2[%dma_start3A_1329] : memref<83200000xf32, #tpu.memory_space<hbm>> -> memref<83200000xf32, #tpu.memory_space<hbm>>
      tpu.enqueue_indirect_dma source(%dma_start3A_1330 : memref<83200000xf32, #tpu.memory_space<hbm>>) target(%dma_start3A_1328 : memref<16xf32, #tpu.memory_space<vmem>>) offsets(%add3A_1323 : vector<16xi32>) semaphore(%arg7 : memref<!tpu.dma_semaphore, #tpu.memory_space<semaphore_mem>>)
      %add3A_1331 = vector.broadcast %mul3A_1312 : i32 to vector<16xi32>
      %add3A_1332 = arith.addi %convert_element_type3A_113, %add3A_1331 : vector<16xi32>
      %add3A_1333 = arith.constant 15 : i32
      %add3A_1334 = arith.addi %add3A_137, %add3A_1333 : i32
      %dma_start3A_1335 = arith.constant 32 : i32
      %dma_start3A_1336 = tpu.memref_slice %arg6[%add3A_1334, %dma_start3A_1335] : memref<845x128xf32, #tpu.memory_space<vmem>> -> memref<1x16xf32, #tpu.memory_space<vmem>>
      %dma_start3A_1337 = tpu.memref_squeeze %dma_start3A_1336 : memref<1x16xf32, #tpu.memory_space<vmem>> -> memref<16xf32, #tpu.memory_space<vmem>>
      %dma_start3A_1338 = arith.constant 0 : i32
      %dma_start3A_1339 = tpu.memref_slice %arg2[%dma_start3A_1338] : memref<83200000xf32, #tpu.memory_space<hbm>> -> memref<83200000xf32, #tpu.memory_space<hbm>>
      tpu.enqueue_indirect_dma source(%dma_start3A_1339 : memref<83200000xf32, #tpu.memory_space<hbm>>) target(%dma_start3A_1337 : memref<16xf32, #tpu.memory_space<vmem>>) offsets(%add3A_1332 : vector<16xi32>) semaphore(%arg7 : memref<!tpu.dma_semaphore, #tpu.memory_space<semaphore_mem>>)
      %add3A_1340 = vector.broadcast %mul3A_1312 : i32 to vector<16xi32>
      %add3A_1341 = arith.addi %convert_element_type3A_117, %add3A_1340 : vector<16xi32>
      %add3A_1342 = arith.constant 15 : i32
      %add3A_1343 = arith.addi %add3A_137, %add3A_1342 : i32
      %dma_start3A_1344 = arith.constant 48 : i32
      %dma_start3A_1345 = tpu.memref_slice %arg6[%add3A_1343, %dma_start3A_1344] : memref<845x128xf32, #tpu.memory_space<vmem>> -> memref<1x16xf32, #tpu.memory_space<vmem>>
      %dma_start3A_1346 = tpu.memref_squeeze %dma_start3A_1345 : memref<1x16xf32, #tpu.memory_space<vmem>> -> memref<16xf32, #tpu.memory_space<vmem>>
      %dma_start3A_1347 = arith.constant 0 : i32
      %dma_start3A_1348 = tpu.memref_slice %arg2[%dma_start3A_1347] : memref<83200000xf32, #tpu.memory_space<hbm>> -> memref<83200000xf32, #tpu.memory_space<hbm>>
      tpu.enqueue_indirect_dma source(%dma_start3A_1348 : memref<83200000xf32, #tpu.memory_space<hbm>>) target(%dma_start3A_1346 : memref<16xf32, #tpu.memory_space<vmem>>) offsets(%add3A_1341 : vector<16xi32>) semaphore(%arg7 : memref<!tpu.dma_semaphore, #tpu.memory_space<semaphore_mem>>)
      %add3A_1349 = vector.broadcast %mul3A_1312 : i32 to vector<16xi32>
      %add3A_1350 = arith.addi %convert_element_type3A_121, %add3A_1349 : vector<16xi32>
      %add3A_1351 = arith.constant 15 : i32
      %add3A_1352 = arith.addi %add3A_137, %add3A_1351 : i32
      %dma_start3A_1353 = arith.constant 64 : i32
      %dma_start3A_1354 = tpu.memref_slice %arg6[%add3A_1352, %dma_start3A_1353] : memref<845x128xf32, #tpu.memory_space<vmem>> -> memref<1x16xf32, #tpu.memory_space<vmem>>
      %dma_start3A_1355 = tpu.memref_squeeze %dma_start3A_1354 : memref<1x16xf32, #tpu.memory_space<vmem>> -> memref<16xf32, #tpu.memory_space<vmem>>
      %dma_start3A_1356 = arith.constant 0 : i32
      %dma_start3A_1357 = tpu.memref_slice %arg2[%dma_start3A_1356] : memref<83200000xf32, #tpu.memory_space<hbm>> -> memref<83200000xf32, #tpu.memory_space<hbm>>
      tpu.enqueue_indirect_dma source(%dma_start3A_1357 : memref<83200000xf32, #tpu.memory_space<hbm>>) target(%dma_start3A_1355 : memref<16xf32, #tpu.memory_space<vmem>>) offsets(%add3A_1350 : vector<16xi32>) semaphore(%arg7 : memref<!tpu.dma_semaphore, #tpu.memory_space<semaphore_mem>>)
      %add3A_1358 = vector.broadcast %mul3A_1312 : i32 to vector<16xi32>
      %add3A_1359 = arith.addi %convert_element_type3A_125, %add3A_1358 : vector<16xi32>
      %add3A_1360 = arith.constant 15 : i32
      %add3A_1361 = arith.addi %add3A_137, %add3A_1360 : i32
      %dma_start3A_1362 = arith.constant 80 : i32
      %dma_start3A_1363 = tpu.memref_slice %arg6[%add3A_1361, %dma_start3A_1362] : memref<845x128xf32, #tpu.memory_space<vmem>> -> memref<1x16xf32, #tpu.memory_space<vmem>>
      %dma_start3A_1364 = tpu.memref_squeeze %dma_start3A_1363 : memref<1x16xf32, #tpu.memory_space<vmem>> -> memref<16xf32, #tpu.memory_space<vmem>>
      %dma_start3A_1365 = arith.constant 0 : i32
      %dma_start3A_1366 = tpu.memref_slice %arg2[%dma_start3A_1365] : memref<83200000xf32, #tpu.memory_space<hbm>> -> memref<83200000xf32, #tpu.memory_space<hbm>>
      tpu.enqueue_indirect_dma source(%dma_start3A_1366 : memref<83200000xf32, #tpu.memory_space<hbm>>) target(%dma_start3A_1364 : memref<16xf32, #tpu.memory_space<vmem>>) offsets(%add3A_1359 : vector<16xi32>) semaphore(%arg7 : memref<!tpu.dma_semaphore, #tpu.memory_space<semaphore_mem>>)
      %add3A_1367 = vector.broadcast %mul3A_1312 : i32 to vector<16xi32>
      %add3A_1368 = arith.addi %convert_element_type3A_129, %add3A_1367 : vector<16xi32>
      %add3A_1369 = arith.constant 15 : i32
      %add3A_1370 = arith.addi %add3A_137, %add3A_1369 : i32
      %dma_start3A_1371 = arith.constant 96 : i32
      %dma_start3A_1372 = tpu.memref_slice %arg6[%add3A_1370, %dma_start3A_1371] : memref<845x128xf32, #tpu.memory_space<vmem>> -> memref<1x16xf32, #tpu.memory_space<vmem>>
      %dma_start3A_1373 = tpu.memref_squeeze %dma_start3A_1372 : memref<1x16xf32, #tpu.memory_space<vmem>> -> memref<16xf32, #tpu.memory_space<vmem>>
      %dma_start3A_1374 = arith.constant 0 : i32
      %dma_start3A_1375 = tpu.memref_slice %arg2[%dma_start3A_1374] : memref<83200000xf32, #tpu.memory_space<hbm>> -> memref<83200000xf32, #tpu.memory_space<hbm>>
      tpu.enqueue_indirect_dma source(%dma_start3A_1375 : memref<83200000xf32, #tpu.memory_space<hbm>>) target(%dma_start3A_1373 : memref<16xf32, #tpu.memory_space<vmem>>) offsets(%add3A_1368 : vector<16xi32>) semaphore(%arg7 : memref<!tpu.dma_semaphore, #tpu.memory_space<semaphore_mem>>)
      %add3A_1376 = vector.broadcast %mul3A_1312 : i32 to vector<16xi32>
      %add3A_1377 = arith.addi %convert_element_type3A_133, %add3A_1376 : vector<16xi32>
      %add3A_1378 = arith.constant 15 : i32
      %add3A_1379 = arith.addi %add3A_137, %add3A_1378 : i32
      %dma_start3A_1380 = arith.constant 112 : i32
      %dma_start3A_1381 = tpu.memref_slice %arg6[%add3A_1379, %dma_start3A_1380] : memref<845x128xf32, #tpu.memory_space<vmem>> -> memref<1x16xf32, #tpu.memory_space<vmem>>
      %dma_start3A_1382 = tpu.memref_squeeze %dma_start3A_1381 : memref<1x16xf32, #tpu.memory_space<vmem>> -> memref<16xf32, #tpu.memory_space<vmem>>
      %dma_start3A_1383 = arith.constant 0 : i32
      %dma_start3A_1384 = tpu.memref_slice %arg2[%dma_start3A_1383] : memref<83200000xf32, #tpu.memory_space<hbm>> -> memref<83200000xf32, #tpu.memory_space<hbm>>
      tpu.enqueue_indirect_dma source(%dma_start3A_1384 : memref<83200000xf32, #tpu.memory_space<hbm>>) target(%dma_start3A_1382 : memref<16xf32, #tpu.memory_space<vmem>>) offsets(%add3A_1377 : vector<16xi32>) semaphore(%arg7 : memref<!tpu.dma_semaphore, #tpu.memory_space<semaphore_mem>>)
      %mul3A_1385 = arith.constant 32 : i32
      %mul3A_1386 = arith.muli %scan3A_103, %mul3A_1385 : i32
      %add3A_1387 = arith.constant 16 : i32
      %add3A_1388 = arith.addi %mul3A_1386, %add3A_1387 : i32
      %mul3A_1389 = arith.constant 100000 : i32
      %mul3A_1390 = arith.muli %add3A_1388, %mul3A_1389 : i32
      %add3A_1391 = vector.broadcast %mul3A_1390 : i32 to vector<16xi32>
      %add3A_1392 = arith.addi %convert_element_type3A, %add3A_1391 : vector<16xi32>
      %add3A_1393 = arith.constant 16 : i32
      %add3A_1394 = arith.addi %add3A_137, %add3A_1393 : i32
      %dma_start3A_1395 = arith.constant 0 : i32
      %dma_start3A_1396 = tpu.memref_slice %arg6[%add3A_1394, %dma_start3A_1395] : memref<845x128xf32, #tpu.memory_space<vmem>> -> memref<1x16xf32, #tpu.memory_space<vmem>>
      %dma_start3A_1397 = tpu.memref_squeeze %dma_start3A_1396 : memref<1x16xf32, #tpu.memory_space<vmem>> -> memref<16xf32, #tpu.memory_space<vmem>>
      %dma_start3A_1398 = arith.constant 0 : i32
      %dma_start3A_1399 = tpu.memref_slice %arg2[%dma_start3A_1398] : memref<83200000xf32, #tpu.memory_space<hbm>> -> memref<83200000xf32, #tpu.memory_space<hbm>>
      tpu.enqueue_indirect_dma source(%dma_start3A_1399 : memref<83200000xf32, #tpu.memory_space<hbm>>) target(%dma_start3A_1397 : memref<16xf32, #tpu.memory_space<vmem>>) offsets(%add3A_1392 : vector<16xi32>) semaphore(%arg7 : memref<!tpu.dma_semaphore, #tpu.memory_space<semaphore_mem>>)
      %add3A_1400 = vector.broadcast %mul3A_1390 : i32 to vector<16xi32>
      %add3A_1401 = arith.addi %convert_element_type3A_109, %add3A_1400 : vector<16xi32>
      %add3A_1402 = arith.constant 16 : i32
      %add3A_1403 = arith.addi %add3A_137, %add3A_1402 : i32
      %dma_start3A_1404 = arith.constant 16 : i32
      %dma_start3A_1405 = tpu.memref_slice %arg6[%add3A_1403, %dma_start3A_1404] : memref<845x128xf32, #tpu.memory_space<vmem>> -> memref<1x16xf32, #tpu.memory_space<vmem>>
      %dma_start3A_1406 = tpu.memref_squeeze %dma_start3A_1405 : memref<1x16xf32, #tpu.memory_space<vmem>> -> memref<16xf32, #tpu.memory_space<vmem>>
      %dma_start3A_1407 = arith.constant 0 : i32
      %dma_start3A_1408 = tpu.memref_slice %arg2[%dma_start3A_1407] : memref<83200000xf32, #tpu.memory_space<hbm>> -> memref<83200000xf32, #tpu.memory_space<hbm>>
      tpu.enqueue_indirect_dma source(%dma_start3A_1408 : memref<83200000xf32, #tpu.memory_space<hbm>>) target(%dma_start3A_1406 : memref<16xf32, #tpu.memory_space<vmem>>) offsets(%add3A_1401 : vector<16xi32>) semaphore(%arg7 : memref<!tpu.dma_semaphore, #tpu.memory_space<semaphore_mem>>)
      %add3A_1409 = vector.broadcast %mul3A_1390 : i32 to vector<16xi32>
      %add3A_1410 = arith.addi %convert_element_type3A_113, %add3A_1409 : vector<16xi32>
      %add3A_1411 = arith.constant 16 : i32
      %add3A_1412 = arith.addi %add3A_137, %add3A_1411 : i32
      %dma_start3A_1413 = arith.constant 32 : i32
      %dma_start3A_1414 = tpu.memref_slice %arg6[%add3A_1412, %dma_start3A_1413] : memref<845x128xf32, #tpu.memory_space<vmem>> -> memref<1x16xf32, #tpu.memory_space<vmem>>
      %dma_start3A_1415 = tpu.memref_squeeze %dma_start3A_1414 : memref<1x16xf32, #tpu.memory_space<vmem>> -> memref<16xf32, #tpu.memory_space<vmem>>
      %dma_start3A_1416 = arith.constant 0 : i32
      %dma_start3A_1417 = tpu.memref_slice %arg2[%dma_start3A_1416] : memref<83200000xf32, #tpu.memory_space<hbm>> -> memref<83200000xf32, #tpu.memory_space<hbm>>
      tpu.enqueue_indirect_dma source(%dma_start3A_1417 : memref<83200000xf32, #tpu.memory_space<hbm>>) target(%dma_start3A_1415 : memref<16xf32, #tpu.memory_space<vmem>>) offsets(%add3A_1410 : vector<16xi32>) semaphore(%arg7 : memref<!tpu.dma_semaphore, #tpu.memory_space<semaphore_mem>>)
      %add3A_1418 = vector.broadcast %mul3A_1390 : i32 to vector<16xi32>
      %add3A_1419 = arith.addi %convert_element_type3A_117, %add3A_1418 : vector<16xi32>
      %add3A_1420 = arith.constant 16 : i32
      %add3A_1421 = arith.addi %add3A_137, %add3A_1420 : i32
      %dma_start3A_1422 = arith.constant 48 : i32
      %dma_start3A_1423 = tpu.memref_slice %arg6[%add3A_1421, %dma_start3A_1422] : memref<845x128xf32, #tpu.memory_space<vmem>> -> memref<1x16xf32, #tpu.memory_space<vmem>>
      %dma_start3A_1424 = tpu.memref_squeeze %dma_start3A_1423 : memref<1x16xf32, #tpu.memory_space<vmem>> -> memref<16xf32, #tpu.memory_space<vmem>>
      %dma_start3A_1425 = arith.constant 0 : i32
      %dma_start3A_1426 = tpu.memref_slice %arg2[%dma_start3A_1425] : memref<83200000xf32, #tpu.memory_space<hbm>> -> memref<83200000xf32, #tpu.memory_space<hbm>>
      tpu.enqueue_indirect_dma source(%dma_start3A_1426 : memref<83200000xf32, #tpu.memory_space<hbm>>) target(%dma_start3A_1424 : memref<16xf32, #tpu.memory_space<vmem>>) offsets(%add3A_1419 : vector<16xi32>) semaphore(%arg7 : memref<!tpu.dma_semaphore, #tpu.memory_space<semaphore_mem>>)
      %add3A_1427 = vector.broadcast %mul3A_1390 : i32 to vector<16xi32>
      %add3A_1428 = arith.addi %convert_element_type3A_121, %add3A_1427 : vector<16xi32>
      %add3A_1429 = arith.constant 16 : i32
      %add3A_1430 = arith.addi %add3A_137, %add3A_1429 : i32
      %dma_start3A_1431 = arith.constant 64 : i32
      %dma_start3A_1432 = tpu.memref_slice %arg6[%add3A_1430, %dma_start3A_1431] : memref<845x128xf32, #tpu.memory_space<vmem>> -> memref<1x16xf32, #tpu.memory_space<vmem>>
      %dma_start3A_1433 = tpu.memref_squeeze %dma_start3A_1432 : memref<1x16xf32, #tpu.memory_space<vmem>> -> memref<16xf32, #tpu.memory_space<vmem>>
      %dma_start3A_1434 = arith.constant 0 : i32
      %dma_start3A_1435 = tpu.memref_slice %arg2[%dma_start3A_1434] : memref<83200000xf32, #tpu.memory_space<hbm>> -> memref<83200000xf32, #tpu.memory_space<hbm>>
      tpu.enqueue_indirect_dma source(%dma_start3A_1435 : memref<83200000xf32, #tpu.memory_space<hbm>>) target(%dma_start3A_1433 : memref<16xf32, #tpu.memory_space<vmem>>) offsets(%add3A_1428 : vector<16xi32>) semaphore(%arg7 : memref<!tpu.dma_semaphore, #tpu.memory_space<semaphore_mem>>)
      %add3A_1436 = vector.broadcast %mul3A_1390 : i32 to vector<16xi32>
      %add3A_1437 = arith.addi %convert_element_type3A_125, %add3A_1436 : vector<16xi32>
      %add3A_1438 = arith.constant 16 : i32
      %add3A_1439 = arith.addi %add3A_137, %add3A_1438 : i32
      %dma_start3A_1440 = arith.constant 80 : i32
      %dma_start3A_1441 = tpu.memref_slice %arg6[%add3A_1439, %dma_start3A_1440] : memref<845x128xf32, #tpu.memory_space<vmem>> -> memref<1x16xf32, #tpu.memory_space<vmem>>
      %dma_start3A_1442 = tpu.memref_squeeze %dma_start3A_1441 : memref<1x16xf32, #tpu.memory_space<vmem>> -> memref<16xf32, #tpu.memory_space<vmem>>
      %dma_start3A_1443 = arith.constant 0 : i32
      %dma_start3A_1444 = tpu.memref_slice %arg2[%dma_start3A_1443] : memref<83200000xf32, #tpu.memory_space<hbm>> -> memref<83200000xf32, #tpu.memory_space<hbm>>
      tpu.enqueue_indirect_dma source(%dma_start3A_1444 : memref<83200000xf32, #tpu.memory_space<hbm>>) target(%dma_start3A_1442 : memref<16xf32, #tpu.memory_space<vmem>>) offsets(%add3A_1437 : vector<16xi32>) semaphore(%arg7 : memref<!tpu.dma_semaphore, #tpu.memory_space<semaphore_mem>>)
      %add3A_1445 = vector.broadcast %mul3A_1390 : i32 to vector<16xi32>
      %add3A_1446 = arith.addi %convert_element_type3A_129, %add3A_1445 : vector<16xi32>
      %add3A_1447 = arith.constant 16 : i32
      %add3A_1448 = arith.addi %add3A_137, %add3A_1447 : i32
      %dma_start3A_1449 = arith.constant 96 : i32
      %dma_start3A_1450 = tpu.memref_slice %arg6[%add3A_1448, %dma_start3A_1449] : memref<845x128xf32, #tpu.memory_space<vmem>> -> memref<1x16xf32, #tpu.memory_space<vmem>>
      %dma_start3A_1451 = tpu.memref_squeeze %dma_start3A_1450 : memref<1x16xf32, #tpu.memory_space<vmem>> -> memref<16xf32, #tpu.memory_space<vmem>>
      %dma_start3A_1452 = arith.constant 0 : i32
      %dma_start3A_1453 = tpu.memref_slice %arg2[%dma_start3A_1452] : memref<83200000xf32, #tpu.memory_space<hbm>> -> memref<83200000xf32, #tpu.memory_space<hbm>>
      tpu.enqueue_indirect_dma source(%dma_start3A_1453 : memref<83200000xf32, #tpu.memory_space<hbm>>) target(%dma_start3A_1451 : memref<16xf32, #tpu.memory_space<vmem>>) offsets(%add3A_1446 : vector<16xi32>) semaphore(%arg7 : memref<!tpu.dma_semaphore, #tpu.memory_space<semaphore_mem>>)
      %add3A_1454 = vector.broadcast %mul3A_1390 : i32 to vector<16xi32>
      %add3A_1455 = arith.addi %convert_element_type3A_133, %add3A_1454 : vector<16xi32>
      %add3A_1456 = arith.constant 16 : i32
      %add3A_1457 = arith.addi %add3A_137, %add3A_1456 : i32
      %dma_start3A_1458 = arith.constant 112 : i32
      %dma_start3A_1459 = tpu.memref_slice %arg6[%add3A_1457, %dma_start3A_1458] : memref<845x128xf32, #tpu.memory_space<vmem>> -> memref<1x16xf32, #tpu.memory_space<vmem>>
      %dma_start3A_1460 = tpu.memref_squeeze %dma_start3A_1459 : memref<1x16xf32, #tpu.memory_space<vmem>> -> memref<16xf32, #tpu.memory_space<vmem>>
      %dma_start3A_1461 = arith.constant 0 : i32
      %dma_start3A_1462 = tpu.memref_slice %arg2[%dma_start3A_1461] : memref<83200000xf32, #tpu.memory_space<hbm>> -> memref<83200000xf32, #tpu.memory_space<hbm>>
      tpu.enqueue_indirect_dma source(%dma_start3A_1462 : memref<83200000xf32, #tpu.memory_space<hbm>>) target(%dma_start3A_1460 : memref<16xf32, #tpu.memory_space<vmem>>) offsets(%add3A_1455 : vector<16xi32>) semaphore(%arg7 : memref<!tpu.dma_semaphore, #tpu.memory_space<semaphore_mem>>)
      %mul3A_1463 = arith.constant 32 : i32
      %mul3A_1464 = arith.muli %scan3A_103, %mul3A_1463 : i32
      %add3A_1465 = arith.constant 17 : i32
      %add3A_1466 = arith.addi %mul3A_1464, %add3A_1465 : i32
      %mul3A_1467 = arith.constant 100000 : i32
      %mul3A_1468 = arith.muli %add3A_1466, %mul3A_1467 : i32
      %add3A_1469 = vector.broadcast %mul3A_1468 : i32 to vector<16xi32>
      %add3A_1470 = arith.addi %convert_element_type3A, %add3A_1469 : vector<16xi32>
      %add3A_1471 = arith.constant 17 : i32
      %add3A_1472 = arith.addi %add3A_137, %add3A_1471 : i32
      %dma_start3A_1473 = arith.constant 0 : i32
      %dma_start3A_1474 = tpu.memref_slice %arg6[%add3A_1472, %dma_start3A_1473] : memref<845x128xf32, #tpu.memory_space<vmem>> -> memref<1x16xf32, #tpu.memory_space<vmem>>
      %dma_start3A_1475 = tpu.memref_squeeze %dma_start3A_1474 : memref<1x16xf32, #tpu.memory_space<vmem>> -> memref<16xf32, #tpu.memory_space<vmem>>
      %dma_start3A_1476 = arith.constant 0 : i32
      %dma_start3A_1477 = tpu.memref_slice %arg2[%dma_start3A_1476] : memref<83200000xf32, #tpu.memory_space<hbm>> -> memref<83200000xf32, #tpu.memory_space<hbm>>
      tpu.enqueue_indirect_dma source(%dma_start3A_1477 : memref<83200000xf32, #tpu.memory_space<hbm>>) target(%dma_start3A_1475 : memref<16xf32, #tpu.memory_space<vmem>>) offsets(%add3A_1470 : vector<16xi32>) semaphore(%arg7 : memref<!tpu.dma_semaphore, #tpu.memory_space<semaphore_mem>>)
      %add3A_1478 = vector.broadcast %mul3A_1468 : i32 to vector<16xi32>
      %add3A_1479 = arith.addi %convert_element_type3A_109, %add3A_1478 : vector<16xi32>
      %add3A_1480 = arith.constant 17 : i32
      %add3A_1481 = arith.addi %add3A_137, %add3A_1480 : i32
      %dma_start3A_1482 = arith.constant 16 : i32
      %dma_start3A_1483 = tpu.memref_slice %arg6[%add3A_1481, %dma_start3A_1482] : memref<845x128xf32, #tpu.memory_space<vmem>> -> memref<1x16xf32, #tpu.memory_space<vmem>>
      %dma_start3A_1484 = tpu.memref_squeeze %dma_start3A_1483 : memref<1x16xf32, #tpu.memory_space<vmem>> -> memref<16xf32, #tpu.memory_space<vmem>>
      %dma_start3A_1485 = arith.constant 0 : i32
      %dma_start3A_1486 = tpu.memref_slice %arg2[%dma_start3A_1485] : memref<83200000xf32, #tpu.memory_space<hbm>> -> memref<83200000xf32, #tpu.memory_space<hbm>>
      tpu.enqueue_indirect_dma source(%dma_start3A_1486 : memref<83200000xf32, #tpu.memory_space<hbm>>) target(%dma_start3A_1484 : memref<16xf32, #tpu.memory_space<vmem>>) offsets(%add3A_1479 : vector<16xi32>) semaphore(%arg7 : memref<!tpu.dma_semaphore, #tpu.memory_space<semaphore_mem>>)
      %add3A_1487 = vector.broadcast %mul3A_1468 : i32 to vector<16xi32>
      %add3A_1488 = arith.addi %convert_element_type3A_113, %add3A_1487 : vector<16xi32>
      %add3A_1489 = arith.constant 17 : i32
      %add3A_1490 = arith.addi %add3A_137, %add3A_1489 : i32
      %dma_start3A_1491 = arith.constant 32 : i32
      %dma_start3A_1492 = tpu.memref_slice %arg6[%add3A_1490, %dma_start3A_1491] : memref<845x128xf32, #tpu.memory_space<vmem>> -> memref<1x16xf32, #tpu.memory_space<vmem>>
      %dma_start3A_1493 = tpu.memref_squeeze %dma_start3A_1492 : memref<1x16xf32, #tpu.memory_space<vmem>> -> memref<16xf32, #tpu.memory_space<vmem>>
      %dma_start3A_1494 = arith.constant 0 : i32
      %dma_start3A_1495 = tpu.memref_slice %arg2[%dma_start3A_1494] : memref<83200000xf32, #tpu.memory_space<hbm>> -> memref<83200000xf32, #tpu.memory_space<hbm>>
      tpu.enqueue_indirect_dma source(%dma_start3A_1495 : memref<83200000xf32, #tpu.memory_space<hbm>>) target(%dma_start3A_1493 : memref<16xf32, #tpu.memory_space<vmem>>) offsets(%add3A_1488 : vector<16xi32>) semaphore(%arg7 : memref<!tpu.dma_semaphore, #tpu.memory_space<semaphore_mem>>)
      %add3A_1496 = vector.broadcast %mul3A_1468 : i32 to vector<16xi32>
      %add3A_1497 = arith.addi %convert_element_type3A_117, %add3A_1496 : vector<16xi32>
      %add3A_1498 = arith.constant 17 : i32
      %add3A_1499 = arith.addi %add3A_137, %add3A_1498 : i32
      %dma_start3A_1500 = arith.constant 48 : i32
      %dma_start3A_1501 = tpu.memref_slice %arg6[%add3A_1499, %dma_start3A_1500] : memref<845x128xf32, #tpu.memory_space<vmem>> -> memref<1x16xf32, #tpu.memory_space<vmem>>
      %dma_start3A_1502 = tpu.memref_squeeze %dma_start3A_1501 : memref<1x16xf32, #tpu.memory_space<vmem>> -> memref<16xf32, #tpu.memory_space<vmem>>
      %dma_start3A_1503 = arith.constant 0 : i32
      %dma_start3A_1504 = tpu.memref_slice %arg2[%dma_start3A_1503] : memref<83200000xf32, #tpu.memory_space<hbm>> -> memref<83200000xf32, #tpu.memory_space<hbm>>
      tpu.enqueue_indirect_dma source(%dma_start3A_1504 : memref<83200000xf32, #tpu.memory_space<hbm>>) target(%dma_start3A_1502 : memref<16xf32, #tpu.memory_space<vmem>>) offsets(%add3A_1497 : vector<16xi32>) semaphore(%arg7 : memref<!tpu.dma_semaphore, #tpu.memory_space<semaphore_mem>>)
      %add3A_1505 = vector.broadcast %mul3A_1468 : i32 to vector<16xi32>
      %add3A_1506 = arith.addi %convert_element_type3A_121, %add3A_1505 : vector<16xi32>
      %add3A_1507 = arith.constant 17 : i32
      %add3A_1508 = arith.addi %add3A_137, %add3A_1507 : i32
      %dma_start3A_1509 = arith.constant 64 : i32
      %dma_start3A_1510 = tpu.memref_slice %arg6[%add3A_1508, %dma_start3A_1509] : memref<845x128xf32, #tpu.memory_space<vmem>> -> memref<1x16xf32, #tpu.memory_space<vmem>>
      %dma_start3A_1511 = tpu.memref_squeeze %dma_start3A_1510 : memref<1x16xf32, #tpu.memory_space<vmem>> -> memref<16xf32, #tpu.memory_space<vmem>>
      %dma_start3A_1512 = arith.constant 0 : i32
      %dma_start3A_1513 = tpu.memref_slice %arg2[%dma_start3A_1512] : memref<83200000xf32, #tpu.memory_space<hbm>> -> memref<83200000xf32, #tpu.memory_space<hbm>>
      tpu.enqueue_indirect_dma source(%dma_start3A_1513 : memref<83200000xf32, #tpu.memory_space<hbm>>) target(%dma_start3A_1511 : memref<16xf32, #tpu.memory_space<vmem>>) offsets(%add3A_1506 : vector<16xi32>) semaphore(%arg7 : memref<!tpu.dma_semaphore, #tpu.memory_space<semaphore_mem>>)
      %add3A_1514 = vector.broadcast %mul3A_1468 : i32 to vector<16xi32>
      %add3A_1515 = arith.addi %convert_element_type3A_125, %add3A_1514 : vector<16xi32>
      %add3A_1516 = arith.constant 17 : i32
      %add3A_1517 = arith.addi %add3A_137, %add3A_1516 : i32
      %dma_start3A_1518 = arith.constant 80 : i32
      %dma_start3A_1519 = tpu.memref_slice %arg6[%add3A_1517, %dma_start3A_1518] : memref<845x128xf32, #tpu.memory_space<vmem>> -> memref<1x16xf32, #tpu.memory_space<vmem>>
      %dma_start3A_1520 = tpu.memref_squeeze %dma_start3A_1519 : memref<1x16xf32, #tpu.memory_space<vmem>> -> memref<16xf32, #tpu.memory_space<vmem>>
      %dma_start3A_1521 = arith.constant 0 : i32
      %dma_start3A_1522 = tpu.memref_slice %arg2[%dma_start3A_1521] : memref<83200000xf32, #tpu.memory_space<hbm>> -> memref<83200000xf32, #tpu.memory_space<hbm>>
      tpu.enqueue_indirect_dma source(%dma_start3A_1522 : memref<83200000xf32, #tpu.memory_space<hbm>>) target(%dma_start3A_1520 : memref<16xf32, #tpu.memory_space<vmem>>) offsets(%add3A_1515 : vector<16xi32>) semaphore(%arg7 : memref<!tpu.dma_semaphore, #tpu.memory_space<semaphore_mem>>)
      %add3A_1523 = vector.broadcast %mul3A_1468 : i32 to vector<16xi32>
      %add3A_1524 = arith.addi %convert_element_type3A_129, %add3A_1523 : vector<16xi32>
      %add3A_1525 = arith.constant 17 : i32
      %add3A_1526 = arith.addi %add3A_137, %add3A_1525 : i32
      %dma_start3A_1527 = arith.constant 96 : i32
      %dma_start3A_1528 = tpu.memref_slice %arg6[%add3A_1526, %dma_start3A_1527] : memref<845x128xf32, #tpu.memory_space<vmem>> -> memref<1x16xf32, #tpu.memory_space<vmem>>
      %dma_start3A_1529 = tpu.memref_squeeze %dma_start3A_1528 : memref<1x16xf32, #tpu.memory_space<vmem>> -> memref<16xf32, #tpu.memory_space<vmem>>
      %dma_start3A_1530 = arith.constant 0 : i32
      %dma_start3A_1531 = tpu.memref_slice %arg2[%dma_start3A_1530] : memref<83200000xf32, #tpu.memory_space<hbm>> -> memref<83200000xf32, #tpu.memory_space<hbm>>
      tpu.enqueue_indirect_dma source(%dma_start3A_1531 : memref<83200000xf32, #tpu.memory_space<hbm>>) target(%dma_start3A_1529 : memref<16xf32, #tpu.memory_space<vmem>>) offsets(%add3A_1524 : vector<16xi32>) semaphore(%arg7 : memref<!tpu.dma_semaphore, #tpu.memory_space<semaphore_mem>>)
      %add3A_1532 = vector.broadcast %mul3A_1468 : i32 to vector<16xi32>
      %add3A_1533 = arith.addi %convert_element_type3A_133, %add3A_1532 : vector<16xi32>
      %add3A_1534 = arith.constant 17 : i32
      %add3A_1535 = arith.addi %add3A_137, %add3A_1534 : i32
      %dma_start3A_1536 = arith.constant 112 : i32
      %dma_start3A_1537 = tpu.memref_slice %arg6[%add3A_1535, %dma_start3A_1536] : memref<845x128xf32, #tpu.memory_space<vmem>> -> memref<1x16xf32, #tpu.memory_space<vmem>>
      %dma_start3A_1538 = tpu.memref_squeeze %dma_start3A_1537 : memref<1x16xf32, #tpu.memory_space<vmem>> -> memref<16xf32, #tpu.memory_space<vmem>>
      %dma_start3A_1539 = arith.constant 0 : i32
      %dma_start3A_1540 = tpu.memref_slice %arg2[%dma_start3A_1539] : memref<83200000xf32, #tpu.memory_space<hbm>> -> memref<83200000xf32, #tpu.memory_space<hbm>>
      tpu.enqueue_indirect_dma source(%dma_start3A_1540 : memref<83200000xf32, #tpu.memory_space<hbm>>) target(%dma_start3A_1538 : memref<16xf32, #tpu.memory_space<vmem>>) offsets(%add3A_1533 : vector<16xi32>) semaphore(%arg7 : memref<!tpu.dma_semaphore, #tpu.memory_space<semaphore_mem>>)
      %mul3A_1541 = arith.constant 32 : i32
      %mul3A_1542 = arith.muli %scan3A_103, %mul3A_1541 : i32
      %add3A_1543 = arith.constant 18 : i32
      %add3A_1544 = arith.addi %mul3A_1542, %add3A_1543 : i32
      %mul3A_1545 = arith.constant 100000 : i32
      %mul3A_1546 = arith.muli %add3A_1544, %mul3A_1545 : i32
      %add3A_1547 = vector.broadcast %mul3A_1546 : i32 to vector<16xi32>
      %add3A_1548 = arith.addi %convert_element_type3A, %add3A_1547 : vector<16xi32>
      %add3A_1549 = arith.constant 18 : i32
      %add3A_1550 = arith.addi %add3A_137, %add3A_1549 : i32
      %dma_start3A_1551 = arith.constant 0 : i32
      %dma_start3A_1552 = tpu.memref_slice %arg6[%add3A_1550, %dma_start3A_1551] : memref<845x128xf32, #tpu.memory_space<vmem>> -> memref<1x16xf32, #tpu.memory_space<vmem>>
      %dma_start3A_1553 = tpu.memref_squeeze %dma_start3A_1552 : memref<1x16xf32, #tpu.memory_space<vmem>> -> memref<16xf32, #tpu.memory_space<vmem>>
      %dma_start3A_1554 = arith.constant 0 : i32
      %dma_start3A_1555 = tpu.memref_slice %arg2[%dma_start3A_1554] : memref<83200000xf32, #tpu.memory_space<hbm>> -> memref<83200000xf32, #tpu.memory_space<hbm>>
      tpu.enqueue_indirect_dma source(%dma_start3A_1555 : memref<83200000xf32, #tpu.memory_space<hbm>>) target(%dma_start3A_1553 : memref<16xf32, #tpu.memory_space<vmem>>) offsets(%add3A_1548 : vector<16xi32>) semaphore(%arg7 : memref<!tpu.dma_semaphore, #tpu.memory_space<semaphore_mem>>)
      %add3A_1556 = vector.broadcast %mul3A_1546 : i32 to vector<16xi32>
      %add3A_1557 = arith.addi %convert_element_type3A_109, %add3A_1556 : vector<16xi32>
      %add3A_1558 = arith.constant 18 : i32
      %add3A_1559 = arith.addi %add3A_137, %add3A_1558 : i32
      %dma_start3A_1560 = arith.constant 16 : i32
      %dma_start3A_1561 = tpu.memref_slice %arg6[%add3A_1559, %dma_start3A_1560] : memref<845x128xf32, #tpu.memory_space<vmem>> -> memref<1x16xf32, #tpu.memory_space<vmem>>
      %dma_start3A_1562 = tpu.memref_squeeze %dma_start3A_1561 : memref<1x16xf32, #tpu.memory_space<vmem>> -> memref<16xf32, #tpu.memory_space<vmem>>
      %dma_start3A_1563 = arith.constant 0 : i32
      %dma_start3A_1564 = tpu.memref_slice %arg2[%dma_start3A_1563] : memref<83200000xf32, #tpu.memory_space<hbm>> -> memref<83200000xf32, #tpu.memory_space<hbm>>
      tpu.enqueue_indirect_dma source(%dma_start3A_1564 : memref<83200000xf32, #tpu.memory_space<hbm>>) target(%dma_start3A_1562 : memref<16xf32, #tpu.memory_space<vmem>>) offsets(%add3A_1557 : vector<16xi32>) semaphore(%arg7 : memref<!tpu.dma_semaphore, #tpu.memory_space<semaphore_mem>>)
      %add3A_1565 = vector.broadcast %mul3A_1546 : i32 to vector<16xi32>
      %add3A_1566 = arith.addi %convert_element_type3A_113, %add3A_1565 : vector<16xi32>
      %add3A_1567 = arith.constant 18 : i32
      %add3A_1568 = arith.addi %add3A_137, %add3A_1567 : i32
      %dma_start3A_1569 = arith.constant 32 : i32
      %dma_start3A_1570 = tpu.memref_slice %arg6[%add3A_1568, %dma_start3A_1569] : memref<845x128xf32, #tpu.memory_space<vmem>> -> memref<1x16xf32, #tpu.memory_space<vmem>>
      %dma_start3A_1571 = tpu.memref_squeeze %dma_start3A_1570 : memref<1x16xf32, #tpu.memory_space<vmem>> -> memref<16xf32, #tpu.memory_space<vmem>>
      %dma_start3A_1572 = arith.constant 0 : i32
      %dma_start3A_1573 = tpu.memref_slice %arg2[%dma_start3A_1572] : memref<83200000xf32, #tpu.memory_space<hbm>> -> memref<83200000xf32, #tpu.memory_space<hbm>>
      tpu.enqueue_indirect_dma source(%dma_start3A_1573 : memref<83200000xf32, #tpu.memory_space<hbm>>) target(%dma_start3A_1571 : memref<16xf32, #tpu.memory_space<vmem>>) offsets(%add3A_1566 : vector<16xi32>) semaphore(%arg7 : memref<!tpu.dma_semaphore, #tpu.memory_space<semaphore_mem>>)
      %add3A_1574 = vector.broadcast %mul3A_1546 : i32 to vector<16xi32>
      %add3A_1575 = arith.addi %convert_element_type3A_117, %add3A_1574 : vector<16xi32>
      %add3A_1576 = arith.constant 18 : i32
      %add3A_1577 = arith.addi %add3A_137, %add3A_1576 : i32
      %dma_start3A_1578 = arith.constant 48 : i32
      %dma_start3A_1579 = tpu.memref_slice %arg6[%add3A_1577, %dma_start3A_1578] : memref<845x128xf32, #tpu.memory_space<vmem>> -> memref<1x16xf32, #tpu.memory_space<vmem>>
      %dma_start3A_1580 = tpu.memref_squeeze %dma_start3A_1579 : memref<1x16xf32, #tpu.memory_space<vmem>> -> memref<16xf32, #tpu.memory_space<vmem>>
      %dma_start3A_1581 = arith.constant 0 : i32
      %dma_start3A_1582 = tpu.memref_slice %arg2[%dma_start3A_1581] : memref<83200000xf32, #tpu.memory_space<hbm>> -> memref<83200000xf32, #tpu.memory_space<hbm>>
      tpu.enqueue_indirect_dma source(%dma_start3A_1582 : memref<83200000xf32, #tpu.memory_space<hbm>>) target(%dma_start3A_1580 : memref<16xf32, #tpu.memory_space<vmem>>) offsets(%add3A_1575 : vector<16xi32>) semaphore(%arg7 : memref<!tpu.dma_semaphore, #tpu.memory_space<semaphore_mem>>)
      %add3A_1583 = vector.broadcast %mul3A_1546 : i32 to vector<16xi32>
      %add3A_1584 = arith.addi %convert_element_type3A_121, %add3A_1583 : vector<16xi32>
      %add3A_1585 = arith.constant 18 : i32
      %add3A_1586 = arith.addi %add3A_137, %add3A_1585 : i32
      %dma_start3A_1587 = arith.constant 64 : i32
      %dma_start3A_1588 = tpu.memref_slice %arg6[%add3A_1586, %dma_start3A_1587] : memref<845x128xf32, #tpu.memory_space<vmem>> -> memref<1x16xf32, #tpu.memory_space<vmem>>
      %dma_start3A_1589 = tpu.memref_squeeze %dma_start3A_1588 : memref<1x16xf32, #tpu.memory_space<vmem>> -> memref<16xf32, #tpu.memory_space<vmem>>
      %dma_start3A_1590 = arith.constant 0 : i32
      %dma_start3A_1591 = tpu.memref_slice %arg2[%dma_start3A_1590] : memref<83200000xf32, #tpu.memory_space<hbm>> -> memref<83200000xf32, #tpu.memory_space<hbm>>
      tpu.enqueue_indirect_dma source(%dma_start3A_1591 : memref<83200000xf32, #tpu.memory_space<hbm>>) target(%dma_start3A_1589 : memref<16xf32, #tpu.memory_space<vmem>>) offsets(%add3A_1584 : vector<16xi32>) semaphore(%arg7 : memref<!tpu.dma_semaphore, #tpu.memory_space<semaphore_mem>>)
      %add3A_1592 = vector.broadcast %mul3A_1546 : i32 to vector<16xi32>
      %add3A_1593 = arith.addi %convert_element_type3A_125, %add3A_1592 : vector<16xi32>
      %add3A_1594 = arith.constant 18 : i32
      %add3A_1595 = arith.addi %add3A_137, %add3A_1594 : i32
      %dma_start3A_1596 = arith.constant 80 : i32
      %dma_start3A_1597 = tpu.memref_slice %arg6[%add3A_1595, %dma_start3A_1596] : memref<845x128xf32, #tpu.memory_space<vmem>> -> memref<1x16xf32, #tpu.memory_space<vmem>>
      %dma_start3A_1598 = tpu.memref_squeeze %dma_start3A_1597 : memref<1x16xf32, #tpu.memory_space<vmem>> -> memref<16xf32, #tpu.memory_space<vmem>>
      %dma_start3A_1599 = arith.constant 0 : i32
      %dma_start3A_1600 = tpu.memref_slice %arg2[%dma_start3A_1599] : memref<83200000xf32, #tpu.memory_space<hbm>> -> memref<83200000xf32, #tpu.memory_space<hbm>>
      tpu.enqueue_indirect_dma source(%dma_start3A_1600 : memref<83200000xf32, #tpu.memory_space<hbm>>) target(%dma_start3A_1598 : memref<16xf32, #tpu.memory_space<vmem>>) offsets(%add3A_1593 : vector<16xi32>) semaphore(%arg7 : memref<!tpu.dma_semaphore, #tpu.memory_space<semaphore_mem>>)
      %add3A_1601 = vector.broadcast %mul3A_1546 : i32 to vector<16xi32>
      %add3A_1602 = arith.addi %convert_element_type3A_129, %add3A_1601 : vector<16xi32>
      %add3A_1603 = arith.constant 18 : i32
      %add3A_1604 = arith.addi %add3A_137, %add3A_1603 : i32
      %dma_start3A_1605 = arith.constant 96 : i32
      %dma_start3A_1606 = tpu.memref_slice %arg6[%add3A_1604, %dma_start3A_1605] : memref<845x128xf32, #tpu.memory_space<vmem>> -> memref<1x16xf32, #tpu.memory_space<vmem>>
      %dma_start3A_1607 = tpu.memref_squeeze %dma_start3A_1606 : memref<1x16xf32, #tpu.memory_space<vmem>> -> memref<16xf32, #tpu.memory_space<vmem>>
      %dma_start3A_1608 = arith.constant 0 : i32
      %dma_start3A_1609 = tpu.memref_slice %arg2[%dma_start3A_1608] : memref<83200000xf32, #tpu.memory_space<hbm>> -> memref<83200000xf32, #tpu.memory_space<hbm>>
      tpu.enqueue_indirect_dma source(%dma_start3A_1609 : memref<83200000xf32, #tpu.memory_space<hbm>>) target(%dma_start3A_1607 : memref<16xf32, #tpu.memory_space<vmem>>) offsets(%add3A_1602 : vector<16xi32>) semaphore(%arg7 : memref<!tpu.dma_semaphore, #tpu.memory_space<semaphore_mem>>)
      %add3A_1610 = vector.broadcast %mul3A_1546 : i32 to vector<16xi32>
      %add3A_1611 = arith.addi %convert_element_type3A_133, %add3A_1610 : vector<16xi32>
      %add3A_1612 = arith.constant 18 : i32
      %add3A_1613 = arith.addi %add3A_137, %add3A_1612 : i32
      %dma_start3A_1614 = arith.constant 112 : i32
      %dma_start3A_1615 = tpu.memref_slice %arg6[%add3A_1613, %dma_start3A_1614] : memref<845x128xf32, #tpu.memory_space<vmem>> -> memref<1x16xf32, #tpu.memory_space<vmem>>
      %dma_start3A_1616 = tpu.memref_squeeze %dma_start3A_1615 : memref<1x16xf32, #tpu.memory_space<vmem>> -> memref<16xf32, #tpu.memory_space<vmem>>
      %dma_start3A_1617 = arith.constant 0 : i32
      %dma_start3A_1618 = tpu.memref_slice %arg2[%dma_start3A_1617] : memref<83200000xf32, #tpu.memory_space<hbm>> -> memref<83200000xf32, #tpu.memory_space<hbm>>
      tpu.enqueue_indirect_dma source(%dma_start3A_1618 : memref<83200000xf32, #tpu.memory_space<hbm>>) target(%dma_start3A_1616 : memref<16xf32, #tpu.memory_space<vmem>>) offsets(%add3A_1611 : vector<16xi32>) semaphore(%arg7 : memref<!tpu.dma_semaphore, #tpu.memory_space<semaphore_mem>>)
      %mul3A_1619 = arith.constant 32 : i32
      %mul3A_1620 = arith.muli %scan3A_103, %mul3A_1619 : i32
      %add3A_1621 = arith.constant 19 : i32
      %add3A_1622 = arith.addi %mul3A_1620, %add3A_1621 : i32
      %mul3A_1623 = arith.constant 100000 : i32
      %mul3A_1624 = arith.muli %add3A_1622, %mul3A_1623 : i32
      %add3A_1625 = vector.broadcast %mul3A_1624 : i32 to vector<16xi32>
      %add3A_1626 = arith.addi %convert_element_type3A, %add3A_1625 : vector<16xi32>
      %add3A_1627 = arith.constant 19 : i32
      %add3A_1628 = arith.addi %add3A_137, %add3A_1627 : i32
      %dma_start3A_1629 = arith.constant 0 : i32
      %dma_start3A_1630 = tpu.memref_slice %arg6[%add3A_1628, %dma_start3A_1629] : memref<845x128xf32, #tpu.memory_space<vmem>> -> memref<1x16xf32, #tpu.memory_space<vmem>>
      %dma_start3A_1631 = tpu.memref_squeeze %dma_start3A_1630 : memref<1x16xf32, #tpu.memory_space<vmem>> -> memref<16xf32, #tpu.memory_space<vmem>>
      %dma_start3A_1632 = arith.constant 0 : i32
      %dma_start3A_1633 = tpu.memref_slice %arg2[%dma_start3A_1632] : memref<83200000xf32, #tpu.memory_space<hbm>> -> memref<83200000xf32, #tpu.memory_space<hbm>>
      tpu.enqueue_indirect_dma source(%dma_start3A_1633 : memref<83200000xf32, #tpu.memory_space<hbm>>) target(%dma_start3A_1631 : memref<16xf32, #tpu.memory_space<vmem>>) offsets(%add3A_1626 : vector<16xi32>) semaphore(%arg7 : memref<!tpu.dma_semaphore, #tpu.memory_space<semaphore_mem>>)
      %add3A_1634 = vector.broadcast %mul3A_1624 : i32 to vector<16xi32>
      %add3A_1635 = arith.addi %convert_element_type3A_109, %add3A_1634 : vector<16xi32>
      %add3A_1636 = arith.constant 19 : i32
      %add3A_1637 = arith.addi %add3A_137, %add3A_1636 : i32
      %dma_start3A_1638 = arith.constant 16 : i32
      %dma_start3A_1639 = tpu.memref_slice %arg6[%add3A_1637, %dma_start3A_1638] : memref<845x128xf32, #tpu.memory_space<vmem>> -> memref<1x16xf32, #tpu.memory_space<vmem>>
      %dma_start3A_1640 = tpu.memref_squeeze %dma_start3A_1639 : memref<1x16xf32, #tpu.memory_space<vmem>> -> memref<16xf32, #tpu.memory_space<vmem>>
      %dma_start3A_1641 = arith.constant 0 : i32
      %dma_start3A_1642 = tpu.memref_slice %arg2[%dma_start3A_1641] : memref<83200000xf32, #tpu.memory_space<hbm>> -> memref<83200000xf32, #tpu.memory_space<hbm>>
      tpu.enqueue_indirect_dma source(%dma_start3A_1642 : memref<83200000xf32, #tpu.memory_space<hbm>>) target(%dma_start3A_1640 : memref<16xf32, #tpu.memory_space<vmem>>) offsets(%add3A_1635 : vector<16xi32>) semaphore(%arg7 : memref<!tpu.dma_semaphore, #tpu.memory_space<semaphore_mem>>)
      %add3A_1643 = vector.broadcast %mul3A_1624 : i32 to vector<16xi32>
      %add3A_1644 = arith.addi %convert_element_type3A_113, %add3A_1643 : vector<16xi32>
      %add3A_1645 = arith.constant 19 : i32
      %add3A_1646 = arith.addi %add3A_137, %add3A_1645 : i32
      %dma_start3A_1647 = arith.constant 32 : i32
      %dma_start3A_1648 = tpu.memref_slice %arg6[%add3A_1646, %dma_start3A_1647] : memref<845x128xf32, #tpu.memory_space<vmem>> -> memref<1x16xf32, #tpu.memory_space<vmem>>
      %dma_start3A_1649 = tpu.memref_squeeze %dma_start3A_1648 : memref<1x16xf32, #tpu.memory_space<vmem>> -> memref<16xf32, #tpu.memory_space<vmem>>
      %dma_start3A_1650 = arith.constant 0 : i32
      %dma_start3A_1651 = tpu.memref_slice %arg2[%dma_start3A_1650] : memref<83200000xf32, #tpu.memory_space<hbm>> -> memref<83200000xf32, #tpu.memory_space<hbm>>
      tpu.enqueue_indirect_dma source(%dma_start3A_1651 : memref<83200000xf32, #tpu.memory_space<hbm>>) target(%dma_start3A_1649 : memref<16xf32, #tpu.memory_space<vmem>>) offsets(%add3A_1644 : vector<16xi32>) semaphore(%arg7 : memref<!tpu.dma_semaphore, #tpu.memory_space<semaphore_mem>>)
      %add3A_1652 = vector.broadcast %mul3A_1624 : i32 to vector<16xi32>
      %add3A_1653 = arith.addi %convert_element_type3A_117, %add3A_1652 : vector<16xi32>
      %add3A_1654 = arith.constant 19 : i32
      %add3A_1655 = arith.addi %add3A_137, %add3A_1654 : i32
      %dma_start3A_1656 = arith.constant 48 : i32
      %dma_start3A_1657 = tpu.memref_slice %arg6[%add3A_1655, %dma_start3A_1656] : memref<845x128xf32, #tpu.memory_space<vmem>> -> memref<1x16xf32, #tpu.memory_space<vmem>>
      %dma_start3A_1658 = tpu.memref_squeeze %dma_start3A_1657 : memref<1x16xf32, #tpu.memory_space<vmem>> -> memref<16xf32, #tpu.memory_space<vmem>>
      %dma_start3A_1659 = arith.constant 0 : i32
      %dma_start3A_1660 = tpu.memref_slice %arg2[%dma_start3A_1659] : memref<83200000xf32, #tpu.memory_space<hbm>> -> memref<83200000xf32, #tpu.memory_space<hbm>>
      tpu.enqueue_indirect_dma source(%dma_start3A_1660 : memref<83200000xf32, #tpu.memory_space<hbm>>) target(%dma_start3A_1658 : memref<16xf32, #tpu.memory_space<vmem>>) offsets(%add3A_1653 : vector<16xi32>) semaphore(%arg7 : memref<!tpu.dma_semaphore, #tpu.memory_space<semaphore_mem>>)
      %add3A_1661 = vector.broadcast %mul3A_1624 : i32 to vector<16xi32>
      %add3A_1662 = arith.addi %convert_element_type3A_121, %add3A_1661 : vector<16xi32>
      %add3A_1663 = arith.constant 19 : i32
      %add3A_1664 = arith.addi %add3A_137, %add3A_1663 : i32
      %dma_start3A_1665 = arith.constant 64 : i32
      %dma_start3A_1666 = tpu.memref_slice %arg6[%add3A_1664, %dma_start3A_1665] : memref<845x128xf32, #tpu.memory_space<vmem>> -> memref<1x16xf32, #tpu.memory_space<vmem>>
      %dma_start3A_1667 = tpu.memref_squeeze %dma_start3A_1666 : memref<1x16xf32, #tpu.memory_space<vmem>> -> memref<16xf32, #tpu.memory_space<vmem>>
      %dma_start3A_1668 = arith.constant 0 : i32
      %dma_start3A_1669 = tpu.memref_slice %arg2[%dma_start3A_1668] : memref<83200000xf32, #tpu.memory_space<hbm>> -> memref<83200000xf32, #tpu.memory_space<hbm>>
      tpu.enqueue_indirect_dma source(%dma_start3A_1669 : memref<83200000xf32, #tpu.memory_space<hbm>>) target(%dma_start3A_1667 : memref<16xf32, #tpu.memory_space<vmem>>) offsets(%add3A_1662 : vector<16xi32>) semaphore(%arg7 : memref<!tpu.dma_semaphore, #tpu.memory_space<semaphore_mem>>)
      %add3A_1670 = vector.broadcast %mul3A_1624 : i32 to vector<16xi32>
      %add3A_1671 = arith.addi %convert_element_type3A_125, %add3A_1670 : vector<16xi32>
      %add3A_1672 = arith.constant 19 : i32
      %add3A_1673 = arith.addi %add3A_137, %add3A_1672 : i32
      %dma_start3A_1674 = arith.constant 80 : i32
      %dma_start3A_1675 = tpu.memref_slice %arg6[%add3A_1673, %dma_start3A_1674] : memref<845x128xf32, #tpu.memory_space<vmem>> -> memref<1x16xf32, #tpu.memory_space<vmem>>
      %dma_start3A_1676 = tpu.memref_squeeze %dma_start3A_1675 : memref<1x16xf32, #tpu.memory_space<vmem>> -> memref<16xf32, #tpu.memory_space<vmem>>
      %dma_start3A_1677 = arith.constant 0 : i32
      %dma_start3A_1678 = tpu.memref_slice %arg2[%dma_start3A_1677] : memref<83200000xf32, #tpu.memory_space<hbm>> -> memref<83200000xf32, #tpu.memory_space<hbm>>
      tpu.enqueue_indirect_dma source(%dma_start3A_1678 : memref<83200000xf32, #tpu.memory_space<hbm>>) target(%dma_start3A_1676 : memref<16xf32, #tpu.memory_space<vmem>>) offsets(%add3A_1671 : vector<16xi32>) semaphore(%arg7 : memref<!tpu.dma_semaphore, #tpu.memory_space<semaphore_mem>>)
      %add3A_1679 = vector.broadcast %mul3A_1624 : i32 to vector<16xi32>
      %add3A_1680 = arith.addi %convert_element_type3A_129, %add3A_1679 : vector<16xi32>
      %add3A_1681 = arith.constant 19 : i32
      %add3A_1682 = arith.addi %add3A_137, %add3A_1681 : i32
      %dma_start3A_1683 = arith.constant 96 : i32
      %dma_start3A_1684 = tpu.memref_slice %arg6[%add3A_1682, %dma_start3A_1683] : memref<845x128xf32, #tpu.memory_space<vmem>> -> memref<1x16xf32, #tpu.memory_space<vmem>>
      %dma_start3A_1685 = tpu.memref_squeeze %dma_start3A_1684 : memref<1x16xf32, #tpu.memory_space<vmem>> -> memref<16xf32, #tpu.memory_space<vmem>>
      %dma_start3A_1686 = arith.constant 0 : i32
      %dma_start3A_1687 = tpu.memref_slice %arg2[%dma_start3A_1686] : memref<83200000xf32, #tpu.memory_space<hbm>> -> memref<83200000xf32, #tpu.memory_space<hbm>>
      tpu.enqueue_indirect_dma source(%dma_start3A_1687 : memref<83200000xf32, #tpu.memory_space<hbm>>) target(%dma_start3A_1685 : memref<16xf32, #tpu.memory_space<vmem>>) offsets(%add3A_1680 : vector<16xi32>) semaphore(%arg7 : memref<!tpu.dma_semaphore, #tpu.memory_space<semaphore_mem>>)
      %add3A_1688 = vector.broadcast %mul3A_1624 : i32 to vector<16xi32>
      %add3A_1689 = arith.addi %convert_element_type3A_133, %add3A_1688 : vector<16xi32>
      %add3A_1690 = arith.constant 19 : i32
      %add3A_1691 = arith.addi %add3A_137, %add3A_1690 : i32
      %dma_start3A_1692 = arith.constant 112 : i32
      %dma_start3A_1693 = tpu.memref_slice %arg6[%add3A_1691, %dma_start3A_1692] : memref<845x128xf32, #tpu.memory_space<vmem>> -> memref<1x16xf32, #tpu.memory_space<vmem>>
      %dma_start3A_1694 = tpu.memref_squeeze %dma_start3A_1693 : memref<1x16xf32, #tpu.memory_space<vmem>> -> memref<16xf32, #tpu.memory_space<vmem>>
      %dma_start3A_1695 = arith.constant 0 : i32
      %dma_start3A_1696 = tpu.memref_slice %arg2[%dma_start3A_1695] : memref<83200000xf32, #tpu.memory_space<hbm>> -> memref<83200000xf32, #tpu.memory_space<hbm>>
      tpu.enqueue_indirect_dma source(%dma_start3A_1696 : memref<83200000xf32, #tpu.memory_space<hbm>>) target(%dma_start3A_1694 : memref<16xf32, #tpu.memory_space<vmem>>) offsets(%add3A_1689 : vector<16xi32>) semaphore(%arg7 : memref<!tpu.dma_semaphore, #tpu.memory_space<semaphore_mem>>)
      %mul3A_1697 = arith.constant 32 : i32
      %mul3A_1698 = arith.muli %scan3A_103, %mul3A_1697 : i32
      %add3A_1699 = arith.constant 20 : i32
      %add3A_1700 = arith.addi %mul3A_1698, %add3A_1699 : i32
      %mul3A_1701 = arith.constant 100000 : i32
      %mul3A_1702 = arith.muli %add3A_1700, %mul3A_1701 : i32
      %add3A_1703 = vector.broadcast %mul3A_1702 : i32 to vector<16xi32>
      %add3A_1704 = arith.addi %convert_element_type3A, %add3A_1703 : vector<16xi32>
      %add3A_1705 = arith.constant 20 : i32
      %add3A_1706 = arith.addi %add3A_137, %add3A_1705 : i32
      %dma_start3A_1707 = arith.constant 0 : i32
      %dma_start3A_1708 = tpu.memref_slice %arg6[%add3A_1706, %dma_start3A_1707] : memref<845x128xf32, #tpu.memory_space<vmem>> -> memref<1x16xf32, #tpu.memory_space<vmem>>
      %dma_start3A_1709 = tpu.memref_squeeze %dma_start3A_1708 : memref<1x16xf32, #tpu.memory_space<vmem>> -> memref<16xf32, #tpu.memory_space<vmem>>
      %dma_start3A_1710 = arith.constant 0 : i32
      %dma_start3A_1711 = tpu.memref_slice %arg2[%dma_start3A_1710] : memref<83200000xf32, #tpu.memory_space<hbm>> -> memref<83200000xf32, #tpu.memory_space<hbm>>
      tpu.enqueue_indirect_dma source(%dma_start3A_1711 : memref<83200000xf32, #tpu.memory_space<hbm>>) target(%dma_start3A_1709 : memref<16xf32, #tpu.memory_space<vmem>>) offsets(%add3A_1704 : vector<16xi32>) semaphore(%arg7 : memref<!tpu.dma_semaphore, #tpu.memory_space<semaphore_mem>>)
      %add3A_1712 = vector.broadcast %mul3A_1702 : i32 to vector<16xi32>
      %add3A_1713 = arith.addi %convert_element_type3A_109, %add3A_1712 : vector<16xi32>
      %add3A_1714 = arith.constant 20 : i32
      %add3A_1715 = arith.addi %add3A_137, %add3A_1714 : i32
      %dma_start3A_1716 = arith.constant 16 : i32
      %dma_start3A_1717 = tpu.memref_slice %arg6[%add3A_1715, %dma_start3A_1716] : memref<845x128xf32, #tpu.memory_space<vmem>> -> memref<1x16xf32, #tpu.memory_space<vmem>>
      %dma_start3A_1718 = tpu.memref_squeeze %dma_start3A_1717 : memref<1x16xf32, #tpu.memory_space<vmem>> -> memref<16xf32, #tpu.memory_space<vmem>>
      %dma_start3A_1719 = arith.constant 0 : i32
      %dma_start3A_1720 = tpu.memref_slice %arg2[%dma_start3A_1719] : memref<83200000xf32, #tpu.memory_space<hbm>> -> memref<83200000xf32, #tpu.memory_space<hbm>>
      tpu.enqueue_indirect_dma source(%dma_start3A_1720 : memref<83200000xf32, #tpu.memory_space<hbm>>) target(%dma_start3A_1718 : memref<16xf32, #tpu.memory_space<vmem>>) offsets(%add3A_1713 : vector<16xi32>) semaphore(%arg7 : memref<!tpu.dma_semaphore, #tpu.memory_space<semaphore_mem>>)
      %add3A_1721 = vector.broadcast %mul3A_1702 : i32 to vector<16xi32>
      %add3A_1722 = arith.addi %convert_element_type3A_113, %add3A_1721 : vector<16xi32>
      %add3A_1723 = arith.constant 20 : i32
      %add3A_1724 = arith.addi %add3A_137, %add3A_1723 : i32
      %dma_start3A_1725 = arith.constant 32 : i32
      %dma_start3A_1726 = tpu.memref_slice %arg6[%add3A_1724, %dma_start3A_1725] : memref<845x128xf32, #tpu.memory_space<vmem>> -> memref<1x16xf32, #tpu.memory_space<vmem>>
      %dma_start3A_1727 = tpu.memref_squeeze %dma_start3A_1726 : memref<1x16xf32, #tpu.memory_space<vmem>> -> memref<16xf32, #tpu.memory_space<vmem>>
      %dma_start3A_1728 = arith.constant 0 : i32
      %dma_start3A_1729 = tpu.memref_slice %arg2[%dma_start3A_1728] : memref<83200000xf32, #tpu.memory_space<hbm>> -> memref<83200000xf32, #tpu.memory_space<hbm>>
      tpu.enqueue_indirect_dma source(%dma_start3A_1729 : memref<83200000xf32, #tpu.memory_space<hbm>>) target(%dma_start3A_1727 : memref<16xf32, #tpu.memory_space<vmem>>) offsets(%add3A_1722 : vector<16xi32>) semaphore(%arg7 : memref<!tpu.dma_semaphore, #tpu.memory_space<semaphore_mem>>)
      %add3A_1730 = vector.broadcast %mul3A_1702 : i32 to vector<16xi32>
      %add3A_1731 = arith.addi %convert_element_type3A_117, %add3A_1730 : vector<16xi32>
      %add3A_1732 = arith.constant 20 : i32
      %add3A_1733 = arith.addi %add3A_137, %add3A_1732 : i32
      %dma_start3A_1734 = arith.constant 48 : i32
      %dma_start3A_1735 = tpu.memref_slice %arg6[%add3A_1733, %dma_start3A_1734] : memref<845x128xf32, #tpu.memory_space<vmem>> -> memref<1x16xf32, #tpu.memory_space<vmem>>
      %dma_start3A_1736 = tpu.memref_squeeze %dma_start3A_1735 : memref<1x16xf32, #tpu.memory_space<vmem>> -> memref<16xf32, #tpu.memory_space<vmem>>
      %dma_start3A_1737 = arith.constant 0 : i32
      %dma_start3A_1738 = tpu.memref_slice %arg2[%dma_start3A_1737] : memref<83200000xf32, #tpu.memory_space<hbm>> -> memref<83200000xf32, #tpu.memory_space<hbm>>
      tpu.enqueue_indirect_dma source(%dma_start3A_1738 : memref<83200000xf32, #tpu.memory_space<hbm>>) target(%dma_start3A_1736 : memref<16xf32, #tpu.memory_space<vmem>>) offsets(%add3A_1731 : vector<16xi32>) semaphore(%arg7 : memref<!tpu.dma_semaphore, #tpu.memory_space<semaphore_mem>>)
      %add3A_1739 = vector.broadcast %mul3A_1702 : i32 to vector<16xi32>
      %add3A_1740 = arith.addi %convert_element_type3A_121, %add3A_1739 : vector<16xi32>
      %add3A_1741 = arith.constant 20 : i32
      %add3A_1742 = arith.addi %add3A_137, %add3A_1741 : i32
      %dma_start3A_1743 = arith.constant 64 : i32
      %dma_start3A_1744 = tpu.memref_slice %arg6[%add3A_1742, %dma_start3A_1743] : memref<845x128xf32, #tpu.memory_space<vmem>> -> memref<1x16xf32, #tpu.memory_space<vmem>>
      %dma_start3A_1745 = tpu.memref_squeeze %dma_start3A_1744 : memref<1x16xf32, #tpu.memory_space<vmem>> -> memref<16xf32, #tpu.memory_space<vmem>>
      %dma_start3A_1746 = arith.constant 0 : i32
      %dma_start3A_1747 = tpu.memref_slice %arg2[%dma_start3A_1746] : memref<83200000xf32, #tpu.memory_space<hbm>> -> memref<83200000xf32, #tpu.memory_space<hbm>>
      tpu.enqueue_indirect_dma source(%dma_start3A_1747 : memref<83200000xf32, #tpu.memory_space<hbm>>) target(%dma_start3A_1745 : memref<16xf32, #tpu.memory_space<vmem>>) offsets(%add3A_1740 : vector<16xi32>) semaphore(%arg7 : memref<!tpu.dma_semaphore, #tpu.memory_space<semaphore_mem>>)
      %add3A_1748 = vector.broadcast %mul3A_1702 : i32 to vector<16xi32>
      %add3A_1749 = arith.addi %convert_element_type3A_125, %add3A_1748 : vector<16xi32>
      %add3A_1750 = arith.constant 20 : i32
      %add3A_1751 = arith.addi %add3A_137, %add3A_1750 : i32
      %dma_start3A_1752 = arith.constant 80 : i32
      %dma_start3A_1753 = tpu.memref_slice %arg6[%add3A_1751, %dma_start3A_1752] : memref<845x128xf32, #tpu.memory_space<vmem>> -> memref<1x16xf32, #tpu.memory_space<vmem>>
      %dma_start3A_1754 = tpu.memref_squeeze %dma_start3A_1753 : memref<1x16xf32, #tpu.memory_space<vmem>> -> memref<16xf32, #tpu.memory_space<vmem>>
      %dma_start3A_1755 = arith.constant 0 : i32
      %dma_start3A_1756 = tpu.memref_slice %arg2[%dma_start3A_1755] : memref<83200000xf32, #tpu.memory_space<hbm>> -> memref<83200000xf32, #tpu.memory_space<hbm>>
      tpu.enqueue_indirect_dma source(%dma_start3A_1756 : memref<83200000xf32, #tpu.memory_space<hbm>>) target(%dma_start3A_1754 : memref<16xf32, #tpu.memory_space<vmem>>) offsets(%add3A_1749 : vector<16xi32>) semaphore(%arg7 : memref<!tpu.dma_semaphore, #tpu.memory_space<semaphore_mem>>)
      %add3A_1757 = vector.broadcast %mul3A_1702 : i32 to vector<16xi32>
      %add3A_1758 = arith.addi %convert_element_type3A_129, %add3A_1757 : vector<16xi32>
      %add3A_1759 = arith.constant 20 : i32
      %add3A_1760 = arith.addi %add3A_137, %add3A_1759 : i32
      %dma_start3A_1761 = arith.constant 96 : i32
      %dma_start3A_1762 = tpu.memref_slice %arg6[%add3A_1760, %dma_start3A_1761] : memref<845x128xf32, #tpu.memory_space<vmem>> -> memref<1x16xf32, #tpu.memory_space<vmem>>
      %dma_start3A_1763 = tpu.memref_squeeze %dma_start3A_1762 : memref<1x16xf32, #tpu.memory_space<vmem>> -> memref<16xf32, #tpu.memory_space<vmem>>
      %dma_start3A_1764 = arith.constant 0 : i32
      %dma_start3A_1765 = tpu.memref_slice %arg2[%dma_start3A_1764] : memref<83200000xf32, #tpu.memory_space<hbm>> -> memref<83200000xf32, #tpu.memory_space<hbm>>
      tpu.enqueue_indirect_dma source(%dma_start3A_1765 : memref<83200000xf32, #tpu.memory_space<hbm>>) target(%dma_start3A_1763 : memref<16xf32, #tpu.memory_space<vmem>>) offsets(%add3A_1758 : vector<16xi32>) semaphore(%arg7 : memref<!tpu.dma_semaphore, #tpu.memory_space<semaphore_mem>>)
      %add3A_1766 = vector.broadcast %mul3A_1702 : i32 to vector<16xi32>
      %add3A_1767 = arith.addi %convert_element_type3A_133, %add3A_1766 : vector<16xi32>
      %add3A_1768 = arith.constant 20 : i32
      %add3A_1769 = arith.addi %add3A_137, %add3A_1768 : i32
      %dma_start3A_1770 = arith.constant 112 : i32
      %dma_start3A_1771 = tpu.memref_slice %arg6[%add3A_1769, %dma_start3A_1770] : memref<845x128xf32, #tpu.memory_space<vmem>> -> memref<1x16xf32, #tpu.memory_space<vmem>>
      %dma_start3A_1772 = tpu.memref_squeeze %dma_start3A_1771 : memref<1x16xf32, #tpu.memory_space<vmem>> -> memref<16xf32, #tpu.memory_space<vmem>>
      %dma_start3A_1773 = arith.constant 0 : i32
      %dma_start3A_1774 = tpu.memref_slice %arg2[%dma_start3A_1773] : memref<83200000xf32, #tpu.memory_space<hbm>> -> memref<83200000xf32, #tpu.memory_space<hbm>>
      tpu.enqueue_indirect_dma source(%dma_start3A_1774 : memref<83200000xf32, #tpu.memory_space<hbm>>) target(%dma_start3A_1772 : memref<16xf32, #tpu.memory_space<vmem>>) offsets(%add3A_1767 : vector<16xi32>) semaphore(%arg7 : memref<!tpu.dma_semaphore, #tpu.memory_space<semaphore_mem>>)
      %mul3A_1775 = arith.constant 32 : i32
      %mul3A_1776 = arith.muli %scan3A_103, %mul3A_1775 : i32
      %add3A_1777 = arith.constant 21 : i32
      %add3A_1778 = arith.addi %mul3A_1776, %add3A_1777 : i32
      %mul3A_1779 = arith.constant 100000 : i32
      %mul3A_1780 = arith.muli %add3A_1778, %mul3A_1779 : i32
      %add3A_1781 = vector.broadcast %mul3A_1780 : i32 to vector<16xi32>
      %add3A_1782 = arith.addi %convert_element_type3A, %add3A_1781 : vector<16xi32>
      %add3A_1783 = arith.constant 21 : i32
      %add3A_1784 = arith.addi %add3A_137, %add3A_1783 : i32
      %dma_start3A_1785 = arith.constant 0 : i32
      %dma_start3A_1786 = tpu.memref_slice %arg6[%add3A_1784, %dma_start3A_1785] : memref<845x128xf32, #tpu.memory_space<vmem>> -> memref<1x16xf32, #tpu.memory_space<vmem>>
      %dma_start3A_1787 = tpu.memref_squeeze %dma_start3A_1786 : memref<1x16xf32, #tpu.memory_space<vmem>> -> memref<16xf32, #tpu.memory_space<vmem>>
      %dma_start3A_1788 = arith.constant 0 : i32
      %dma_start3A_1789 = tpu.memref_slice %arg2[%dma_start3A_1788] : memref<83200000xf32, #tpu.memory_space<hbm>> -> memref<83200000xf32, #tpu.memory_space<hbm>>
      tpu.enqueue_indirect_dma source(%dma_start3A_1789 : memref<83200000xf32, #tpu.memory_space<hbm>>) target(%dma_start3A_1787 : memref<16xf32, #tpu.memory_space<vmem>>) offsets(%add3A_1782 : vector<16xi32>) semaphore(%arg7 : memref<!tpu.dma_semaphore, #tpu.memory_space<semaphore_mem>>)
      %add3A_1790 = vector.broadcast %mul3A_1780 : i32 to vector<16xi32>
      %add3A_1791 = arith.addi %convert_element_type3A_109, %add3A_1790 : vector<16xi32>
      %add3A_1792 = arith.constant 21 : i32
      %add3A_1793 = arith.addi %add3A_137, %add3A_1792 : i32
      %dma_start3A_1794 = arith.constant 16 : i32
      %dma_start3A_1795 = tpu.memref_slice %arg6[%add3A_1793, %dma_start3A_1794] : memref<845x128xf32, #tpu.memory_space<vmem>> -> memref<1x16xf32, #tpu.memory_space<vmem>>
      %dma_start3A_1796 = tpu.memref_squeeze %dma_start3A_1795 : memref<1x16xf32, #tpu.memory_space<vmem>> -> memref<16xf32, #tpu.memory_space<vmem>>
      %dma_start3A_1797 = arith.constant 0 : i32
      %dma_start3A_1798 = tpu.memref_slice %arg2[%dma_start3A_1797] : memref<83200000xf32, #tpu.memory_space<hbm>> -> memref<83200000xf32, #tpu.memory_space<hbm>>
      tpu.enqueue_indirect_dma source(%dma_start3A_1798 : memref<83200000xf32, #tpu.memory_space<hbm>>) target(%dma_start3A_1796 : memref<16xf32, #tpu.memory_space<vmem>>) offsets(%add3A_1791 : vector<16xi32>) semaphore(%arg7 : memref<!tpu.dma_semaphore, #tpu.memory_space<semaphore_mem>>)
      %add3A_1799 = vector.broadcast %mul3A_1780 : i32 to vector<16xi32>
      %add3A_1800 = arith.addi %convert_element_type3A_113, %add3A_1799 : vector<16xi32>
      %add3A_1801 = arith.constant 21 : i32
      %add3A_1802 = arith.addi %add3A_137, %add3A_1801 : i32
      %dma_start3A_1803 = arith.constant 32 : i32
      %dma_start3A_1804 = tpu.memref_slice %arg6[%add3A_1802, %dma_start3A_1803] : memref<845x128xf32, #tpu.memory_space<vmem>> -> memref<1x16xf32, #tpu.memory_space<vmem>>
      %dma_start3A_1805 = tpu.memref_squeeze %dma_start3A_1804 : memref<1x16xf32, #tpu.memory_space<vmem>> -> memref<16xf32, #tpu.memory_space<vmem>>
      %dma_start3A_1806 = arith.constant 0 : i32
      %dma_start3A_1807 = tpu.memref_slice %arg2[%dma_start3A_1806] : memref<83200000xf32, #tpu.memory_space<hbm>> -> memref<83200000xf32, #tpu.memory_space<hbm>>
      tpu.enqueue_indirect_dma source(%dma_start3A_1807 : memref<83200000xf32, #tpu.memory_space<hbm>>) target(%dma_start3A_1805 : memref<16xf32, #tpu.memory_space<vmem>>) offsets(%add3A_1800 : vector<16xi32>) semaphore(%arg7 : memref<!tpu.dma_semaphore, #tpu.memory_space<semaphore_mem>>)
      %add3A_1808 = vector.broadcast %mul3A_1780 : i32 to vector<16xi32>
      %add3A_1809 = arith.addi %convert_element_type3A_117, %add3A_1808 : vector<16xi32>
      %add3A_1810 = arith.constant 21 : i32
      %add3A_1811 = arith.addi %add3A_137, %add3A_1810 : i32
      %dma_start3A_1812 = arith.constant 48 : i32
      %dma_start3A_1813 = tpu.memref_slice %arg6[%add3A_1811, %dma_start3A_1812] : memref<845x128xf32, #tpu.memory_space<vmem>> -> memref<1x16xf32, #tpu.memory_space<vmem>>
      %dma_start3A_1814 = tpu.memref_squeeze %dma_start3A_1813 : memref<1x16xf32, #tpu.memory_space<vmem>> -> memref<16xf32, #tpu.memory_space<vmem>>
      %dma_start3A_1815 = arith.constant 0 : i32
      %dma_start3A_1816 = tpu.memref_slice %arg2[%dma_start3A_1815] : memref<83200000xf32, #tpu.memory_space<hbm>> -> memref<83200000xf32, #tpu.memory_space<hbm>>
      tpu.enqueue_indirect_dma source(%dma_start3A_1816 : memref<83200000xf32, #tpu.memory_space<hbm>>) target(%dma_start3A_1814 : memref<16xf32, #tpu.memory_space<vmem>>) offsets(%add3A_1809 : vector<16xi32>) semaphore(%arg7 : memref<!tpu.dma_semaphore, #tpu.memory_space<semaphore_mem>>)
      %add3A_1817 = vector.broadcast %mul3A_1780 : i32 to vector<16xi32>
      %add3A_1818 = arith.addi %convert_element_type3A_121, %add3A_1817 : vector<16xi32>
      %add3A_1819 = arith.constant 21 : i32
      %add3A_1820 = arith.addi %add3A_137, %add3A_1819 : i32
      %dma_start3A_1821 = arith.constant 64 : i32
      %dma_start3A_1822 = tpu.memref_slice %arg6[%add3A_1820, %dma_start3A_1821] : memref<845x128xf32, #tpu.memory_space<vmem>> -> memref<1x16xf32, #tpu.memory_space<vmem>>
      %dma_start3A_1823 = tpu.memref_squeeze %dma_start3A_1822 : memref<1x16xf32, #tpu.memory_space<vmem>> -> memref<16xf32, #tpu.memory_space<vmem>>
      %dma_start3A_1824 = arith.constant 0 : i32
      %dma_start3A_1825 = tpu.memref_slice %arg2[%dma_start3A_1824] : memref<83200000xf32, #tpu.memory_space<hbm>> -> memref<83200000xf32, #tpu.memory_space<hbm>>
      tpu.enqueue_indirect_dma source(%dma_start3A_1825 : memref<83200000xf32, #tpu.memory_space<hbm>>) target(%dma_start3A_1823 : memref<16xf32, #tpu.memory_space<vmem>>) offsets(%add3A_1818 : vector<16xi32>) semaphore(%arg7 : memref<!tpu.dma_semaphore, #tpu.memory_space<semaphore_mem>>)
      %add3A_1826 = vector.broadcast %mul3A_1780 : i32 to vector<16xi32>
      %add3A_1827 = arith.addi %convert_element_type3A_125, %add3A_1826 : vector<16xi32>
      %add3A_1828 = arith.constant 21 : i32
      %add3A_1829 = arith.addi %add3A_137, %add3A_1828 : i32
      %dma_start3A_1830 = arith.constant 80 : i32
      %dma_start3A_1831 = tpu.memref_slice %arg6[%add3A_1829, %dma_start3A_1830] : memref<845x128xf32, #tpu.memory_space<vmem>> -> memref<1x16xf32, #tpu.memory_space<vmem>>
      %dma_start3A_1832 = tpu.memref_squeeze %dma_start3A_1831 : memref<1x16xf32, #tpu.memory_space<vmem>> -> memref<16xf32, #tpu.memory_space<vmem>>
      %dma_start3A_1833 = arith.constant 0 : i32
      %dma_start3A_1834 = tpu.memref_slice %arg2[%dma_start3A_1833] : memref<83200000xf32, #tpu.memory_space<hbm>> -> memref<83200000xf32, #tpu.memory_space<hbm>>
      tpu.enqueue_indirect_dma source(%dma_start3A_1834 : memref<83200000xf32, #tpu.memory_space<hbm>>) target(%dma_start3A_1832 : memref<16xf32, #tpu.memory_space<vmem>>) offsets(%add3A_1827 : vector<16xi32>) semaphore(%arg7 : memref<!tpu.dma_semaphore, #tpu.memory_space<semaphore_mem>>)
      %add3A_1835 = vector.broadcast %mul3A_1780 : i32 to vector<16xi32>
      %add3A_1836 = arith.addi %convert_element_type3A_129, %add3A_1835 : vector<16xi32>
      %add3A_1837 = arith.constant 21 : i32
      %add3A_1838 = arith.addi %add3A_137, %add3A_1837 : i32
      %dma_start3A_1839 = arith.constant 96 : i32
      %dma_start3A_1840 = tpu.memref_slice %arg6[%add3A_1838, %dma_start3A_1839] : memref<845x128xf32, #tpu.memory_space<vmem>> -> memref<1x16xf32, #tpu.memory_space<vmem>>
      %dma_start3A_1841 = tpu.memref_squeeze %dma_start3A_1840 : memref<1x16xf32, #tpu.memory_space<vmem>> -> memref<16xf32, #tpu.memory_space<vmem>>
      %dma_start3A_1842 = arith.constant 0 : i32
      %dma_start3A_1843 = tpu.memref_slice %arg2[%dma_start3A_1842] : memref<83200000xf32, #tpu.memory_space<hbm>> -> memref<83200000xf32, #tpu.memory_space<hbm>>
      tpu.enqueue_indirect_dma source(%dma_start3A_1843 : memref<83200000xf32, #tpu.memory_space<hbm>>) target(%dma_start3A_1841 : memref<16xf32, #tpu.memory_space<vmem>>) offsets(%add3A_1836 : vector<16xi32>) semaphore(%arg7 : memref<!tpu.dma_semaphore, #tpu.memory_space<semaphore_mem>>)
      %add3A_1844 = vector.broadcast %mul3A_1780 : i32 to vector<16xi32>
      %add3A_1845 = arith.addi %convert_element_type3A_133, %add3A_1844 : vector<16xi32>
      %add3A_1846 = arith.constant 21 : i32
      %add3A_1847 = arith.addi %add3A_137, %add3A_1846 : i32
      %dma_start3A_1848 = arith.constant 112 : i32
      %dma_start3A_1849 = tpu.memref_slice %arg6[%add3A_1847, %dma_start3A_1848] : memref<845x128xf32, #tpu.memory_space<vmem>> -> memref<1x16xf32, #tpu.memory_space<vmem>>
      %dma_start3A_1850 = tpu.memref_squeeze %dma_start3A_1849 : memref<1x16xf32, #tpu.memory_space<vmem>> -> memref<16xf32, #tpu.memory_space<vmem>>
      %dma_start3A_1851 = arith.constant 0 : i32
      %dma_start3A_1852 = tpu.memref_slice %arg2[%dma_start3A_1851] : memref<83200000xf32, #tpu.memory_space<hbm>> -> memref<83200000xf32, #tpu.memory_space<hbm>>
      tpu.enqueue_indirect_dma source(%dma_start3A_1852 : memref<83200000xf32, #tpu.memory_space<hbm>>) target(%dma_start3A_1850 : memref<16xf32, #tpu.memory_space<vmem>>) offsets(%add3A_1845 : vector<16xi32>) semaphore(%arg7 : memref<!tpu.dma_semaphore, #tpu.memory_space<semaphore_mem>>)
      %mul3A_1853 = arith.constant 32 : i32
      %mul3A_1854 = arith.muli %scan3A_103, %mul3A_1853 : i32
      %add3A_1855 = arith.constant 22 : i32
      %add3A_1856 = arith.addi %mul3A_1854, %add3A_1855 : i32
      %mul3A_1857 = arith.constant 100000 : i32
      %mul3A_1858 = arith.muli %add3A_1856, %mul3A_1857 : i32
      %add3A_1859 = vector.broadcast %mul3A_1858 : i32 to vector<16xi32>
      %add3A_1860 = arith.addi %convert_element_type3A, %add3A_1859 : vector<16xi32>
      %add3A_1861 = arith.constant 22 : i32
      %add3A_1862 = arith.addi %add3A_137, %add3A_1861 : i32
      %dma_start3A_1863 = arith.constant 0 : i32
      %dma_start3A_1864 = tpu.memref_slice %arg6[%add3A_1862, %dma_start3A_1863] : memref<845x128xf32, #tpu.memory_space<vmem>> -> memref<1x16xf32, #tpu.memory_space<vmem>>
      %dma_start3A_1865 = tpu.memref_squeeze %dma_start3A_1864 : memref<1x16xf32, #tpu.memory_space<vmem>> -> memref<16xf32, #tpu.memory_space<vmem>>
      %dma_start3A_1866 = arith.constant 0 : i32
      %dma_start3A_1867 = tpu.memref_slice %arg2[%dma_start3A_1866] : memref<83200000xf32, #tpu.memory_space<hbm>> -> memref<83200000xf32, #tpu.memory_space<hbm>>
      tpu.enqueue_indirect_dma source(%dma_start3A_1867 : memref<83200000xf32, #tpu.memory_space<hbm>>) target(%dma_start3A_1865 : memref<16xf32, #tpu.memory_space<vmem>>) offsets(%add3A_1860 : vector<16xi32>) semaphore(%arg7 : memref<!tpu.dma_semaphore, #tpu.memory_space<semaphore_mem>>)
      %add3A_1868 = vector.broadcast %mul3A_1858 : i32 to vector<16xi32>
      %add3A_1869 = arith.addi %convert_element_type3A_109, %add3A_1868 : vector<16xi32>
      %add3A_1870 = arith.constant 22 : i32
      %add3A_1871 = arith.addi %add3A_137, %add3A_1870 : i32
      %dma_start3A_1872 = arith.constant 16 : i32
      %dma_start3A_1873 = tpu.memref_slice %arg6[%add3A_1871, %dma_start3A_1872] : memref<845x128xf32, #tpu.memory_space<vmem>> -> memref<1x16xf32, #tpu.memory_space<vmem>>
      %dma_start3A_1874 = tpu.memref_squeeze %dma_start3A_1873 : memref<1x16xf32, #tpu.memory_space<vmem>> -> memref<16xf32, #tpu.memory_space<vmem>>
      %dma_start3A_1875 = arith.constant 0 : i32
      %dma_start3A_1876 = tpu.memref_slice %arg2[%dma_start3A_1875] : memref<83200000xf32, #tpu.memory_space<hbm>> -> memref<83200000xf32, #tpu.memory_space<hbm>>
      tpu.enqueue_indirect_dma source(%dma_start3A_1876 : memref<83200000xf32, #tpu.memory_space<hbm>>) target(%dma_start3A_1874 : memref<16xf32, #tpu.memory_space<vmem>>) offsets(%add3A_1869 : vector<16xi32>) semaphore(%arg7 : memref<!tpu.dma_semaphore, #tpu.memory_space<semaphore_mem>>)
      %add3A_1877 = vector.broadcast %mul3A_1858 : i32 to vector<16xi32>
      %add3A_1878 = arith.addi %convert_element_type3A_113, %add3A_1877 : vector<16xi32>
      %add3A_1879 = arith.constant 22 : i32
      %add3A_1880 = arith.addi %add3A_137, %add3A_1879 : i32
      %dma_start3A_1881 = arith.constant 32 : i32
      %dma_start3A_1882 = tpu.memref_slice %arg6[%add3A_1880, %dma_start3A_1881] : memref<845x128xf32, #tpu.memory_space<vmem>> -> memref<1x16xf32, #tpu.memory_space<vmem>>
      %dma_start3A_1883 = tpu.memref_squeeze %dma_start3A_1882 : memref<1x16xf32, #tpu.memory_space<vmem>> -> memref<16xf32, #tpu.memory_space<vmem>>
      %dma_start3A_1884 = arith.constant 0 : i32
      %dma_start3A_1885 = tpu.memref_slice %arg2[%dma_start3A_1884] : memref<83200000xf32, #tpu.memory_space<hbm>> -> memref<83200000xf32, #tpu.memory_space<hbm>>
      tpu.enqueue_indirect_dma source(%dma_start3A_1885 : memref<83200000xf32, #tpu.memory_space<hbm>>) target(%dma_start3A_1883 : memref<16xf32, #tpu.memory_space<vmem>>) offsets(%add3A_1878 : vector<16xi32>) semaphore(%arg7 : memref<!tpu.dma_semaphore, #tpu.memory_space<semaphore_mem>>)
      %add3A_1886 = vector.broadcast %mul3A_1858 : i32 to vector<16xi32>
      %add3A_1887 = arith.addi %convert_element_type3A_117, %add3A_1886 : vector<16xi32>
      %add3A_1888 = arith.constant 22 : i32
      %add3A_1889 = arith.addi %add3A_137, %add3A_1888 : i32
      %dma_start3A_1890 = arith.constant 48 : i32
      %dma_start3A_1891 = tpu.memref_slice %arg6[%add3A_1889, %dma_start3A_1890] : memref<845x128xf32, #tpu.memory_space<vmem>> -> memref<1x16xf32, #tpu.memory_space<vmem>>
      %dma_start3A_1892 = tpu.memref_squeeze %dma_start3A_1891 : memref<1x16xf32, #tpu.memory_space<vmem>> -> memref<16xf32, #tpu.memory_space<vmem>>
      %dma_start3A_1893 = arith.constant 0 : i32
      %dma_start3A_1894 = tpu.memref_slice %arg2[%dma_start3A_1893] : memref<83200000xf32, #tpu.memory_space<hbm>> -> memref<83200000xf32, #tpu.memory_space<hbm>>
      tpu.enqueue_indirect_dma source(%dma_start3A_1894 : memref<83200000xf32, #tpu.memory_space<hbm>>) target(%dma_start3A_1892 : memref<16xf32, #tpu.memory_space<vmem>>) offsets(%add3A_1887 : vector<16xi32>) semaphore(%arg7 : memref<!tpu.dma_semaphore, #tpu.memory_space<semaphore_mem>>)
      %add3A_1895 = vector.broadcast %mul3A_1858 : i32 to vector<16xi32>
      %add3A_1896 = arith.addi %convert_element_type3A_121, %add3A_1895 : vector<16xi32>
      %add3A_1897 = arith.constant 22 : i32
      %add3A_1898 = arith.addi %add3A_137, %add3A_1897 : i32
      %dma_start3A_1899 = arith.constant 64 : i32
      %dma_start3A_1900 = tpu.memref_slice %arg6[%add3A_1898, %dma_start3A_1899] : memref<845x128xf32, #tpu.memory_space<vmem>> -> memref<1x16xf32, #tpu.memory_space<vmem>>
      %dma_start3A_1901 = tpu.memref_squeeze %dma_start3A_1900 : memref<1x16xf32, #tpu.memory_space<vmem>> -> memref<16xf32, #tpu.memory_space<vmem>>
      %dma_start3A_1902 = arith.constant 0 : i32
      %dma_start3A_1903 = tpu.memref_slice %arg2[%dma_start3A_1902] : memref<83200000xf32, #tpu.memory_space<hbm>> -> memref<83200000xf32, #tpu.memory_space<hbm>>
      tpu.enqueue_indirect_dma source(%dma_start3A_1903 : memref<83200000xf32, #tpu.memory_space<hbm>>) target(%dma_start3A_1901 : memref<16xf32, #tpu.memory_space<vmem>>) offsets(%add3A_1896 : vector<16xi32>) semaphore(%arg7 : memref<!tpu.dma_semaphore, #tpu.memory_space<semaphore_mem>>)
      %add3A_1904 = vector.broadcast %mul3A_1858 : i32 to vector<16xi32>
      %add3A_1905 = arith.addi %convert_element_type3A_125, %add3A_1904 : vector<16xi32>
      %add3A_1906 = arith.constant 22 : i32
      %add3A_1907 = arith.addi %add3A_137, %add3A_1906 : i32
      %dma_start3A_1908 = arith.constant 80 : i32
      %dma_start3A_1909 = tpu.memref_slice %arg6[%add3A_1907, %dma_start3A_1908] : memref<845x128xf32, #tpu.memory_space<vmem>> -> memref<1x16xf32, #tpu.memory_space<vmem>>
      %dma_start3A_1910 = tpu.memref_squeeze %dma_start3A_1909 : memref<1x16xf32, #tpu.memory_space<vmem>> -> memref<16xf32, #tpu.memory_space<vmem>>
      %dma_start3A_1911 = arith.constant 0 : i32
      %dma_start3A_1912 = tpu.memref_slice %arg2[%dma_start3A_1911] : memref<83200000xf32, #tpu.memory_space<hbm>> -> memref<83200000xf32, #tpu.memory_space<hbm>>
      tpu.enqueue_indirect_dma source(%dma_start3A_1912 : memref<83200000xf32, #tpu.memory_space<hbm>>) target(%dma_start3A_1910 : memref<16xf32, #tpu.memory_space<vmem>>) offsets(%add3A_1905 : vector<16xi32>) semaphore(%arg7 : memref<!tpu.dma_semaphore, #tpu.memory_space<semaphore_mem>>)
      %add3A_1913 = vector.broadcast %mul3A_1858 : i32 to vector<16xi32>
      %add3A_1914 = arith.addi %convert_element_type3A_129, %add3A_1913 : vector<16xi32>
      %add3A_1915 = arith.constant 22 : i32
      %add3A_1916 = arith.addi %add3A_137, %add3A_1915 : i32
      %dma_start3A_1917 = arith.constant 96 : i32
      %dma_start3A_1918 = tpu.memref_slice %arg6[%add3A_1916, %dma_start3A_1917] : memref<845x128xf32, #tpu.memory_space<vmem>> -> memref<1x16xf32, #tpu.memory_space<vmem>>
      %dma_start3A_1919 = tpu.memref_squeeze %dma_start3A_1918 : memref<1x16xf32, #tpu.memory_space<vmem>> -> memref<16xf32, #tpu.memory_space<vmem>>
      %dma_start3A_1920 = arith.constant 0 : i32
      %dma_start3A_1921 = tpu.memref_slice %arg2[%dma_start3A_1920] : memref<83200000xf32, #tpu.memory_space<hbm>> -> memref<83200000xf32, #tpu.memory_space<hbm>>
      tpu.enqueue_indirect_dma source(%dma_start3A_1921 : memref<83200000xf32, #tpu.memory_space<hbm>>) target(%dma_start3A_1919 : memref<16xf32, #tpu.memory_space<vmem>>) offsets(%add3A_1914 : vector<16xi32>) semaphore(%arg7 : memref<!tpu.dma_semaphore, #tpu.memory_space<semaphore_mem>>)
      %add3A_1922 = vector.broadcast %mul3A_1858 : i32 to vector<16xi32>
      %add3A_1923 = arith.addi %convert_element_type3A_133, %add3A_1922 : vector<16xi32>
      %add3A_1924 = arith.constant 22 : i32
      %add3A_1925 = arith.addi %add3A_137, %add3A_1924 : i32
      %dma_start3A_1926 = arith.constant 112 : i32
      %dma_start3A_1927 = tpu.memref_slice %arg6[%add3A_1925, %dma_start3A_1926] : memref<845x128xf32, #tpu.memory_space<vmem>> -> memref<1x16xf32, #tpu.memory_space<vmem>>
      %dma_start3A_1928 = tpu.memref_squeeze %dma_start3A_1927 : memref<1x16xf32, #tpu.memory_space<vmem>> -> memref<16xf32, #tpu.memory_space<vmem>>
      %dma_start3A_1929 = arith.constant 0 : i32
      %dma_start3A_1930 = tpu.memref_slice %arg2[%dma_start3A_1929] : memref<83200000xf32, #tpu.memory_space<hbm>> -> memref<83200000xf32, #tpu.memory_space<hbm>>
      tpu.enqueue_indirect_dma source(%dma_start3A_1930 : memref<83200000xf32, #tpu.memory_space<hbm>>) target(%dma_start3A_1928 : memref<16xf32, #tpu.memory_space<vmem>>) offsets(%add3A_1923 : vector<16xi32>) semaphore(%arg7 : memref<!tpu.dma_semaphore, #tpu.memory_space<semaphore_mem>>)
      %mul3A_1931 = arith.constant 32 : i32
      %mul3A_1932 = arith.muli %scan3A_103, %mul3A_1931 : i32
      %add3A_1933 = arith.constant 23 : i32
      %add3A_1934 = arith.addi %mul3A_1932, %add3A_1933 : i32
      %mul3A_1935 = arith.constant 100000 : i32
      %mul3A_1936 = arith.muli %add3A_1934, %mul3A_1935 : i32
      %add3A_1937 = vector.broadcast %mul3A_1936 : i32 to vector<16xi32>
      %add3A_1938 = arith.addi %convert_element_type3A, %add3A_1937 : vector<16xi32>
      %add3A_1939 = arith.constant 23 : i32
      %add3A_1940 = arith.addi %add3A_137, %add3A_1939 : i32
      %dma_start3A_1941 = arith.constant 0 : i32
      %dma_start3A_1942 = tpu.memref_slice %arg6[%add3A_1940, %dma_start3A_1941] : memref<845x128xf32, #tpu.memory_space<vmem>> -> memref<1x16xf32, #tpu.memory_space<vmem>>
      %dma_start3A_1943 = tpu.memref_squeeze %dma_start3A_1942 : memref<1x16xf32, #tpu.memory_space<vmem>> -> memref<16xf32, #tpu.memory_space<vmem>>
      %dma_start3A_1944 = arith.constant 0 : i32
      %dma_start3A_1945 = tpu.memref_slice %arg2[%dma_start3A_1944] : memref<83200000xf32, #tpu.memory_space<hbm>> -> memref<83200000xf32, #tpu.memory_space<hbm>>
      tpu.enqueue_indirect_dma source(%dma_start3A_1945 : memref<83200000xf32, #tpu.memory_space<hbm>>) target(%dma_start3A_1943 : memref<16xf32, #tpu.memory_space<vmem>>) offsets(%add3A_1938 : vector<16xi32>) semaphore(%arg7 : memref<!tpu.dma_semaphore, #tpu.memory_space<semaphore_mem>>)
      %add3A_1946 = vector.broadcast %mul3A_1936 : i32 to vector<16xi32>
      %add3A_1947 = arith.addi %convert_element_type3A_109, %add3A_1946 : vector<16xi32>
      %add3A_1948 = arith.constant 23 : i32
      %add3A_1949 = arith.addi %add3A_137, %add3A_1948 : i32
      %dma_start3A_1950 = arith.constant 16 : i32
      %dma_start3A_1951 = tpu.memref_slice %arg6[%add3A_1949, %dma_start3A_1950] : memref<845x128xf32, #tpu.memory_space<vmem>> -> memref<1x16xf32, #tpu.memory_space<vmem>>
      %dma_start3A_1952 = tpu.memref_squeeze %dma_start3A_1951 : memref<1x16xf32, #tpu.memory_space<vmem>> -> memref<16xf32, #tpu.memory_space<vmem>>
      %dma_start3A_1953 = arith.constant 0 : i32
      %dma_start3A_1954 = tpu.memref_slice %arg2[%dma_start3A_1953] : memref<83200000xf32, #tpu.memory_space<hbm>> -> memref<83200000xf32, #tpu.memory_space<hbm>>
      tpu.enqueue_indirect_dma source(%dma_start3A_1954 : memref<83200000xf32, #tpu.memory_space<hbm>>) target(%dma_start3A_1952 : memref<16xf32, #tpu.memory_space<vmem>>) offsets(%add3A_1947 : vector<16xi32>) semaphore(%arg7 : memref<!tpu.dma_semaphore, #tpu.memory_space<semaphore_mem>>)
      %add3A_1955 = vector.broadcast %mul3A_1936 : i32 to vector<16xi32>
      %add3A_1956 = arith.addi %convert_element_type3A_113, %add3A_1955 : vector<16xi32>
      %add3A_1957 = arith.constant 23 : i32
      %add3A_1958 = arith.addi %add3A_137, %add3A_1957 : i32
      %dma_start3A_1959 = arith.constant 32 : i32
      %dma_start3A_1960 = tpu.memref_slice %arg6[%add3A_1958, %dma_start3A_1959] : memref<845x128xf32, #tpu.memory_space<vmem>> -> memref<1x16xf32, #tpu.memory_space<vmem>>
      %dma_start3A_1961 = tpu.memref_squeeze %dma_start3A_1960 : memref<1x16xf32, #tpu.memory_space<vmem>> -> memref<16xf32, #tpu.memory_space<vmem>>
      %dma_start3A_1962 = arith.constant 0 : i32
      %dma_start3A_1963 = tpu.memref_slice %arg2[%dma_start3A_1962] : memref<83200000xf32, #tpu.memory_space<hbm>> -> memref<83200000xf32, #tpu.memory_space<hbm>>
      tpu.enqueue_indirect_dma source(%dma_start3A_1963 : memref<83200000xf32, #tpu.memory_space<hbm>>) target(%dma_start3A_1961 : memref<16xf32, #tpu.memory_space<vmem>>) offsets(%add3A_1956 : vector<16xi32>) semaphore(%arg7 : memref<!tpu.dma_semaphore, #tpu.memory_space<semaphore_mem>>)
      %add3A_1964 = vector.broadcast %mul3A_1936 : i32 to vector<16xi32>
      %add3A_1965 = arith.addi %convert_element_type3A_117, %add3A_1964 : vector<16xi32>
      %add3A_1966 = arith.constant 23 : i32
      %add3A_1967 = arith.addi %add3A_137, %add3A_1966 : i32
      %dma_start3A_1968 = arith.constant 48 : i32
      %dma_start3A_1969 = tpu.memref_slice %arg6[%add3A_1967, %dma_start3A_1968] : memref<845x128xf32, #tpu.memory_space<vmem>> -> memref<1x16xf32, #tpu.memory_space<vmem>>
      %dma_start3A_1970 = tpu.memref_squeeze %dma_start3A_1969 : memref<1x16xf32, #tpu.memory_space<vmem>> -> memref<16xf32, #tpu.memory_space<vmem>>
      %dma_start3A_1971 = arith.constant 0 : i32
      %dma_start3A_1972 = tpu.memref_slice %arg2[%dma_start3A_1971] : memref<83200000xf32, #tpu.memory_space<hbm>> -> memref<83200000xf32, #tpu.memory_space<hbm>>
      tpu.enqueue_indirect_dma source(%dma_start3A_1972 : memref<83200000xf32, #tpu.memory_space<hbm>>) target(%dma_start3A_1970 : memref<16xf32, #tpu.memory_space<vmem>>) offsets(%add3A_1965 : vector<16xi32>) semaphore(%arg7 : memref<!tpu.dma_semaphore, #tpu.memory_space<semaphore_mem>>)
      %add3A_1973 = vector.broadcast %mul3A_1936 : i32 to vector<16xi32>
      %add3A_1974 = arith.addi %convert_element_type3A_121, %add3A_1973 : vector<16xi32>
      %add3A_1975 = arith.constant 23 : i32
      %add3A_1976 = arith.addi %add3A_137, %add3A_1975 : i32
      %dma_start3A_1977 = arith.constant 64 : i32
      %dma_start3A_1978 = tpu.memref_slice %arg6[%add3A_1976, %dma_start3A_1977] : memref<845x128xf32, #tpu.memory_space<vmem>> -> memref<1x16xf32, #tpu.memory_space<vmem>>
      %dma_start3A_1979 = tpu.memref_squeeze %dma_start3A_1978 : memref<1x16xf32, #tpu.memory_space<vmem>> -> memref<16xf32, #tpu.memory_space<vmem>>
      %dma_start3A_1980 = arith.constant 0 : i32
      %dma_start3A_1981 = tpu.memref_slice %arg2[%dma_start3A_1980] : memref<83200000xf32, #tpu.memory_space<hbm>> -> memref<83200000xf32, #tpu.memory_space<hbm>>
      tpu.enqueue_indirect_dma source(%dma_start3A_1981 : memref<83200000xf32, #tpu.memory_space<hbm>>) target(%dma_start3A_1979 : memref<16xf32, #tpu.memory_space<vmem>>) offsets(%add3A_1974 : vector<16xi32>) semaphore(%arg7 : memref<!tpu.dma_semaphore, #tpu.memory_space<semaphore_mem>>)
      %add3A_1982 = vector.broadcast %mul3A_1936 : i32 to vector<16xi32>
      %add3A_1983 = arith.addi %convert_element_type3A_125, %add3A_1982 : vector<16xi32>
      %add3A_1984 = arith.constant 23 : i32
      %add3A_1985 = arith.addi %add3A_137, %add3A_1984 : i32
      %dma_start3A_1986 = arith.constant 80 : i32
      %dma_start3A_1987 = tpu.memref_slice %arg6[%add3A_1985, %dma_start3A_1986] : memref<845x128xf32, #tpu.memory_space<vmem>> -> memref<1x16xf32, #tpu.memory_space<vmem>>
      %dma_start3A_1988 = tpu.memref_squeeze %dma_start3A_1987 : memref<1x16xf32, #tpu.memory_space<vmem>> -> memref<16xf32, #tpu.memory_space<vmem>>
      %dma_start3A_1989 = arith.constant 0 : i32
      %dma_start3A_1990 = tpu.memref_slice %arg2[%dma_start3A_1989] : memref<83200000xf32, #tpu.memory_space<hbm>> -> memref<83200000xf32, #tpu.memory_space<hbm>>
      tpu.enqueue_indirect_dma source(%dma_start3A_1990 : memref<83200000xf32, #tpu.memory_space<hbm>>) target(%dma_start3A_1988 : memref<16xf32, #tpu.memory_space<vmem>>) offsets(%add3A_1983 : vector<16xi32>) semaphore(%arg7 : memref<!tpu.dma_semaphore, #tpu.memory_space<semaphore_mem>>)
      %add3A_1991 = vector.broadcast %mul3A_1936 : i32 to vector<16xi32>
      %add3A_1992 = arith.addi %convert_element_type3A_129, %add3A_1991 : vector<16xi32>
      %add3A_1993 = arith.constant 23 : i32
      %add3A_1994 = arith.addi %add3A_137, %add3A_1993 : i32
      %dma_start3A_1995 = arith.constant 96 : i32
      %dma_start3A_1996 = tpu.memref_slice %arg6[%add3A_1994, %dma_start3A_1995] : memref<845x128xf32, #tpu.memory_space<vmem>> -> memref<1x16xf32, #tpu.memory_space<vmem>>
      %dma_start3A_1997 = tpu.memref_squeeze %dma_start3A_1996 : memref<1x16xf32, #tpu.memory_space<vmem>> -> memref<16xf32, #tpu.memory_space<vmem>>
      %dma_start3A_1998 = arith.constant 0 : i32
      %dma_start3A_1999 = tpu.memref_slice %arg2[%dma_start3A_1998] : memref<83200000xf32, #tpu.memory_space<hbm>> -> memref<83200000xf32, #tpu.memory_space<hbm>>
      tpu.enqueue_indirect_dma source(%dma_start3A_1999 : memref<83200000xf32, #tpu.memory_space<hbm>>) target(%dma_start3A_1997 : memref<16xf32, #tpu.memory_space<vmem>>) offsets(%add3A_1992 : vector<16xi32>) semaphore(%arg7 : memref<!tpu.dma_semaphore, #tpu.memory_space<semaphore_mem>>)
      %add3A_2000 = vector.broadcast %mul3A_1936 : i32 to vector<16xi32>
      %add3A_2001 = arith.addi %convert_element_type3A_133, %add3A_2000 : vector<16xi32>
      %add3A_2002 = arith.constant 23 : i32
      %add3A_2003 = arith.addi %add3A_137, %add3A_2002 : i32
      %dma_start3A_2004 = arith.constant 112 : i32
      %dma_start3A_2005 = tpu.memref_slice %arg6[%add3A_2003, %dma_start3A_2004] : memref<845x128xf32, #tpu.memory_space<vmem>> -> memref<1x16xf32, #tpu.memory_space<vmem>>
      %dma_start3A_2006 = tpu.memref_squeeze %dma_start3A_2005 : memref<1x16xf32, #tpu.memory_space<vmem>> -> memref<16xf32, #tpu.memory_space<vmem>>
      %dma_start3A_2007 = arith.constant 0 : i32
      %dma_start3A_2008 = tpu.memref_slice %arg2[%dma_start3A_2007] : memref<83200000xf32, #tpu.memory_space<hbm>> -> memref<83200000xf32, #tpu.memory_space<hbm>>
      tpu.enqueue_indirect_dma source(%dma_start3A_2008 : memref<83200000xf32, #tpu.memory_space<hbm>>) target(%dma_start3A_2006 : memref<16xf32, #tpu.memory_space<vmem>>) offsets(%add3A_2001 : vector<16xi32>) semaphore(%arg7 : memref<!tpu.dma_semaphore, #tpu.memory_space<semaphore_mem>>)
      %mul3A_2009 = arith.constant 32 : i32
      %mul3A_2010 = arith.muli %scan3A_103, %mul3A_2009 : i32
      %add3A_2011 = arith.constant 24 : i32
      %add3A_2012 = arith.addi %mul3A_2010, %add3A_2011 : i32
      %mul3A_2013 = arith.constant 100000 : i32
      %mul3A_2014 = arith.muli %add3A_2012, %mul3A_2013 : i32
      %add3A_2015 = vector.broadcast %mul3A_2014 : i32 to vector<16xi32>
      %add3A_2016 = arith.addi %convert_element_type3A, %add3A_2015 : vector<16xi32>
      %add3A_2017 = arith.constant 24 : i32
      %add3A_2018 = arith.addi %add3A_137, %add3A_2017 : i32
      %dma_start3A_2019 = arith.constant 0 : i32
      %dma_start3A_2020 = tpu.memref_slice %arg6[%add3A_2018, %dma_start3A_2019] : memref<845x128xf32, #tpu.memory_space<vmem>> -> memref<1x16xf32, #tpu.memory_space<vmem>>
      %dma_start3A_2021 = tpu.memref_squeeze %dma_start3A_2020 : memref<1x16xf32, #tpu.memory_space<vmem>> -> memref<16xf32, #tpu.memory_space<vmem>>
      %dma_start3A_2022 = arith.constant 0 : i32
      %dma_start3A_2023 = tpu.memref_slice %arg2[%dma_start3A_2022] : memref<83200000xf32, #tpu.memory_space<hbm>> -> memref<83200000xf32, #tpu.memory_space<hbm>>
      tpu.enqueue_indirect_dma source(%dma_start3A_2023 : memref<83200000xf32, #tpu.memory_space<hbm>>) target(%dma_start3A_2021 : memref<16xf32, #tpu.memory_space<vmem>>) offsets(%add3A_2016 : vector<16xi32>) semaphore(%arg7 : memref<!tpu.dma_semaphore, #tpu.memory_space<semaphore_mem>>)
      %add3A_2024 = vector.broadcast %mul3A_2014 : i32 to vector<16xi32>
      %add3A_2025 = arith.addi %convert_element_type3A_109, %add3A_2024 : vector<16xi32>
      %add3A_2026 = arith.constant 24 : i32
      %add3A_2027 = arith.addi %add3A_137, %add3A_2026 : i32
      %dma_start3A_2028 = arith.constant 16 : i32
      %dma_start3A_2029 = tpu.memref_slice %arg6[%add3A_2027, %dma_start3A_2028] : memref<845x128xf32, #tpu.memory_space<vmem>> -> memref<1x16xf32, #tpu.memory_space<vmem>>
      %dma_start3A_2030 = tpu.memref_squeeze %dma_start3A_2029 : memref<1x16xf32, #tpu.memory_space<vmem>> -> memref<16xf32, #tpu.memory_space<vmem>>
      %dma_start3A_2031 = arith.constant 0 : i32
      %dma_start3A_2032 = tpu.memref_slice %arg2[%dma_start3A_2031] : memref<83200000xf32, #tpu.memory_space<hbm>> -> memref<83200000xf32, #tpu.memory_space<hbm>>
      tpu.enqueue_indirect_dma source(%dma_start3A_2032 : memref<83200000xf32, #tpu.memory_space<hbm>>) target(%dma_start3A_2030 : memref<16xf32, #tpu.memory_space<vmem>>) offsets(%add3A_2025 : vector<16xi32>) semaphore(%arg7 : memref<!tpu.dma_semaphore, #tpu.memory_space<semaphore_mem>>)
      %add3A_2033 = vector.broadcast %mul3A_2014 : i32 to vector<16xi32>
      %add3A_2034 = arith.addi %convert_element_type3A_113, %add3A_2033 : vector<16xi32>
      %add3A_2035 = arith.constant 24 : i32
      %add3A_2036 = arith.addi %add3A_137, %add3A_2035 : i32
      %dma_start3A_2037 = arith.constant 32 : i32
      %dma_start3A_2038 = tpu.memref_slice %arg6[%add3A_2036, %dma_start3A_2037] : memref<845x128xf32, #tpu.memory_space<vmem>> -> memref<1x16xf32, #tpu.memory_space<vmem>>
      %dma_start3A_2039 = tpu.memref_squeeze %dma_start3A_2038 : memref<1x16xf32, #tpu.memory_space<vmem>> -> memref<16xf32, #tpu.memory_space<vmem>>
      %dma_start3A_2040 = arith.constant 0 : i32
      %dma_start3A_2041 = tpu.memref_slice %arg2[%dma_start3A_2040] : memref<83200000xf32, #tpu.memory_space<hbm>> -> memref<83200000xf32, #tpu.memory_space<hbm>>
      tpu.enqueue_indirect_dma source(%dma_start3A_2041 : memref<83200000xf32, #tpu.memory_space<hbm>>) target(%dma_start3A_2039 : memref<16xf32, #tpu.memory_space<vmem>>) offsets(%add3A_2034 : vector<16xi32>) semaphore(%arg7 : memref<!tpu.dma_semaphore, #tpu.memory_space<semaphore_mem>>)
      %add3A_2042 = vector.broadcast %mul3A_2014 : i32 to vector<16xi32>
      %add3A_2043 = arith.addi %convert_element_type3A_117, %add3A_2042 : vector<16xi32>
      %add3A_2044 = arith.constant 24 : i32
      %add3A_2045 = arith.addi %add3A_137, %add3A_2044 : i32
      %dma_start3A_2046 = arith.constant 48 : i32
      %dma_start3A_2047 = tpu.memref_slice %arg6[%add3A_2045, %dma_start3A_2046] : memref<845x128xf32, #tpu.memory_space<vmem>> -> memref<1x16xf32, #tpu.memory_space<vmem>>
      %dma_start3A_2048 = tpu.memref_squeeze %dma_start3A_2047 : memref<1x16xf32, #tpu.memory_space<vmem>> -> memref<16xf32, #tpu.memory_space<vmem>>
      %dma_start3A_2049 = arith.constant 0 : i32
      %dma_start3A_2050 = tpu.memref_slice %arg2[%dma_start3A_2049] : memref<83200000xf32, #tpu.memory_space<hbm>> -> memref<83200000xf32, #tpu.memory_space<hbm>>
      tpu.enqueue_indirect_dma source(%dma_start3A_2050 : memref<83200000xf32, #tpu.memory_space<hbm>>) target(%dma_start3A_2048 : memref<16xf32, #tpu.memory_space<vmem>>) offsets(%add3A_2043 : vector<16xi32>) semaphore(%arg7 : memref<!tpu.dma_semaphore, #tpu.memory_space<semaphore_mem>>)
      %add3A_2051 = vector.broadcast %mul3A_2014 : i32 to vector<16xi32>
      %add3A_2052 = arith.addi %convert_element_type3A_121, %add3A_2051 : vector<16xi32>
      %add3A_2053 = arith.constant 24 : i32
      %add3A_2054 = arith.addi %add3A_137, %add3A_2053 : i32
      %dma_start3A_2055 = arith.constant 64 : i32
      %dma_start3A_2056 = tpu.memref_slice %arg6[%add3A_2054, %dma_start3A_2055] : memref<845x128xf32, #tpu.memory_space<vmem>> -> memref<1x16xf32, #tpu.memory_space<vmem>>
      %dma_start3A_2057 = tpu.memref_squeeze %dma_start3A_2056 : memref<1x16xf32, #tpu.memory_space<vmem>> -> memref<16xf32, #tpu.memory_space<vmem>>
      %dma_start3A_2058 = arith.constant 0 : i32
      %dma_start3A_2059 = tpu.memref_slice %arg2[%dma_start3A_2058] : memref<83200000xf32, #tpu.memory_space<hbm>> -> memref<83200000xf32, #tpu.memory_space<hbm>>
      tpu.enqueue_indirect_dma source(%dma_start3A_2059 : memref<83200000xf32, #tpu.memory_space<hbm>>) target(%dma_start3A_2057 : memref<16xf32, #tpu.memory_space<vmem>>) offsets(%add3A_2052 : vector<16xi32>) semaphore(%arg7 : memref<!tpu.dma_semaphore, #tpu.memory_space<semaphore_mem>>)
      %add3A_2060 = vector.broadcast %mul3A_2014 : i32 to vector<16xi32>
      %add3A_2061 = arith.addi %convert_element_type3A_125, %add3A_2060 : vector<16xi32>
      %add3A_2062 = arith.constant 24 : i32
      %add3A_2063 = arith.addi %add3A_137, %add3A_2062 : i32
      %dma_start3A_2064 = arith.constant 80 : i32
      %dma_start3A_2065 = tpu.memref_slice %arg6[%add3A_2063, %dma_start3A_2064] : memref<845x128xf32, #tpu.memory_space<vmem>> -> memref<1x16xf32, #tpu.memory_space<vmem>>
      %dma_start3A_2066 = tpu.memref_squeeze %dma_start3A_2065 : memref<1x16xf32, #tpu.memory_space<vmem>> -> memref<16xf32, #tpu.memory_space<vmem>>
      %dma_start3A_2067 = arith.constant 0 : i32
      %dma_start3A_2068 = tpu.memref_slice %arg2[%dma_start3A_2067] : memref<83200000xf32, #tpu.memory_space<hbm>> -> memref<83200000xf32, #tpu.memory_space<hbm>>
      tpu.enqueue_indirect_dma source(%dma_start3A_2068 : memref<83200000xf32, #tpu.memory_space<hbm>>) target(%dma_start3A_2066 : memref<16xf32, #tpu.memory_space<vmem>>) offsets(%add3A_2061 : vector<16xi32>) semaphore(%arg7 : memref<!tpu.dma_semaphore, #tpu.memory_space<semaphore_mem>>)
      %add3A_2069 = vector.broadcast %mul3A_2014 : i32 to vector<16xi32>
      %add3A_2070 = arith.addi %convert_element_type3A_129, %add3A_2069 : vector<16xi32>
      %add3A_2071 = arith.constant 24 : i32
      %add3A_2072 = arith.addi %add3A_137, %add3A_2071 : i32
      %dma_start3A_2073 = arith.constant 96 : i32
      %dma_start3A_2074 = tpu.memref_slice %arg6[%add3A_2072, %dma_start3A_2073] : memref<845x128xf32, #tpu.memory_space<vmem>> -> memref<1x16xf32, #tpu.memory_space<vmem>>
      %dma_start3A_2075 = tpu.memref_squeeze %dma_start3A_2074 : memref<1x16xf32, #tpu.memory_space<vmem>> -> memref<16xf32, #tpu.memory_space<vmem>>
      %dma_start3A_2076 = arith.constant 0 : i32
      %dma_start3A_2077 = tpu.memref_slice %arg2[%dma_start3A_2076] : memref<83200000xf32, #tpu.memory_space<hbm>> -> memref<83200000xf32, #tpu.memory_space<hbm>>
      tpu.enqueue_indirect_dma source(%dma_start3A_2077 : memref<83200000xf32, #tpu.memory_space<hbm>>) target(%dma_start3A_2075 : memref<16xf32, #tpu.memory_space<vmem>>) offsets(%add3A_2070 : vector<16xi32>) semaphore(%arg7 : memref<!tpu.dma_semaphore, #tpu.memory_space<semaphore_mem>>)
      %add3A_2078 = vector.broadcast %mul3A_2014 : i32 to vector<16xi32>
      %add3A_2079 = arith.addi %convert_element_type3A_133, %add3A_2078 : vector<16xi32>
      %add3A_2080 = arith.constant 24 : i32
      %add3A_2081 = arith.addi %add3A_137, %add3A_2080 : i32
      %dma_start3A_2082 = arith.constant 112 : i32
      %dma_start3A_2083 = tpu.memref_slice %arg6[%add3A_2081, %dma_start3A_2082] : memref<845x128xf32, #tpu.memory_space<vmem>> -> memref<1x16xf32, #tpu.memory_space<vmem>>
      %dma_start3A_2084 = tpu.memref_squeeze %dma_start3A_2083 : memref<1x16xf32, #tpu.memory_space<vmem>> -> memref<16xf32, #tpu.memory_space<vmem>>
      %dma_start3A_2085 = arith.constant 0 : i32
      %dma_start3A_2086 = tpu.memref_slice %arg2[%dma_start3A_2085] : memref<83200000xf32, #tpu.memory_space<hbm>> -> memref<83200000xf32, #tpu.memory_space<hbm>>
      tpu.enqueue_indirect_dma source(%dma_start3A_2086 : memref<83200000xf32, #tpu.memory_space<hbm>>) target(%dma_start3A_2084 : memref<16xf32, #tpu.memory_space<vmem>>) offsets(%add3A_2079 : vector<16xi32>) semaphore(%arg7 : memref<!tpu.dma_semaphore, #tpu.memory_space<semaphore_mem>>)
      %mul3A_2087 = arith.constant 32 : i32
      %mul3A_2088 = arith.muli %scan3A_103, %mul3A_2087 : i32
      %add3A_2089 = arith.constant 25 : i32
      %add3A_2090 = arith.addi %mul3A_2088, %add3A_2089 : i32
      %mul3A_2091 = arith.constant 100000 : i32
      %mul3A_2092 = arith.muli %add3A_2090, %mul3A_2091 : i32
      %add3A_2093 = vector.broadcast %mul3A_2092 : i32 to vector<16xi32>
      %add3A_2094 = arith.addi %convert_element_type3A, %add3A_2093 : vector<16xi32>
      %add3A_2095 = arith.constant 25 : i32
      %add3A_2096 = arith.addi %add3A_137, %add3A_2095 : i32
      %dma_start3A_2097 = arith.constant 0 : i32
      %dma_start3A_2098 = tpu.memref_slice %arg6[%add3A_2096, %dma_start3A_2097] : memref<845x128xf32, #tpu.memory_space<vmem>> -> memref<1x16xf32, #tpu.memory_space<vmem>>
      %dma_start3A_2099 = tpu.memref_squeeze %dma_start3A_2098 : memref<1x16xf32, #tpu.memory_space<vmem>> -> memref<16xf32, #tpu.memory_space<vmem>>
      %dma_start3A_2100 = arith.constant 0 : i32
      %dma_start3A_2101 = tpu.memref_slice %arg2[%dma_start3A_2100] : memref<83200000xf32, #tpu.memory_space<hbm>> -> memref<83200000xf32, #tpu.memory_space<hbm>>
      tpu.enqueue_indirect_dma source(%dma_start3A_2101 : memref<83200000xf32, #tpu.memory_space<hbm>>) target(%dma_start3A_2099 : memref<16xf32, #tpu.memory_space<vmem>>) offsets(%add3A_2094 : vector<16xi32>) semaphore(%arg7 : memref<!tpu.dma_semaphore, #tpu.memory_space<semaphore_mem>>)
      %add3A_2102 = vector.broadcast %mul3A_2092 : i32 to vector<16xi32>
      %add3A_2103 = arith.addi %convert_element_type3A_109, %add3A_2102 : vector<16xi32>
      %add3A_2104 = arith.constant 25 : i32
      %add3A_2105 = arith.addi %add3A_137, %add3A_2104 : i32
      %dma_start3A_2106 = arith.constant 16 : i32
      %dma_start3A_2107 = tpu.memref_slice %arg6[%add3A_2105, %dma_start3A_2106] : memref<845x128xf32, #tpu.memory_space<vmem>> -> memref<1x16xf32, #tpu.memory_space<vmem>>
      %dma_start3A_2108 = tpu.memref_squeeze %dma_start3A_2107 : memref<1x16xf32, #tpu.memory_space<vmem>> -> memref<16xf32, #tpu.memory_space<vmem>>
      %dma_start3A_2109 = arith.constant 0 : i32
      %dma_start3A_2110 = tpu.memref_slice %arg2[%dma_start3A_2109] : memref<83200000xf32, #tpu.memory_space<hbm>> -> memref<83200000xf32, #tpu.memory_space<hbm>>
      tpu.enqueue_indirect_dma source(%dma_start3A_2110 : memref<83200000xf32, #tpu.memory_space<hbm>>) target(%dma_start3A_2108 : memref<16xf32, #tpu.memory_space<vmem>>) offsets(%add3A_2103 : vector<16xi32>) semaphore(%arg7 : memref<!tpu.dma_semaphore, #tpu.memory_space<semaphore_mem>>)
      %add3A_2111 = vector.broadcast %mul3A_2092 : i32 to vector<16xi32>
      %add3A_2112 = arith.addi %convert_element_type3A_113, %add3A_2111 : vector<16xi32>
      %add3A_2113 = arith.constant 25 : i32
      %add3A_2114 = arith.addi %add3A_137, %add3A_2113 : i32
      %dma_start3A_2115 = arith.constant 32 : i32
      %dma_start3A_2116 = tpu.memref_slice %arg6[%add3A_2114, %dma_start3A_2115] : memref<845x128xf32, #tpu.memory_space<vmem>> -> memref<1x16xf32, #tpu.memory_space<vmem>>
      %dma_start3A_2117 = tpu.memref_squeeze %dma_start3A_2116 : memref<1x16xf32, #tpu.memory_space<vmem>> -> memref<16xf32, #tpu.memory_space<vmem>>
      %dma_start3A_2118 = arith.constant 0 : i32
      %dma_start3A_2119 = tpu.memref_slice %arg2[%dma_start3A_2118] : memref<83200000xf32, #tpu.memory_space<hbm>> -> memref<83200000xf32, #tpu.memory_space<hbm>>
      tpu.enqueue_indirect_dma source(%dma_start3A_2119 : memref<83200000xf32, #tpu.memory_space<hbm>>) target(%dma_start3A_2117 : memref<16xf32, #tpu.memory_space<vmem>>) offsets(%add3A_2112 : vector<16xi32>) semaphore(%arg7 : memref<!tpu.dma_semaphore, #tpu.memory_space<semaphore_mem>>)
      %add3A_2120 = vector.broadcast %mul3A_2092 : i32 to vector<16xi32>
      %add3A_2121 = arith.addi %convert_element_type3A_117, %add3A_2120 : vector<16xi32>
      %add3A_2122 = arith.constant 25 : i32
      %add3A_2123 = arith.addi %add3A_137, %add3A_2122 : i32
      %dma_start3A_2124 = arith.constant 48 : i32
      %dma_start3A_2125 = tpu.memref_slice %arg6[%add3A_2123, %dma_start3A_2124] : memref<845x128xf32, #tpu.memory_space<vmem>> -> memref<1x16xf32, #tpu.memory_space<vmem>>
      %dma_start3A_2126 = tpu.memref_squeeze %dma_start3A_2125 : memref<1x16xf32, #tpu.memory_space<vmem>> -> memref<16xf32, #tpu.memory_space<vmem>>
      %dma_start3A_2127 = arith.constant 0 : i32
      %dma_start3A_2128 = tpu.memref_slice %arg2[%dma_start3A_2127] : memref<83200000xf32, #tpu.memory_space<hbm>> -> memref<83200000xf32, #tpu.memory_space<hbm>>
      tpu.enqueue_indirect_dma source(%dma_start3A_2128 : memref<83200000xf32, #tpu.memory_space<hbm>>) target(%dma_start3A_2126 : memref<16xf32, #tpu.memory_space<vmem>>) offsets(%add3A_2121 : vector<16xi32>) semaphore(%arg7 : memref<!tpu.dma_semaphore, #tpu.memory_space<semaphore_mem>>)
      %add3A_2129 = vector.broadcast %mul3A_2092 : i32 to vector<16xi32>
      %add3A_2130 = arith.addi %convert_element_type3A_121, %add3A_2129 : vector<16xi32>
      %add3A_2131 = arith.constant 25 : i32
      %add3A_2132 = arith.addi %add3A_137, %add3A_2131 : i32
      %dma_start3A_2133 = arith.constant 64 : i32
      %dma_start3A_2134 = tpu.memref_slice %arg6[%add3A_2132, %dma_start3A_2133] : memref<845x128xf32, #tpu.memory_space<vmem>> -> memref<1x16xf32, #tpu.memory_space<vmem>>
      %dma_start3A_2135 = tpu.memref_squeeze %dma_start3A_2134 : memref<1x16xf32, #tpu.memory_space<vmem>> -> memref<16xf32, #tpu.memory_space<vmem>>
      %dma_start3A_2136 = arith.constant 0 : i32
      %dma_start3A_2137 = tpu.memref_slice %arg2[%dma_start3A_2136] : memref<83200000xf32, #tpu.memory_space<hbm>> -> memref<83200000xf32, #tpu.memory_space<hbm>>
      tpu.enqueue_indirect_dma source(%dma_start3A_2137 : memref<83200000xf32, #tpu.memory_space<hbm>>) target(%dma_start3A_2135 : memref<16xf32, #tpu.memory_space<vmem>>) offsets(%add3A_2130 : vector<16xi32>) semaphore(%arg7 : memref<!tpu.dma_semaphore, #tpu.memory_space<semaphore_mem>>)
      %add3A_2138 = vector.broadcast %mul3A_2092 : i32 to vector<16xi32>
      %add3A_2139 = arith.addi %convert_element_type3A_125, %add3A_2138 : vector<16xi32>
      %add3A_2140 = arith.constant 25 : i32
      %add3A_2141 = arith.addi %add3A_137, %add3A_2140 : i32
      %dma_start3A_2142 = arith.constant 80 : i32
      %dma_start3A_2143 = tpu.memref_slice %arg6[%add3A_2141, %dma_start3A_2142] : memref<845x128xf32, #tpu.memory_space<vmem>> -> memref<1x16xf32, #tpu.memory_space<vmem>>
      %dma_start3A_2144 = tpu.memref_squeeze %dma_start3A_2143 : memref<1x16xf32, #tpu.memory_space<vmem>> -> memref<16xf32, #tpu.memory_space<vmem>>
      %dma_start3A_2145 = arith.constant 0 : i32
      %dma_start3A_2146 = tpu.memref_slice %arg2[%dma_start3A_2145] : memref<83200000xf32, #tpu.memory_space<hbm>> -> memref<83200000xf32, #tpu.memory_space<hbm>>
      tpu.enqueue_indirect_dma source(%dma_start3A_2146 : memref<83200000xf32, #tpu.memory_space<hbm>>) target(%dma_start3A_2144 : memref<16xf32, #tpu.memory_space<vmem>>) offsets(%add3A_2139 : vector<16xi32>) semaphore(%arg7 : memref<!tpu.dma_semaphore, #tpu.memory_space<semaphore_mem>>)
      %add3A_2147 = vector.broadcast %mul3A_2092 : i32 to vector<16xi32>
      %add3A_2148 = arith.addi %convert_element_type3A_129, %add3A_2147 : vector<16xi32>
      %add3A_2149 = arith.constant 25 : i32
      %add3A_2150 = arith.addi %add3A_137, %add3A_2149 : i32
      %dma_start3A_2151 = arith.constant 96 : i32
      %dma_start3A_2152 = tpu.memref_slice %arg6[%add3A_2150, %dma_start3A_2151] : memref<845x128xf32, #tpu.memory_space<vmem>> -> memref<1x16xf32, #tpu.memory_space<vmem>>
      %dma_start3A_2153 = tpu.memref_squeeze %dma_start3A_2152 : memref<1x16xf32, #tpu.memory_space<vmem>> -> memref<16xf32, #tpu.memory_space<vmem>>
      %dma_start3A_2154 = arith.constant 0 : i32
      %dma_start3A_2155 = tpu.memref_slice %arg2[%dma_start3A_2154] : memref<83200000xf32, #tpu.memory_space<hbm>> -> memref<83200000xf32, #tpu.memory_space<hbm>>
      tpu.enqueue_indirect_dma source(%dma_start3A_2155 : memref<83200000xf32, #tpu.memory_space<hbm>>) target(%dma_start3A_2153 : memref<16xf32, #tpu.memory_space<vmem>>) offsets(%add3A_2148 : vector<16xi32>) semaphore(%arg7 : memref<!tpu.dma_semaphore, #tpu.memory_space<semaphore_mem>>)
      %add3A_2156 = vector.broadcast %mul3A_2092 : i32 to vector<16xi32>
      %add3A_2157 = arith.addi %convert_element_type3A_133, %add3A_2156 : vector<16xi32>
      %add3A_2158 = arith.constant 25 : i32
      %add3A_2159 = arith.addi %add3A_137, %add3A_2158 : i32
      %dma_start3A_2160 = arith.constant 112 : i32
      %dma_start3A_2161 = tpu.memref_slice %arg6[%add3A_2159, %dma_start3A_2160] : memref<845x128xf32, #tpu.memory_space<vmem>> -> memref<1x16xf32, #tpu.memory_space<vmem>>
      %dma_start3A_2162 = tpu.memref_squeeze %dma_start3A_2161 : memref<1x16xf32, #tpu.memory_space<vmem>> -> memref<16xf32, #tpu.memory_space<vmem>>
      %dma_start3A_2163 = arith.constant 0 : i32
      %dma_start3A_2164 = tpu.memref_slice %arg2[%dma_start3A_2163] : memref<83200000xf32, #tpu.memory_space<hbm>> -> memref<83200000xf32, #tpu.memory_space<hbm>>
      tpu.enqueue_indirect_dma source(%dma_start3A_2164 : memref<83200000xf32, #tpu.memory_space<hbm>>) target(%dma_start3A_2162 : memref<16xf32, #tpu.memory_space<vmem>>) offsets(%add3A_2157 : vector<16xi32>) semaphore(%arg7 : memref<!tpu.dma_semaphore, #tpu.memory_space<semaphore_mem>>)
      %mul3A_2165 = arith.constant 32 : i32
      %mul3A_2166 = arith.muli %scan3A_103, %mul3A_2165 : i32
      %add3A_2167 = arith.constant 26 : i32
      %add3A_2168 = arith.addi %mul3A_2166, %add3A_2167 : i32
      %mul3A_2169 = arith.constant 100000 : i32
      %mul3A_2170 = arith.muli %add3A_2168, %mul3A_2169 : i32
      %add3A_2171 = vector.broadcast %mul3A_2170 : i32 to vector<16xi32>
      %add3A_2172 = arith.addi %convert_element_type3A, %add3A_2171 : vector<16xi32>
      %add3A_2173 = arith.constant 26 : i32
      %add3A_2174 = arith.addi %add3A_137, %add3A_2173 : i32
      %dma_start3A_2175 = arith.constant 0 : i32
      %dma_start3A_2176 = tpu.memref_slice %arg6[%add3A_2174, %dma_start3A_2175] : memref<845x128xf32, #tpu.memory_space<vmem>> -> memref<1x16xf32, #tpu.memory_space<vmem>>
      %dma_start3A_2177 = tpu.memref_squeeze %dma_start3A_2176 : memref<1x16xf32, #tpu.memory_space<vmem>> -> memref<16xf32, #tpu.memory_space<vmem>>
      %dma_start3A_2178 = arith.constant 0 : i32
      %dma_start3A_2179 = tpu.memref_slice %arg2[%dma_start3A_2178] : memref<83200000xf32, #tpu.memory_space<hbm>> -> memref<83200000xf32, #tpu.memory_space<hbm>>
      tpu.enqueue_indirect_dma source(%dma_start3A_2179 : memref<83200000xf32, #tpu.memory_space<hbm>>) target(%dma_start3A_2177 : memref<16xf32, #tpu.memory_space<vmem>>) offsets(%add3A_2172 : vector<16xi32>) semaphore(%arg7 : memref<!tpu.dma_semaphore, #tpu.memory_space<semaphore_mem>>)
      %add3A_2180 = vector.broadcast %mul3A_2170 : i32 to vector<16xi32>
      %add3A_2181 = arith.addi %convert_element_type3A_109, %add3A_2180 : vector<16xi32>
      %add3A_2182 = arith.constant 26 : i32
      %add3A_2183 = arith.addi %add3A_137, %add3A_2182 : i32
      %dma_start3A_2184 = arith.constant 16 : i32
      %dma_start3A_2185 = tpu.memref_slice %arg6[%add3A_2183, %dma_start3A_2184] : memref<845x128xf32, #tpu.memory_space<vmem>> -> memref<1x16xf32, #tpu.memory_space<vmem>>
      %dma_start3A_2186 = tpu.memref_squeeze %dma_start3A_2185 : memref<1x16xf32, #tpu.memory_space<vmem>> -> memref<16xf32, #tpu.memory_space<vmem>>
      %dma_start3A_2187 = arith.constant 0 : i32
      %dma_start3A_2188 = tpu.memref_slice %arg2[%dma_start3A_2187] : memref<83200000xf32, #tpu.memory_space<hbm>> -> memref<83200000xf32, #tpu.memory_space<hbm>>
      tpu.enqueue_indirect_dma source(%dma_start3A_2188 : memref<83200000xf32, #tpu.memory_space<hbm>>) target(%dma_start3A_2186 : memref<16xf32, #tpu.memory_space<vmem>>) offsets(%add3A_2181 : vector<16xi32>) semaphore(%arg7 : memref<!tpu.dma_semaphore, #tpu.memory_space<semaphore_mem>>)
      %add3A_2189 = vector.broadcast %mul3A_2170 : i32 to vector<16xi32>
      %add3A_2190 = arith.addi %convert_element_type3A_113, %add3A_2189 : vector<16xi32>
      %add3A_2191 = arith.constant 26 : i32
      %add3A_2192 = arith.addi %add3A_137, %add3A_2191 : i32
      %dma_start3A_2193 = arith.constant 32 : i32
      %dma_start3A_2194 = tpu.memref_slice %arg6[%add3A_2192, %dma_start3A_2193] : memref<845x128xf32, #tpu.memory_space<vmem>> -> memref<1x16xf32, #tpu.memory_space<vmem>>
      %dma_start3A_2195 = tpu.memref_squeeze %dma_start3A_2194 : memref<1x16xf32, #tpu.memory_space<vmem>> -> memref<16xf32, #tpu.memory_space<vmem>>
      %dma_start3A_2196 = arith.constant 0 : i32
      %dma_start3A_2197 = tpu.memref_slice %arg2[%dma_start3A_2196] : memref<83200000xf32, #tpu.memory_space<hbm>> -> memref<83200000xf32, #tpu.memory_space<hbm>>
      tpu.enqueue_indirect_dma source(%dma_start3A_2197 : memref<83200000xf32, #tpu.memory_space<hbm>>) target(%dma_start3A_2195 : memref<16xf32, #tpu.memory_space<vmem>>) offsets(%add3A_2190 : vector<16xi32>) semaphore(%arg7 : memref<!tpu.dma_semaphore, #tpu.memory_space<semaphore_mem>>)
      %add3A_2198 = vector.broadcast %mul3A_2170 : i32 to vector<16xi32>
      %add3A_2199 = arith.addi %convert_element_type3A_117, %add3A_2198 : vector<16xi32>
      %add3A_2200 = arith.constant 26 : i32
      %add3A_2201 = arith.addi %add3A_137, %add3A_2200 : i32
      %dma_start3A_2202 = arith.constant 48 : i32
      %dma_start3A_2203 = tpu.memref_slice %arg6[%add3A_2201, %dma_start3A_2202] : memref<845x128xf32, #tpu.memory_space<vmem>> -> memref<1x16xf32, #tpu.memory_space<vmem>>
      %dma_start3A_2204 = tpu.memref_squeeze %dma_start3A_2203 : memref<1x16xf32, #tpu.memory_space<vmem>> -> memref<16xf32, #tpu.memory_space<vmem>>
      %dma_start3A_2205 = arith.constant 0 : i32
      %dma_start3A_2206 = tpu.memref_slice %arg2[%dma_start3A_2205] : memref<83200000xf32, #tpu.memory_space<hbm>> -> memref<83200000xf32, #tpu.memory_space<hbm>>
      tpu.enqueue_indirect_dma source(%dma_start3A_2206 : memref<83200000xf32, #tpu.memory_space<hbm>>) target(%dma_start3A_2204 : memref<16xf32, #tpu.memory_space<vmem>>) offsets(%add3A_2199 : vector<16xi32>) semaphore(%arg7 : memref<!tpu.dma_semaphore, #tpu.memory_space<semaphore_mem>>)
      %add3A_2207 = vector.broadcast %mul3A_2170 : i32 to vector<16xi32>
      %add3A_2208 = arith.addi %convert_element_type3A_121, %add3A_2207 : vector<16xi32>
      %add3A_2209 = arith.constant 26 : i32
      %add3A_2210 = arith.addi %add3A_137, %add3A_2209 : i32
      %dma_start3A_2211 = arith.constant 64 : i32
      %dma_start3A_2212 = tpu.memref_slice %arg6[%add3A_2210, %dma_start3A_2211] : memref<845x128xf32, #tpu.memory_space<vmem>> -> memref<1x16xf32, #tpu.memory_space<vmem>>
      %dma_start3A_2213 = tpu.memref_squeeze %dma_start3A_2212 : memref<1x16xf32, #tpu.memory_space<vmem>> -> memref<16xf32, #tpu.memory_space<vmem>>
      %dma_start3A_2214 = arith.constant 0 : i32
      %dma_start3A_2215 = tpu.memref_slice %arg2[%dma_start3A_2214] : memref<83200000xf32, #tpu.memory_space<hbm>> -> memref<83200000xf32, #tpu.memory_space<hbm>>
      tpu.enqueue_indirect_dma source(%dma_start3A_2215 : memref<83200000xf32, #tpu.memory_space<hbm>>) target(%dma_start3A_2213 : memref<16xf32, #tpu.memory_space<vmem>>) offsets(%add3A_2208 : vector<16xi32>) semaphore(%arg7 : memref<!tpu.dma_semaphore, #tpu.memory_space<semaphore_mem>>)
      %add3A_2216 = vector.broadcast %mul3A_2170 : i32 to vector<16xi32>
      %add3A_2217 = arith.addi %convert_element_type3A_125, %add3A_2216 : vector<16xi32>
      %add3A_2218 = arith.constant 26 : i32
      %add3A_2219 = arith.addi %add3A_137, %add3A_2218 : i32
      %dma_start3A_2220 = arith.constant 80 : i32
      %dma_start3A_2221 = tpu.memref_slice %arg6[%add3A_2219, %dma_start3A_2220] : memref<845x128xf32, #tpu.memory_space<vmem>> -> memref<1x16xf32, #tpu.memory_space<vmem>>
      %dma_start3A_2222 = tpu.memref_squeeze %dma_start3A_2221 : memref<1x16xf32, #tpu.memory_space<vmem>> -> memref<16xf32, #tpu.memory_space<vmem>>
      %dma_start3A_2223 = arith.constant 0 : i32
      %dma_start3A_2224 = tpu.memref_slice %arg2[%dma_start3A_2223] : memref<83200000xf32, #tpu.memory_space<hbm>> -> memref<83200000xf32, #tpu.memory_space<hbm>>
      tpu.enqueue_indirect_dma source(%dma_start3A_2224 : memref<83200000xf32, #tpu.memory_space<hbm>>) target(%dma_start3A_2222 : memref<16xf32, #tpu.memory_space<vmem>>) offsets(%add3A_2217 : vector<16xi32>) semaphore(%arg7 : memref<!tpu.dma_semaphore, #tpu.memory_space<semaphore_mem>>)
      %add3A_2225 = vector.broadcast %mul3A_2170 : i32 to vector<16xi32>
      %add3A_2226 = arith.addi %convert_element_type3A_129, %add3A_2225 : vector<16xi32>
      %add3A_2227 = arith.constant 26 : i32
      %add3A_2228 = arith.addi %add3A_137, %add3A_2227 : i32
      %dma_start3A_2229 = arith.constant 96 : i32
      %dma_start3A_2230 = tpu.memref_slice %arg6[%add3A_2228, %dma_start3A_2229] : memref<845x128xf32, #tpu.memory_space<vmem>> -> memref<1x16xf32, #tpu.memory_space<vmem>>
      %dma_start3A_2231 = tpu.memref_squeeze %dma_start3A_2230 : memref<1x16xf32, #tpu.memory_space<vmem>> -> memref<16xf32, #tpu.memory_space<vmem>>
      %dma_start3A_2232 = arith.constant 0 : i32
      %dma_start3A_2233 = tpu.memref_slice %arg2[%dma_start3A_2232] : memref<83200000xf32, #tpu.memory_space<hbm>> -> memref<83200000xf32, #tpu.memory_space<hbm>>
      tpu.enqueue_indirect_dma source(%dma_start3A_2233 : memref<83200000xf32, #tpu.memory_space<hbm>>) target(%dma_start3A_2231 : memref<16xf32, #tpu.memory_space<vmem>>) offsets(%add3A_2226 : vector<16xi32>) semaphore(%arg7 : memref<!tpu.dma_semaphore, #tpu.memory_space<semaphore_mem>>)
      %add3A_2234 = vector.broadcast %mul3A_2170 : i32 to vector<16xi32>
      %add3A_2235 = arith.addi %convert_element_type3A_133, %add3A_2234 : vector<16xi32>
      %add3A_2236 = arith.constant 26 : i32
      %add3A_2237 = arith.addi %add3A_137, %add3A_2236 : i32
      %dma_start3A_2238 = arith.constant 112 : i32
      %dma_start3A_2239 = tpu.memref_slice %arg6[%add3A_2237, %dma_start3A_2238] : memref<845x128xf32, #tpu.memory_space<vmem>> -> memref<1x16xf32, #tpu.memory_space<vmem>>
      %dma_start3A_2240 = tpu.memref_squeeze %dma_start3A_2239 : memref<1x16xf32, #tpu.memory_space<vmem>> -> memref<16xf32, #tpu.memory_space<vmem>>
      %dma_start3A_2241 = arith.constant 0 : i32
      %dma_start3A_2242 = tpu.memref_slice %arg2[%dma_start3A_2241] : memref<83200000xf32, #tpu.memory_space<hbm>> -> memref<83200000xf32, #tpu.memory_space<hbm>>
      tpu.enqueue_indirect_dma source(%dma_start3A_2242 : memref<83200000xf32, #tpu.memory_space<hbm>>) target(%dma_start3A_2240 : memref<16xf32, #tpu.memory_space<vmem>>) offsets(%add3A_2235 : vector<16xi32>) semaphore(%arg7 : memref<!tpu.dma_semaphore, #tpu.memory_space<semaphore_mem>>)
      %mul3A_2243 = arith.constant 32 : i32
      %mul3A_2244 = arith.muli %scan3A_103, %mul3A_2243 : i32
      %add3A_2245 = arith.constant 27 : i32
      %add3A_2246 = arith.addi %mul3A_2244, %add3A_2245 : i32
      %mul3A_2247 = arith.constant 100000 : i32
      %mul3A_2248 = arith.muli %add3A_2246, %mul3A_2247 : i32
      %add3A_2249 = vector.broadcast %mul3A_2248 : i32 to vector<16xi32>
      %add3A_2250 = arith.addi %convert_element_type3A, %add3A_2249 : vector<16xi32>
      %add3A_2251 = arith.constant 27 : i32
      %add3A_2252 = arith.addi %add3A_137, %add3A_2251 : i32
      %dma_start3A_2253 = arith.constant 0 : i32
      %dma_start3A_2254 = tpu.memref_slice %arg6[%add3A_2252, %dma_start3A_2253] : memref<845x128xf32, #tpu.memory_space<vmem>> -> memref<1x16xf32, #tpu.memory_space<vmem>>
      %dma_start3A_2255 = tpu.memref_squeeze %dma_start3A_2254 : memref<1x16xf32, #tpu.memory_space<vmem>> -> memref<16xf32, #tpu.memory_space<vmem>>
      %dma_start3A_2256 = arith.constant 0 : i32
      %dma_start3A_2257 = tpu.memref_slice %arg2[%dma_start3A_2256] : memref<83200000xf32, #tpu.memory_space<hbm>> -> memref<83200000xf32, #tpu.memory_space<hbm>>
      tpu.enqueue_indirect_dma source(%dma_start3A_2257 : memref<83200000xf32, #tpu.memory_space<hbm>>) target(%dma_start3A_2255 : memref<16xf32, #tpu.memory_space<vmem>>) offsets(%add3A_2250 : vector<16xi32>) semaphore(%arg7 : memref<!tpu.dma_semaphore, #tpu.memory_space<semaphore_mem>>)
      %add3A_2258 = vector.broadcast %mul3A_2248 : i32 to vector<16xi32>
      %add3A_2259 = arith.addi %convert_element_type3A_109, %add3A_2258 : vector<16xi32>
      %add3A_2260 = arith.constant 27 : i32
      %add3A_2261 = arith.addi %add3A_137, %add3A_2260 : i32
      %dma_start3A_2262 = arith.constant 16 : i32
      %dma_start3A_2263 = tpu.memref_slice %arg6[%add3A_2261, %dma_start3A_2262] : memref<845x128xf32, #tpu.memory_space<vmem>> -> memref<1x16xf32, #tpu.memory_space<vmem>>
      %dma_start3A_2264 = tpu.memref_squeeze %dma_start3A_2263 : memref<1x16xf32, #tpu.memory_space<vmem>> -> memref<16xf32, #tpu.memory_space<vmem>>
      %dma_start3A_2265 = arith.constant 0 : i32
      %dma_start3A_2266 = tpu.memref_slice %arg2[%dma_start3A_2265] : memref<83200000xf32, #tpu.memory_space<hbm>> -> memref<83200000xf32, #tpu.memory_space<hbm>>
      tpu.enqueue_indirect_dma source(%dma_start3A_2266 : memref<83200000xf32, #tpu.memory_space<hbm>>) target(%dma_start3A_2264 : memref<16xf32, #tpu.memory_space<vmem>>) offsets(%add3A_2259 : vector<16xi32>) semaphore(%arg7 : memref<!tpu.dma_semaphore, #tpu.memory_space<semaphore_mem>>)
      %add3A_2267 = vector.broadcast %mul3A_2248 : i32 to vector<16xi32>
      %add3A_2268 = arith.addi %convert_element_type3A_113, %add3A_2267 : vector<16xi32>
      %add3A_2269 = arith.constant 27 : i32
      %add3A_2270 = arith.addi %add3A_137, %add3A_2269 : i32
      %dma_start3A_2271 = arith.constant 32 : i32
      %dma_start3A_2272 = tpu.memref_slice %arg6[%add3A_2270, %dma_start3A_2271] : memref<845x128xf32, #tpu.memory_space<vmem>> -> memref<1x16xf32, #tpu.memory_space<vmem>>
      %dma_start3A_2273 = tpu.memref_squeeze %dma_start3A_2272 : memref<1x16xf32, #tpu.memory_space<vmem>> -> memref<16xf32, #tpu.memory_space<vmem>>
      %dma_start3A_2274 = arith.constant 0 : i32
      %dma_start3A_2275 = tpu.memref_slice %arg2[%dma_start3A_2274] : memref<83200000xf32, #tpu.memory_space<hbm>> -> memref<83200000xf32, #tpu.memory_space<hbm>>
      tpu.enqueue_indirect_dma source(%dma_start3A_2275 : memref<83200000xf32, #tpu.memory_space<hbm>>) target(%dma_start3A_2273 : memref<16xf32, #tpu.memory_space<vmem>>) offsets(%add3A_2268 : vector<16xi32>) semaphore(%arg7 : memref<!tpu.dma_semaphore, #tpu.memory_space<semaphore_mem>>)
      %add3A_2276 = vector.broadcast %mul3A_2248 : i32 to vector<16xi32>
      %add3A_2277 = arith.addi %convert_element_type3A_117, %add3A_2276 : vector<16xi32>
      %add3A_2278 = arith.constant 27 : i32
      %add3A_2279 = arith.addi %add3A_137, %add3A_2278 : i32
      %dma_start3A_2280 = arith.constant 48 : i32
      %dma_start3A_2281 = tpu.memref_slice %arg6[%add3A_2279, %dma_start3A_2280] : memref<845x128xf32, #tpu.memory_space<vmem>> -> memref<1x16xf32, #tpu.memory_space<vmem>>
      %dma_start3A_2282 = tpu.memref_squeeze %dma_start3A_2281 : memref<1x16xf32, #tpu.memory_space<vmem>> -> memref<16xf32, #tpu.memory_space<vmem>>
      %dma_start3A_2283 = arith.constant 0 : i32
      %dma_start3A_2284 = tpu.memref_slice %arg2[%dma_start3A_2283] : memref<83200000xf32, #tpu.memory_space<hbm>> -> memref<83200000xf32, #tpu.memory_space<hbm>>
      tpu.enqueue_indirect_dma source(%dma_start3A_2284 : memref<83200000xf32, #tpu.memory_space<hbm>>) target(%dma_start3A_2282 : memref<16xf32, #tpu.memory_space<vmem>>) offsets(%add3A_2277 : vector<16xi32>) semaphore(%arg7 : memref<!tpu.dma_semaphore, #tpu.memory_space<semaphore_mem>>)
      %add3A_2285 = vector.broadcast %mul3A_2248 : i32 to vector<16xi32>
      %add3A_2286 = arith.addi %convert_element_type3A_121, %add3A_2285 : vector<16xi32>
      %add3A_2287 = arith.constant 27 : i32
      %add3A_2288 = arith.addi %add3A_137, %add3A_2287 : i32
      %dma_start3A_2289 = arith.constant 64 : i32
      %dma_start3A_2290 = tpu.memref_slice %arg6[%add3A_2288, %dma_start3A_2289] : memref<845x128xf32, #tpu.memory_space<vmem>> -> memref<1x16xf32, #tpu.memory_space<vmem>>
      %dma_start3A_2291 = tpu.memref_squeeze %dma_start3A_2290 : memref<1x16xf32, #tpu.memory_space<vmem>> -> memref<16xf32, #tpu.memory_space<vmem>>
      %dma_start3A_2292 = arith.constant 0 : i32
      %dma_start3A_2293 = tpu.memref_slice %arg2[%dma_start3A_2292] : memref<83200000xf32, #tpu.memory_space<hbm>> -> memref<83200000xf32, #tpu.memory_space<hbm>>
      tpu.enqueue_indirect_dma source(%dma_start3A_2293 : memref<83200000xf32, #tpu.memory_space<hbm>>) target(%dma_start3A_2291 : memref<16xf32, #tpu.memory_space<vmem>>) offsets(%add3A_2286 : vector<16xi32>) semaphore(%arg7 : memref<!tpu.dma_semaphore, #tpu.memory_space<semaphore_mem>>)
      %add3A_2294 = vector.broadcast %mul3A_2248 : i32 to vector<16xi32>
      %add3A_2295 = arith.addi %convert_element_type3A_125, %add3A_2294 : vector<16xi32>
      %add3A_2296 = arith.constant 27 : i32
      %add3A_2297 = arith.addi %add3A_137, %add3A_2296 : i32
      %dma_start3A_2298 = arith.constant 80 : i32
      %dma_start3A_2299 = tpu.memref_slice %arg6[%add3A_2297, %dma_start3A_2298] : memref<845x128xf32, #tpu.memory_space<vmem>> -> memref<1x16xf32, #tpu.memory_space<vmem>>
      %dma_start3A_2300 = tpu.memref_squeeze %dma_start3A_2299 : memref<1x16xf32, #tpu.memory_space<vmem>> -> memref<16xf32, #tpu.memory_space<vmem>>
      %dma_start3A_2301 = arith.constant 0 : i32
      %dma_start3A_2302 = tpu.memref_slice %arg2[%dma_start3A_2301] : memref<83200000xf32, #tpu.memory_space<hbm>> -> memref<83200000xf32, #tpu.memory_space<hbm>>
      tpu.enqueue_indirect_dma source(%dma_start3A_2302 : memref<83200000xf32, #tpu.memory_space<hbm>>) target(%dma_start3A_2300 : memref<16xf32, #tpu.memory_space<vmem>>) offsets(%add3A_2295 : vector<16xi32>) semaphore(%arg7 : memref<!tpu.dma_semaphore, #tpu.memory_space<semaphore_mem>>)
      %add3A_2303 = vector.broadcast %mul3A_2248 : i32 to vector<16xi32>
      %add3A_2304 = arith.addi %convert_element_type3A_129, %add3A_2303 : vector<16xi32>
      %add3A_2305 = arith.constant 27 : i32
      %add3A_2306 = arith.addi %add3A_137, %add3A_2305 : i32
      %dma_start3A_2307 = arith.constant 96 : i32
      %dma_start3A_2308 = tpu.memref_slice %arg6[%add3A_2306, %dma_start3A_2307] : memref<845x128xf32, #tpu.memory_space<vmem>> -> memref<1x16xf32, #tpu.memory_space<vmem>>
      %dma_start3A_2309 = tpu.memref_squeeze %dma_start3A_2308 : memref<1x16xf32, #tpu.memory_space<vmem>> -> memref<16xf32, #tpu.memory_space<vmem>>
      %dma_start3A_2310 = arith.constant 0 : i32
      %dma_start3A_2311 = tpu.memref_slice %arg2[%dma_start3A_2310] : memref<83200000xf32, #tpu.memory_space<hbm>> -> memref<83200000xf32, #tpu.memory_space<hbm>>
      tpu.enqueue_indirect_dma source(%dma_start3A_2311 : memref<83200000xf32, #tpu.memory_space<hbm>>) target(%dma_start3A_2309 : memref<16xf32, #tpu.memory_space<vmem>>) offsets(%add3A_2304 : vector<16xi32>) semaphore(%arg7 : memref<!tpu.dma_semaphore, #tpu.memory_space<semaphore_mem>>)
      %add3A_2312 = vector.broadcast %mul3A_2248 : i32 to vector<16xi32>
      %add3A_2313 = arith.addi %convert_element_type3A_133, %add3A_2312 : vector<16xi32>
      %add3A_2314 = arith.constant 27 : i32
      %add3A_2315 = arith.addi %add3A_137, %add3A_2314 : i32
      %dma_start3A_2316 = arith.constant 112 : i32
      %dma_start3A_2317 = tpu.memref_slice %arg6[%add3A_2315, %dma_start3A_2316] : memref<845x128xf32, #tpu.memory_space<vmem>> -> memref<1x16xf32, #tpu.memory_space<vmem>>
      %dma_start3A_2318 = tpu.memref_squeeze %dma_start3A_2317 : memref<1x16xf32, #tpu.memory_space<vmem>> -> memref<16xf32, #tpu.memory_space<vmem>>
      %dma_start3A_2319 = arith.constant 0 : i32
      %dma_start3A_2320 = tpu.memref_slice %arg2[%dma_start3A_2319] : memref<83200000xf32, #tpu.memory_space<hbm>> -> memref<83200000xf32, #tpu.memory_space<hbm>>
      tpu.enqueue_indirect_dma source(%dma_start3A_2320 : memref<83200000xf32, #tpu.memory_space<hbm>>) target(%dma_start3A_2318 : memref<16xf32, #tpu.memory_space<vmem>>) offsets(%add3A_2313 : vector<16xi32>) semaphore(%arg7 : memref<!tpu.dma_semaphore, #tpu.memory_space<semaphore_mem>>)
      %mul3A_2321 = arith.constant 32 : i32
      %mul3A_2322 = arith.muli %scan3A_103, %mul3A_2321 : i32
      %add3A_2323 = arith.constant 28 : i32
      %add3A_2324 = arith.addi %mul3A_2322, %add3A_2323 : i32
      %mul3A_2325 = arith.constant 100000 : i32
      %mul3A_2326 = arith.muli %add3A_2324, %mul3A_2325 : i32
      %add3A_2327 = vector.broadcast %mul3A_2326 : i32 to vector<16xi32>
      %add3A_2328 = arith.addi %convert_element_type3A, %add3A_2327 : vector<16xi32>
      %add3A_2329 = arith.constant 28 : i32
      %add3A_2330 = arith.addi %add3A_137, %add3A_2329 : i32
      %dma_start3A_2331 = arith.constant 0 : i32
      %dma_start3A_2332 = tpu.memref_slice %arg6[%add3A_2330, %dma_start3A_2331] : memref<845x128xf32, #tpu.memory_space<vmem>> -> memref<1x16xf32, #tpu.memory_space<vmem>>
      %dma_start3A_2333 = tpu.memref_squeeze %dma_start3A_2332 : memref<1x16xf32, #tpu.memory_space<vmem>> -> memref<16xf32, #tpu.memory_space<vmem>>
      %dma_start3A_2334 = arith.constant 0 : i32
      %dma_start3A_2335 = tpu.memref_slice %arg2[%dma_start3A_2334] : memref<83200000xf32, #tpu.memory_space<hbm>> -> memref<83200000xf32, #tpu.memory_space<hbm>>
      tpu.enqueue_indirect_dma source(%dma_start3A_2335 : memref<83200000xf32, #tpu.memory_space<hbm>>) target(%dma_start3A_2333 : memref<16xf32, #tpu.memory_space<vmem>>) offsets(%add3A_2328 : vector<16xi32>) semaphore(%arg7 : memref<!tpu.dma_semaphore, #tpu.memory_space<semaphore_mem>>)
      %add3A_2336 = vector.broadcast %mul3A_2326 : i32 to vector<16xi32>
      %add3A_2337 = arith.addi %convert_element_type3A_109, %add3A_2336 : vector<16xi32>
      %add3A_2338 = arith.constant 28 : i32
      %add3A_2339 = arith.addi %add3A_137, %add3A_2338 : i32
      %dma_start3A_2340 = arith.constant 16 : i32
      %dma_start3A_2341 = tpu.memref_slice %arg6[%add3A_2339, %dma_start3A_2340] : memref<845x128xf32, #tpu.memory_space<vmem>> -> memref<1x16xf32, #tpu.memory_space<vmem>>
      %dma_start3A_2342 = tpu.memref_squeeze %dma_start3A_2341 : memref<1x16xf32, #tpu.memory_space<vmem>> -> memref<16xf32, #tpu.memory_space<vmem>>
      %dma_start3A_2343 = arith.constant 0 : i32
      %dma_start3A_2344 = tpu.memref_slice %arg2[%dma_start3A_2343] : memref<83200000xf32, #tpu.memory_space<hbm>> -> memref<83200000xf32, #tpu.memory_space<hbm>>
      tpu.enqueue_indirect_dma source(%dma_start3A_2344 : memref<83200000xf32, #tpu.memory_space<hbm>>) target(%dma_start3A_2342 : memref<16xf32, #tpu.memory_space<vmem>>) offsets(%add3A_2337 : vector<16xi32>) semaphore(%arg7 : memref<!tpu.dma_semaphore, #tpu.memory_space<semaphore_mem>>)
      %add3A_2345 = vector.broadcast %mul3A_2326 : i32 to vector<16xi32>
      %add3A_2346 = arith.addi %convert_element_type3A_113, %add3A_2345 : vector<16xi32>
      %add3A_2347 = arith.constant 28 : i32
      %add3A_2348 = arith.addi %add3A_137, %add3A_2347 : i32
      %dma_start3A_2349 = arith.constant 32 : i32
      %dma_start3A_2350 = tpu.memref_slice %arg6[%add3A_2348, %dma_start3A_2349] : memref<845x128xf32, #tpu.memory_space<vmem>> -> memref<1x16xf32, #tpu.memory_space<vmem>>
      %dma_start3A_2351 = tpu.memref_squeeze %dma_start3A_2350 : memref<1x16xf32, #tpu.memory_space<vmem>> -> memref<16xf32, #tpu.memory_space<vmem>>
      %dma_start3A_2352 = arith.constant 0 : i32
      %dma_start3A_2353 = tpu.memref_slice %arg2[%dma_start3A_2352] : memref<83200000xf32, #tpu.memory_space<hbm>> -> memref<83200000xf32, #tpu.memory_space<hbm>>
      tpu.enqueue_indirect_dma source(%dma_start3A_2353 : memref<83200000xf32, #tpu.memory_space<hbm>>) target(%dma_start3A_2351 : memref<16xf32, #tpu.memory_space<vmem>>) offsets(%add3A_2346 : vector<16xi32>) semaphore(%arg7 : memref<!tpu.dma_semaphore, #tpu.memory_space<semaphore_mem>>)
      %add3A_2354 = vector.broadcast %mul3A_2326 : i32 to vector<16xi32>
      %add3A_2355 = arith.addi %convert_element_type3A_117, %add3A_2354 : vector<16xi32>
      %add3A_2356 = arith.constant 28 : i32
      %add3A_2357 = arith.addi %add3A_137, %add3A_2356 : i32
      %dma_start3A_2358 = arith.constant 48 : i32
      %dma_start3A_2359 = tpu.memref_slice %arg6[%add3A_2357, %dma_start3A_2358] : memref<845x128xf32, #tpu.memory_space<vmem>> -> memref<1x16xf32, #tpu.memory_space<vmem>>
      %dma_start3A_2360 = tpu.memref_squeeze %dma_start3A_2359 : memref<1x16xf32, #tpu.memory_space<vmem>> -> memref<16xf32, #tpu.memory_space<vmem>>
      %dma_start3A_2361 = arith.constant 0 : i32
      %dma_start3A_2362 = tpu.memref_slice %arg2[%dma_start3A_2361] : memref<83200000xf32, #tpu.memory_space<hbm>> -> memref<83200000xf32, #tpu.memory_space<hbm>>
      tpu.enqueue_indirect_dma source(%dma_start3A_2362 : memref<83200000xf32, #tpu.memory_space<hbm>>) target(%dma_start3A_2360 : memref<16xf32, #tpu.memory_space<vmem>>) offsets(%add3A_2355 : vector<16xi32>) semaphore(%arg7 : memref<!tpu.dma_semaphore, #tpu.memory_space<semaphore_mem>>)
      %add3A_2363 = vector.broadcast %mul3A_2326 : i32 to vector<16xi32>
      %add3A_2364 = arith.addi %convert_element_type3A_121, %add3A_2363 : vector<16xi32>
      %add3A_2365 = arith.constant 28 : i32
      %add3A_2366 = arith.addi %add3A_137, %add3A_2365 : i32
      %dma_start3A_2367 = arith.constant 64 : i32
      %dma_start3A_2368 = tpu.memref_slice %arg6[%add3A_2366, %dma_start3A_2367] : memref<845x128xf32, #tpu.memory_space<vmem>> -> memref<1x16xf32, #tpu.memory_space<vmem>>
      %dma_start3A_2369 = tpu.memref_squeeze %dma_start3A_2368 : memref<1x16xf32, #tpu.memory_space<vmem>> -> memref<16xf32, #tpu.memory_space<vmem>>
      %dma_start3A_2370 = arith.constant 0 : i32
      %dma_start3A_2371 = tpu.memref_slice %arg2[%dma_start3A_2370] : memref<83200000xf32, #tpu.memory_space<hbm>> -> memref<83200000xf32, #tpu.memory_space<hbm>>
      tpu.enqueue_indirect_dma source(%dma_start3A_2371 : memref<83200000xf32, #tpu.memory_space<hbm>>) target(%dma_start3A_2369 : memref<16xf32, #tpu.memory_space<vmem>>) offsets(%add3A_2364 : vector<16xi32>) semaphore(%arg7 : memref<!tpu.dma_semaphore, #tpu.memory_space<semaphore_mem>>)
      %add3A_2372 = vector.broadcast %mul3A_2326 : i32 to vector<16xi32>
      %add3A_2373 = arith.addi %convert_element_type3A_125, %add3A_2372 : vector<16xi32>
      %add3A_2374 = arith.constant 28 : i32
      %add3A_2375 = arith.addi %add3A_137, %add3A_2374 : i32
      %dma_start3A_2376 = arith.constant 80 : i32
      %dma_start3A_2377 = tpu.memref_slice %arg6[%add3A_2375, %dma_start3A_2376] : memref<845x128xf32, #tpu.memory_space<vmem>> -> memref<1x16xf32, #tpu.memory_space<vmem>>
      %dma_start3A_2378 = tpu.memref_squeeze %dma_start3A_2377 : memref<1x16xf32, #tpu.memory_space<vmem>> -> memref<16xf32, #tpu.memory_space<vmem>>
      %dma_start3A_2379 = arith.constant 0 : i32
      %dma_start3A_2380 = tpu.memref_slice %arg2[%dma_start3A_2379] : memref<83200000xf32, #tpu.memory_space<hbm>> -> memref<83200000xf32, #tpu.memory_space<hbm>>
      tpu.enqueue_indirect_dma source(%dma_start3A_2380 : memref<83200000xf32, #tpu.memory_space<hbm>>) target(%dma_start3A_2378 : memref<16xf32, #tpu.memory_space<vmem>>) offsets(%add3A_2373 : vector<16xi32>) semaphore(%arg7 : memref<!tpu.dma_semaphore, #tpu.memory_space<semaphore_mem>>)
      %add3A_2381 = vector.broadcast %mul3A_2326 : i32 to vector<16xi32>
      %add3A_2382 = arith.addi %convert_element_type3A_129, %add3A_2381 : vector<16xi32>
      %add3A_2383 = arith.constant 28 : i32
      %add3A_2384 = arith.addi %add3A_137, %add3A_2383 : i32
      %dma_start3A_2385 = arith.constant 96 : i32
      %dma_start3A_2386 = tpu.memref_slice %arg6[%add3A_2384, %dma_start3A_2385] : memref<845x128xf32, #tpu.memory_space<vmem>> -> memref<1x16xf32, #tpu.memory_space<vmem>>
      %dma_start3A_2387 = tpu.memref_squeeze %dma_start3A_2386 : memref<1x16xf32, #tpu.memory_space<vmem>> -> memref<16xf32, #tpu.memory_space<vmem>>
      %dma_start3A_2388 = arith.constant 0 : i32
      %dma_start3A_2389 = tpu.memref_slice %arg2[%dma_start3A_2388] : memref<83200000xf32, #tpu.memory_space<hbm>> -> memref<83200000xf32, #tpu.memory_space<hbm>>
      tpu.enqueue_indirect_dma source(%dma_start3A_2389 : memref<83200000xf32, #tpu.memory_space<hbm>>) target(%dma_start3A_2387 : memref<16xf32, #tpu.memory_space<vmem>>) offsets(%add3A_2382 : vector<16xi32>) semaphore(%arg7 : memref<!tpu.dma_semaphore, #tpu.memory_space<semaphore_mem>>)
      %add3A_2390 = vector.broadcast %mul3A_2326 : i32 to vector<16xi32>
      %add3A_2391 = arith.addi %convert_element_type3A_133, %add3A_2390 : vector<16xi32>
      %add3A_2392 = arith.constant 28 : i32
      %add3A_2393 = arith.addi %add3A_137, %add3A_2392 : i32
      %dma_start3A_2394 = arith.constant 112 : i32
      %dma_start3A_2395 = tpu.memref_slice %arg6[%add3A_2393, %dma_start3A_2394] : memref<845x128xf32, #tpu.memory_space<vmem>> -> memref<1x16xf32, #tpu.memory_space<vmem>>
      %dma_start3A_2396 = tpu.memref_squeeze %dma_start3A_2395 : memref<1x16xf32, #tpu.memory_space<vmem>> -> memref<16xf32, #tpu.memory_space<vmem>>
      %dma_start3A_2397 = arith.constant 0 : i32
      %dma_start3A_2398 = tpu.memref_slice %arg2[%dma_start3A_2397] : memref<83200000xf32, #tpu.memory_space<hbm>> -> memref<83200000xf32, #tpu.memory_space<hbm>>
      tpu.enqueue_indirect_dma source(%dma_start3A_2398 : memref<83200000xf32, #tpu.memory_space<hbm>>) target(%dma_start3A_2396 : memref<16xf32, #tpu.memory_space<vmem>>) offsets(%add3A_2391 : vector<16xi32>) semaphore(%arg7 : memref<!tpu.dma_semaphore, #tpu.memory_space<semaphore_mem>>)
      %mul3A_2399 = arith.constant 32 : i32
      %mul3A_2400 = arith.muli %scan3A_103, %mul3A_2399 : i32
      %add3A_2401 = arith.constant 29 : i32
      %add3A_2402 = arith.addi %mul3A_2400, %add3A_2401 : i32
      %mul3A_2403 = arith.constant 100000 : i32
      %mul3A_2404 = arith.muli %add3A_2402, %mul3A_2403 : i32
      %add3A_2405 = vector.broadcast %mul3A_2404 : i32 to vector<16xi32>
      %add3A_2406 = arith.addi %convert_element_type3A, %add3A_2405 : vector<16xi32>
      %add3A_2407 = arith.constant 29 : i32
      %add3A_2408 = arith.addi %add3A_137, %add3A_2407 : i32
      %dma_start3A_2409 = arith.constant 0 : i32
      %dma_start3A_2410 = tpu.memref_slice %arg6[%add3A_2408, %dma_start3A_2409] : memref<845x128xf32, #tpu.memory_space<vmem>> -> memref<1x16xf32, #tpu.memory_space<vmem>>
      %dma_start3A_2411 = tpu.memref_squeeze %dma_start3A_2410 : memref<1x16xf32, #tpu.memory_space<vmem>> -> memref<16xf32, #tpu.memory_space<vmem>>
      %dma_start3A_2412 = arith.constant 0 : i32
      %dma_start3A_2413 = tpu.memref_slice %arg2[%dma_start3A_2412] : memref<83200000xf32, #tpu.memory_space<hbm>> -> memref<83200000xf32, #tpu.memory_space<hbm>>
      tpu.enqueue_indirect_dma source(%dma_start3A_2413 : memref<83200000xf32, #tpu.memory_space<hbm>>) target(%dma_start3A_2411 : memref<16xf32, #tpu.memory_space<vmem>>) offsets(%add3A_2406 : vector<16xi32>) semaphore(%arg7 : memref<!tpu.dma_semaphore, #tpu.memory_space<semaphore_mem>>)
      %add3A_2414 = vector.broadcast %mul3A_2404 : i32 to vector<16xi32>
      %add3A_2415 = arith.addi %convert_element_type3A_109, %add3A_2414 : vector<16xi32>
      %add3A_2416 = arith.constant 29 : i32
      %add3A_2417 = arith.addi %add3A_137, %add3A_2416 : i32
      %dma_start3A_2418 = arith.constant 16 : i32
      %dma_start3A_2419 = tpu.memref_slice %arg6[%add3A_2417, %dma_start3A_2418] : memref<845x128xf32, #tpu.memory_space<vmem>> -> memref<1x16xf32, #tpu.memory_space<vmem>>
      %dma_start3A_2420 = tpu.memref_squeeze %dma_start3A_2419 : memref<1x16xf32, #tpu.memory_space<vmem>> -> memref<16xf32, #tpu.memory_space<vmem>>
      %dma_start3A_2421 = arith.constant 0 : i32
      %dma_start3A_2422 = tpu.memref_slice %arg2[%dma_start3A_2421] : memref<83200000xf32, #tpu.memory_space<hbm>> -> memref<83200000xf32, #tpu.memory_space<hbm>>
      tpu.enqueue_indirect_dma source(%dma_start3A_2422 : memref<83200000xf32, #tpu.memory_space<hbm>>) target(%dma_start3A_2420 : memref<16xf32, #tpu.memory_space<vmem>>) offsets(%add3A_2415 : vector<16xi32>) semaphore(%arg7 : memref<!tpu.dma_semaphore, #tpu.memory_space<semaphore_mem>>)
      %add3A_2423 = vector.broadcast %mul3A_2404 : i32 to vector<16xi32>
      %add3A_2424 = arith.addi %convert_element_type3A_113, %add3A_2423 : vector<16xi32>
      %add3A_2425 = arith.constant 29 : i32
      %add3A_2426 = arith.addi %add3A_137, %add3A_2425 : i32
      %dma_start3A_2427 = arith.constant 32 : i32
      %dma_start3A_2428 = tpu.memref_slice %arg6[%add3A_2426, %dma_start3A_2427] : memref<845x128xf32, #tpu.memory_space<vmem>> -> memref<1x16xf32, #tpu.memory_space<vmem>>
      %dma_start3A_2429 = tpu.memref_squeeze %dma_start3A_2428 : memref<1x16xf32, #tpu.memory_space<vmem>> -> memref<16xf32, #tpu.memory_space<vmem>>
      %dma_start3A_2430 = arith.constant 0 : i32
      %dma_start3A_2431 = tpu.memref_slice %arg2[%dma_start3A_2430] : memref<83200000xf32, #tpu.memory_space<hbm>> -> memref<83200000xf32, #tpu.memory_space<hbm>>
      tpu.enqueue_indirect_dma source(%dma_start3A_2431 : memref<83200000xf32, #tpu.memory_space<hbm>>) target(%dma_start3A_2429 : memref<16xf32, #tpu.memory_space<vmem>>) offsets(%add3A_2424 : vector<16xi32>) semaphore(%arg7 : memref<!tpu.dma_semaphore, #tpu.memory_space<semaphore_mem>>)
      %add3A_2432 = vector.broadcast %mul3A_2404 : i32 to vector<16xi32>
      %add3A_2433 = arith.addi %convert_element_type3A_117, %add3A_2432 : vector<16xi32>
      %add3A_2434 = arith.constant 29 : i32
      %add3A_2435 = arith.addi %add3A_137, %add3A_2434 : i32
      %dma_start3A_2436 = arith.constant 48 : i32
      %dma_start3A_2437 = tpu.memref_slice %arg6[%add3A_2435, %dma_start3A_2436] : memref<845x128xf32, #tpu.memory_space<vmem>> -> memref<1x16xf32, #tpu.memory_space<vmem>>
      %dma_start3A_2438 = tpu.memref_squeeze %dma_start3A_2437 : memref<1x16xf32, #tpu.memory_space<vmem>> -> memref<16xf32, #tpu.memory_space<vmem>>
      %dma_start3A_2439 = arith.constant 0 : i32
      %dma_start3A_2440 = tpu.memref_slice %arg2[%dma_start3A_2439] : memref<83200000xf32, #tpu.memory_space<hbm>> -> memref<83200000xf32, #tpu.memory_space<hbm>>
      tpu.enqueue_indirect_dma source(%dma_start3A_2440 : memref<83200000xf32, #tpu.memory_space<hbm>>) target(%dma_start3A_2438 : memref<16xf32, #tpu.memory_space<vmem>>) offsets(%add3A_2433 : vector<16xi32>) semaphore(%arg7 : memref<!tpu.dma_semaphore, #tpu.memory_space<semaphore_mem>>)
      %add3A_2441 = vector.broadcast %mul3A_2404 : i32 to vector<16xi32>
      %add3A_2442 = arith.addi %convert_element_type3A_121, %add3A_2441 : vector<16xi32>
      %add3A_2443 = arith.constant 29 : i32
      %add3A_2444 = arith.addi %add3A_137, %add3A_2443 : i32
      %dma_start3A_2445 = arith.constant 64 : i32
      %dma_start3A_2446 = tpu.memref_slice %arg6[%add3A_2444, %dma_start3A_2445] : memref<845x128xf32, #tpu.memory_space<vmem>> -> memref<1x16xf32, #tpu.memory_space<vmem>>
      %dma_start3A_2447 = tpu.memref_squeeze %dma_start3A_2446 : memref<1x16xf32, #tpu.memory_space<vmem>> -> memref<16xf32, #tpu.memory_space<vmem>>
      %dma_start3A_2448 = arith.constant 0 : i32
      %dma_start3A_2449 = tpu.memref_slice %arg2[%dma_start3A_2448] : memref<83200000xf32, #tpu.memory_space<hbm>> -> memref<83200000xf32, #tpu.memory_space<hbm>>
      tpu.enqueue_indirect_dma source(%dma_start3A_2449 : memref<83200000xf32, #tpu.memory_space<hbm>>) target(%dma_start3A_2447 : memref<16xf32, #tpu.memory_space<vmem>>) offsets(%add3A_2442 : vector<16xi32>) semaphore(%arg7 : memref<!tpu.dma_semaphore, #tpu.memory_space<semaphore_mem>>)
      %add3A_2450 = vector.broadcast %mul3A_2404 : i32 to vector<16xi32>
      %add3A_2451 = arith.addi %convert_element_type3A_125, %add3A_2450 : vector<16xi32>
      %add3A_2452 = arith.constant 29 : i32
      %add3A_2453 = arith.addi %add3A_137, %add3A_2452 : i32
      %dma_start3A_2454 = arith.constant 80 : i32
      %dma_start3A_2455 = tpu.memref_slice %arg6[%add3A_2453, %dma_start3A_2454] : memref<845x128xf32, #tpu.memory_space<vmem>> -> memref<1x16xf32, #tpu.memory_space<vmem>>
      %dma_start3A_2456 = tpu.memref_squeeze %dma_start3A_2455 : memref<1x16xf32, #tpu.memory_space<vmem>> -> memref<16xf32, #tpu.memory_space<vmem>>
      %dma_start3A_2457 = arith.constant 0 : i32
      %dma_start3A_2458 = tpu.memref_slice %arg2[%dma_start3A_2457] : memref<83200000xf32, #tpu.memory_space<hbm>> -> memref<83200000xf32, #tpu.memory_space<hbm>>
      tpu.enqueue_indirect_dma source(%dma_start3A_2458 : memref<83200000xf32, #tpu.memory_space<hbm>>) target(%dma_start3A_2456 : memref<16xf32, #tpu.memory_space<vmem>>) offsets(%add3A_2451 : vector<16xi32>) semaphore(%arg7 : memref<!tpu.dma_semaphore, #tpu.memory_space<semaphore_mem>>)
      %add3A_2459 = vector.broadcast %mul3A_2404 : i32 to vector<16xi32>
      %add3A_2460 = arith.addi %convert_element_type3A_129, %add3A_2459 : vector<16xi32>
      %add3A_2461 = arith.constant 29 : i32
      %add3A_2462 = arith.addi %add3A_137, %add3A_2461 : i32
      %dma_start3A_2463 = arith.constant 96 : i32
      %dma_start3A_2464 = tpu.memref_slice %arg6[%add3A_2462, %dma_start3A_2463] : memref<845x128xf32, #tpu.memory_space<vmem>> -> memref<1x16xf32, #tpu.memory_space<vmem>>
      %dma_start3A_2465 = tpu.memref_squeeze %dma_start3A_2464 : memref<1x16xf32, #tpu.memory_space<vmem>> -> memref<16xf32, #tpu.memory_space<vmem>>
      %dma_start3A_2466 = arith.constant 0 : i32
      %dma_start3A_2467 = tpu.memref_slice %arg2[%dma_start3A_2466] : memref<83200000xf32, #tpu.memory_space<hbm>> -> memref<83200000xf32, #tpu.memory_space<hbm>>
      tpu.enqueue_indirect_dma source(%dma_start3A_2467 : memref<83200000xf32, #tpu.memory_space<hbm>>) target(%dma_start3A_2465 : memref<16xf32, #tpu.memory_space<vmem>>) offsets(%add3A_2460 : vector<16xi32>) semaphore(%arg7 : memref<!tpu.dma_semaphore, #tpu.memory_space<semaphore_mem>>)
      %add3A_2468 = vector.broadcast %mul3A_2404 : i32 to vector<16xi32>
      %add3A_2469 = arith.addi %convert_element_type3A_133, %add3A_2468 : vector<16xi32>
      %add3A_2470 = arith.constant 29 : i32
      %add3A_2471 = arith.addi %add3A_137, %add3A_2470 : i32
      %dma_start3A_2472 = arith.constant 112 : i32
      %dma_start3A_2473 = tpu.memref_slice %arg6[%add3A_2471, %dma_start3A_2472] : memref<845x128xf32, #tpu.memory_space<vmem>> -> memref<1x16xf32, #tpu.memory_space<vmem>>
      %dma_start3A_2474 = tpu.memref_squeeze %dma_start3A_2473 : memref<1x16xf32, #tpu.memory_space<vmem>> -> memref<16xf32, #tpu.memory_space<vmem>>
      %dma_start3A_2475 = arith.constant 0 : i32
      %dma_start3A_2476 = tpu.memref_slice %arg2[%dma_start3A_2475] : memref<83200000xf32, #tpu.memory_space<hbm>> -> memref<83200000xf32, #tpu.memory_space<hbm>>
      tpu.enqueue_indirect_dma source(%dma_start3A_2476 : memref<83200000xf32, #tpu.memory_space<hbm>>) target(%dma_start3A_2474 : memref<16xf32, #tpu.memory_space<vmem>>) offsets(%add3A_2469 : vector<16xi32>) semaphore(%arg7 : memref<!tpu.dma_semaphore, #tpu.memory_space<semaphore_mem>>)
      %mul3A_2477 = arith.constant 32 : i32
      %mul3A_2478 = arith.muli %scan3A_103, %mul3A_2477 : i32
      %add3A_2479 = arith.constant 30 : i32
      %add3A_2480 = arith.addi %mul3A_2478, %add3A_2479 : i32
      %mul3A_2481 = arith.constant 100000 : i32
      %mul3A_2482 = arith.muli %add3A_2480, %mul3A_2481 : i32
      %add3A_2483 = vector.broadcast %mul3A_2482 : i32 to vector<16xi32>
      %add3A_2484 = arith.addi %convert_element_type3A, %add3A_2483 : vector<16xi32>
      %add3A_2485 = arith.constant 30 : i32
      %add3A_2486 = arith.addi %add3A_137, %add3A_2485 : i32
      %dma_start3A_2487 = arith.constant 0 : i32
      %dma_start3A_2488 = tpu.memref_slice %arg6[%add3A_2486, %dma_start3A_2487] : memref<845x128xf32, #tpu.memory_space<vmem>> -> memref<1x16xf32, #tpu.memory_space<vmem>>
      %dma_start3A_2489 = tpu.memref_squeeze %dma_start3A_2488 : memref<1x16xf32, #tpu.memory_space<vmem>> -> memref<16xf32, #tpu.memory_space<vmem>>
      %dma_start3A_2490 = arith.constant 0 : i32
      %dma_start3A_2491 = tpu.memref_slice %arg2[%dma_start3A_2490] : memref<83200000xf32, #tpu.memory_space<hbm>> -> memref<83200000xf32, #tpu.memory_space<hbm>>
      tpu.enqueue_indirect_dma source(%dma_start3A_2491 : memref<83200000xf32, #tpu.memory_space<hbm>>) target(%dma_start3A_2489 : memref<16xf32, #tpu.memory_space<vmem>>) offsets(%add3A_2484 : vector<16xi32>) semaphore(%arg7 : memref<!tpu.dma_semaphore, #tpu.memory_space<semaphore_mem>>)
      %add3A_2492 = vector.broadcast %mul3A_2482 : i32 to vector<16xi32>
      %add3A_2493 = arith.addi %convert_element_type3A_109, %add3A_2492 : vector<16xi32>
      %add3A_2494 = arith.constant 30 : i32
      %add3A_2495 = arith.addi %add3A_137, %add3A_2494 : i32
      %dma_start3A_2496 = arith.constant 16 : i32
      %dma_start3A_2497 = tpu.memref_slice %arg6[%add3A_2495, %dma_start3A_2496] : memref<845x128xf32, #tpu.memory_space<vmem>> -> memref<1x16xf32, #tpu.memory_space<vmem>>
      %dma_start3A_2498 = tpu.memref_squeeze %dma_start3A_2497 : memref<1x16xf32, #tpu.memory_space<vmem>> -> memref<16xf32, #tpu.memory_space<vmem>>
      %dma_start3A_2499 = arith.constant 0 : i32
      %dma_start3A_2500 = tpu.memref_slice %arg2[%dma_start3A_2499] : memref<83200000xf32, #tpu.memory_space<hbm>> -> memref<83200000xf32, #tpu.memory_space<hbm>>
      tpu.enqueue_indirect_dma source(%dma_start3A_2500 : memref<83200000xf32, #tpu.memory_space<hbm>>) target(%dma_start3A_2498 : memref<16xf32, #tpu.memory_space<vmem>>) offsets(%add3A_2493 : vector<16xi32>) semaphore(%arg7 : memref<!tpu.dma_semaphore, #tpu.memory_space<semaphore_mem>>)
      %add3A_2501 = vector.broadcast %mul3A_2482 : i32 to vector<16xi32>
      %add3A_2502 = arith.addi %convert_element_type3A_113, %add3A_2501 : vector<16xi32>
      %add3A_2503 = arith.constant 30 : i32
      %add3A_2504 = arith.addi %add3A_137, %add3A_2503 : i32
      %dma_start3A_2505 = arith.constant 32 : i32
      %dma_start3A_2506 = tpu.memref_slice %arg6[%add3A_2504, %dma_start3A_2505] : memref<845x128xf32, #tpu.memory_space<vmem>> -> memref<1x16xf32, #tpu.memory_space<vmem>>
      %dma_start3A_2507 = tpu.memref_squeeze %dma_start3A_2506 : memref<1x16xf32, #tpu.memory_space<vmem>> -> memref<16xf32, #tpu.memory_space<vmem>>
      %dma_start3A_2508 = arith.constant 0 : i32
      %dma_start3A_2509 = tpu.memref_slice %arg2[%dma_start3A_2508] : memref<83200000xf32, #tpu.memory_space<hbm>> -> memref<83200000xf32, #tpu.memory_space<hbm>>
      tpu.enqueue_indirect_dma source(%dma_start3A_2509 : memref<83200000xf32, #tpu.memory_space<hbm>>) target(%dma_start3A_2507 : memref<16xf32, #tpu.memory_space<vmem>>) offsets(%add3A_2502 : vector<16xi32>) semaphore(%arg7 : memref<!tpu.dma_semaphore, #tpu.memory_space<semaphore_mem>>)
      %add3A_2510 = vector.broadcast %mul3A_2482 : i32 to vector<16xi32>
      %add3A_2511 = arith.addi %convert_element_type3A_117, %add3A_2510 : vector<16xi32>
      %add3A_2512 = arith.constant 30 : i32
      %add3A_2513 = arith.addi %add3A_137, %add3A_2512 : i32
      %dma_start3A_2514 = arith.constant 48 : i32
      %dma_start3A_2515 = tpu.memref_slice %arg6[%add3A_2513, %dma_start3A_2514] : memref<845x128xf32, #tpu.memory_space<vmem>> -> memref<1x16xf32, #tpu.memory_space<vmem>>
      %dma_start3A_2516 = tpu.memref_squeeze %dma_start3A_2515 : memref<1x16xf32, #tpu.memory_space<vmem>> -> memref<16xf32, #tpu.memory_space<vmem>>
      %dma_start3A_2517 = arith.constant 0 : i32
      %dma_start3A_2518 = tpu.memref_slice %arg2[%dma_start3A_2517] : memref<83200000xf32, #tpu.memory_space<hbm>> -> memref<83200000xf32, #tpu.memory_space<hbm>>
      tpu.enqueue_indirect_dma source(%dma_start3A_2518 : memref<83200000xf32, #tpu.memory_space<hbm>>) target(%dma_start3A_2516 : memref<16xf32, #tpu.memory_space<vmem>>) offsets(%add3A_2511 : vector<16xi32>) semaphore(%arg7 : memref<!tpu.dma_semaphore, #tpu.memory_space<semaphore_mem>>)
      %add3A_2519 = vector.broadcast %mul3A_2482 : i32 to vector<16xi32>
      %add3A_2520 = arith.addi %convert_element_type3A_121, %add3A_2519 : vector<16xi32>
      %add3A_2521 = arith.constant 30 : i32
      %add3A_2522 = arith.addi %add3A_137, %add3A_2521 : i32
      %dma_start3A_2523 = arith.constant 64 : i32
      %dma_start3A_2524 = tpu.memref_slice %arg6[%add3A_2522, %dma_start3A_2523] : memref<845x128xf32, #tpu.memory_space<vmem>> -> memref<1x16xf32, #tpu.memory_space<vmem>>
      %dma_start3A_2525 = tpu.memref_squeeze %dma_start3A_2524 : memref<1x16xf32, #tpu.memory_space<vmem>> -> memref<16xf32, #tpu.memory_space<vmem>>
      %dma_start3A_2526 = arith.constant 0 : i32
      %dma_start3A_2527 = tpu.memref_slice %arg2[%dma_start3A_2526] : memref<83200000xf32, #tpu.memory_space<hbm>> -> memref<83200000xf32, #tpu.memory_space<hbm>>
      tpu.enqueue_indirect_dma source(%dma_start3A_2527 : memref<83200000xf32, #tpu.memory_space<hbm>>) target(%dma_start3A_2525 : memref<16xf32, #tpu.memory_space<vmem>>) offsets(%add3A_2520 : vector<16xi32>) semaphore(%arg7 : memref<!tpu.dma_semaphore, #tpu.memory_space<semaphore_mem>>)
      %add3A_2528 = vector.broadcast %mul3A_2482 : i32 to vector<16xi32>
      %add3A_2529 = arith.addi %convert_element_type3A_125, %add3A_2528 : vector<16xi32>
      %add3A_2530 = arith.constant 30 : i32
      %add3A_2531 = arith.addi %add3A_137, %add3A_2530 : i32
      %dma_start3A_2532 = arith.constant 80 : i32
      %dma_start3A_2533 = tpu.memref_slice %arg6[%add3A_2531, %dma_start3A_2532] : memref<845x128xf32, #tpu.memory_space<vmem>> -> memref<1x16xf32, #tpu.memory_space<vmem>>
      %dma_start3A_2534 = tpu.memref_squeeze %dma_start3A_2533 : memref<1x16xf32, #tpu.memory_space<vmem>> -> memref<16xf32, #tpu.memory_space<vmem>>
      %dma_start3A_2535 = arith.constant 0 : i32
      %dma_start3A_2536 = tpu.memref_slice %arg2[%dma_start3A_2535] : memref<83200000xf32, #tpu.memory_space<hbm>> -> memref<83200000xf32, #tpu.memory_space<hbm>>
      tpu.enqueue_indirect_dma source(%dma_start3A_2536 : memref<83200000xf32, #tpu.memory_space<hbm>>) target(%dma_start3A_2534 : memref<16xf32, #tpu.memory_space<vmem>>) offsets(%add3A_2529 : vector<16xi32>) semaphore(%arg7 : memref<!tpu.dma_semaphore, #tpu.memory_space<semaphore_mem>>)
      %add3A_2537 = vector.broadcast %mul3A_2482 : i32 to vector<16xi32>
      %add3A_2538 = arith.addi %convert_element_type3A_129, %add3A_2537 : vector<16xi32>
      %add3A_2539 = arith.constant 30 : i32
      %add3A_2540 = arith.addi %add3A_137, %add3A_2539 : i32
      %dma_start3A_2541 = arith.constant 96 : i32
      %dma_start3A_2542 = tpu.memref_slice %arg6[%add3A_2540, %dma_start3A_2541] : memref<845x128xf32, #tpu.memory_space<vmem>> -> memref<1x16xf32, #tpu.memory_space<vmem>>
      %dma_start3A_2543 = tpu.memref_squeeze %dma_start3A_2542 : memref<1x16xf32, #tpu.memory_space<vmem>> -> memref<16xf32, #tpu.memory_space<vmem>>
      %dma_start3A_2544 = arith.constant 0 : i32
      %dma_start3A_2545 = tpu.memref_slice %arg2[%dma_start3A_2544] : memref<83200000xf32, #tpu.memory_space<hbm>> -> memref<83200000xf32, #tpu.memory_space<hbm>>
      tpu.enqueue_indirect_dma source(%dma_start3A_2545 : memref<83200000xf32, #tpu.memory_space<hbm>>) target(%dma_start3A_2543 : memref<16xf32, #tpu.memory_space<vmem>>) offsets(%add3A_2538 : vector<16xi32>) semaphore(%arg7 : memref<!tpu.dma_semaphore, #tpu.memory_space<semaphore_mem>>)
      %add3A_2546 = vector.broadcast %mul3A_2482 : i32 to vector<16xi32>
      %add3A_2547 = arith.addi %convert_element_type3A_133, %add3A_2546 : vector<16xi32>
      %add3A_2548 = arith.constant 30 : i32
      %add3A_2549 = arith.addi %add3A_137, %add3A_2548 : i32
      %dma_start3A_2550 = arith.constant 112 : i32
      %dma_start3A_2551 = tpu.memref_slice %arg6[%add3A_2549, %dma_start3A_2550] : memref<845x128xf32, #tpu.memory_space<vmem>> -> memref<1x16xf32, #tpu.memory_space<vmem>>
      %dma_start3A_2552 = tpu.memref_squeeze %dma_start3A_2551 : memref<1x16xf32, #tpu.memory_space<vmem>> -> memref<16xf32, #tpu.memory_space<vmem>>
      %dma_start3A_2553 = arith.constant 0 : i32
      %dma_start3A_2554 = tpu.memref_slice %arg2[%dma_start3A_2553] : memref<83200000xf32, #tpu.memory_space<hbm>> -> memref<83200000xf32, #tpu.memory_space<hbm>>
      tpu.enqueue_indirect_dma source(%dma_start3A_2554 : memref<83200000xf32, #tpu.memory_space<hbm>>) target(%dma_start3A_2552 : memref<16xf32, #tpu.memory_space<vmem>>) offsets(%add3A_2547 : vector<16xi32>) semaphore(%arg7 : memref<!tpu.dma_semaphore, #tpu.memory_space<semaphore_mem>>)
      %mul3A_2555 = arith.constant 32 : i32
      %mul3A_2556 = arith.muli %scan3A_103, %mul3A_2555 : i32
      %add3A_2557 = arith.constant 31 : i32
      %add3A_2558 = arith.addi %mul3A_2556, %add3A_2557 : i32
      %mul3A_2559 = arith.constant 100000 : i32
      %mul3A_2560 = arith.muli %add3A_2558, %mul3A_2559 : i32
      %add3A_2561 = vector.broadcast %mul3A_2560 : i32 to vector<16xi32>
      %add3A_2562 = arith.addi %convert_element_type3A, %add3A_2561 : vector<16xi32>
      %add3A_2563 = arith.constant 31 : i32
      %add3A_2564 = arith.addi %add3A_137, %add3A_2563 : i32
      %dma_start3A_2565 = arith.constant 0 : i32
      %dma_start3A_2566 = tpu.memref_slice %arg6[%add3A_2564, %dma_start3A_2565] : memref<845x128xf32, #tpu.memory_space<vmem>> -> memref<1x16xf32, #tpu.memory_space<vmem>>
      %dma_start3A_2567 = tpu.memref_squeeze %dma_start3A_2566 : memref<1x16xf32, #tpu.memory_space<vmem>> -> memref<16xf32, #tpu.memory_space<vmem>>
      %dma_start3A_2568 = arith.constant 0 : i32
      %dma_start3A_2569 = tpu.memref_slice %arg2[%dma_start3A_2568] : memref<83200000xf32, #tpu.memory_space<hbm>> -> memref<83200000xf32, #tpu.memory_space<hbm>>
      tpu.enqueue_indirect_dma source(%dma_start3A_2569 : memref<83200000xf32, #tpu.memory_space<hbm>>) target(%dma_start3A_2567 : memref<16xf32, #tpu.memory_space<vmem>>) offsets(%add3A_2562 : vector<16xi32>) semaphore(%arg7 : memref<!tpu.dma_semaphore, #tpu.memory_space<semaphore_mem>>)
      %add3A_2570 = vector.broadcast %mul3A_2560 : i32 to vector<16xi32>
      %add3A_2571 = arith.addi %convert_element_type3A_109, %add3A_2570 : vector<16xi32>
      %add3A_2572 = arith.constant 31 : i32
      %add3A_2573 = arith.addi %add3A_137, %add3A_2572 : i32
      %dma_start3A_2574 = arith.constant 16 : i32
      %dma_start3A_2575 = tpu.memref_slice %arg6[%add3A_2573, %dma_start3A_2574] : memref<845x128xf32, #tpu.memory_space<vmem>> -> memref<1x16xf32, #tpu.memory_space<vmem>>
      %dma_start3A_2576 = tpu.memref_squeeze %dma_start3A_2575 : memref<1x16xf32, #tpu.memory_space<vmem>> -> memref<16xf32, #tpu.memory_space<vmem>>
      %dma_start3A_2577 = arith.constant 0 : i32
      %dma_start3A_2578 = tpu.memref_slice %arg2[%dma_start3A_2577] : memref<83200000xf32, #tpu.memory_space<hbm>> -> memref<83200000xf32, #tpu.memory_space<hbm>>
      tpu.enqueue_indirect_dma source(%dma_start3A_2578 : memref<83200000xf32, #tpu.memory_space<hbm>>) target(%dma_start3A_2576 : memref<16xf32, #tpu.memory_space<vmem>>) offsets(%add3A_2571 : vector<16xi32>) semaphore(%arg7 : memref<!tpu.dma_semaphore, #tpu.memory_space<semaphore_mem>>)
      %add3A_2579 = vector.broadcast %mul3A_2560 : i32 to vector<16xi32>
      %add3A_2580 = arith.addi %convert_element_type3A_113, %add3A_2579 : vector<16xi32>
      %add3A_2581 = arith.constant 31 : i32
      %add3A_2582 = arith.addi %add3A_137, %add3A_2581 : i32
      %dma_start3A_2583 = arith.constant 32 : i32
      %dma_start3A_2584 = tpu.memref_slice %arg6[%add3A_2582, %dma_start3A_2583] : memref<845x128xf32, #tpu.memory_space<vmem>> -> memref<1x16xf32, #tpu.memory_space<vmem>>
      %dma_start3A_2585 = tpu.memref_squeeze %dma_start3A_2584 : memref<1x16xf32, #tpu.memory_space<vmem>> -> memref<16xf32, #tpu.memory_space<vmem>>
      %dma_start3A_2586 = arith.constant 0 : i32
      %dma_start3A_2587 = tpu.memref_slice %arg2[%dma_start3A_2586] : memref<83200000xf32, #tpu.memory_space<hbm>> -> memref<83200000xf32, #tpu.memory_space<hbm>>
      tpu.enqueue_indirect_dma source(%dma_start3A_2587 : memref<83200000xf32, #tpu.memory_space<hbm>>) target(%dma_start3A_2585 : memref<16xf32, #tpu.memory_space<vmem>>) offsets(%add3A_2580 : vector<16xi32>) semaphore(%arg7 : memref<!tpu.dma_semaphore, #tpu.memory_space<semaphore_mem>>)
      %add3A_2588 = vector.broadcast %mul3A_2560 : i32 to vector<16xi32>
      %add3A_2589 = arith.addi %convert_element_type3A_117, %add3A_2588 : vector<16xi32>
      %add3A_2590 = arith.constant 31 : i32
      %add3A_2591 = arith.addi %add3A_137, %add3A_2590 : i32
      %dma_start3A_2592 = arith.constant 48 : i32
      %dma_start3A_2593 = tpu.memref_slice %arg6[%add3A_2591, %dma_start3A_2592] : memref<845x128xf32, #tpu.memory_space<vmem>> -> memref<1x16xf32, #tpu.memory_space<vmem>>
      %dma_start3A_2594 = tpu.memref_squeeze %dma_start3A_2593 : memref<1x16xf32, #tpu.memory_space<vmem>> -> memref<16xf32, #tpu.memory_space<vmem>>
      %dma_start3A_2595 = arith.constant 0 : i32
      %dma_start3A_2596 = tpu.memref_slice %arg2[%dma_start3A_2595] : memref<83200000xf32, #tpu.memory_space<hbm>> -> memref<83200000xf32, #tpu.memory_space<hbm>>
      tpu.enqueue_indirect_dma source(%dma_start3A_2596 : memref<83200000xf32, #tpu.memory_space<hbm>>) target(%dma_start3A_2594 : memref<16xf32, #tpu.memory_space<vmem>>) offsets(%add3A_2589 : vector<16xi32>) semaphore(%arg7 : memref<!tpu.dma_semaphore, #tpu.memory_space<semaphore_mem>>)
      %add3A_2597 = vector.broadcast %mul3A_2560 : i32 to vector<16xi32>
      %add3A_2598 = arith.addi %convert_element_type3A_121, %add3A_2597 : vector<16xi32>
      %add3A_2599 = arith.constant 31 : i32
      %add3A_2600 = arith.addi %add3A_137, %add3A_2599 : i32
      %dma_start3A_2601 = arith.constant 64 : i32
      %dma_start3A_2602 = tpu.memref_slice %arg6[%add3A_2600, %dma_start3A_2601] : memref<845x128xf32, #tpu.memory_space<vmem>> -> memref<1x16xf32, #tpu.memory_space<vmem>>
      %dma_start3A_2603 = tpu.memref_squeeze %dma_start3A_2602 : memref<1x16xf32, #tpu.memory_space<vmem>> -> memref<16xf32, #tpu.memory_space<vmem>>
      %dma_start3A_2604 = arith.constant 0 : i32
      %dma_start3A_2605 = tpu.memref_slice %arg2[%dma_start3A_2604] : memref<83200000xf32, #tpu.memory_space<hbm>> -> memref<83200000xf32, #tpu.memory_space<hbm>>
      tpu.enqueue_indirect_dma source(%dma_start3A_2605 : memref<83200000xf32, #tpu.memory_space<hbm>>) target(%dma_start3A_2603 : memref<16xf32, #tpu.memory_space<vmem>>) offsets(%add3A_2598 : vector<16xi32>) semaphore(%arg7 : memref<!tpu.dma_semaphore, #tpu.memory_space<semaphore_mem>>)
      %add3A_2606 = vector.broadcast %mul3A_2560 : i32 to vector<16xi32>
      %add3A_2607 = arith.addi %convert_element_type3A_125, %add3A_2606 : vector<16xi32>
      %add3A_2608 = arith.constant 31 : i32
      %add3A_2609 = arith.addi %add3A_137, %add3A_2608 : i32
      %dma_start3A_2610 = arith.constant 80 : i32
      %dma_start3A_2611 = tpu.memref_slice %arg6[%add3A_2609, %dma_start3A_2610] : memref<845x128xf32, #tpu.memory_space<vmem>> -> memref<1x16xf32, #tpu.memory_space<vmem>>
      %dma_start3A_2612 = tpu.memref_squeeze %dma_start3A_2611 : memref<1x16xf32, #tpu.memory_space<vmem>> -> memref<16xf32, #tpu.memory_space<vmem>>
      %dma_start3A_2613 = arith.constant 0 : i32
      %dma_start3A_2614 = tpu.memref_slice %arg2[%dma_start3A_2613] : memref<83200000xf32, #tpu.memory_space<hbm>> -> memref<83200000xf32, #tpu.memory_space<hbm>>
      tpu.enqueue_indirect_dma source(%dma_start3A_2614 : memref<83200000xf32, #tpu.memory_space<hbm>>) target(%dma_start3A_2612 : memref<16xf32, #tpu.memory_space<vmem>>) offsets(%add3A_2607 : vector<16xi32>) semaphore(%arg7 : memref<!tpu.dma_semaphore, #tpu.memory_space<semaphore_mem>>)
      %add3A_2615 = vector.broadcast %mul3A_2560 : i32 to vector<16xi32>
      %add3A_2616 = arith.addi %convert_element_type3A_129, %add3A_2615 : vector<16xi32>
      %add3A_2617 = arith.constant 31 : i32
      %add3A_2618 = arith.addi %add3A_137, %add3A_2617 : i32
      %dma_start3A_2619 = arith.constant 96 : i32
      %dma_start3A_2620 = tpu.memref_slice %arg6[%add3A_2618, %dma_start3A_2619] : memref<845x128xf32, #tpu.memory_space<vmem>> -> memref<1x16xf32, #tpu.memory_space<vmem>>
      %dma_start3A_2621 = tpu.memref_squeeze %dma_start3A_2620 : memref<1x16xf32, #tpu.memory_space<vmem>> -> memref<16xf32, #tpu.memory_space<vmem>>
      %dma_start3A_2622 = arith.constant 0 : i32
      %dma_start3A_2623 = tpu.memref_slice %arg2[%dma_start3A_2622] : memref<83200000xf32, #tpu.memory_space<hbm>> -> memref<83200000xf32, #tpu.memory_space<hbm>>
      tpu.enqueue_indirect_dma source(%dma_start3A_2623 : memref<83200000xf32, #tpu.memory_space<hbm>>) target(%dma_start3A_2621 : memref<16xf32, #tpu.memory_space<vmem>>) offsets(%add3A_2616 : vector<16xi32>) semaphore(%arg7 : memref<!tpu.dma_semaphore, #tpu.memory_space<semaphore_mem>>)
      %add3A_2624 = vector.broadcast %mul3A_2560 : i32 to vector<16xi32>
      %add3A_2625 = arith.addi %convert_element_type3A_133, %add3A_2624 : vector<16xi32>
      %add3A_2626 = arith.constant 31 : i32
      %add3A_2627 = arith.addi %add3A_137, %add3A_2626 : i32
      %dma_start3A_2628 = arith.constant 112 : i32
      %dma_start3A_2629 = tpu.memref_slice %arg6[%add3A_2627, %dma_start3A_2628] : memref<845x128xf32, #tpu.memory_space<vmem>> -> memref<1x16xf32, #tpu.memory_space<vmem>>
      %dma_start3A_2630 = tpu.memref_squeeze %dma_start3A_2629 : memref<1x16xf32, #tpu.memory_space<vmem>> -> memref<16xf32, #tpu.memory_space<vmem>>
      %dma_start3A_2631 = arith.constant 0 : i32
      %dma_start3A_2632 = tpu.memref_slice %arg2[%dma_start3A_2631] : memref<83200000xf32, #tpu.memory_space<hbm>> -> memref<83200000xf32, #tpu.memory_space<hbm>>
      tpu.enqueue_indirect_dma source(%dma_start3A_2632 : memref<83200000xf32, #tpu.memory_space<hbm>>) target(%dma_start3A_2630 : memref<16xf32, #tpu.memory_space<vmem>>) offsets(%add3A_2625 : vector<16xi32>) semaphore(%arg7 : memref<!tpu.dma_semaphore, #tpu.memory_space<semaphore_mem>>)
      %gt3A = arith.constant 7 : i32
      %gt3A_2633 = arith.cmpi sgt, %scan3A_103, %gt3A : i32
      %convert_element_type3A_2634 = arith.extui %gt3A_2633 : i1 to i32
      %cond3A = arith.constant 0 : i32
      %cond3A_2635 = arith.cmpi ne, %convert_element_type3A_2634, %cond3A : i32
      scf.if %cond3A_2635 {
        %dma_wait3A_2636 = arith.constant 13 : i32
        %dma_wait3A_2637 = arith.constant 0 : i32
        %dma_wait3A_2638 = tpu.memref_slice %arg6[%dma_wait3A_2636, %dma_wait3A_2637] : memref<845x128xf32, #tpu.memory_space<vmem>> -> memref<32x128xf32, #tpu.memory_space<vmem>>
        %dma_wait3A_2639 = arith.constant 0 : i32
        %dma_wait3A_2640 = arith.constant 0 : i32
        %dma_wait3A_2641 = tpu.memref_slice %arg3[%dma_wait3A_2639, %dma_wait3A_2640] : memref<39x4096xf32, #tpu.memory_space<hbm>> -> memref<32x128xf32, #tpu.memory_space<hbm>>
        %dma_wait3A_2642 = arith.constant 13 : i32
        %dma_wait3A_2643 = arith.constant 0 : i32
        %dma_wait3A_2644 = tpu.memref_slice %arg6[%dma_wait3A_2642, %dma_wait3A_2643] : memref<845x128xf32, #tpu.memory_space<vmem>> -> memref<32x128xf32, #tpu.memory_space<vmem>>
        %dma_wait3A_2645 = arith.constant 0 : i32
        %dma_wait3A_2646 = arith.constant 0 : i32
        %dma_wait3A_2647 = tpu.memref_slice %arg3[%dma_wait3A_2645, %dma_wait3A_2646] : memref<39x4096xf32, #tpu.memory_space<hbm>> -> memref<32x128xf32, #tpu.memory_space<hbm>>
        tpu.wait_dma2 semaphore(%arg7 : memref<!tpu.dma_semaphore, #tpu.memory_space<semaphore_mem>>) src(%dma_wait3A_2647 : memref<32x128xf32, #tpu.memory_space<hbm>>) dst(%dma_wait3A_2644 : memref<32x128xf32, #tpu.memory_space<vmem>>)
      } else {
      }
    }
    %scan3A_7 = arith.constant 26 : i32
    %dma_wait3A = arith.constant 13 : i32
    %dma_wait3A_8 = arith.constant 0 : i32
    %dma_wait3A_9 = tpu.memref_slice %arg6[%dma_wait3A, %dma_wait3A_8] : memref<845x128xf32, #tpu.memory_space<vmem>> -> memref<32x128xf32, #tpu.memory_space<vmem>>
    %dma_wait3A_10 = arith.constant 0 : i32
    %dma_wait3A_11 = arith.constant 0 : i32
    %dma_wait3A_12 = tpu.memref_slice %arg3[%dma_wait3A_10, %dma_wait3A_11] : memref<39x4096xf32, #tpu.memory_space<hbm>> -> memref<32x128xf32, #tpu.memory_space<hbm>>
    %dma_wait3A_13 = arith.constant 13 : i32
    %dma_wait3A_14 = arith.constant 0 : i32
    %dma_wait3A_15 = tpu.memref_slice %arg6[%dma_wait3A_13, %dma_wait3A_14] : memref<845x128xf32, #tpu.memory_space<vmem>> -> memref<32x128xf32, #tpu.memory_space<vmem>>
    %dma_wait3A_16 = arith.constant 0 : i32
    %dma_wait3A_17 = arith.constant 0 : i32
    %dma_wait3A_18 = tpu.memref_slice %arg3[%dma_wait3A_16, %dma_wait3A_17] : memref<39x4096xf32, #tpu.memory_space<hbm>> -> memref<32x128xf32, #tpu.memory_space<hbm>>
    tpu.wait_dma2 semaphore(%arg7 : memref<!tpu.dma_semaphore, #tpu.memory_space<semaphore_mem>>) src(%dma_wait3A_18 : memref<32x128xf32, #tpu.memory_space<hbm>>) dst(%dma_wait3A_15 : memref<32x128xf32, #tpu.memory_space<vmem>>)
    %dma_wait3A_19 = arith.constant 13 : i32
    %dma_wait3A_20 = arith.constant 0 : i32
    %dma_wait3A_21 = tpu.memref_slice %arg6[%dma_wait3A_19, %dma_wait3A_20] : memref<845x128xf32, #tpu.memory_space<vmem>> -> memref<32x128xf32, #tpu.memory_space<vmem>>
    %dma_wait3A_22 = arith.constant 0 : i32
    %dma_wait3A_23 = arith.constant 0 : i32
    %dma_wait3A_24 = tpu.memref_slice %arg3[%dma_wait3A_22, %dma_wait3A_23] : memref<39x4096xf32, #tpu.memory_space<hbm>> -> memref<32x128xf32, #tpu.memory_space<hbm>>
    %dma_wait3A_25 = arith.constant 13 : i32
    %dma_wait3A_26 = arith.constant 0 : i32
    %dma_wait3A_27 = tpu.memref_slice %arg6[%dma_wait3A_25, %dma_wait3A_26] : memref<845x128xf32, #tpu.memory_space<vmem>> -> memref<32x128xf32, #tpu.memory_space<vmem>>
    %dma_wait3A_28 = arith.constant 0 : i32
    %dma_wait3A_29 = arith.constant 0 : i32
    %dma_wait3A_30 = tpu.memref_slice %arg3[%dma_wait3A_28, %dma_wait3A_29] : memref<39x4096xf32, #tpu.memory_space<hbm>> -> memref<32x128xf32, #tpu.memory_space<hbm>>
    tpu.wait_dma2 semaphore(%arg7 : memref<!tpu.dma_semaphore, #tpu.memory_space<semaphore_mem>>) src(%dma_wait3A_30 : memref<32x128xf32, #tpu.memory_space<hbm>>) dst(%dma_wait3A_27 : memref<32x128xf32, #tpu.memory_space<vmem>>)
    %dma_wait3A_31 = arith.constant 13 : i32
    %dma_wait3A_32 = arith.constant 0 : i32
    %dma_wait3A_33 = tpu.memref_slice %arg6[%dma_wait3A_31, %dma_wait3A_32] : memref<845x128xf32, #tpu.memory_space<vmem>> -> memref<32x128xf32, #tpu.memory_space<vmem>>
    %dma_wait3A_34 = arith.constant 0 : i32
    %dma_wait3A_35 = arith.constant 0 : i32
    %dma_wait3A_36 = tpu.memref_slice %arg3[%dma_wait3A_34, %dma_wait3A_35] : memref<39x4096xf32, #tpu.memory_space<hbm>> -> memref<32x128xf32, #tpu.memory_space<hbm>>
    %dma_wait3A_37 = arith.constant 13 : i32
    %dma_wait3A_38 = arith.constant 0 : i32
    %dma_wait3A_39 = tpu.memref_slice %arg6[%dma_wait3A_37, %dma_wait3A_38] : memref<845x128xf32, #tpu.memory_space<vmem>> -> memref<32x128xf32, #tpu.memory_space<vmem>>
    %dma_wait3A_40 = arith.constant 0 : i32
    %dma_wait3A_41 = arith.constant 0 : i32
    %dma_wait3A_42 = tpu.memref_slice %arg3[%dma_wait3A_40, %dma_wait3A_41] : memref<39x4096xf32, #tpu.memory_space<hbm>> -> memref<32x128xf32, #tpu.memory_space<hbm>>
    tpu.wait_dma2 semaphore(%arg7 : memref<!tpu.dma_semaphore, #tpu.memory_space<semaphore_mem>>) src(%dma_wait3A_42 : memref<32x128xf32, #tpu.memory_space<hbm>>) dst(%dma_wait3A_39 : memref<32x128xf32, #tpu.memory_space<vmem>>)
    %dma_wait3A_43 = arith.constant 13 : i32
    %dma_wait3A_44 = arith.constant 0 : i32
    %dma_wait3A_45 = tpu.memref_slice %arg6[%dma_wait3A_43, %dma_wait3A_44] : memref<845x128xf32, #tpu.memory_space<vmem>> -> memref<32x128xf32, #tpu.memory_space<vmem>>
    %dma_wait3A_46 = arith.constant 0 : i32
    %dma_wait3A_47 = arith.constant 0 : i32
    %dma_wait3A_48 = tpu.memref_slice %arg3[%dma_wait3A_46, %dma_wait3A_47] : memref<39x4096xf32, #tpu.memory_space<hbm>> -> memref<32x128xf32, #tpu.memory_space<hbm>>
    %dma_wait3A_49 = arith.constant 13 : i32
    %dma_wait3A_50 = arith.constant 0 : i32
    %dma_wait3A_51 = tpu.memref_slice %arg6[%dma_wait3A_49, %dma_wait3A_50] : memref<845x128xf32, #tpu.memory_space<vmem>> -> memref<32x128xf32, #tpu.memory_space<vmem>>
    %dma_wait3A_52 = arith.constant 0 : i32
    %dma_wait3A_53 = arith.constant 0 : i32
    %dma_wait3A_54 = tpu.memref_slice %arg3[%dma_wait3A_52, %dma_wait3A_53] : memref<39x4096xf32, #tpu.memory_space<hbm>> -> memref<32x128xf32, #tpu.memory_space<hbm>>
    tpu.wait_dma2 semaphore(%arg7 : memref<!tpu.dma_semaphore, #tpu.memory_space<semaphore_mem>>) src(%dma_wait3A_54 : memref<32x128xf32, #tpu.memory_space<hbm>>) dst(%dma_wait3A_51 : memref<32x128xf32, #tpu.memory_space<vmem>>)
    %dma_wait3A_55 = arith.constant 13 : i32
    %dma_wait3A_56 = arith.constant 0 : i32
    %dma_wait3A_57 = tpu.memref_slice %arg6[%dma_wait3A_55, %dma_wait3A_56] : memref<845x128xf32, #tpu.memory_space<vmem>> -> memref<32x128xf32, #tpu.memory_space<vmem>>
    %dma_wait3A_58 = arith.constant 0 : i32
    %dma_wait3A_59 = arith.constant 0 : i32
    %dma_wait3A_60 = tpu.memref_slice %arg3[%dma_wait3A_58, %dma_wait3A_59] : memref<39x4096xf32, #tpu.memory_space<hbm>> -> memref<32x128xf32, #tpu.memory_space<hbm>>
    %dma_wait3A_61 = arith.constant 13 : i32
    %dma_wait3A_62 = arith.constant 0 : i32
    %dma_wait3A_63 = tpu.memref_slice %arg6[%dma_wait3A_61, %dma_wait3A_62] : memref<845x128xf32, #tpu.memory_space<vmem>> -> memref<32x128xf32, #tpu.memory_space<vmem>>
    %dma_wait3A_64 = arith.constant 0 : i32
    %dma_wait3A_65 = arith.constant 0 : i32
    %dma_wait3A_66 = tpu.memref_slice %arg3[%dma_wait3A_64, %dma_wait3A_65] : memref<39x4096xf32, #tpu.memory_space<hbm>> -> memref<32x128xf32, #tpu.memory_space<hbm>>
    tpu.wait_dma2 semaphore(%arg7 : memref<!tpu.dma_semaphore, #tpu.memory_space<semaphore_mem>>) src(%dma_wait3A_66 : memref<32x128xf32, #tpu.memory_space<hbm>>) dst(%dma_wait3A_63 : memref<32x128xf32, #tpu.memory_space<vmem>>)
    %dma_wait3A_67 = arith.constant 13 : i32
    %dma_wait3A_68 = arith.constant 0 : i32
    %dma_wait3A_69 = tpu.memref_slice %arg6[%dma_wait3A_67, %dma_wait3A_68] : memref<845x128xf32, #tpu.memory_space<vmem>> -> memref<32x128xf32, #tpu.memory_space<vmem>>
    %dma_wait3A_70 = arith.constant 0 : i32
    %dma_wait3A_71 = arith.constant 0 : i32
    %dma_wait3A_72 = tpu.memref_slice %arg3[%dma_wait3A_70, %dma_wait3A_71] : memref<39x4096xf32, #tpu.memory_space<hbm>> -> memref<32x128xf32, #tpu.memory_space<hbm>>
    %dma_wait3A_73 = arith.constant 13 : i32
    %dma_wait3A_74 = arith.constant 0 : i32
    %dma_wait3A_75 = tpu.memref_slice %arg6[%dma_wait3A_73, %dma_wait3A_74] : memref<845x128xf32, #tpu.memory_space<vmem>> -> memref<32x128xf32, #tpu.memory_space<vmem>>
    %dma_wait3A_76 = arith.constant 0 : i32
    %dma_wait3A_77 = arith.constant 0 : i32
    %dma_wait3A_78 = tpu.memref_slice %arg3[%dma_wait3A_76, %dma_wait3A_77] : memref<39x4096xf32, #tpu.memory_space<hbm>> -> memref<32x128xf32, #tpu.memory_space<hbm>>
    tpu.wait_dma2 semaphore(%arg7 : memref<!tpu.dma_semaphore, #tpu.memory_space<semaphore_mem>>) src(%dma_wait3A_78 : memref<32x128xf32, #tpu.memory_space<hbm>>) dst(%dma_wait3A_75 : memref<32x128xf32, #tpu.memory_space<vmem>>)
    %dma_wait3A_79 = arith.constant 13 : i32
    %dma_wait3A_80 = arith.constant 0 : i32
    %dma_wait3A_81 = tpu.memref_slice %arg6[%dma_wait3A_79, %dma_wait3A_80] : memref<845x128xf32, #tpu.memory_space<vmem>> -> memref<32x128xf32, #tpu.memory_space<vmem>>
    %dma_wait3A_82 = arith.constant 0 : i32
    %dma_wait3A_83 = arith.constant 0 : i32
    %dma_wait3A_84 = tpu.memref_slice %arg3[%dma_wait3A_82, %dma_wait3A_83] : memref<39x4096xf32, #tpu.memory_space<hbm>> -> memref<32x128xf32, #tpu.memory_space<hbm>>
    %dma_wait3A_85 = arith.constant 13 : i32
    %dma_wait3A_86 = arith.constant 0 : i32
    %dma_wait3A_87 = tpu.memref_slice %arg6[%dma_wait3A_85, %dma_wait3A_86] : memref<845x128xf32, #tpu.memory_space<vmem>> -> memref<32x128xf32, #tpu.memory_space<vmem>>
    %dma_wait3A_88 = arith.constant 0 : i32
    %dma_wait3A_89 = arith.constant 0 : i32
    %dma_wait3A_90 = tpu.memref_slice %arg3[%dma_wait3A_88, %dma_wait3A_89] : memref<39x4096xf32, #tpu.memory_space<hbm>> -> memref<32x128xf32, #tpu.memory_space<hbm>>
    tpu.wait_dma2 semaphore(%arg7 : memref<!tpu.dma_semaphore, #tpu.memory_space<semaphore_mem>>) src(%dma_wait3A_90 : memref<32x128xf32, #tpu.memory_space<hbm>>) dst(%dma_wait3A_87 : memref<32x128xf32, #tpu.memory_space<vmem>>)
    %dma_wait3A_91 = arith.constant 13 : i32
    %dma_wait3A_92 = arith.constant 0 : i32
    %dma_wait3A_93 = tpu.memref_slice %arg6[%dma_wait3A_91, %dma_wait3A_92] : memref<845x128xf32, #tpu.memory_space<vmem>> -> memref<32x128xf32, #tpu.memory_space<vmem>>
    %dma_wait3A_94 = arith.constant 0 : i32
    %dma_wait3A_95 = arith.constant 0 : i32
    %dma_wait3A_96 = tpu.memref_slice %arg3[%dma_wait3A_94, %dma_wait3A_95] : memref<39x4096xf32, #tpu.memory_space<hbm>> -> memref<32x128xf32, #tpu.memory_space<hbm>>
    %dma_wait3A_97 = arith.constant 13 : i32
    %dma_wait3A_98 = arith.constant 0 : i32
    %dma_wait3A_99 = tpu.memref_slice %arg6[%dma_wait3A_97, %dma_wait3A_98] : memref<845x128xf32, #tpu.memory_space<vmem>> -> memref<32x128xf32, #tpu.memory_space<vmem>>
    %dma_wait3A_100 = arith.constant 0 : i32
    %dma_wait3A_101 = arith.constant 0 : i32
    %dma_wait3A_102 = tpu.memref_slice %arg3[%dma_wait3A_100, %dma_wait3A_101] : memref<39x4096xf32, #tpu.memory_space<hbm>> -> memref<32x128xf32, #tpu.memory_space<hbm>>
    tpu.wait_dma2 semaphore(%arg7 : memref<!tpu.dma_semaphore, #tpu.memory_space<semaphore_mem>>) src(%dma_wait3A_102 : memref<32x128xf32, #tpu.memory_space<hbm>>) dst(%dma_wait3A_99 : memref<32x128xf32, #tpu.memory_space<vmem>>)
    "tpu.region"() ({
      %run_scoped3A = tpu.sem_alloc : memref<!tpu.dma_semaphore, #tpu.memory_space<semaphore_mem>>
      %dma_start3A = arith.constant 0 : i32
      %dma_start3A_103 = tpu.memref_slice %arg4[%dma_start3A, %mul3A_2] : memref<845x4096xf32, #tpu.memory_space<hbm>> -> memref<845x128xf32, #tpu.memory_space<hbm>>
      %dma_start3A_104 = arith.constant 0 : i32
      %dma_start3A_105 = tpu.memref_slice %arg4[%dma_start3A_104, %mul3A_2] : memref<845x4096xf32, #tpu.memory_space<hbm>> -> memref<845x128xf32, #tpu.memory_space<hbm>>
      tpu.enqueue_dma source(%arg6 : memref<845x128xf32, #tpu.memory_space<vmem>>) target(%dma_start3A_105 : memref<845x128xf32, #tpu.memory_space<hbm>>) target_semaphore(%run_scoped3A : memref<!tpu.dma_semaphore, #tpu.memory_space<semaphore_mem>>)
      %dma_wait3A_106 = arith.constant 0 : i32
      %dma_wait3A_107 = tpu.memref_slice %arg4[%dma_wait3A_106, %mul3A_2] : memref<845x4096xf32, #tpu.memory_space<hbm>> -> memref<845x128xf32, #tpu.memory_space<hbm>>
      %dma_wait3A_108 = arith.constant 0 : i32
      %dma_wait3A_109 = tpu.memref_slice %arg4[%dma_wait3A_108, %mul3A_2] : memref<845x4096xf32, #tpu.memory_space<hbm>> -> memref<845x128xf32, #tpu.memory_space<hbm>>
      tpu.wait_dma2 semaphore(%run_scoped3A : memref<!tpu.dma_semaphore, #tpu.memory_space<semaphore_mem>>) src(%arg6 : memref<845x128xf32, #tpu.memory_space<vmem>>) dst(%dma_wait3A_109 : memref<845x128xf32, #tpu.memory_space<hbm>>)
      tpu.yield
    }) : () -> ()
    return
  }
}

</mosaic_0001>

<sc_bundles>
// kernel: kernel.3.cloned.1.call-start
scs
__scs_entry_jumppad:
0x0: {  	(pc) =	sbr.rel $0x88, $3  }
0x1: {  	(tag) =	ssettag $0x0;
	lr =	simm.s32 $0x1  }
0x2: {  	[smem:$0x3F9F] =	sst lr;
	_ =	strace $0xD0000000  }
0x3: {  	_ = 	snop  }
0x4: {  	_ = 	snop  }
0x5: {  	_ = 	snop  }
0x6: {  	_ = 	snop  }
0x7: {  	_ = 	snop  }
__scs_overlays_trampoline_lowered:
0x8: {  	[smem:$0x3FAE] =	sst s0  }
0x9: {  	[smem:$0x3FAF] =	sst s1  }
0xa: {  	[smem:$0x3FB0] =	sst s2  }
0xb: {  	[smem:$0x3FB1] =	sst s3  }
0xc: {  	[smem:$0x3FB2] =	sst s4  }
0xd: {  	[smem:$0x3FB3] =	sst s5  }
0xe: {  	[smem:$0x3FB4] =	sst s6  }
0xf: {  	[smem:$0x3FB5] =	sst s7  }
0x10: {  	[smem:$0x3FB6] =	sst s8  }
0x11: {  	[smem:$0x3FB7] =	sst s9;
	s0 =	simm.s32 @!p0 $0x0  }
0x12: {  	s1 =	sld [smem:$0x3F9D];
	s0 =	simm.s32 @p0 $0x1  }
0x13: {  	[smem:$0x3FB8] =	sst s0;
	s0 =	simm.s32 @!p1 $0x0  }
0x14: {  	s2 =	sld [smem:$0x3F9C];
	s0 =	simm.s32 @p1 $0x1  }
0x15: {  	[smem:$0x3FB9] =	sst s0;
	s0 =	simm.s32 @!p2 $0x0  }
0x16: {  	s3 =	sld [smem:$0x3FDB];
	s0 =	simm.s32 @p2 $0x1  }
0x17: {  	s4 =	simm.s32 $0x1BF5;
	[smem:$0x3FBB] =	sst s0  }
0x18: {  	s0 =	sld [smem:$0x3F9E];
	_ =	swait.ge [sflag:s4], $0x0  }
0x19: {  	s7 =	sld [smem:$0x3F9F]  }
0x1a: {  	s8 =	sadd.s32 $0xFFFFE003, lr  }
0x1b: {  	s9 =	sadd.s32 $0xFFFFFEF7, lr;
	s5 =	simm.s32 $0xFFFFFFFF;
	p2 =	slt.u32 s8, $0xFFFFF086  }
0x1c: {  	p1 =	slt.u32 s9, $0xF7A;
	s5 =	simm.s32 @!p2 $0x0  }
0x1d: {  	s5 =	simm.s32 @p1 $0x1;
	p0 =	seq.s32 s7, s2  }
0x1e: {  	s7 =	smul.u32 @!p0 $0xF7A, s2;
	p2 =	seq.s32 @!p0 s5, $0x0  }
0x1f: {  	s9 =	smul.u32 $0xF7A, s1;
	s8 =	simm.s32 @!p0 $0x1BF5;
	p2 =	por !p2, p0  }
0x20: {  	[sflag:s8] =	ssyncset.s32 @!p0 $0xFFFFF086;
	s6 =	sadd.s32 @!p0 s3, s7;
	s7 =	simm.s32 @!p0 $0x108  }
0x21: {  	s3 =	sadd.s32 s3, s9;
	s6 =	sadd.s32 @!p0 $0x88, s6;
	s7 =	simm.s32 @p2 $0x1082  }
0x22: {  	[simem:s7], [sflag:s8] =	dma.local @!p0 [hbm:s6], $0xF7A  }
0x23: {  	s9 =	sor.u32 $0xD0000000, s2;
	s6 =	simm.s32 $0x108;
	_ =	swait.ge @!p0 [sflag:s8], $0x0  }
0x24: {  	s3 =	sadd.s32 $0x88, s3;
	s6 =	simm.s32 @!p1 $0x1082;
	[sflag:s4] =	ssyncset.s32 $0xFFFFF086  }
0x25: {  	[simem:s6], [sflag:s4] =	dma.local [hbm:s3], $0xF7A  }
0x26: {  	[smem:$0x3F9F] =	sst s1;
	(tag) =	ssettag s2;
	_ =	strace s9  }
0x27: {  	s1 =	sld [smem:$0x3FAF]  }
0x28: {  	s2 =	sld [smem:$0x3FB0]  }
0x29: {  	s4 =	sld [smem:$0x3FB2]  }
0x2a: {  	p0 =	seq.s32 s5, $0x0;
	s5 =	sld [smem:$0x3FB3]  }
0x2b: {  	s6 =	sld [smem:$0x3FB4]  }
0x2c: {  	s7 =	sld [smem:$0x3FB5]  }
0x2d: {  	s3 =	simm.s32 $0x108;
	s8 =	sld [smem:$0x3FB6]  }
0x2e: {  	s3 =	simm.s32 @!p0 $0x1082;
	s9 =	sld [smem:$0x3FB7]  }
0x2f: {  	lr =	sadd.s32 s0, s3;
	s0 =	sld [smem:$0x3FAE]  }
0x30: {  	s3 =	sld [smem:$0x3FB1]  }
0x31: {  	[smem:$0x3FBA] =	sst s10  }
0x32: {  	s10 =	sld [smem:$0x3FB8];
	_ =	sdelay $0x3  }
0x33: {  	p0 =	seq.s32 s10, $0x1;
	s10 =	sld [smem:$0x3FBA];
	_ =	sdelay $0x3  }
0x34: {  	[smem:$0x3FBA] =	sst s10  }
0x35: {  	s10 =	sld [smem:$0x3FB9];
	_ =	sdelay $0x3  }
0x36: {  	p1 =	seq.s32 s10, $0x1;
	s10 =	sld [smem:$0x3FBA];
	_ =	sdelay $0x3  }
0x37: {  	[smem:$0x3FBA] =	sst s10  }
0x38: {  	s10 =	sld [smem:$0x3FBB]  }
0x39: {  	_ = 	snop;
	(pc) =	sbr.ind lr, $3  }
0x3a: {  	_ = 	snop  }
0x3b: {  	_ = 	snop  }
0x3c: {  	p2 =	seq.s32 s10, $0x1;
	s10 =	sld [smem:$0x3FBA]  }
0x3d: {  	_ =	shalt  }
0x3e: {  	_ =	shalt  }
0x3f: {  	_ =	shalt  }
0x40: {  	_ =	shalt  }
0x41: {  	_ =	shalt  }
0x42: {  	_ =	shalt  }
0x43: {  	_ =	shalt  }
0x44: {  	_ =	shalt  }
0x45: {  	_ =	shalt  }
0x46: {  	_ =	shalt  }
0x47: {  	_ =	shalt  }
0x48: {  	_ =	shalt  }
0x49: {  	_ =	shalt  }
0x4a: {  	_ =	shalt  }
0x4b: {  	_ =	shalt  }
0x4c: {  	_ =	shalt  }
0x4d: {  	_ =	shalt  }
0x4e: {  	_ =	shalt  }
0x4f: {  	_ =	shalt  }
0x50: {  	_ =	shalt  }
0x51: {  	_ =	shalt  }
0x52: {  	_ =	shalt  }
0x53: {  	_ =	shalt  }
0x54: {  	_ =	shalt  }
0x55: {  	_ =	shalt  }
0x56: {  	_ =	shalt  }
0x57: {  	_ =	shalt  }
0x58: {  	_ =	shalt  }
0x59: {  	_ =	shalt  }
0x5a: {  	_ =	shalt  }
0x5b: {  	_ =	shalt  }
0x5c: {  	_ =	shalt  }
0x5d: {  	_ =	shalt  }
0x5e: {  	_ =	shalt  }
0x5f: {  	_ =	shalt  }
0x60: {  	_ =	shalt  }
0x61: {  	_ =	shalt  }
0x62: {  	_ =	shalt  }
0x63: {  	_ =	shalt  }
0x64: {  	_ =	shalt  }
0x65: {  	_ =	shalt  }
0x66: {  	_ =	shalt  }
0x67: {  	_ =	shalt  }
0x68: {  	_ =	shalt  }
0x69: {  	_ =	shalt  }
0x6a: {  	_ =	shalt  }
0x6b: {  	_ =	shalt  }
0x6c: {  	_ =	shalt  }
0x6d: {  	_ =	shalt  }
0x6e: {  	_ =	shalt  }
0x6f: {  	_ =	shalt  }
0x70: {  	_ =	shalt  }
0x71: {  	_ =	shalt  }
0x72: {  	_ =	shalt  }
0x73: {  	_ =	shalt  }
0x74: {  	_ =	shalt  }
0x75: {  	_ =	shalt  }
0x76: {  	_ =	shalt  }
0x77: {  	_ =	shalt  }
0x78: {  	_ =	shalt  }
0x79: {  	_ =	shalt  }
0x7a: {  	_ =	shalt  }
0x7b: {  	_ =	shalt  }
0x7c: {  	_ =	shalt  }
0x7d: {  	_ =	shalt  }
0x7e: {  	_ =	shalt  }
0x7f: {  	_ =	shalt  }
0x80: {  	_ =	shalt  }
0x81: {  	_ =	shalt  }
0x82: {  	_ =	shalt  }
0x83: {  	_ =	shalt  }
0x84: {  	_ =	shalt  }
0x85: {  	_ =	shalt  }
0x86: {  	_ =	shalt  }
0x87: {  	_ =	shalt  }
.Lfunc_end0:
.L_simem_size_0:
called_computation_lowered:
.L_overlay_start_0:
0x88: {  	s2 =	sld [smem:$0x3FD9]  }
0x89: {  	s3 =	sld [smem:$0x3FFE];
	_ =	sdelay $0x1  }
0x8a: {  	s1 =	srdreg.scid  }
0x8b: {  	s0 =	sand.u32 $0x1, s1  }
0x8c: {  	s17 =	sshll.u32 s0, $0xA;
	s2 =	sadd.s32 s3, s2  }
0x8d: {  	s2 =	sadd.s32 s2, s17  }
0x8e: {  	[smem:$0x3FC6] =	sst s2  }
0x8f: {  	_ = 	snop  }
0x90: {  	s2 =	sld [smem:$0x3FD0];
	(tm) =	ssettm $0x1  }
0x91: {  	s18 =	sld [smem:$0x3FFB];
	_ =	sdelay $0x3  }
0x92: {  	_ =	strace s18  }
0x93: {  	s3 =	sld [smem:$0x3FFC];
	_ =	sdelay $0x3  }
0x94: {  	_ =	strace s3  }
0x95: {  	s3 =	sld [smem:$0x3FFD];
	_ =	sdelay $0x3  }
0x96: {  	_ =	strace s3  }
0x97: {  	_ =	strace $0x8FFFFFFF  }
0x98: {  	s19 =	sld [smem:$0x3FDB];
	_ =	sdelay $0x1  }
0x99: {  	s4 =	simm.s32 $_scs_section_size  }
0x9a: {  	s5 =	simm.s32 $_size__tile_overlayer_lowered;
	s6 =	simm.s32 $_tile_overlayer_lowered  }
0x9b: {  	s22 =	simm.s32 $0x1BFF;
	s21 =	sshll.u32 s6, $0x1;
	s3 =	sadd.s32 s4, s19  }
0x9c: {  	s7 =	simm.s32 $0x0;
	s20 =	sshll.u32 s5, $0x1;
	s5 =	sadd.s32 s21, s3  }
0x9d: {  	[timem:s7], [sflag:s22] =	dma.local [hbm:s5], s20  }
0x9e: {  	_ =	swait.ge [sflag:s22], s20  }
0x9f: {  	s4 =	ssub.s32 $0x0, s20;
	[sflag:s22] =	ssyncset.done $0x0  }
0xa0: {  	[sflag:s22] =	ssyncadd.s32 s4;
	_ =	sdelay $0x1  }
0xa1: {  	s23 =	simm.s32 $0x1B8B  }
0xa2: {  	_ =	swait.ge [sflag:s23], $0x1  }
0xa3: {  	[sflag:s23] =	ssyncset.done $0x0  }
0xa4: {  	s25 =	simm.s32 $0x1B8E;
	s24 =	sld [smem:$0x3FFE];
	[sflag:s23] =	ssyncadd.s32 $0xFFFFFFFF  }
0xa5: {  	s26 =	simm.s32 $execute0_lowered;
	[smem:$0x3FD2] =	sst s25  }
0xa6: {  	s5 =	sshll.u32 s26, $0x1;
	_ =	strace $0x80000046;
	[dreg:$0x1] =	wrdreg $0xFFFFFFFF  }
0xa7: {  	s28 =	simm.s32 $_size_execute0_lowered;
	s3 =	sadd.s32 s3, s5;
	[dreg:$0x0] =	wrdreg $0x0  }
0xa8: {  	s5 =	sshll.u32 s28, $0x1;
	[dreg:$0x2] =	wrdreg s3  }
0xa9: {  	[dreg:$0x3] =	wrdreg s5  }
0xaa: {  	[dreg:$0x4] =	wrdreg $0xC0  }
0xab: {  	_ =	task [dreg:s7], $0x5FFFF  }
0xac: {  	[dreg:$0x1] =	wrdreg $0xFFFFFFFF  }
0xad: {  	[dreg:$0x0] =	wrdreg $0x60  }
0xae: {  	[dreg:$0x2] =	wrdreg s24  }
0xaf: {  	[dreg:$0x3] =	wrdreg s2  }
0xb0: {  	[dreg:$0x4] =	wrdreg $0x9  }
0xb1: {  	_ =	task.clear_ibuf [dreg:s7], $0x5FFFF;
	_ =	strace $0x90000046  }
0xb2: {  	s29 =	simm.s32 $0x9;
	_ =	strace $0x80000048  }
0xb3: {  	_ =	swait.ge [sflag:s29], $0x1  }
0xb4: {  	[sflag:s29] =	ssyncadd.s32 $0xFFFFFFFF  }
0xb5: {  	_ =	strace $0x90000048  }
0xb6: {  	_ =	sfence  }
0xb7: {  	s30 =	sld [smem:$0x0];
	_ =	sdelay $0x2  }
0xb8: {  	s31 =	sshll.u32 s1, $0xD;
	s1 =	sshrl.u32 s1, $0x2  }
0xb9: {  	s3 =	sand.u32 $0x4000, s31;
	s1 =	sadd.s32 s1, s30  }
0xba: {  	s0 =	sor.u32 s3, s0;
	s1 =	sshll.u32 s1, $0x11  }
0xbb: {  	s0 =	sor.u32 s1, s0  }
0xbc: {  	s0 =	sadd.s32 $0x8F2B, s0  }
0xbd: {  	[sflag:s0] =	ssyncadd.remote.s32 $0x1  }
0xbe: {  	_ =	sfence.sel $0xFFFF  }
0xbf: {  	[dreg:$0x0] =	wrdreg $0xFFFFFFFF;
	(pc) =	sbr.abs _section_cstart, $3  }
0xc0: {  	[dreg:$0x1] =	wrdreg $0xFFFFFFFF  }
0xc1: {  	_ =	task.clear_ibuf [dreg:s7], $0x2FFFF;
	_ =	strace $0x9FFFFFFF  }
0xc2: {  	(tm) =	ssettm $0x7FFFFFFF  }
0xc3: {  	_ =	shalt  }
tec
execute0_lowered:
.L_overlay_start_1:
0x0: {  	(tag) =	ssettag $0x1  }
0x1: {  	s0 =	rddreg [dreg:$0x0]  }
0x2: {  	s1 =	rddreg [dreg:$0x1]  }
0x3: {  	s10 =	simm.s32 $0x0;
	s3 =	srdreg.scid;
	s2 =	stileid.u32  }
0x4: {  	[smem:$0x7FF] =	sst s10;
	s3 =	sand.u32 $0x1, s3;
	s4 =	sshll.u32 s2, $0x5  }
0x5: {  	s2 =	simm.s32 $0x1000;
	_ =	strace $0x80000047;
	s5 =	sshll.u32 s3, $0x4  }
0x6: {  	s6 =	ssub.s32 $0x2, s3;
	s3 =	sadd.s32 $0x400, s0;
	s4 =	sor.u32 s5, s4  }
0x7: {  	s30 =	sshrl.u32 s6, $0x1;
	s0 =	sadd.s32 s4, s0;
	s1 =	sadd.s32 s1, s4  }
0x8: {  	s5 =	ssub.s32 s6, s30;
	[dreg:$0x9] =	wrdreg s1;
	s1 =	sadd.s32 $0x1A00, s1  }
0x9: {  	s4 =	simm.s32 $0x2;
	s0 =	sadd.s32 $0x9EB600, s0;
	[dreg:$0xa] =	wrdreg s1  }
0xa: {  	s6 =	simm.s32 $0x0;
	s31 =	smax.u32 s5, $0x1;
	[dreg:$0xb] =	wrdreg s0  }
0xb: {  	vm0 =	vmmov $0xffff;
	s5 =	simm.s32 $0xD00;
	[dreg:$0xc] =	wrdreg s31;
	s1 =	simm.s32 $0x80  }
.LBB2_1:
0xc: {  	[dreg:$0xd] =	wrdreg s6  }
0xd: {  	s0 =	rddreg [dreg:$0xa]  }
0xe: {  	[tilespmem:s10], [sflag:$0x2] =	stream.strided.gather [hbm4b:s0+s1], $0xD00, s2, s1, $0x38;
	[tilespmem:$0x1B380] =	vst v63  }
0xf: {  	_ =	swait.ge [sflag:s4], $0xD00  }
0x10: {  	[sflag:s4] =	ssyncset.done $0x0  }
0x11: {  	s7 =	rddreg [dreg:$0x9];
	[sflag:s4] =	ssyncadd.s32 $0xFFFFF300  }
0x12: {  	[tilespmem:s5], [sflag:$0x2] =	stream.strided.gather [hbm4b:s7+s1], $0x680, s2, s1, $0x38;
	[tilespmem:$0x1B380] =	vst v63  }
0x13: {  	_ =	swait.ge [sflag:s4], $0x680  }
0x14: {  	s8 =	simm.s32 $0x0;
	[sflag:s4] =	ssyncset.done $0x0  }
0x15: {  	s9 =	sand.u32 $0x3FFFFF80, s8;
	[sflag:s4] =	ssyncadd.s32 $0xFFFFF980  }
0x16: {  	v0 =	vld [tilespmem:s9+$0x0];
	_ =	sdelay $0x1  }
0x17: {  	v1 =	vld [tilespmem:s9+$0x10];
	_ =	sdelay $0x1  }
0x18: {  	v2 =	vld [tilespmem:s9+$0x20]  }
0x19: {  	v0 =	vtrunc.f32 v0  }
0x1a: {  	s25 =	smul.u32 $0x30D400, s10;
	v3 =	vld [tilespmem:s9+$0x30];
	v0 =	vcvt.f32.s32 v0  }
0x1b: {  	v1 =	vtrunc.f32 v1  }
0x1c: {  	s14 =	simm.s32 $0x0;
	v4 =	vld [tilespmem:s9+$0x40];
	v1 =	vcvt.f32.s32 v1;
	v5 =	vadd.s32 s25, v0  }
0x1d: {  	s0 =	sor.u32 $0xD, s14;
	v2 =	vtrunc.f32 v2  }
0x1e: {  	s11 =	sshll.u32 s0, $0x7;
	v6 =	vld [tilespmem:s9+$0x50];
	v2 =	vcvt.f32.s32 v2;
	v7 =	vadd.s32 s25, v1  }
0x1f: {  	s4 =	sand.u32 $0x3FFFF680, s11;
	v3 =	vtrunc.f32 v3  }
0x20: {  	v9 =	vld [tilespmem:s9+$0x60];
	s12 =	sadd.s32 $0xD00, s4;
	v3 =	vcvt.f32.s32 v3;
	v10 =	vadd.s32 s25, v2  }
0x21: {  	v8 =	vld [tilespmem:s9+$0x70];
	v4 =	vtrunc.f32 v4;
	[tilespmem:s12], [sflag:$0x1] =	stream.indirect_vreg.gather [hbm4b:s3+s10], $0x1, v5, vm0, $0xb8  }
0x22: {  	s13 =	sadd.s32 $0xD10, s4;
	v4 =	vcvt.f32.s32 v4;
	v11 =	vadd.s32 s25, v3  }
0x23: {  	v21 =	vtrunc.f32 v6;
	[tilespmem:s13], [sflag:$0x1] =	stream.indirect_vreg.gather [hbm4b:s3+s10], $0x1, v7, vm0, $0xb8;
	[tilespmem:$0x1B380] =	vst v63  }
0x24: {  	s15 =	sadd.s32 $0xD20, s4;
	v12 =	vadd.s32 s25, v4;
	v5 =	vcvt.f32.s32 v21  }
0x25: {  	v22 =	vtrunc.f32 v9;
	[tilespmem:s15], [sflag:$0x1] =	stream.indirect_vreg.gather [hbm4b:s3+s10], $0x1, v10, vm0, $0xb8;
	[tilespmem:$0x1B380] =	vst v63  }
0x26: {  	s16 =	sadd.s32 $0xD30, s4;
	v6 =	vcvt.f32.s32 v22;
	v23 =	vadd.s32 s25, v5  }
0x27: {  	v24 =	vtrunc.f32 v8;
	[tilespmem:s16], [sflag:$0x1] =	stream.indirect_vreg.gather [hbm4b:s3+s10], $0x1, v11, vm0, $0xb8;
	[tilespmem:$0x1B380] =	vst v63  }
0x28: {  	s17 =	sadd.s32 $0xD40, s4;
	v25 =	vadd.s32 s25, v6;
	v7 =	vcvt.f32.s32 v24  }
0x29: {  	[tilespmem:s17], [sflag:$0x1] =	stream.indirect_vreg.gather [hbm4b:s3+s10], $0x1, v12, vm0, $0xb8;
	[tilespmem:$0x1B380] =	vst v63  }
0x2a: {  	s19 =	sadd.s32 $0x186A0, s25;
	s18 =	sadd.s32 $0xD50, s4;
	v26 =	vadd.s32 s25, v7;
	s16 =	sor.u32 $0xE, s14  }
0x2b: {  	[tilespmem:s18], [sflag:$0x1] =	stream.indirect_vreg.gather [hbm4b:s3+s10], $0x1, v23, vm0, $0xb8;
	[tilespmem:$0x1B380] =	vst v63  }
0x2c: {  	s21 =	sadd.s32 $0xD60, s4;
	v27 =	vadd.s32 s19, v0;
	s20 =	sshll.u32 s16, $0x7  }
0x2d: {  	[tilespmem:s21], [sflag:$0x1] =	stream.indirect_vreg.gather [hbm4b:s3+s10], $0x1, v25, vm0, $0xb8;
	[tilespmem:$0x1B380] =	vst v63  }
0x2e: {  	s4 =	sadd.s32 $0xD70, s4;
	v28 =	vadd.s32 s19, v1;
	s1 =	sand.u32 $0x3FFFF700, s20  }
0x2f: {  	[tilespmem:s4], [sflag:$0x1] =	stream.indirect_vreg.gather [hbm4b:s3+s10], $0x1, v26, vm0, $0xb8;
	[tilespmem:$0x1B380] =	vst v63  }
0x30: {  	v29 =	vadd.s32 s19, v2;
	s22 =	sadd.s32 $0xD00, s1  }
0x31: {  	[tilespmem:s22], [sflag:$0x1] =	stream.indirect_vreg.gather [hbm4b:s3+s10], $0x1, v27, vm0, $0xb8;
	[tilespmem:$0x1B380] =	vst v63  }
0x32: {  	v30 =	vadd.s32 s19, v3;
	s23 =	sadd.s32 $0xD10, s1  }
0x33: {  	[tilespmem:s23], [sflag:$0x1] =	stream.indirect_vreg.gather [hbm4b:s3+s10], $0x1, v28, vm0, $0xb8;
	[tilespmem:$0x1B380] =	vst v63  }
0x34: {  	v31 =	vadd.s32 s19, v4;
	s24 =	sadd.s32 $0xD20, s1  }
0x35: {  	[tilespmem:s24], [sflag:$0x1] =	stream.indirect_vreg.gather [hbm4b:s3+s10], $0x1, v29, vm0, $0xb8;
	[tilespmem:$0x1B380] =	vst v63  }
0x36: {  	v32 =	vadd.s32 s19, v5;
	s26 =	sadd.s32 $0xD30, s1  }
0x37: {  	[tilespmem:s26], [sflag:$0x1] =	stream.indirect_vreg.gather [hbm4b:s3+s10], $0x1, v30, vm0, $0xb8;
	[tilespmem:$0x1B380] =	vst v63  }
0x38: {  	v33 =	vadd.s32 s19, v6;
	s28 =	sadd.s32 $0xD40, s1  }
0x39: {  	[tilespmem:s28], [sflag:$0x1] =	stream.indirect_vreg.gather [hbm4b:s3+s10], $0x1, v31, vm0, $0xb8;
	[tilespmem:$0x1B380] =	vst v63  }
0x3a: {  	s30 =	sadd.s32 $0x30D40, s25;
	v34 =	vadd.s32 s19, v7;
	s17 =	sor.u32 $0xF, s14;
	s29 =	sadd.s32 $0xD50, s1  }
0x3b: {  	[tilespmem:s29], [sflag:$0x1] =	stream.indirect_vreg.gather [hbm4b:s3+s10], $0x1, v32, vm0, $0xb8;
	[tilespmem:$0x1B380] =	vst v63  }
0x3c: {  	v35 =	vadd.s32 s30, v0;
	s31 =	sshll.u32 s17, $0x7;
	s2 =	sadd.s32 $0xD60, s1  }
0x3d: {  	[tilespmem:s2], [sflag:$0x1] =	stream.indirect_vreg.gather [hbm4b:s3+s10], $0x1, v33, vm0, $0xb8;
	[tilespmem:$0x1B380] =	vst v63  }
0x3e: {  	v36 =	vadd.s32 s30, v1;
	s1 =	sadd.s32 $0xD70, s1;
	s4 =	sand.u32 $0x3FFFF780, s31  }
0x3f: {  	[tilespmem:s1], [sflag:$0x1] =	stream.indirect_vreg.gather [hbm4b:s3+s10], $0x1, v34, vm0, $0xb8;
	[tilespmem:$0x1B380] =	vst v63  }
0x40: {  	v37 =	vadd.s32 s30, v2;
	s6 =	sadd.s32 $0xD00, s4  }
0x41: {  	[tilespmem:s6], [sflag:$0x1] =	stream.indirect_vreg.gather [hbm4b:s3+s10], $0x1, v35, vm0, $0xb8;
	[tilespmem:$0x1B380] =	vst v63  }
0x42: {  	v38 =	vadd.s32 s30, v3;
	s7 =	sadd.s32 $0xD10, s4  }
0x43: {  	[tilespmem:s7], [sflag:$0x1] =	stream.indirect_vreg.gather [hbm4b:s3+s10], $0x1, v36, vm0, $0xb8;
	[tilespmem:$0x1B380] =	vst v63  }
0x44: {  	v39 =	vadd.s32 s30, v4;
	s8 =	sadd.s32 $0xD20, s4  }
0x45: {  	[tilespmem:s8], [sflag:$0x1] =	stream.indirect_vreg.gather [hbm4b:s3+s10], $0x1, v37, vm0, $0xb8;
	[tilespmem:$0x1B380] =	vst v63  }
0x46: {  	v40 =	vadd.s32 s30, v5;
	s9 =	sadd.s32 $0xD30, s4  }
0x47: {  	[tilespmem:s9], [sflag:$0x1] =	stream.indirect_vreg.gather [hbm4b:s3+s10], $0x1, v38, vm0, $0xb8;
	[tilespmem:$0x1B380] =	vst v63  }
0x48: {  	v41 =	vadd.s32 s30, v6;
	s11 =	sadd.s32 $0xD40, s4  }
0x49: {  	[tilespmem:s11], [sflag:$0x1] =	stream.indirect_vreg.gather [hbm4b:s3+s10], $0x1, v39, vm0, $0xb8;
	[tilespmem:$0x1B380] =	vst v63  }
0x4a: {  	s13 =	sadd.s32 $0x493E0, s25;
	v42 =	vadd.s32 s30, v7;
	s18 =	sor.u32 $0x10, s14;
	s12 =	sadd.s32 $0xD50, s4  }
0x4b: {  	[tilespmem:s12], [sflag:$0x1] =	stream.indirect_vreg.gather [hbm4b:s3+s10], $0x1, v40, vm0, $0xb8;
	[tilespmem:$0x1B380] =	vst v63  }
0x4c: {  	v43 =	vadd.s32 s13, v0;
	s15 =	sshll.u32 s18, $0x7;
	s19 =	sadd.s32 $0xD60, s4  }
0x4d: {  	[tilespmem:s19], [sflag:$0x1] =	stream.indirect_vreg.gather [hbm4b:s3+s10], $0x1, v41, vm0, $0xb8;
	[tilespmem:$0x1B380] =	vst v63  }
0x4e: {  	v44 =	vadd.s32 s13, v1;
	s4 =	sadd.s32 $0xD70, s4;
	s1 =	sand.u32 $0x3FFFF800, s15  }
0x4f: {  	[tilespmem:s4], [sflag:$0x1] =	stream.indirect_vreg.gather [hbm4b:s3+s10], $0x1, v42, vm0, $0xb8;
	[tilespmem:$0x1B380] =	vst v63  }
0x50: {  	v45 =	vadd.s32 s13, v2;
	s20 =	sadd.s32 $0xD00, s1  }
0x51: {  	[tilespmem:s20], [sflag:$0x1] =	stream.indirect_vreg.gather [hbm4b:s3+s10], $0x1, v43, vm0, $0xb8;
	[tilespmem:$0x1B380] =	vst v63  }
0x52: {  	v46 =	vadd.s32 s13, v3;
	s21 =	sadd.s32 $0xD10, s1  }
0x53: {  	[tilespmem:s21], [sflag:$0x1] =	stream.indirect_vreg.gather [hbm4b:s3+s10], $0x1, v44, vm0, $0xb8;
	[tilespmem:$0x1B380] =	vst v63  }
0x54: {  	v47 =	vadd.s32 s13, v4;
	s22 =	sadd.s32 $0xD20, s1  }
0x55: {  	[tilespmem:s22], [sflag:$0x1] =	stream.indirect_vreg.gather [hbm4b:s3+s10], $0x1, v45, vm0, $0xb8;
	[tilespmem:$0x1B380] =	vst v63  }
0x56: {  	v48 =	vadd.s32 s13, v5;
	s23 =	sadd.s32 $0xD30, s1  }
0x57: {  	[tilespmem:s23], [sflag:$0x1] =	stream.indirect_vreg.gather [hbm4b:s3+s10], $0x1, v46, vm0, $0xb8;
	[tilespmem:$0x1B380] =	vst v63  }
0x58: {  	v49 =	vadd.s32 s13, v6;
	s24 =	sadd.s32 $0xD40, s1  }
0x59: {  	[tilespmem:s24], [sflag:$0x1] =	stream.indirect_vreg.gather [hbm4b:s3+s10], $0x1, v47, vm0, $0xb8;
	[tilespmem:$0x1B380] =	vst v63  }
0x5a: {  	v50 =	vadd.s32 s13, v7;
	s28 =	sadd.s32 $0x61A80, s25;
	s26 =	sadd.s32 $0xD50, s1;
	s19 =	sor.u32 $0x11, s14  }
0x5b: {  	[tilespmem:s26], [sflag:$0x1] =	stream.indirect_vreg.gather [hbm4b:s3+s10], $0x1, v48, vm0, $0xb8;
	[tilespmem:$0x1B380] =	vst v63  }
0x5c: {  	v51 =	vadd.s32 s28, v0;
	s30 =	sadd.s32 $0xD60, s1;
	s29 =	sshll.u32 s19, $0x7  }
0x5d: {  	[tilespmem:s30], [sflag:$0x1] =	stream.indirect_vreg.gather [hbm4b:s3+s10], $0x1, v49, vm0, $0xb8;
	[tilespmem:$0x1B380] =	vst v63  }
0x5e: {  	v52 =	vadd.s32 s28, v1;
	s1 =	sadd.s32 $0xD70, s1;
	s4 =	sand.u32 $0x3FFFF880, s29  }
0x5f: {  	[tilespmem:s1], [sflag:$0x1] =	stream.indirect_vreg.gather [hbm4b:s3+s10], $0x1, v50, vm0, $0xb8;
	[tilespmem:$0x1B380] =	vst v63  }
0x60: {  	v53 =	vadd.s32 s28, v2;
	s31 =	sadd.s32 $0xD00, s4  }
0x61: {  	[tilespmem:s31], [sflag:$0x1] =	stream.indirect_vreg.gather [hbm4b:s3+s10], $0x1, v51, vm0, $0xb8;
	[tilespmem:$0x1B380] =	vst v63  }
0x62: {  	v54 =	vadd.s32 s28, v3;
	s2 =	sadd.s32 $0xD10, s4  }
0x63: {  	[tilespmem:s2], [sflag:$0x1] =	stream.indirect_vreg.gather [hbm4b:s3+s10], $0x1, v52, vm0, $0xb8;
	[tilespmem:$0x1B380] =	vst v63  }
0x64: {  	v55 =	vadd.s32 s28, v4;
	s6 =	sadd.s32 $0xD20, s4  }
0x65: {  	[tilespmem:s6], [sflag:$0x1] =	stream.indirect_vreg.gather [hbm4b:s3+s10], $0x1, v53, vm0, $0xb8;
	[tilespmem:$0x1B380] =	vst v63  }
0x66: {  	v56 =	vadd.s32 s28, v5;
	s7 =	sadd.s32 $0xD30, s4  }
0x67: {  	[tilespmem:s7], [sflag:$0x1] =	stream.indirect_vreg.gather [hbm4b:s3+s10], $0x1, v54, vm0, $0xb8;
	[tilespmem:$0x1B380] =	vst v63  }
0x68: {  	v57 =	vadd.s32 s28, v6;
	s8 =	sadd.s32 $0xD40, s4  }
0x69: {  	[tilespmem:s8], [sflag:$0x1] =	stream.indirect_vreg.gather [hbm4b:s3+s10], $0x1, v55, vm0, $0xb8;
	[tilespmem:$0x1B380] =	vst v63  }
0x6a: {  	v58 =	vadd.s32 s28, v7;
	s15 =	sor.u32 $0x12, s14;
	s9 =	sadd.s32 $0x7A120, s25;
	s11 =	sadd.s32 $0xD50, s4  }
0x6b: {  	[tilespmem:s11], [sflag:$0x1] =	stream.indirect_vreg.gather [hbm4b:s3+s10], $0x1, v56, vm0, $0xb8;
	[tilespmem:$0x1B380] =	vst v63  }
0x6c: {  	v59 =	vadd.s32 s9, v0;
	s12 =	sshll.u32 s15, $0x7;
	s13 =	sadd.s32 $0xD60, s4  }
0x6d: {  	[tilespmem:s13], [sflag:$0x1] =	stream.indirect_vreg.gather [hbm4b:s3+s10], $0x1, v57, vm0, $0xb8;
	[tilespmem:$0x1B380] =	vst v63  }
0x6e: {  	v60 =	vadd.s32 s9, v1;
	s5 =	sand.u32 $0x3FFFF900, s12;
	s4 =	sadd.s32 $0xD70, s4  }
0x6f: {  	[tilespmem:s4], [sflag:$0x1] =	stream.indirect_vreg.gather [hbm4b:s3+s10], $0x1, v58, vm0, $0xb8;
	[tilespmem:$0x1B380] =	vst v63  }
0x70: {  	v61 =	vadd.s32 s9, v2;
	s20 =	sadd.s32 $0xD00, s5  }
0x71: {  	[tilespmem:s20], [sflag:$0x1] =	stream.indirect_vreg.gather [hbm4b:s3+s10], $0x1, v59, vm0, $0xb8;
	[tilespmem:$0x1B380] =	vst v63  }
0x72: {  	v62 =	vadd.s32 s9, v3;
	s21 =	sadd.s32 $0xD10, s5  }
0x73: {  	[tilespmem:s21], [sflag:$0x1] =	stream.indirect_vreg.gather [hbm4b:s3+s10], $0x1, v60, vm0, $0xb8;
	[tilespmem:$0x1B380] =	vst v63  }
0x74: {  	v63 =	vadd.s32 s9, v4;
	s22 =	sadd.s32 $0xD20, s5  }
0x75: {  	[tilespmem:s22], [sflag:$0x1] =	stream.indirect_vreg.gather [hbm4b:s3+s10], $0x1, v61, vm0, $0xb8;
	[tilespmem:$0x1B380] =	vst v63  }
0x76: {  	v12 =	vadd.s32 s9, v5;
	s23 =	sadd.s32 $0xD30, s5  }
0x77: {  	[tilespmem:s23], [sflag:$0x1] =	stream.indirect_vreg.gather [hbm4b:s3+s10], $0x1, v62, vm0, $0xb8;
	[tilespmem:$0x1B380] =	vst v63  }
0x78: {  	v13 =	vadd.s32 s9, v6;
	s24 =	sadd.s32 $0xD40, s5  }
0x79: {  	[tilespmem:s24], [sflag:$0x1] =	stream.indirect_vreg.gather [hbm4b:s3+s10], $0x1, v63, vm0, $0xb8;
	[tilespmem:$0x1B380] =	vst v63  }
0x7a: {  	s28 =	sadd.s32 $0x927C0, s25;
	v14 =	vadd.s32 s9, v7;
	s26 =	sadd.s32 $0xD50, s5;
	s20 =	sor.u32 $0x13, s14  }
0x7b: {  	[tilespmem:s26], [sflag:$0x1] =	stream.indirect_vreg.gather [hbm4b:s3+s10], $0x1, v12, vm0, $0xb8;
	[tilespmem:$0x1B380] =	vst v63  }
0x7c: {  	v15 =	vadd.s32 s28, v0;
	s30 =	sadd.s32 $0xD60, s5;
	s29 =	sshll.u32 s20, $0x7  }
0x7d: {  	[tilespmem:s30], [sflag:$0x1] =	stream.indirect_vreg.gather [hbm4b:s3+s10], $0x1, v13, vm0, $0xb8;
	[tilespmem:$0x1B380] =	vst v63  }
0x7e: {  	v16 =	vadd.s32 s28, v1;
	s5 =	sadd.s32 $0xD70, s5;
	s1 =	sand.u32 $0x3FFFF980, s29  }
0x7f: {  	[tilespmem:s5], [sflag:$0x1] =	stream.indirect_vreg.gather [hbm4b:s3+s10], $0x1, v14, vm0, $0xb8;
	[tilespmem:$0x1B380] =	vst v63  }
0x80: {  	v17 =	vadd.s32 s28, v2;
	s31 =	sadd.s32 $0xD00, s1  }
0x81: {  	[tilespmem:s31], [sflag:$0x1] =	stream.indirect_vreg.gather [hbm4b:s3+s10], $0x1, v15, vm0, $0xb8;
	[tilespmem:$0x1B380] =	vst v63  }
0x82: {  	v18 =	vadd.s32 s28, v3;
	s2 =	sadd.s32 $0xD10, s1  }
0x83: {  	[tilespmem:s2], [sflag:$0x1] =	stream.indirect_vreg.gather [hbm4b:s3+s10], $0x1, v16, vm0, $0xb8;
	[tilespmem:$0x1B380] =	vst v63  }
0x84: {  	v19 =	vadd.s32 s28, v4;
	s6 =	sadd.s32 $0xD20, s1  }
0x85: {  	[tilespmem:s6], [sflag:$0x1] =	stream.indirect_vreg.gather [hbm4b:s3+s10], $0x1, v17, vm0, $0xb8;
	[tilespmem:$0x1B380] =	vst v63  }
0x86: {  	v20 =	vadd.s32 s28, v5;
	s7 =	sadd.s32 $0xD30, s1  }
0x87: {  	[tilespmem:s7], [sflag:$0x1] =	stream.indirect_vreg.gather [hbm4b:s3+s10], $0x1, v18, vm0, $0xb8;
	[tilespmem:$0x1B380] =	vst v63  }
0x88: {  	v21 =	vadd.s32 s28, v6;
	s8 =	sadd.s32 $0xD40, s1  }
0x89: {  	[tilespmem:s8], [sflag:$0x1] =	stream.indirect_vreg.gather [hbm4b:s3+s10], $0x1, v19, vm0, $0xb8;
	[tilespmem:$0x1B380] =	vst v63  }
0x8a: {  	v22 =	vadd.s32 s28, v7;
	s9 =	sadd.s32 $0xAAE60, s25;
	s21 =	sor.u32 $0x14, s14;
	s11 =	sadd.s32 $0xD50, s1  }
0x8b: {  	[tilespmem:s11], [sflag:$0x1] =	stream.indirect_vreg.gather [hbm4b:s3+s10], $0x1, v20, vm0, $0xb8;
	[tilespmem:$0x1B380] =	vst v63  }
0x8c: {  	v23 =	vadd.s32 s9, v0;
	s12 =	sshll.u32 s21, $0x7;
	s13 =	sadd.s32 $0xD60, s1  }
0x8d: {  	[tilespmem:s13], [sflag:$0x1] =	stream.indirect_vreg.gather [hbm4b:s3+s10], $0x1, v21, vm0, $0xb8;
	[tilespmem:$0x1B380] =	vst v63  }
0x8e: {  	v24 =	vadd.s32 s9, v1;
	s1 =	sadd.s32 $0xD70, s1;
	s4 =	sand.u32 $0x3FFFFA00, s12  }
0x8f: {  	[tilespmem:s1], [sflag:$0x1] =	stream.indirect_vreg.gather [hbm4b:s3+s10], $0x1, v22, vm0, $0xb8;
	[tilespmem:$0x1B380] =	vst v63  }
0x90: {  	v25 =	vadd.s32 s9, v2;
	s22 =	sadd.s32 $0xD00, s4  }
0x91: {  	[tilespmem:s22], [sflag:$0x1] =	stream.indirect_vreg.gather [hbm4b:s3+s10], $0x1, v23, vm0, $0xb8;
	[tilespmem:$0x1B380] =	vst v63  }
0x92: {  	v26 =	vadd.s32 s9, v3;
	s23 =	sadd.s32 $0xD10, s4  }
0x93: {  	[tilespmem:s23], [sflag:$0x1] =	stream.indirect_vreg.gather [hbm4b:s3+s10], $0x1, v24, vm0, $0xb8;
	[tilespmem:$0x1B380] =	vst v63  }
0x94: {  	v27 =	vadd.s32 s9, v4;
	s24 =	sadd.s32 $0xD20, s4  }
0x95: {  	[tilespmem:s24], [sflag:$0x1] =	stream.indirect_vreg.gather [hbm4b:s3+s10], $0x1, v25, vm0, $0xb8;
	[tilespmem:$0x1B380] =	vst v63  }
0x96: {  	v28 =	vadd.s32 s9, v5;
	s26 =	sadd.s32 $0xD30, s4  }
0x97: {  	[tilespmem:s26], [sflag:$0x1] =	stream.indirect_vreg.gather [hbm4b:s3+s10], $0x1, v26, vm0, $0xb8;
	[tilespmem:$0x1B380] =	vst v63  }
0x98: {  	v29 =	vadd.s32 s9, v6;
	s28 =	sadd.s32 $0xD40, s4  }
0x99: {  	[tilespmem:s28], [sflag:$0x1] =	stream.indirect_vreg.gather [hbm4b:s3+s10], $0x1, v27, vm0, $0xb8;
	[tilespmem:$0x1B380] =	vst v63  }
0x9a: {  	v30 =	vadd.s32 s9, v7;
	s29 =	sadd.s32 $0xD50, s4;
	s30 =	sadd.s32 $0xC3500, s25;
	s22 =	sor.u32 $0x15, s14  }
0x9b: {  	[tilespmem:s29], [sflag:$0x1] =	stream.indirect_vreg.gather [hbm4b:s3+s10], $0x1, v28, vm0, $0xb8;
	[tilespmem:$0x1B380] =	vst v63  }
0x9c: {  	v31 =	vadd.s32 s30, v0;
	s2 =	sadd.s32 $0xD60, s4;
	s31 =	sshll.u32 s22, $0x7  }
0x9d: {  	[tilespmem:s2], [sflag:$0x1] =	stream.indirect_vreg.gather [hbm4b:s3+s10], $0x1, v29, vm0, $0xb8;
	[tilespmem:$0x1B380] =	vst v63  }
0x9e: {  	v32 =	vadd.s32 s30, v1;
	s4 =	sadd.s32 $0xD70, s4;
	s1 =	sand.u32 $0x3FFFFA80, s31  }
0x9f: {  	[tilespmem:s4], [sflag:$0x1] =	stream.indirect_vreg.gather [hbm4b:s3+s10], $0x1, v30, vm0, $0xb8;
	[tilespmem:$0x1B380] =	vst v63  }
0xa0: {  	v33 =	vadd.s32 s30, v2;
	s7 =	sadd.s32 $0xD00, s1  }
0xa1: {  	[tilespmem:s7], [sflag:$0x1] =	stream.indirect_vreg.gather [hbm4b:s3+s10], $0x1, v31, vm0, $0xb8;
	[tilespmem:$0x1B380] =	vst v63  }
0xa2: {  	v34 =	vadd.s32 s30, v3;
	s8 =	sadd.s32 $0xD10, s1  }
0xa3: {  	[tilespmem:s8], [sflag:$0x1] =	stream.indirect_vreg.gather [hbm4b:s3+s10], $0x1, v32, vm0, $0xb8;
	[tilespmem:$0x1B380] =	vst v63  }
0xa4: {  	v35 =	vadd.s32 s30, v4;
	s9 =	sadd.s32 $0xD20, s1  }
0xa5: {  	[tilespmem:s9], [sflag:$0x1] =	stream.indirect_vreg.gather [hbm4b:s3+s10], $0x1, v33, vm0, $0xb8;
	[tilespmem:$0x1B380] =	vst v63  }
0xa6: {  	v36 =	vadd.s32 s30, v5;
	s11 =	sadd.s32 $0xD30, s1  }
0xa7: {  	[tilespmem:s11], [sflag:$0x1] =	stream.indirect_vreg.gather [hbm4b:s3+s10], $0x1, v34, vm0, $0xb8;
	[tilespmem:$0x1B380] =	vst v63  }
0xa8: {  	v37 =	vadd.s32 s30, v6;
	s12 =	sadd.s32 $0xD40, s1  }
0xa9: {  	[tilespmem:s12], [sflag:$0x1] =	stream.indirect_vreg.gather [hbm4b:s3+s10], $0x1, v35, vm0, $0xb8;
	[tilespmem:$0x1B380] =	vst v63  }
0xaa: {  	v38 =	vadd.s32 s30, v7;
	s13 =	sadd.s32 $0xDBBA0, s25;
	s23 =	sor.u32 $0x16, s14;
	s26 =	sadd.s32 $0xD50, s1  }
0xab: {  	[tilespmem:s26], [sflag:$0x1] =	stream.indirect_vreg.gather [hbm4b:s3+s10], $0x1, v36, vm0, $0xb8;
	[tilespmem:$0x1B380] =	vst v63  }
0xac: {  	v39 =	vadd.s32 s13, v0;
	s28 =	sshll.u32 s23, $0x7;
	s29 =	sadd.s32 $0xD60, s1  }
0xad: {  	[tilespmem:s29], [sflag:$0x1] =	stream.indirect_vreg.gather [hbm4b:s3+s10], $0x1, v37, vm0, $0xb8;
	[tilespmem:$0x1B380] =	vst v63  }
0xae: {  	v40 =	vadd.s32 s13, v1;
	s5 =	sand.u32 $0x3FFFFB00, s28;
	s1 =	sadd.s32 $0xD70, s1  }
0xaf: {  	[tilespmem:s1], [sflag:$0x1] =	stream.indirect_vreg.gather [hbm4b:s3+s10], $0x1, v38, vm0, $0xb8;
	[tilespmem:$0x1B380] =	vst v63  }
0xb0: {  	v41 =	vadd.s32 s13, v2;
	s30 =	sadd.s32 $0xD00, s5  }
0xb1: {  	[tilespmem:s30], [sflag:$0x1] =	stream.indirect_vreg.gather [hbm4b:s3+s10], $0x1, v39, vm0, $0xb8;
	[tilespmem:$0x1B380] =	vst v63  }
0xb2: {  	v42 =	vadd.s32 s13, v3;
	s31 =	sadd.s32 $0xD10, s5  }
0xb3: {  	[tilespmem:s31], [sflag:$0x1] =	stream.indirect_vreg.gather [hbm4b:s3+s10], $0x1, v40, vm0, $0xb8;
	[tilespmem:$0x1B380] =	vst v63  }
0xb4: {  	v43 =	vadd.s32 s13, v4;
	s2 =	sadd.s32 $0xD20, s5  }
0xb5: {  	[tilespmem:s2], [sflag:$0x1] =	stream.indirect_vreg.gather [hbm4b:s3+s10], $0x1, v41, vm0, $0xb8;
	[tilespmem:$0x1B380] =	vst v63  }
0xb6: {  	v44 =	vadd.s32 s13, v5;
	s6 =	sadd.s32 $0xD30, s5  }
0xb7: {  	[tilespmem:s6], [sflag:$0x1] =	stream.indirect_vreg.gather [hbm4b:s3+s10], $0x1, v42, vm0, $0xb8;
	[tilespmem:$0x1B380] =	vst v63  }
0xb8: {  	v45 =	vadd.s32 s13, v6;
	s7 =	sadd.s32 $0xD40, s5  }
0xb9: {  	[tilespmem:s7], [sflag:$0x1] =	stream.indirect_vreg.gather [hbm4b:s3+s10], $0x1, v43, vm0, $0xb8;
	[tilespmem:$0x1B380] =	vst v63  }
0xba: {  	v46 =	vadd.s32 s13, v7;
	s24 =	sor.u32 $0x17, s14;
	s8 =	sadd.s32 $0xD50, s5;
	s9 =	sadd.s32 $0xF4240, s25  }
0xbb: {  	[tilespmem:s8], [sflag:$0x1] =	stream.indirect_vreg.gather [hbm4b:s3+s10], $0x1, v44, vm0, $0xb8;
	[tilespmem:$0x1B380] =	vst v63  }
0xbc: {  	v47 =	vadd.s32 s9, v0;
	s11 =	sshll.u32 s24, $0x7;
	s12 =	sadd.s32 $0xD60, s5  }
0xbd: {  	[tilespmem:s12], [sflag:$0x1] =	stream.indirect_vreg.gather [hbm4b:s3+s10], $0x1, v45, vm0, $0xb8;
	[tilespmem:$0x1B380] =	vst v63  }
0xbe: {  	v48 =	vadd.s32 s9, v1;
	s5 =	sadd.s32 $0xD70, s5;
	s1 =	sand.u32 $0x3FFFFB80, s11  }
0xbf: {  	[tilespmem:s5], [sflag:$0x1] =	stream.indirect_vreg.gather [hbm4b:s3+s10], $0x1, v46, vm0, $0xb8;
	[tilespmem:$0x1B380] =	vst v63  }
0xc0: {  	v49 =	vadd.s32 s9, v2;
	s13 =	sadd.s32 $0xD00, s1  }
0xc1: {  	[tilespmem:s13], [sflag:$0x1] =	stream.indirect_vreg.gather [hbm4b:s3+s10], $0x1, v47, vm0, $0xb8;
	[tilespmem:$0x1B380] =	vst v63  }
0xc2: {  	v50 =	vadd.s32 s9, v3;
	s26 =	sadd.s32 $0xD10, s1  }
0xc3: {  	[tilespmem:s26], [sflag:$0x1] =	stream.indirect_vreg.gather [hbm4b:s3+s10], $0x1, v48, vm0, $0xb8;
	[tilespmem:$0x1B380] =	vst v63  }
0xc4: {  	v51 =	vadd.s32 s9, v4;
	s28 =	sadd.s32 $0xD20, s1  }
0xc5: {  	[tilespmem:s28], [sflag:$0x1] =	stream.indirect_vreg.gather [hbm4b:s3+s10], $0x1, v49, vm0, $0xb8;
	[tilespmem:$0x1B380] =	vst v63  }
0xc6: {  	v52 =	vadd.s32 s9, v5;
	s29 =	sadd.s32 $0xD30, s1  }
0xc7: {  	[tilespmem:s29], [sflag:$0x1] =	stream.indirect_vreg.gather [hbm4b:s3+s10], $0x1, v50, vm0, $0xb8;
	[tilespmem:$0x1B380] =	vst v63  }
0xc8: {  	v53 =	vadd.s32 s9, v6;
	s30 =	sadd.s32 $0xD40, s1  }
0xc9: {  	[tilespmem:s30], [sflag:$0x1] =	stream.indirect_vreg.gather [hbm4b:s3+s10], $0x1, v51, vm0, $0xb8;
	[tilespmem:$0x1B380] =	vst v63  }
0xca: {  	v54 =	vadd.s32 s9, v7;
	s31 =	sadd.s32 $0xD50, s1;
	s2 =	sadd.s32 $0x10C8E0, s25;
	s26 =	sor.u32 $0x18, s14  }
0xcb: {  	[tilespmem:s31], [sflag:$0x1] =	stream.indirect_vreg.gather [hbm4b:s3+s10], $0x1, v52, vm0, $0xb8;
	[tilespmem:$0x1B380] =	vst v63  }
0xcc: {  	v55 =	vadd.s32 s2, v0;
	s6 =	sadd.s32 $0xD60, s1;
	s7 =	sshll.u32 s26, $0x7  }
0xcd: {  	[tilespmem:s6], [sflag:$0x1] =	stream.indirect_vreg.gather [hbm4b:s3+s10], $0x1, v53, vm0, $0xb8;
	[tilespmem:$0x1B380] =	vst v63  }
0xce: {  	v56 =	vadd.s32 s2, v1;
	s1 =	sadd.s32 $0xD70, s1;
	s5 =	sand.u32 $0x3FFFFC00, s7  }
0xcf: {  	[tilespmem:s1], [sflag:$0x1] =	stream.indirect_vreg.gather [hbm4b:s3+s10], $0x1, v54, vm0, $0xb8;
	[tilespmem:$0x1B380] =	vst v63  }
0xd0: {  	v57 =	vadd.s32 s2, v2;
	s8 =	sadd.s32 $0xD00, s5  }
0xd1: {  	[tilespmem:s8], [sflag:$0x1] =	stream.indirect_vreg.gather [hbm4b:s3+s10], $0x1, v55, vm0, $0xb8;
	[tilespmem:$0x1B380] =	vst v63  }
0xd2: {  	v58 =	vadd.s32 s2, v3;
	s9 =	sadd.s32 $0xD10, s5  }
0xd3: {  	[tilespmem:s9], [sflag:$0x1] =	stream.indirect_vreg.gather [hbm4b:s3+s10], $0x1, v56, vm0, $0xb8;
	[tilespmem:$0x1B380] =	vst v63  }
0xd4: {  	v59 =	vadd.s32 s2, v4;
	s11 =	sadd.s32 $0xD20, s5  }
0xd5: {  	[tilespmem:s11], [sflag:$0x1] =	stream.indirect_vreg.gather [hbm4b:s3+s10], $0x1, v57, vm0, $0xb8;
	[tilespmem:$0x1B380] =	vst v63  }
0xd6: {  	v60 =	vadd.s32 s2, v5;
	s12 =	sadd.s32 $0xD30, s5  }
0xd7: {  	[tilespmem:s12], [sflag:$0x1] =	stream.indirect_vreg.gather [hbm4b:s3+s10], $0x1, v58, vm0, $0xb8;
	[tilespmem:$0x1B380] =	vst v63  }
0xd8: {  	s13 =	sadd.s32 $0xD40, s5  }
0xd9: {  	v61 =	vadd.s32 s2, v6;
	[tilespmem:s13], [sflag:$0x1] =	stream.indirect_vreg.gather [hbm4b:s3+s10], $0x1, v59, vm0, $0xb8;
	[tilespmem:$0x1B380] =	vst v63  }
0xda: {  	s28 =	sadd.s32 $0xD50, s5  }
0xdb: {  	v62 =	vadd.s32 s2, v7;
	[tilespmem:s28], [sflag:$0x1] =	stream.indirect_vreg.gather [hbm4b:s3+s10], $0x1, v60, vm0, $0xb8;
	[tilespmem:$0x1B380] =	vst v63  }
0xdc: {  	s29 =	sadd.s32 $0x124F80, s25;
	s28 =	sor.u32 $0x19, s14  }
0xdd: {  	v63 =	vadd.s32 s29, v0;
	s30 =	sadd.s32 $0xD60, s5;
	s31 =	sshll.u32 s28, $0x7  }
0xde: {  	[tilespmem:s30], [sflag:$0x1] =	stream.indirect_vreg.gather [hbm4b:s3+s10], $0x1, v61, vm0, $0xb8;
	[tilespmem:$0x1B380] =	vst v63  }
0xdf: {  	v12 =	vadd.s32 s29, v1;
	s5 =	sadd.s32 $0xD70, s5;
	s4 =	sand.u32 $0x3FFFFC80, s31  }
0xe0: {  	[tilespmem:s5], [sflag:$0x1] =	stream.indirect_vreg.gather [hbm4b:s3+s10], $0x1, v62, vm0, $0xb8;
	[tilespmem:$0x1B380] =	vst v63  }
0xe1: {  	v13 =	vadd.s32 s29, v2;
	s2 =	sadd.s32 $0xD00, s4  }
0xe2: {  	[tilespmem:s2], [sflag:$0x1] =	stream.indirect_vreg.gather [hbm4b:s3+s10], $0x1, v63, vm0, $0xb8;
	[tilespmem:$0x1B380] =	vst v63  }
0xe3: {  	v14 =	vadd.s32 s29, v3;
	s6 =	sadd.s32 $0xD10, s4  }
0xe4: {  	[tilespmem:s6], [sflag:$0x1] =	stream.indirect_vreg.gather [hbm4b:s3+s10], $0x1, v12, vm0, $0xb8;
	[tilespmem:$0x1B380] =	vst v63  }
0xe5: {  	v15 =	vadd.s32 s29, v4;
	s7 =	sadd.s32 $0xD20, s4  }
0xe6: {  	[tilespmem:s7], [sflag:$0x1] =	stream.indirect_vreg.gather [hbm4b:s3+s10], $0x1, v13, vm0, $0xb8;
	[tilespmem:$0x1B380] =	vst v63  }
0xe7: {  	v16 =	vadd.s32 s29, v5;
	s8 =	sadd.s32 $0xD30, s4  }
0xe8: {  	[tilespmem:s8], [sflag:$0x1] =	stream.indirect_vreg.gather [hbm4b:s3+s10], $0x1, v14, vm0, $0xb8;
	[tilespmem:$0x1B380] =	vst v63  }
0xe9: {  	v17 =	vadd.s32 s29, v6;
	s9 =	sadd.s32 $0xD40, s4  }
0xea: {  	[tilespmem:s9], [sflag:$0x1] =	stream.indirect_vreg.gather [hbm4b:s3+s10], $0x1, v15, vm0, $0xb8;
	[tilespmem:$0x1B380] =	vst v63  }
0xeb: {  	v18 =	vadd.s32 s29, v7;
	s11 =	smul.u32 $0x186A0, s0;
	s0 =	sor.u32 $0x1A, s14;
	s12 =	sadd.s32 $0xD50, s4  }
0xec: {  	[tilespmem:s12], [sflag:$0x1] =	stream.indirect_vreg.gather [hbm4b:s3+s10], $0x1, v16, vm0, $0xb8;
	[tilespmem:$0x1B380] =	vst v63  }
0xed: {  	s25 =	sshll.u32 s0, $0x7;
	v19 =	vadd.s32 s11, v0;
	s13 =	sadd.s32 $0xD60, s4  }
0xee: {  	[tilespmem:s13], [sflag:$0x1] =	stream.indirect_vreg.gather [hbm4b:s3+s10], $0x1, v17, vm0, $0xb8;
	[tilespmem:$0x1B380] =	vst v63  }
0xef: {  	v20 =	vadd.s32 s11, v1;
	s1 =	sand.u32 $0x3FFFFD00, s25;
	s4 =	sadd.s32 $0xD70, s4  }
0xf0: {  	[tilespmem:s4], [sflag:$0x1] =	stream.indirect_vreg.gather [hbm4b:s3+s10], $0x1, v18, vm0, $0xb8;
	[tilespmem:$0x1B380] =	vst v63  }
0xf1: {  	v21 =	vadd.s32 s11, v2;
	s29 =	sadd.s32 $0xD00, s1  }
0xf2: {  	[tilespmem:s29], [sflag:$0x1] =	stream.indirect_vreg.gather [hbm4b:s3+s10], $0x1, v19, vm0, $0xb8;
	[tilespmem:$0x1B380] =	vst v63  }
0xf3: {  	v22 =	vadd.s32 s11, v3;
	s30 =	sadd.s32 $0xD10, s1  }
0xf4: {  	[tilespmem:s30], [sflag:$0x1] =	stream.indirect_vreg.gather [hbm4b:s3+s10], $0x1, v20, vm0, $0xb8;
	[tilespmem:$0x1B380] =	vst v63  }
0xf5: {  	v23 =	vadd.s32 s11, v4;
	s31 =	sadd.s32 $0xD20, s1  }
0xf6: {  	[tilespmem:s31], [sflag:$0x1] =	stream.indirect_vreg.gather [hbm4b:s3+s10], $0x1, v21, vm0, $0xb8;
	[tilespmem:$0x1B380] =	vst v63  }
0xf7: {  	v24 =	vadd.s32 s11, v5;
	s2 =	sadd.s32 $0xD30, s1  }
0xf8: {  	[tilespmem:s2], [sflag:$0x1] =	stream.indirect_vreg.gather [hbm4b:s3+s10], $0x1, v22, vm0, $0xb8;
	[tilespmem:$0x1B380] =	vst v63  }
0xf9: {  	v25 =	vadd.s32 s11, v6;
	s6 =	sadd.s32 $0xD40, s1  }
0xfa: {  	[tilespmem:s6], [sflag:$0x1] =	stream.indirect_vreg.gather [hbm4b:s3+s10], $0x1, v23, vm0, $0xb8;
	[tilespmem:$0x1B380] =	vst v63  }
0xfb: {  	v26 =	vadd.s32 s11, v7;
	s7 =	smul.u32 $0x186A0, s16;
	s16 =	sor.u32 $0x1B, s14;
	s8 =	sadd.s32 $0xD50, s1  }
0xfc: {  	[tilespmem:s8], [sflag:$0x1] =	stream.indirect_vreg.gather [hbm4b:s3+s10], $0x1, v24, vm0, $0xb8;
	[tilespmem:$0x1B380] =	vst v63  }
0xfd: {  	s11 =	sshll.u32 s16, $0x7;
	v27 =	vadd.s32 s7, v0;
	s9 =	sadd.s32 $0xD60, s1  }
0xfe: {  	[tilespmem:s9], [sflag:$0x1] =	stream.indirect_vreg.gather [hbm4b:s3+s10], $0x1, v25, vm0, $0xb8;
	[tilespmem:$0x1B380] =	vst v63  }
0xff: {  	v28 =	vadd.s32 s7, v1;
	s5 =	sand.u32 $0x3FFFFD80, s11;
	s1 =	sadd.s32 $0xD70, s1  }
0x100: {  	[tilespmem:s1], [sflag:$0x1] =	stream.indirect_vreg.gather [hbm4b:s3+s10], $0x1, v26, vm0, $0xb8;
	[tilespmem:$0x1B380] =	vst v63  }
0x101: {  	v29 =	vadd.s32 s7, v2;
	s12 =	sadd.s32 $0xD00, s5  }
0x102: {  	[tilespmem:s12], [sflag:$0x1] =	stream.indirect_vreg.gather [hbm4b:s3+s10], $0x1, v27, vm0, $0xb8;
	[tilespmem:$0x1B380] =	vst v63  }
0x103: {  	v30 =	vadd.s32 s7, v3;
	s13 =	sadd.s32 $0xD10, s5  }
0x104: {  	[tilespmem:s13], [sflag:$0x1] =	stream.indirect_vreg.gather [hbm4b:s3+s10], $0x1, v28, vm0, $0xb8;
	[tilespmem:$0x1B380] =	vst v63  }
0x105: {  	v31 =	vadd.s32 s7, v4;
	s25 =	sadd.s32 $0xD20, s5  }
0x106: {  	[tilespmem:s25], [sflag:$0x1] =	stream.indirect_vreg.gather [hbm4b:s3+s10], $0x1, v29, vm0, $0xb8;
	[tilespmem:$0x1B380] =	vst v63  }
0x107: {  	v32 =	vadd.s32 s7, v5;
	s29 =	sadd.s32 $0xD30, s5  }
0x108: {  	[tilespmem:s29], [sflag:$0x1] =	stream.indirect_vreg.gather [hbm4b:s3+s10], $0x1, v30, vm0, $0xb8;
	[tilespmem:$0x1B380] =	vst v63  }
0x109: {  	v33 =	vadd.s32 s7, v6;
	s30 =	sadd.s32 $0xD40, s5  }
0x10a: {  	[tilespmem:s30], [sflag:$0x1] =	stream.indirect_vreg.gather [hbm4b:s3+s10], $0x1, v31, vm0, $0xb8;
	[tilespmem:$0x1B380] =	vst v63  }
0x10b: {  	v34 =	vadd.s32 s7, v7;
	s31 =	smul.u32 $0x186A0, s17;
	s17 =	sor.u32 $0x1C, s14;
	s2 =	sadd.s32 $0xD50, s5  }
0x10c: {  	[tilespmem:s2], [sflag:$0x1] =	stream.indirect_vreg.gather [hbm4b:s3+s10], $0x1, v32, vm0, $0xb8;
	[tilespmem:$0x1B380] =	vst v63  }
0x10d: {  	s7 =	sadd.s32 $0xD60, s5;
	v35 =	vadd.s32 s31, v0;
	s8 =	sshll.u32 s17, $0x7  }
0x10e: {  	[tilespmem:s7], [sflag:$0x1] =	stream.indirect_vreg.gather [hbm4b:s3+s10], $0x1, v33, vm0, $0xb8;
	[tilespmem:$0x1B380] =	vst v63  }
0x10f: {  	v36 =	vadd.s32 s31, v1;
	s5 =	sadd.s32 $0xD70, s5;
	s4 =	sand.u32 $0x3FFFFE00, s8  }
0x110: {  	[tilespmem:s5], [sflag:$0x1] =	stream.indirect_vreg.gather [hbm4b:s3+s10], $0x1, v34, vm0, $0xb8;
	[tilespmem:$0x1B380] =	vst v63  }
0x111: {  	v37 =	vadd.s32 s31, v2;
	s9 =	sadd.s32 $0xD00, s4  }
0x112: {  	[tilespmem:s9], [sflag:$0x1] =	stream.indirect_vreg.gather [hbm4b:s3+s10], $0x1, v35, vm0, $0xb8;
	[tilespmem:$0x1B380] =	vst v63  }
0x113: {  	v38 =	vadd.s32 s31, v3;
	s11 =	sadd.s32 $0xD10, s4  }
0x114: {  	[tilespmem:s11], [sflag:$0x1] =	stream.indirect_vreg.gather [hbm4b:s3+s10], $0x1, v36, vm0, $0xb8;
	[tilespmem:$0x1B380] =	vst v63  }
0x115: {  	v39 =	vadd.s32 s31, v4;
	s12 =	sadd.s32 $0xD20, s4  }
0x116: {  	[tilespmem:s12], [sflag:$0x1] =	stream.indirect_vreg.gather [hbm4b:s3+s10], $0x1, v37, vm0, $0xb8;
	[tilespmem:$0x1B380] =	vst v63  }
0x117: {  	v40 =	vadd.s32 s31, v5;
	s13 =	sadd.s32 $0xD30, s4  }
0x118: {  	[tilespmem:s13], [sflag:$0x1] =	stream.indirect_vreg.gather [hbm4b:s3+s10], $0x1, v38, vm0, $0xb8;
	[tilespmem:$0x1B380] =	vst v63  }
0x119: {  	v41 =	vadd.s32 s31, v6;
	s25 =	sadd.s32 $0xD40, s4  }
0x11a: {  	[tilespmem:s25], [sflag:$0x1] =	stream.indirect_vreg.gather [hbm4b:s3+s10], $0x1, v39, vm0, $0xb8;
	[tilespmem:$0x1B380] =	vst v63  }
0x11b: {  	v42 =	vadd.s32 s31, v7;
	s29 =	smul.u32 $0x186A0, s18;
	s18 =	sor.u32 $0x1D, s14;
	s30 =	sadd.s32 $0xD50, s4  }
0x11c: {  	[tilespmem:s30], [sflag:$0x1] =	stream.indirect_vreg.gather [hbm4b:s3+s10], $0x1, v40, vm0, $0xb8;
	[tilespmem:$0x1B380] =	vst v63  }
0x11d: {  	s31 =	sadd.s32 $0xD60, s4;
	v43 =	vadd.s32 s29, v0;
	s2 =	sshll.u32 s18, $0x7  }
0x11e: {  	[tilespmem:s31], [sflag:$0x1] =	stream.indirect_vreg.gather [hbm4b:s3+s10], $0x1, v41, vm0, $0xb8;
	[tilespmem:$0x1B380] =	vst v63  }
0x11f: {  	v44 =	vadd.s32 s29, v1;
	s4 =	sadd.s32 $0xD70, s4;
	s1 =	sand.u32 $0x3FFFFE80, s2  }
0x120: {  	[tilespmem:s4], [sflag:$0x1] =	stream.indirect_vreg.gather [hbm4b:s3+s10], $0x1, v42, vm0, $0xb8;
	[tilespmem:$0x1B380] =	vst v63  }
0x121: {  	v45 =	vadd.s32 s29, v2;
	s6 =	sadd.s32 $0xD00, s1  }
0x122: {  	[tilespmem:s6], [sflag:$0x1] =	stream.indirect_vreg.gather [hbm4b:s3+s10], $0x1, v43, vm0, $0xb8;
	[tilespmem:$0x1B380] =	vst v63  }
0x123: {  	v46 =	vadd.s32 s29, v3;
	s7 =	sadd.s32 $0xD10, s1  }
0x124: {  	[tilespmem:s7], [sflag:$0x1] =	stream.indirect_vreg.gather [hbm4b:s3+s10], $0x1, v44, vm0, $0xb8;
	[tilespmem:$0x1B380] =	vst v63  }
0x125: {  	v47 =	vadd.s32 s29, v4;
	s8 =	sadd.s32 $0xD20, s1  }
0x126: {  	[tilespmem:s8], [sflag:$0x1] =	stream.indirect_vreg.gather [hbm4b:s3+s10], $0x1, v45, vm0, $0xb8;
	[tilespmem:$0x1B380] =	vst v63  }
0x127: {  	v48 =	vadd.s32 s29, v5;
	s9 =	sadd.s32 $0xD30, s1  }
0x128: {  	[tilespmem:s9], [sflag:$0x1] =	stream.indirect_vreg.gather [hbm4b:s3+s10], $0x1, v46, vm0, $0xb8;
	[tilespmem:$0x1B380] =	vst v63  }
0x129: {  	v49 =	vadd.s32 s29, v6;
	s11 =	sadd.s32 $0xD40, s1  }
0x12a: {  	[tilespmem:s11], [sflag:$0x1] =	stream.indirect_vreg.gather [hbm4b:s3+s10], $0x1, v47, vm0, $0xb8;
	[tilespmem:$0x1B380] =	vst v63  }
0x12b: {  	s14 =	sor.u32 $0x1E, s14;
	v50 =	vadd.s32 s29, v7;
	s12 =	smul.u32 $0x186A0, s19;
	s13 =	sadd.s32 $0xD50, s1  }
0x12c: {  	[tilespmem:s13], [sflag:$0x1] =	stream.indirect_vreg.gather [hbm4b:s3+s10], $0x1, v48, vm0, $0xb8;
	[tilespmem:$0x1B380] =	vst v63  }
0x12d: {  	s19 =	sadd.s32 $0xD60, s1;
	v51 =	vadd.s32 s12, v0;
	s25 =	sshll.u32 s14, $0x7  }
0x12e: {  	[tilespmem:s19], [sflag:$0x1] =	stream.indirect_vreg.gather [hbm4b:s3+s10], $0x1, v49, vm0, $0xb8;
	[tilespmem:$0x1B380] =	vst v63  }
0x12f: {  	v52 =	vadd.s32 s12, v1;
	s1 =	sadd.s32 $0xD70, s1;
	s5 =	sand.u32 $0x3FFFFF00, s25  }
0x130: {  	[tilespmem:s1], [sflag:$0x1] =	stream.indirect_vreg.gather [hbm4b:s3+s10], $0x1, v50, vm0, $0xb8;
	[tilespmem:$0x1B380] =	vst v63  }
0x131: {  	v53 =	vadd.s32 s12, v2;
	s29 =	sadd.s32 $0xD00, s5  }
0x132: {  	[tilespmem:s29], [sflag:$0x1] =	stream.indirect_vreg.gather [hbm4b:s3+s10], $0x1, v51, vm0, $0xb8;
	[tilespmem:$0x1B380] =	vst v63  }
0x133: {  	v54 =	vadd.s32 s12, v3;
	s30 =	sadd.s32 $0xD10, s5  }
0x134: {  	[tilespmem:s30], [sflag:$0x1] =	stream.indirect_vreg.gather [hbm4b:s3+s10], $0x1, v52, vm0, $0xb8;
	[tilespmem:$0x1B380] =	vst v63  }
0x135: {  	v55 =	vadd.s32 s12, v4;
	s31 =	sadd.s32 $0xD20, s5  }
0x136: {  	[tilespmem:s31], [sflag:$0x1] =	stream.indirect_vreg.gather [hbm4b:s3+s10], $0x1, v53, vm0, $0xb8;
	[tilespmem:$0x1B380] =	vst v63  }
0x137: {  	v56 =	vadd.s32 s12, v5;
	s2 =	sadd.s32 $0xD30, s5  }
0x138: {  	[tilespmem:s2], [sflag:$0x1] =	stream.indirect_vreg.gather [hbm4b:s3+s10], $0x1, v54, vm0, $0xb8;
	[tilespmem:$0x1B380] =	vst v63  }
0x139: {  	v57 =	vadd.s32 s12, v6;
	s6 =	sadd.s32 $0xD40, s5  }
0x13a: {  	[tilespmem:s6], [sflag:$0x1] =	stream.indirect_vreg.gather [hbm4b:s3+s10], $0x1, v55, vm0, $0xb8;
	[tilespmem:$0x1B380] =	vst v63  }
0x13b: {  	v58 =	vadd.s32 s12, v7;
	s7 =	sadd.s32 $0xD50, s5;
	s8 =	smul.u32 $0x186A0, s15;
	s15 =	sshllo.u32 s10, $0x5  }
0x13c: {  	[tilespmem:s7], [sflag:$0x1] =	stream.indirect_vreg.gather [hbm4b:s3+s10], $0x1, v56, vm0, $0xb8;
	[tilespmem:$0x1B380] =	vst v63  }
0x13d: {  	s12 =	sshll.u32 s15, $0x7;
	s9 =	sadd.s32 $0xD60, s5;
	v59 =	vadd.s32 s8, v0  }
0x13e: {  	[tilespmem:s9], [sflag:$0x1] =	stream.indirect_vreg.gather [hbm4b:s3+s10], $0x1, v57, vm0, $0xb8;
	[tilespmem:$0x1B380] =	vst v63  }
0x13f: {  	v60 =	vadd.s32 s8, v1;
	s11 =	sadd.s32 $0xD70, s5;
	s13 =	sand.u32 $0x3FFFFF80, s12  }
0x140: {  	[tilespmem:s11], [sflag:$0x1] =	stream.indirect_vreg.gather [hbm4b:s3+s10], $0x1, v58, vm0, $0xb8;
	[tilespmem:$0x1B380] =	vst v63  }
0x141: {  	v61 =	vadd.s32 s8, v2;
	s5 =	sadd.s32 $0xD00, s13  }
0x142: {  	[tilespmem:s5], [sflag:$0x1] =	stream.indirect_vreg.gather [hbm4b:s3+s10], $0x1, v59, vm0, $0xb8;
	[tilespmem:$0x1B380] =	vst v63  }
0x143: {  	v62 =	vadd.s32 s8, v3;
	s19 =	sadd.s32 $0xD10, s13  }
0x144: {  	[tilespmem:s19], [sflag:$0x1] =	stream.indirect_vreg.gather [hbm4b:s3+s10], $0x1, v60, vm0, $0xb8;
	[tilespmem:$0x1B380] =	vst v63  }
0x145: {  	v63 =	vadd.s32 s8, v4;
	s25 =	sadd.s32 $0xD20, s13  }
0x146: {  	[tilespmem:s25], [sflag:$0x1] =	stream.indirect_vreg.gather [hbm4b:s3+s10], $0x1, v61, vm0, $0xb8;
	[tilespmem:$0x1B380] =	vst v63  }
0x147: {  	v12 =	vadd.s32 s8, v5;
	s29 =	sadd.s32 $0xD30, s13  }
0x148: {  	[tilespmem:s29], [sflag:$0x1] =	stream.indirect_vreg.gather [hbm4b:s3+s10], $0x1, v62, vm0, $0xb8;
	[tilespmem:$0x1B380] =	vst v63  }
0x149: {  	v13 =	vadd.s32 s8, v6;
	s30 =	sadd.s32 $0xD40, s13  }
0x14a: {  	[tilespmem:s30], [sflag:$0x1] =	stream.indirect_vreg.gather [hbm4b:s3+s10], $0x1, v63, vm0, $0xb8;
	[tilespmem:$0x1B380] =	vst v63  }
0x14b: {  	v14 =	vadd.s32 s8, v7;
	s31 =	smul.u32 $0x186A0, s20;
	s2 =	sadd.s32 $0xD50, s13  }
0x14c: {  	[tilespmem:s2], [sflag:$0x1] =	stream.indirect_vreg.gather [hbm4b:s3+s10], $0x1, v12, vm0, $0xb8;
	[tilespmem:$0x1B380] =	vst v63  }
0x14d: {  	s8 =	simm.s32 $0x0;
	v15 =	vadd.s32 s31, v0;
	s7 =	sadd.s32 $0xD60, s13  }
0x14e: {  	[tilespmem:s7], [sflag:$0x1] =	stream.indirect_vreg.gather [hbm4b:s3+s10], $0x1, v13, vm0, $0xb8;
	[tilespmem:$0x1B380] =	vst v63  }
0x14f: {  	s1 =	sadd.s32 $0xD70, s13;
	v16 =	vadd.s32 s31, v1;
	s19 =	sand.u32 $0x3FFFF000, s8  }
0x150: {  	[tilespmem:s1], [sflag:$0x1] =	stream.indirect_vreg.gather [hbm4b:s3+s10], $0x1, v14, vm0, $0xb8;
	[tilespmem:$0x1B380] =	vst v63  }
0x151: {  	v17 =	vadd.s32 s31, v2;
	s9 =	sadd.s32 $0x1D00, s19  }
0x152: {  	[tilespmem:s9], [sflag:$0x1] =	stream.indirect_vreg.gather [hbm4b:s3+s10], $0x1, v15, vm0, $0xb8;
	[tilespmem:$0x1B380] =	vst v63  }
0x153: {  	v18 =	vadd.s32 s31, v3;
	s11 =	sadd.s32 $0x1D10, s19  }
0x154: {  	[tilespmem:s11], [sflag:$0x1] =	stream.indirect_vreg.gather [hbm4b:s3+s10], $0x1, v16, vm0, $0xb8;
	[tilespmem:$0x1B380] =	vst v63  }
0x155: {  	v19 =	vadd.s32 s31, v4;
	s12 =	sadd.s32 $0x1D20, s19  }
0x156: {  	[tilespmem:s12], [sflag:$0x1] =	stream.indirect_vreg.gather [hbm4b:s3+s10], $0x1, v17, vm0, $0xb8;
	[tilespmem:$0x1B380] =	vst v63  }
0x157: {  	v20 =	vadd.s32 s31, v5;
	s13 =	sadd.s32 $0x1D30, s19  }
0x158: {  	[tilespmem:s13], [sflag:$0x1] =	stream.indirect_vreg.gather [hbm4b:s3+s10], $0x1, v18, vm0, $0xb8;
	[tilespmem:$0x1B380] =	vst v63  }
0x159: {  	v21 =	vadd.s32 s31, v6;
	s20 =	sadd.s32 $0x1D40, s19  }
0x15a: {  	[tilespmem:s20], [sflag:$0x1] =	stream.indirect_vreg.gather [hbm4b:s3+s10], $0x1, v19, vm0, $0xb8;
	[tilespmem:$0x1B380] =	vst v63  }
0x15b: {  	s21 =	smul.u32 $0x186A0, s21;
	v22 =	vadd.s32 s31, v7;
	s4 =	sadd.s32 $0x1D50, s19  }
0x15c: {  	[tilespmem:s4], [sflag:$0x1] =	stream.indirect_vreg.gather [hbm4b:s3+s10], $0x1, v20, vm0, $0xb8;
	[tilespmem:$0x1B380] =	vst v63  }
0x15d: {  	v23 =	vadd.s32 s21, v0;
	s25 =	sadd.s32 $0x1D60, s19  }
0x15e: {  	[tilespmem:s25], [sflag:$0x1] =	stream.indirect_vreg.gather [hbm4b:s3+s10], $0x1, v21, vm0, $0xb8;
	[tilespmem:$0x1B380] =	vst v63  }
0x15f: {  	v24 =	vadd.s32 s21, v1;
	s29 =	sadd.s32 $0x1D70, s19  }
0x160: {  	[tilespmem:s29], [sflag:$0x1] =	stream.indirect_vreg.gather [hbm4b:s3+s10], $0x1, v22, vm0, $0xb8;
	[tilespmem:$0x1B380] =	vst v63  }
0x161: {  	v25 =	vadd.s32 s21, v2;
	s30 =	sadd.s32 $0x1D80, s19  }
0x162: {  	[tilespmem:s30], [sflag:$0x1] =	stream.indirect_vreg.gather [hbm4b:s3+s10], $0x1, v23, vm0, $0xb8;
	[tilespmem:$0x1B380] =	vst v63  }
0x163: {  	v26 =	vadd.s32 s21, v3;
	s31 =	sadd.s32 $0x1D90, s19  }
0x164: {  	[tilespmem:s31], [sflag:$0x1] =	stream.indirect_vreg.gather [hbm4b:s3+s10], $0x1, v24, vm0, $0xb8;
	[tilespmem:$0x1B380] =	vst v63  }
0x165: {  	v27 =	vadd.s32 s21, v4;
	s2 =	sadd.s32 $0x1DA0, s19  }
0x166: {  	[tilespmem:s2], [sflag:$0x1] =	stream.indirect_vreg.gather [hbm4b:s3+s10], $0x1, v25, vm0, $0xb8;
	[tilespmem:$0x1B380] =	vst v63  }
0x167: {  	v28 =	vadd.s32 s21, v5;
	s5 =	sadd.s32 $0x1DB0, s19  }
0x168: {  	[tilespmem:s5], [sflag:$0x1] =	stream.indirect_vreg.gather [hbm4b:s3+s10], $0x1, v26, vm0, $0xb8;
	[tilespmem:$0x1B380] =	vst v63  }
0x169: {  	v29 =	vadd.s32 s21, v6;
	s6 =	sadd.s32 $0x1DC0, s19  }
0x16a: {  	[tilespmem:s6], [sflag:$0x1] =	stream.indirect_vreg.gather [hbm4b:s3+s10], $0x1, v27, vm0, $0xb8;
	[tilespmem:$0x1B380] =	vst v63  }
0x16b: {  	v30 =	vadd.s32 s21, v7;
	s8 =	sadd.s32 $0x1DD0, s19;
	s7 =	smul.u32 $0x186A0, s22  }
0x16c: {  	[tilespmem:s8], [sflag:$0x1] =	stream.indirect_vreg.gather [hbm4b:s3+s10], $0x1, v28, vm0, $0xb8;
	[tilespmem:$0x1B380] =	vst v63  }
0x16d: {  	v31 =	vadd.s32 s7, v0;
	s9 =	sadd.s32 $0x1DE0, s19  }
0x16e: {  	[tilespmem:s9], [sflag:$0x1] =	stream.indirect_vreg.gather [hbm4b:s3+s10], $0x1, v29, vm0, $0xb8;
	[tilespmem:$0x1B380] =	vst v63  }
0x16f: {  	v32 =	vadd.s32 s7, v1;
	s11 =	sadd.s32 $0x1DF0, s19  }
0x170: {  	[tilespmem:s11], [sflag:$0x1] =	stream.indirect_vreg.gather [hbm4b:s3+s10], $0x1, v30, vm0, $0xb8;
	[tilespmem:$0x1B380] =	vst v63  }
0x171: {  	v33 =	vadd.s32 s7, v2;
	s12 =	sadd.s32 $0x1E00, s19  }
0x172: {  	[tilespmem:s12], [sflag:$0x1] =	stream.indirect_vreg.gather [hbm4b:s3+s10], $0x1, v31, vm0, $0xb8;
	[tilespmem:$0x1B380] =	vst v63  }
0x173: {  	v34 =	vadd.s32 s7, v3;
	s13 =	sadd.s32 $0x1E10, s19  }
0x174: {  	[tilespmem:s13], [sflag:$0x1] =	stream.indirect_vreg.gather [hbm4b:s3+s10], $0x1, v32, vm0, $0xb8;
	[tilespmem:$0x1B380] =	vst v63  }
0x175: {  	v35 =	vadd.s32 s7, v4;
	s20 =	sadd.s32 $0x1E20, s19  }
0x176: {  	[tilespmem:s20], [sflag:$0x1] =	stream.indirect_vreg.gather [hbm4b:s3+s10], $0x1, v33, vm0, $0xb8;
	[tilespmem:$0x1B380] =	vst v63  }
0x177: {  	s21 =	sadd.s32 $0x1E30, s19;
	v36 =	vadd.s32 s7, v5  }
0x178: {  	[tilespmem:s21], [sflag:$0x1] =	stream.indirect_vreg.gather [hbm4b:s3+s10], $0x1, v34, vm0, $0xb8;
	[tilespmem:$0x1B380] =	vst v63  }
0x179: {  	s22 =	sadd.s32 $0x1E40, s19;
	v37 =	vadd.s32 s7, v6  }
0x17a: {  	[tilespmem:s22], [sflag:$0x1] =	stream.indirect_vreg.gather [hbm4b:s3+s10], $0x1, v35, vm0, $0xb8;
	[tilespmem:$0x1B380] =	vst v63  }
0x17b: {  	s23 =	smul.u32 $0x186A0, s23;
	v38 =	vadd.s32 s7, v7;
	s25 =	sadd.s32 $0x1E50, s19  }
0x17c: {  	[tilespmem:s25], [sflag:$0x1] =	stream.indirect_vreg.gather [hbm4b:s3+s10], $0x1, v36, vm0, $0xb8;
	[tilespmem:$0x1B380] =	vst v63  }
0x17d: {  	v39 =	vadd.s32 s23, v0;
	s29 =	sadd.s32 $0x1E60, s19  }
0x17e: {  	[tilespmem:s29], [sflag:$0x1] =	stream.indirect_vreg.gather [hbm4b:s3+s10], $0x1, v37, vm0, $0xb8;
	[tilespmem:$0x1B380] =	vst v63  }
0x17f: {  	v40 =	vadd.s32 s23, v1;
	s30 =	sadd.s32 $0x1E70, s19  }
0x180: {  	[tilespmem:s30], [sflag:$0x1] =	stream.indirect_vreg.gather [hbm4b:s3+s10], $0x1, v38, vm0, $0xb8;
	[tilespmem:$0x1B380] =	vst v63  }
0x181: {  	v41 =	vadd.s32 s23, v2;
	s31 =	sadd.s32 $0x1E80, s19  }
0x182: {  	[tilespmem:s31], [sflag:$0x1] =	stream.indirect_vreg.gather [hbm4b:s3+s10], $0x1, v39, vm0, $0xb8;
	[tilespmem:$0x1B380] =	vst v63  }
0x183: {  	v42 =	vadd.s32 s23, v3;
	s2 =	sadd.s32 $0x1E90, s19  }
0x184: {  	[tilespmem:s2], [sflag:$0x1] =	stream.indirect_vreg.gather [hbm4b:s3+s10], $0x1, v40, vm0, $0xb8;
	[tilespmem:$0x1B380] =	vst v63  }
0x185: {  	v43 =	vadd.s32 s23, v4;
	s5 =	sadd.s32 $0x1EA0, s19  }
0x186: {  	[tilespmem:s5], [sflag:$0x1] =	stream.indirect_vreg.gather [hbm4b:s3+s10], $0x1, v41, vm0, $0xb8;
	[tilespmem:$0x1B380] =	vst v63  }
0x187: {  	v44 =	vadd.s32 s23, v5;
	s6 =	sadd.s32 $0x1EB0, s19  }
0x188: {  	[tilespmem:s6], [sflag:$0x1] =	stream.indirect_vreg.gather [hbm4b:s3+s10], $0x1, v42, vm0, $0xb8;
	[tilespmem:$0x1B380] =	vst v63  }
0x189: {  	v45 =	vadd.s32 s23, v6;
	s7 =	sadd.s32 $0x1EC0, s19  }
0x18a: {  	[tilespmem:s7], [sflag:$0x1] =	stream.indirect_vreg.gather [hbm4b:s3+s10], $0x1, v43, vm0, $0xb8;
	[tilespmem:$0x1B380] =	vst v63  }
0x18b: {  	v46 =	vadd.s32 s23, v7;
	s8 =	smul.u32 $0x186A0, s24;
	s9 =	sadd.s32 $0x1ED0, s19  }
0x18c: {  	[tilespmem:s9], [sflag:$0x1] =	stream.indirect_vreg.gather [hbm4b:s3+s10], $0x1, v44, vm0, $0xb8;
	[tilespmem:$0x1B380] =	vst v63  }
0x18d: {  	v47 =	vadd.s32 s8, v0;
	s11 =	sadd.s32 $0x1EE0, s19  }
0x18e: {  	[tilespmem:s11], [sflag:$0x1] =	stream.indirect_vreg.gather [hbm4b:s3+s10], $0x1, v45, vm0, $0xb8;
	[tilespmem:$0x1B380] =	vst v63  }
0x18f: {  	v48 =	vadd.s32 s8, v1;
	s12 =	sadd.s32 $0x1EF0, s19  }
0x190: {  	[tilespmem:s12], [sflag:$0x1] =	stream.indirect_vreg.gather [hbm4b:s3+s10], $0x1, v46, vm0, $0xb8;
	[tilespmem:$0x1B380] =	vst v63  }
0x191: {  	v49 =	vadd.s32 s8, v2;
	s13 =	sadd.s32 $0x1F00, s19  }
0x192: {  	[tilespmem:s13], [sflag:$0x1] =	stream.indirect_vreg.gather [hbm4b:s3+s10], $0x1, v47, vm0, $0xb8;
	[tilespmem:$0x1B380] =	vst v63  }
0x193: {  	v50 =	vadd.s32 s8, v3;
	s20 =	sadd.s32 $0x1F10, s19  }
0x194: {  	[tilespmem:s20], [sflag:$0x1] =	stream.indirect_vreg.gather [hbm4b:s3+s10], $0x1, v48, vm0, $0xb8;
	[tilespmem:$0x1B380] =	vst v63  }
0x195: {  	v51 =	vadd.s32 s8, v4;
	s21 =	sadd.s32 $0x1F20, s19  }
0x196: {  	[tilespmem:s21], [sflag:$0x1] =	stream.indirect_vreg.gather [hbm4b:s3+s10], $0x1, v49, vm0, $0xb8;
	[tilespmem:$0x1B380] =	vst v63  }
0x197: {  	v52 =	vadd.s32 s8, v5;
	s22 =	sadd.s32 $0x1F30, s19  }
0x198: {  	[tilespmem:s22], [sflag:$0x1] =	stream.indirect_vreg.gather [hbm4b:s3+s10], $0x1, v50, vm0, $0xb8;
	[tilespmem:$0x1B380] =	vst v63  }
0x199: {  	s23 =	sadd.s32 $0x1F40, s19;
	v53 =	vadd.s32 s8, v6  }
0x19a: {  	[tilespmem:s23], [sflag:$0x1] =	stream.indirect_vreg.gather [hbm4b:s3+s10], $0x1, v51, vm0, $0xb8;
	[tilespmem:$0x1B380] =	vst v63  }
0x19b: {  	s24 =	smul.u32 $0x186A0, s26;
	v54 =	vadd.s32 s8, v7;
	s25 =	sadd.s32 $0x1F50, s19  }
0x19c: {  	[tilespmem:s25], [sflag:$0x1] =	stream.indirect_vreg.gather [hbm4b:s3+s10], $0x1, v52, vm0, $0xb8;
	[tilespmem:$0x1B380] =	vst v63  }
0x19d: {  	s26 =	sadd.s32 $0x1F60, s19;
	v55 =	vadd.s32 s24, v0  }
0x19e: {  	[tilespmem:s26], [sflag:$0x1] =	stream.indirect_vreg.gather [hbm4b:s3+s10], $0x1, v53, vm0, $0xb8;
	[tilespmem:$0x1B380] =	vst v63  }
0x19f: {  	v56 =	vadd.s32 s24, v1;
	s29 =	sadd.s32 $0x1F70, s19  }
0x1a0: {  	[tilespmem:s29], [sflag:$0x1] =	stream.indirect_vreg.gather [hbm4b:s3+s10], $0x1, v54, vm0, $0xb8;
	[tilespmem:$0x1B380] =	vst v63  }
0x1a1: {  	v57 =	vadd.s32 s24, v2;
	s30 =	sadd.s32 $0x1F80, s19  }
0x1a2: {  	[tilespmem:s30], [sflag:$0x1] =	stream.indirect_vreg.gather [hbm4b:s3+s10], $0x1, v55, vm0, $0xb8;
	[tilespmem:$0x1B380] =	vst v63  }
0x1a3: {  	v58 =	vadd.s32 s24, v3;
	s31 =	sadd.s32 $0x1F90, s19  }
0x1a4: {  	[tilespmem:s31], [sflag:$0x1] =	stream.indirect_vreg.gather [hbm4b:s3+s10], $0x1, v56, vm0, $0xb8;
	[tilespmem:$0x1B380] =	vst v63  }
0x1a5: {  	v59 =	vadd.s32 s24, v4;
	s2 =	sadd.s32 $0x1FA0, s19  }
0x1a6: {  	[tilespmem:s2], [sflag:$0x1] =	stream.indirect_vreg.gather [hbm4b:s3+s10], $0x1, v57, vm0, $0xb8;
	[tilespmem:$0x1B380] =	vst v63  }
0x1a7: {  	v60 =	vadd.s32 s24, v5;
	s5 =	sadd.s32 $0x1FB0, s19  }
0x1a8: {  	[tilespmem:s5], [sflag:$0x1] =	stream.indirect_vreg.gather [hbm4b:s3+s10], $0x1, v58, vm0, $0xb8;
	[tilespmem:$0x1B380] =	vst v63  }
0x1a9: {  	v61 =	vadd.s32 s24, v6;
	s6 =	sadd.s32 $0x1FC0, s19  }
0x1aa: {  	[tilespmem:s6], [sflag:$0x1] =	stream.indirect_vreg.gather [hbm4b:s3+s10], $0x1, v59, vm0, $0xb8;
	[tilespmem:$0x1B380] =	vst v63  }
0x1ab: {  	v62 =	vadd.s32 s24, v7;
	s8 =	sadd.s32 $0x1FD0, s19;
	s7 =	smul.u32 $0x186A0, s28  }
0x1ac: {  	[tilespmem:s8], [sflag:$0x1] =	stream.indirect_vreg.gather [hbm4b:s3+s10], $0x1, v60, vm0, $0xb8;
	[tilespmem:$0x1B380] =	vst v63  }
0x1ad: {  	v63 =	vadd.s32 s7, v0;
	s9 =	sadd.s32 $0x1FE0, s19  }
0x1ae: {  	[tilespmem:s9], [sflag:$0x1] =	stream.indirect_vreg.gather [hbm4b:s3+s10], $0x1, v61, vm0, $0xb8;
	[tilespmem:$0x1B380] =	vst v63  }
0x1af: {  	v12 =	vadd.s32 s7, v1;
	s11 =	sadd.s32 $0x1FF0, s19  }
0x1b0: {  	[tilespmem:s11], [sflag:$0x1] =	stream.indirect_vreg.gather [hbm4b:s3+s10], $0x1, v62, vm0, $0xb8;
	[tilespmem:$0x1B380] =	vst v63  }
0x1b1: {  	v13 =	vadd.s32 s7, v2;
	s12 =	sadd.s32 $0x2000, s19  }
0x1b2: {  	[tilespmem:s12], [sflag:$0x1] =	stream.indirect_vreg.gather [hbm4b:s3+s10], $0x1, v63, vm0, $0xb8;
	[tilespmem:$0x1B380] =	vst v63  }
0x1b3: {  	v14 =	vadd.s32 s7, v3;
	s13 =	sadd.s32 $0x2010, s19  }
0x1b4: {  	[tilespmem:s13], [sflag:$0x1] =	stream.indirect_vreg.gather [hbm4b:s3+s10], $0x1, v12, vm0, $0xb8;
	[tilespmem:$0x1B380] =	vst v63  }
0x1b5: {  	v15 =	vadd.s32 s7, v4;
	s20 =	sadd.s32 $0x2020, s19  }
0x1b6: {  	[tilespmem:s20], [sflag:$0x1] =	stream.indirect_vreg.gather [hbm4b:s3+s10], $0x1, v13, vm0, $0xb8;
	[tilespmem:$0x1B380] =	vst v63  }
0x1b7: {  	v16 =	vadd.s32 s7, v5;
	s21 =	sadd.s32 $0x2030, s19  }
0x1b8: {  	[tilespmem:s21], [sflag:$0x1] =	stream.indirect_vreg.gather [hbm4b:s3+s10], $0x1, v14, vm0, $0xb8;
	[tilespmem:$0x1B380] =	vst v63  }
0x1b9: {  	v17 =	vadd.s32 s7, v6;
	s22 =	sadd.s32 $0x2040, s19  }
0x1ba: {  	[tilespmem:s22], [sflag:$0x1] =	stream.indirect_vreg.gather [hbm4b:s3+s10], $0x1, v15, vm0, $0xb8;
	[tilespmem:$0x1B380] =	vst v63  }
0x1bb: {  	s0 =	smul.u32 $0x186A0, s0;
	v18 =	vadd.s32 s7, v7;
	s23 =	sadd.s32 $0x2050, s19  }
0x1bc: {  	[tilespmem:s23], [sflag:$0x1] =	stream.indirect_vreg.gather [hbm4b:s3+s10], $0x1, v16, vm0, $0xb8;
	[tilespmem:$0x1B380] =	vst v63  }
0x1bd: {  	v19 =	vadd.s32 s0, v0;
	s24 =	sadd.s32 $0x2060, s19  }
0x1be: {  	[tilespmem:s24], [sflag:$0x1] =	stream.indirect_vreg.gather [hbm4b:s3+s10], $0x1, v17, vm0, $0xb8;
	[tilespmem:$0x1B380] =	vst v63  }
0x1bf: {  	v20 =	vadd.s32 s0, v1;
	s25 =	sadd.s32 $0x2070, s19  }
0x1c0: {  	[tilespmem:s25], [sflag:$0x1] =	stream.indirect_vreg.gather [hbm4b:s3+s10], $0x1, v18, vm0, $0xb8;
	[tilespmem:$0x1B380] =	vst v63  }
0x1c1: {  	v21 =	vadd.s32 s0, v2;
	s26 =	sadd.s32 $0x2080, s19  }
0x1c2: {  	[tilespmem:s26], [sflag:$0x1] =	stream.indirect_vreg.gather [hbm4b:s3+s10], $0x1, v19, vm0, $0xb8;
	[tilespmem:$0x1B380] =	vst v63  }
0x1c3: {  	v22 =	vadd.s32 s0, v3;
	s28 =	sadd.s32 $0x2090, s19  }
0x1c4: {  	[tilespmem:s28], [sflag:$0x1] =	stream.indirect_vreg.gather [hbm4b:s3+s10], $0x1, v20, vm0, $0xb8;
	[tilespmem:$0x1B380] =	vst v63  }
0x1c5: {  	v23 =	vadd.s32 s0, v4;
	s29 =	sadd.s32 $0x20A0, s19  }
0x1c6: {  	[tilespmem:s29], [sflag:$0x1] =	stream.indirect_vreg.gather [hbm4b:s3+s10], $0x1, v21, vm0, $0xb8;
	[tilespmem:$0x1B380] =	vst v63  }
0x1c7: {  	v24 =	vadd.s32 s0, v5;
	s30 =	sadd.s32 $0x20B0, s19  }
0x1c8: {  	[tilespmem:s30], [sflag:$0x1] =	stream.indirect_vreg.gather [hbm4b:s3+s10], $0x1, v22, vm0, $0xb8;
	[tilespmem:$0x1B380] =	vst v63  }
0x1c9: {  	v25 =	vadd.s32 s0, v6;
	s31 =	sadd.s32 $0x20C0, s19  }
0x1ca: {  	[tilespmem:s31], [sflag:$0x1] =	stream.indirect_vreg.gather [hbm4b:s3+s10], $0x1, v23, vm0, $0xb8;
	[tilespmem:$0x1B380] =	vst v63  }
0x1cb: {  	s4 =	sadd.s32 $0x20D0, s19;
	v26 =	vadd.s32 s0, v7;
	s2 =	smul.u32 $0x186A0, s16  }
0x1cc: {  	[tilespmem:s4], [sflag:$0x1] =	stream.indirect_vreg.gather [hbm4b:s3+s10], $0x1, v24, vm0, $0xb8;
	[tilespmem:$0x1B380] =	vst v63  }
0x1cd: {  	v27 =	vadd.s32 s2, v0;
	s5 =	sadd.s32 $0x20E0, s19  }
0x1ce: {  	[tilespmem:s5], [sflag:$0x1] =	stream.indirect_vreg.gather [hbm4b:s3+s10], $0x1, v25, vm0, $0xb8;
	[tilespmem:$0x1B380] =	vst v63  }
0x1cf: {  	v28 =	vadd.s32 s2, v1;
	s6 =	sadd.s32 $0x20F0, s19  }
0x1d0: {  	[tilespmem:s6], [sflag:$0x1] =	stream.indirect_vreg.gather [hbm4b:s3+s10], $0x1, v26, vm0, $0xb8;
	[tilespmem:$0x1B380] =	vst v63  }
0x1d1: {  	s7 =	sadd.s32 $0x2100, s19;
	v29 =	vadd.s32 s2, v2  }
0x1d2: {  	[tilespmem:s7], [sflag:$0x1] =	stream.indirect_vreg.gather [hbm4b:s3+s10], $0x1, v27, vm0, $0xb8;
	[tilespmem:$0x1B380] =	vst v63  }
0x1d3: {  	v30 =	vadd.s32 s2, v3;
	s8 =	sadd.s32 $0x2110, s19  }
0x1d4: {  	[tilespmem:s8], [sflag:$0x1] =	stream.indirect_vreg.gather [hbm4b:s3+s10], $0x1, v28, vm0, $0xb8;
	[tilespmem:$0x1B380] =	vst v63  }
0x1d5: {  	v31 =	vadd.s32 s2, v4;
	s9 =	sadd.s32 $0x2120, s19  }
0x1d6: {  	[tilespmem:s9], [sflag:$0x1] =	stream.indirect_vreg.gather [hbm4b:s3+s10], $0x1, v29, vm0, $0xb8;
	[tilespmem:$0x1B380] =	vst v63  }
0x1d7: {  	v32 =	vadd.s32 s2, v5;
	s11 =	sadd.s32 $0x2130, s19  }
0x1d8: {  	[tilespmem:s11], [sflag:$0x1] =	stream.indirect_vreg.gather [hbm4b:s3+s10], $0x1, v30, vm0, $0xb8;
	[tilespmem:$0x1B380] =	vst v63  }
0x1d9: {  	v33 =	vadd.s32 s2, v6;
	s12 =	sadd.s32 $0x2140, s19  }
0x1da: {  	[tilespmem:s12], [sflag:$0x1] =	stream.indirect_vreg.gather [hbm4b:s3+s10], $0x1, v31, vm0, $0xb8;
	[tilespmem:$0x1B380] =	vst v63  }
0x1db: {  	s16 =	sadd.s32 $0x2150, s19;
	v34 =	vadd.s32 s2, v7;
	s13 =	smul.u32 $0x186A0, s17  }
0x1dc: {  	[tilespmem:s16], [sflag:$0x1] =	stream.indirect_vreg.gather [hbm4b:s3+s10], $0x1, v32, vm0, $0xb8;
	[tilespmem:$0x1B380] =	vst v63  }
0x1dd: {  	s17 =	sadd.s32 $0x2160, s19;
	v35 =	vadd.s32 s13, v0  }
0x1de: {  	[tilespmem:s17], [sflag:$0x1] =	stream.indirect_vreg.gather [hbm4b:s3+s10], $0x1, v33, vm0, $0xb8;
	[tilespmem:$0x1B380] =	vst v63  }
0x1df: {  	v36 =	vadd.s32 s13, v1;
	s20 =	sadd.s32 $0x2170, s19  }
0x1e0: {  	[tilespmem:s20], [sflag:$0x1] =	stream.indirect_vreg.gather [hbm4b:s3+s10], $0x1, v34, vm0, $0xb8;
	[tilespmem:$0x1B380] =	vst v63  }
0x1e1: {  	v37 =	vadd.s32 s13, v2;
	s21 =	sadd.s32 $0x2180, s19  }
0x1e2: {  	[tilespmem:s21], [sflag:$0x1] =	stream.indirect_vreg.gather [hbm4b:s3+s10], $0x1, v35, vm0, $0xb8;
	[tilespmem:$0x1B380] =	vst v63  }
0x1e3: {  	v38 =	vadd.s32 s13, v3;
	s22 =	sadd.s32 $0x2190, s19  }
0x1e4: {  	[tilespmem:s22], [sflag:$0x1] =	stream.indirect_vreg.gather [hbm4b:s3+s10], $0x1, v36, vm0, $0xb8;
	[tilespmem:$0x1B380] =	vst v63  }
0x1e5: {  	v39 =	vadd.s32 s13, v4;
	s23 =	sadd.s32 $0x21A0, s19  }
0x1e6: {  	[tilespmem:s23], [sflag:$0x1] =	stream.indirect_vreg.gather [hbm4b:s3+s10], $0x1, v37, vm0, $0xb8;
	[tilespmem:$0x1B380] =	vst v63  }
0x1e7: {  	v40 =	vadd.s32 s13, v5;
	s24 =	sadd.s32 $0x21B0, s19  }
0x1e8: {  	[tilespmem:s24], [sflag:$0x1] =	stream.indirect_vreg.gather [hbm4b:s3+s10], $0x1, v38, vm0, $0xb8;
	[tilespmem:$0x1B380] =	vst v63  }
0x1e9: {  	v41 =	vadd.s32 s13, v6;
	s25 =	sadd.s32 $0x21C0, s19  }
0x1ea: {  	[tilespmem:s25], [sflag:$0x1] =	stream.indirect_vreg.gather [hbm4b:s3+s10], $0x1, v39, vm0, $0xb8;
	[tilespmem:$0x1B380] =	vst v63  }
0x1eb: {  	v42 =	vadd.s32 s13, v7;
	s26 =	smul.u32 $0x186A0, s18;
	s28 =	sadd.s32 $0x21D0, s19  }
0x1ec: {  	[tilespmem:s28], [sflag:$0x1] =	stream.indirect_vreg.gather [hbm4b:s3+s10], $0x1, v40, vm0, $0xb8;
	[tilespmem:$0x1B380] =	vst v63  }
0x1ed: {  	v43 =	vadd.s32 s26, v0;
	s29 =	sadd.s32 $0x21E0, s19  }
0x1ee: {  	[tilespmem:s29], [sflag:$0x1] =	stream.indirect_vreg.gather [hbm4b:s3+s10], $0x1, v41, vm0, $0xb8;
	[tilespmem:$0x1B380] =	vst v63  }
0x1ef: {  	v44 =	vadd.s32 s26, v1;
	s30 =	sadd.s32 $0x21F0, s19  }
0x1f0: {  	[tilespmem:s30], [sflag:$0x1] =	stream.indirect_vreg.gather [hbm4b:s3+s10], $0x1, v42, vm0, $0xb8;
	[tilespmem:$0x1B380] =	vst v63  }
0x1f1: {  	v45 =	vadd.s32 s26, v2;
	s31 =	sadd.s32 $0x2200, s19  }
0x1f2: {  	[tilespmem:s31], [sflag:$0x1] =	stream.indirect_vreg.gather [hbm4b:s3+s10], $0x1, v43, vm0, $0xb8;
	[tilespmem:$0x1B380] =	vst v63  }
0x1f3: {  	s2 =	sadd.s32 $0x2210, s19;
	v46 =	vadd.s32 s26, v3  }
0x1f4: {  	[tilespmem:s2], [sflag:$0x1] =	stream.indirect_vreg.gather [hbm4b:s3+s10], $0x1, v44, vm0, $0xb8;
	[tilespmem:$0x1B380] =	vst v63  }
0x1f5: {  	v47 =	vadd.s32 s26, v4;
	s4 =	sadd.s32 $0x2220, s19  }
0x1f6: {  	[tilespmem:s4], [sflag:$0x1] =	stream.indirect_vreg.gather [hbm4b:s3+s10], $0x1, v45, vm0, $0xb8;
	[tilespmem:$0x1B380] =	vst v63  }
0x1f7: {  	v48 =	vadd.s32 s26, v5;
	s5 =	sadd.s32 $0x2230, s19  }
0x1f8: {  	[tilespmem:s5], [sflag:$0x1] =	stream.indirect_vreg.gather [hbm4b:s3+s10], $0x1, v46, vm0, $0xb8;
	[tilespmem:$0x1B380] =	vst v63  }
0x1f9: {  	v49 =	vadd.s32 s26, v6;
	s6 =	sadd.s32 $0x2240, s19  }
0x1fa: {  	[tilespmem:s6], [sflag:$0x1] =	stream.indirect_vreg.gather [hbm4b:s3+s10], $0x1, v47, vm0, $0xb8;
	[tilespmem:$0x1B380] =	vst v63  }
0x1fb: {  	v50 =	vadd.s32 s26, v7;
	s7 =	smul.u32 $0x186A0, s14;
	s8 =	sadd.s32 $0x2250, s19  }
0x1fc: {  	[tilespmem:s8], [sflag:$0x1] =	stream.indirect_vreg.gather [hbm4b:s3+s10], $0x1, v48, vm0, $0xb8;
	[tilespmem:$0x1B380] =	vst v63  }
0x1fd: {  	v51 =	vadd.s32 s7, v0;
	s9 =	sadd.s32 $0x2260, s19  }
0x1fe: {  	[tilespmem:s9], [sflag:$0x1] =	stream.indirect_vreg.gather [hbm4b:s3+s10], $0x1, v49, vm0, $0xb8;
	[tilespmem:$0x1B380] =	vst v63  }
0x1ff: {  	v52 =	vadd.s32 s7, v1;
	s11 =	sadd.s32 $0x2270, s19  }
0x200: {  	[tilespmem:s11], [sflag:$0x1] =	stream.indirect_vreg.gather [hbm4b:s3+s10], $0x1, v50, vm0, $0xb8;
	[tilespmem:$0x1B380] =	vst v63  }
0x201: {  	v53 =	vadd.s32 s7, v2;
	s12 =	sadd.s32 $0x2280, s19  }
0x202: {  	[tilespmem:s12], [sflag:$0x1] =	stream.indirect_vreg.gather [hbm4b:s3+s10], $0x1, v51, vm0, $0xb8;
	[tilespmem:$0x1B380] =	vst v63  }
0x203: {  	s13 =	sadd.s32 $0x2290, s19;
	v54 =	vadd.s32 s7, v3  }
0x204: {  	[tilespmem:s13], [sflag:$0x1] =	stream.indirect_vreg.gather [hbm4b:s3+s10], $0x1, v52, vm0, $0xb8;
	[tilespmem:$0x1B380] =	vst v63  }
0x205: {  	s14 =	sadd.s32 $0x22A0, s19;
	v55 =	vadd.s32 s7, v4  }
0x206: {  	[tilespmem:s14], [sflag:$0x1] =	stream.indirect_vreg.gather [hbm4b:s3+s10], $0x1, v53, vm0, $0xb8;
	[tilespmem:$0x1B380] =	vst v63  }
0x207: {  	v56 =	vadd.s32 s7, v5;
	s16 =	sadd.s32 $0x22B0, s19  }
0x208: {  	[tilespmem:s16], [sflag:$0x1] =	stream.indirect_vreg.gather [hbm4b:s3+s10], $0x1, v54, vm0, $0xb8;
	[tilespmem:$0x1B380] =	vst v63  }
0x209: {  	v57 =	vadd.s32 s7, v6;
	s17 =	sadd.s32 $0x22C0, s19  }
0x20a: {  	[tilespmem:s17], [sflag:$0x1] =	stream.indirect_vreg.gather [hbm4b:s3+s10], $0x1, v55, vm0, $0xb8;
	[tilespmem:$0x1B380] =	vst v63  }
0x20b: {  	s18 =	smul.u32 $0x186A0, s15;
	v58 =	vadd.s32 s7, v7;
	s20 =	sadd.s32 $0x22D0, s19  }
0x20c: {  	[tilespmem:s20], [sflag:$0x1] =	stream.indirect_vreg.gather [hbm4b:s3+s10], $0x1, v56, vm0, $0xb8;
	[tilespmem:$0x1B380] =	vst v63  }
0x20d: {  	v0 =	vadd.s32 s18, v0;
	s21 =	sadd.s32 $0x22E0, s19  }
0x20e: {  	[tilespmem:s21], [sflag:$0x1] =	stream.indirect_vreg.gather [hbm4b:s3+s10], $0x1, v57, vm0, $0xb8;
	[tilespmem:$0x1B380] =	vst v63  }
0x20f: {  	v1 =	vadd.s32 s18, v1;
	s22 =	sadd.s32 $0x22F0, s19  }
0x210: {  	[tilespmem:s22], [sflag:$0x1] =	stream.indirect_vreg.gather [hbm4b:s3+s10], $0x1, v58, vm0, $0xb8;
	[tilespmem:$0x1B380] =	vst v63  }
0x211: {  	v2 =	vadd.s32 s18, v2;
	s23 =	sadd.s32 $0x2300, s19  }
0x212: {  	[tilespmem:s23], [sflag:$0x1] =	stream.indirect_vreg.gather [hbm4b:s3+s10], $0x1, v0, vm0, $0xb8;
	[tilespmem:$0x1B380] =	vst v63  }
0x213: {  	v59 =	vadd.s32 s18, v3;
	s24 =	sadd.s32 $0x2310, s19  }
0x214: {  	[tilespmem:s24], [sflag:$0x1] =	stream.indirect_vreg.gather [hbm4b:s3+s10], $0x1, v1, vm0, $0xb8;
	[tilespmem:$0x1B380] =	vst v63  }
0x215: {  	v60 =	vadd.s32 s18, v4;
	s25 =	sadd.s32 $0x2320, s19  }
0x216: {  	[tilespmem:s25], [sflag:$0x1] =	stream.indirect_vreg.gather [hbm4b:s3+s10], $0x1, v2, vm0, $0xb8;
	[tilespmem:$0x1B380] =	vst v63  }
0x217: {  	v61 =	vadd.s32 s18, v5;
	s26 =	sadd.s32 $0x2330, s19  }
0x218: {  	[tilespmem:s26], [sflag:$0x1] =	stream.indirect_vreg.gather [hbm4b:s3+s10], $0x1, v59, vm0, $0xb8;
	[tilespmem:$0x1B380] =	vst v63  }
0x219: {  	v62 =	vadd.s32 s18, v6;
	s28 =	sadd.s32 $0x2340, s19  }
0x21a: {  	[tilespmem:s28], [sflag:$0x1] =	stream.indirect_vreg.gather [hbm4b:s3+s10], $0x1, v60, vm0, $0xb8;
	[tilespmem:$0x1B380] =	vst v63  }
0x21b: {  	v63 =	vadd.s32 s18, v7;
	s29 =	sadd.s32 $0x2350, s19  }
0x21c: {  	[tilespmem:s29], [sflag:$0x1] =	stream.indirect_vreg.gather [hbm4b:s3+s10], $0x1, v61, vm0, $0xb8;
	[tilespmem:$0x1B380] =	vst v63  }
0x21d: {  	p1 =	por $0x1, $0x1;
	s30 =	sadd.s32 $0x2360, s19  }
0x21e: {  	[tilespmem:s30], [sflag:$0x1] =	stream.indirect_vreg.gather [hbm4b:s3+s10], $0x1, v62, vm0, $0xb8;
	[tilespmem:$0x1B380] =	vst v63  }
0x21f: {  	s0 =	simm.s32 @!p1 $0x1;
	s31 =	sadd.s32 $0x2370, s19  }
0x220: {  	[tilespmem:s31], [sflag:$0x1] =	stream.indirect_vreg.gather [hbm4b:s3+s10], $0x1, v63, vm0, $0xb8;
	[tilespmem:$0x1B380] =	vst v63  }
0x221: {  	s2 =	simm.s32 $0x1;
	_ =	swait.ge @!p1 [sflag:s0], $0x1000  }
.LBB2_2:
0x222: {  	s4 =	smov.u32 s2  }
0x223: {  	[sflag:s0] =	ssyncset.done @!p1 $0x0;
	s1 =	sshll.u32 s4, $0x7  }
0x224: {  	s31 =	sadd.s32 $0x1, s2;
	[sflag:s0] =	ssyncadd.s32 @!p1 $0xFFFFF000;
	s2 =	sand.u32 $0x3FFFFF80, s1  }
0x225: {  	v0 =	vld [tilespmem:s2+$0x0];
	_ =	sdelay $0x1  }
0x226: {  	v1 =	vld [tilespmem:s2+$0x10];
	_ =	sdelay $0x1  }
0x227: {  	v2 =	vld [tilespmem:s2+$0x20]  }
0x228: {  	v0 =	vtrunc.f32 v0  }
0x229: {  	s17 =	smul.u32 $0x30D400, s4;
	v3 =	vld [tilespmem:s2+$0x30];
	v11 =	vcvt.f32.s32 v0  }
0x22a: {  	v1 =	vtrunc.f32 v1  }
0x22b: {  	s18 =	sshll.u32 s4, $0x5;
	v4 =	vld [tilespmem:s2+$0x40];
	v1 =	vcvt.f32.s32 v1;
	v5 =	vadd.s32 s17, v11  }
0x22c: {  	s23 =	sor.u32 $0xD, s18;
	v2 =	vtrunc.f32 v2  }
0x22d: {  	[dreg:$0x4] =	wrdreg s4;
	v6 =	vld [tilespmem:s2+$0x50];
	s4 =	sshll.u32 s23, $0x7;
	v2 =	vcvt.f32.s32 v2;
	v7 =	vadd.s32 s17, v1  }
0x22e: {  	[dreg:$0x3] =	wrdreg s31;
	p0 =	sne.s32 s31, $0x1A;
	s4 =	sand.u32 $0x3FFFF680, s4;
	v3 =	vtrunc.f32 v3  }
0x22f: {  	s22 =	sor.u32 $0xE, s18;
	s19 =	sor.u32 $0xF, s18;
	v9 =	vld [tilespmem:s2+$0x60];
	s9 =	sadd.s32 $0xD00, s4;
	v3 =	vcvt.f32.s32 v3;
	v10 =	vadd.s32 s17, v2  }
0x230: {  	v8 =	vld [tilespmem:s2+$0x70];
	v4 =	vtrunc.f32 v4;
	[tilespmem:s9], [sflag:$0x1] =	stream.indirect_vreg.gather [hbm4b:s3+s10], $0x1, v5, vm0, $0xb8  }
0x231: {  	s11 =	sor.u32 $0x10, s18;
	s15 =	sor.u32 $0x11, s18;
	s14 =	sadd.s32 $0xD10, s4;
	v4 =	vcvt.f32.s32 v4;
	v13 =	vadd.s32 s17, v3  }
0x232: {  	v62 =	vtrunc.f32 v6;
	[tilespmem:s14], [sflag:$0x1] =	stream.indirect_vreg.gather [hbm4b:s3+s10], $0x1, v7, vm0, $0xb8;
	[tilespmem:$0x1B380] =	vst v63  }
0x233: {  	s24 =	sor.u32 $0x12, s18;
	s1 =	sor.u32 $0x13, s18;
	s16 =	sadd.s32 $0xD20, s4;
	v18 =	vadd.s32 s17, v4;
	v5 =	vcvt.f32.s32 v62  }
0x234: {  	v0 =	vtrunc.f32 v9;
	[tilespmem:s16], [sflag:$0x1] =	stream.indirect_vreg.gather [hbm4b:s3+s10], $0x1, v10, vm0, $0xb8;
	[tilespmem:$0x1B380] =	vst v63  }
0x235: {  	s7 =	sadd.s32 $0xAAE60, s17;
	s5 =	sshll.u32 s22, $0x7;
	s9 =	sadd.s32 $0xD30, s4;
	v7 =	vcvt.f32.s32 v0;
	v19 =	vadd.s32 s17, v5  }
0x236: {  	v63 =	vtrunc.f32 v8;
	[tilespmem:s9], [sflag:$0x1] =	stream.indirect_vreg.gather [hbm4b:s3+s10], $0x1, v13, vm0, $0xb8;
	[tilespmem:$0x1B380] =	vst v63  }
0x237: {  	s8 =	sshll.u32 s19, $0x7;
	s13 =	sshll.u32 s11, $0x7;
	s26 =	sadd.s32 $0xD40, s4;
	v6 =	vcvt.f32.s32 v63;
	v22 =	vadd.s32 s17, v7  }
0x238: {  	[tilespmem:s26], [sflag:$0x1] =	stream.indirect_vreg.gather [hbm4b:s3+s10], $0x1, v18, vm0, $0xb8;
	[tilespmem:$0x1B380] =	vst v63  }
0x239: {  	[dreg:$0x6] =	wrdreg s15;
	s29 =	sadd.s32 $0x186A0, s17;
	s28 =	sadd.s32 $0xD50, s4;
	v20 =	vadd.s32 s17, v6  }
0x23a: {  	[tilespmem:s28], [sflag:$0x1] =	stream.indirect_vreg.gather [hbm4b:s3+s10], $0x1, v19, vm0, $0xb8;
	[tilespmem:$0x1B380] =	vst v63  }
0x23b: {  	s21 =	sshll.u32 s15, $0x7;
	[dreg:$0x5] =	wrdreg s24;
	s2 =	sadd.s32 $0xD60, s4;
	v8 =	vadd.s32 s29, v11  }
0x23c: {  	v47 =	vadd.s32 s7, v11;
	[tilespmem:s2], [sflag:$0x1] =	stream.indirect_vreg.gather [hbm4b:s3+s10], $0x1, v22, vm0, $0xb8;
	[tilespmem:$0x1B380] =	vst v63  }
0x23d: {  	s25 =	sshll.u32 s24, $0x7;
	s12 =	sand.u32 $0x3FFFF700, s5;
	v44 =	vadd.s32 s7, v1;
	v42 =	vadd.s32 s7, v2;
	v9 =	vadd.s32 s29, v1;
	s4 =	sadd.s32 $0xD70, s4  }
0x23e: {  	v41 =	vadd.s32 s7, v3;
	v34 =	vadd.s32 s7, v4;
	v36 =	vadd.s32 s7, v6;
	[tilespmem:s4], [sflag:$0x1] =	stream.indirect_vreg.gather [hbm4b:s3+s10], $0x1, v20, vm0, $0xb8;
	[tilespmem:$0x1B380] =	vst v63  }
0x23f: {  	s5 =	sand.u32 $0x3FFFF800, s13;
	s13 =	sadd.s32 $0xD00, s12;
	v27 =	vadd.s32 s29, v2;
	v29 =	vadd.s32 s7, v5;
	v18 =	vadd.s32 s7, v7;
	s7 =	sor.u32 $0x15, s18  }
0x240: {  	[tilespmem:s13], [sflag:$0x1] =	stream.indirect_vreg.gather [hbm4b:s3+s10], $0x1, v8, vm0, $0xb8;
	[tilespmem:$0x1B380] =	vst v63  }
0x241: {  	s20 =	sand.u32 $0x3FFFF780, s8;
	s15 =	sadd.s32 $0xD10, s12;
	v30 =	vadd.s32 s29, v3;
	[dreg:$0x7] =	wrdreg s7  }
0x242: {  	[tilespmem:s15], [sflag:$0x1] =	stream.indirect_vreg.gather [hbm4b:s3+s10], $0x1, v9, vm0, $0xb8;
	[tilespmem:$0x1B380] =	vst v63  }
0x243: {  	s0 =	sshll.u32 s1, $0x7;
	s31 =	sand.u32 $0x3FFFF900, s25;
	v31 =	vadd.s32 s29, v4;
	s13 =	sadd.s32 $0xD20, s12  }
0x244: {  	[tilespmem:s13], [sflag:$0x1] =	stream.indirect_vreg.gather [hbm4b:s3+s10], $0x1, v27, vm0, $0xb8;
	[tilespmem:$0x1B380] =	vst v63  }
0x245: {  	s24 =	sor.u32 $0x17, s18;
	s30 =	sand.u32 $0x3FFFF980, s0;
	s25 =	sadd.s32 $0xD30, s12;
	v32 =	vadd.s32 s29, v5  }
0x246: {  	[tilespmem:s25], [sflag:$0x1] =	stream.indirect_vreg.gather [hbm4b:s3+s10], $0x1, v30, vm0, $0xb8;
	[tilespmem:$0x1B380] =	vst v63  }
0x247: {  	s16 =	sand.u32 $0x3FFFF880, s21;
	v35 =	vadd.s32 s29, v7;
	s21 =	sadd.s32 $0xDBBA0, s17;
	s15 =	sadd.s32 $0xD40, s12  }
0x248: {  	[tilespmem:s15], [sflag:$0x1] =	stream.indirect_vreg.gather [hbm4b:s3+s10], $0x1, v31, vm0, $0xb8;
	[tilespmem:$0x1B380] =	vst v63  }
0x249: {  	s0 =	sadd.s32 $0xD50, s12;
	v33 =	vadd.s32 s29, v6;
	v39 =	vadd.s32 s21, v3;
	s9 =	sadd.s32 $0x10C8E0, s17;
	s14 =	sshll.u32 s7, $0x7  }
0x24a: {  	v38 =	vadd.s32 s21, v4;
	v40 =	vadd.s32 s21, v5;
	v43 =	vadd.s32 s21, v6;
	[tilespmem:s0], [sflag:$0x1] =	stream.indirect_vreg.gather [hbm4b:s3+s10], $0x1, v32, vm0, $0xb8;
	[tilespmem:$0x1B380] =	vst v63  }
0x24b: {  	v46 =	vadd.s32 s9, v4;
	v52 =	vadd.s32 s9, v5;
	v48 =	vadd.s32 s9, v7;
	s28 =	sand.u32 $0x3FFFFA80, s14;
	s2 =	sadd.s32 $0x30D40, s17;
	s4 =	sadd.s32 $0xD60, s12  }
0x24c: {  	v50 =	vadd.s32 s9, v6;
	v19 =	vadd.s32 s21, v1;
	v37 =	vadd.s32 s2, v11;
	[tilespmem:s4], [sflag:$0x1] =	stream.indirect_vreg.gather [hbm4b:s3+s10], $0x1, v35, vm0, $0xb8;
	[tilespmem:$0x1B380] =	vst v63  }
0x24d: {  	s7 =	sor.u32 $0x18, s18;
	v22 =	vadd.s32 s21, v2;
	v45 =	vadd.s32 s2, v1;
	v20 =	vadd.s32 s21, v11;
	s12 =	sadd.s32 $0xD70, s12;
	s0 =	sadd.s32 $0x124F80, s17  }
0x24e: {  	v27 =	vadd.s32 s21, v7;
	v30 =	vadd.s32 s9, v2;
	v31 =	vadd.s32 s9, v1;
	[tilespmem:s12], [sflag:$0x1] =	stream.indirect_vreg.gather [hbm4b:s3+s10], $0x1, v33, vm0, $0xb8;
	[tilespmem:$0x1B380] =	vst v63  }
0x24f: {  	s14 =	sshll.u32 s24, $0x7;
	s21 =	sshll.u32 s7, $0x7;
	v32 =	vadd.s32 s9, v11;
	v10 =	vadd.s32 s0, v6;
	v33 =	vadd.s32 s9, v3;
	s9 =	smul.u32 $0x186A0, s23  }
0x250: {  	[dreg:$0x8] =	wrdreg s24;
	s24 =	sand.u32 $0x3FFFFC00, s21;
	s21 =	sadd.s32 $0xD00, s20;
	[tilespmem:$0x1F850] =	vst v10  }
0x251: {  	[tilespmem:s21], [sflag:$0x1] =	stream.indirect_vreg.gather [hbm4b:s3+s10], $0x1, v37, vm0, $0xb8;
	v12 =	vadd.s32 s9, v4;
	[tilespmem:$0x1B380] =	vst v63  }
0x252: {  	v49 =	vadd.s32 s2, v2;
	v13 =	vadd.s32 s9, v5;
	[tilespmem:$0x1F860] =	vst v12  }
0x253: {  	v63 =	vadd.s32 s0, v7;
	v51 =	vadd.s32 s0, v2;
	v53 =	vadd.s32 s0, v3;
	s4 =	sadd.s32 $0xD10, s20;
	[tilespmem:$0x1F870] =	vst v13  }
0x254: {  	v54 =	vadd.s32 s0, v5;
	v35 =	vadd.s32 s0, v1;
	v14 =	vadd.s32 s9, v7;
	[tilespmem:s4], [sflag:$0x1] =	stream.indirect_vreg.gather [hbm4b:s3+s10], $0x1, v45, vm0, $0xb8;
	[tilespmem:$0x1B380] =	vst v63  }
0x255: {  	v37 =	vadd.s32 s0, v11;
	v15 =	vadd.s32 s9, v6;
	[tilespmem:$0x1F880] =	vst v14;
	v45 =	vadd.s32 s0, v4;
	s0 =	smul.u32 $0x186A0, s22  }
0x256: {  	s23 =	sadd.s32 $0xD20, s20;
	[tilespmem:$0x1F890] =	vst v15  }
0x257: {  	[tilespmem:s23], [sflag:$0x1] =	stream.indirect_vreg.gather [hbm4b:s3+s10], $0x1, v49, vm0, $0xb8;
	v8 =	vadd.s32 s0, v11;
	[tilespmem:$0x1B380] =	vst v63  }
0x258: {  	v9 =	vadd.s32 s0, v1;
	[tilespmem:$0x1F8A0] =	vst v8  }
0x259: {  	v10 =	vadd.s32 s0, v2;
	[tilespmem:$0x1F8B0] =	vst v9  }
0x25a: {  	v55 =	vadd.s32 s2, v3;
	v12 =	vadd.s32 s0, v3;
	[tilespmem:$0x1F8C0] =	vst v10  }
0x25b: {  	v13 =	vadd.s32 s0, v4;
	[tilespmem:$0x1F8D0] =	vst v12  }
0x25c: {  	v56 =	vadd.s32 s2, v4;
	v57 =	vadd.s32 s2, v5;
	s13 =	sor.u32 $0x19, s18;
	v14 =	vadd.s32 s0, v5;
	[tilespmem:$0x1F8E0] =	vst v13  }
0x25d: {  	s19 =	smul.u32 $0x186A0, s19;
	v58 =	vadd.s32 s2, v7;
	v60 =	vadd.s32 s2, v6;
	s2 =	sshll.u32 s13, $0x7;
	v15 =	vadd.s32 s0, v7;
	[tilespmem:$0x1F8F0] =	vst v14  }
0x25e: {  	s21 =	sand.u32 $0x3FFFFC80, s2;
	s2 =	sadd.s32 $0xD30, s20;
	[tilespmem:$0x1F900] =	vst v15  }
0x25f: {  	v14 =	vadd.s32 s19, v4;
	[tilespmem:s2], [sflag:$0x1] =	stream.indirect_vreg.gather [hbm4b:s3+s10], $0x1, v55, vm0, $0xb8;
	[tilespmem:$0x1B380] =	vst v63  }
0x260: {  	s11 =	smul.u32 $0x186A0, s11;
	v59 =	vadd.s32 s9, v11;
	v55 =	vadd.s32 s0, v6;
	[tilespmem:$0x1F930] =	vst v14  }
0x261: {  	s12 =	sor.u32 $0x1A, s18;
	v61 =	vadd.s32 s9, v1;
	v62 =	vadd.s32 s9, v2;
	v49 =	vadd.s32 s9, v3;
	s9 =	sadd.s32 $0xD40, s20;
	[tilespmem:$0x1F910] =	vst v55  }
0x262: {  	v14 =	vadd.s32 s11, v2;
	[tilespmem:s9], [sflag:$0x1] =	stream.indirect_vreg.gather [hbm4b:s3+s10], $0x1, v56, vm0, $0xb8;
	[tilespmem:$0x1B380] =	vst v63  }
0x263: {  	s4 =	sshll.u32 s12, $0x7;
	s2 =	sadd.s32 $0xD50, s20;
	[tilespmem:$0x1F990] =	vst v14  }
0x264: {  	v14 =	vadd.s32 s11, v7;
	[tilespmem:s2], [sflag:$0x1] =	stream.indirect_vreg.gather [hbm4b:s3+s10], $0x1, v57, vm0, $0xb8;
	[tilespmem:$0x1B380] =	vst v63  }
0x265: {  	s22 =	sand.u32 $0x3FFFFD00, s4;
	s4 =	sadd.s32 $0x493E0, s17;
	s9 =	sadd.s32 $0xD60, s20;
	[tilespmem:$0x1F9D0] =	vst v14  }
0x266: {  	v0 =	vadd.s32 s4, v11;
	v56 =	vadd.s32 s19, v5;
	[tilespmem:s9], [sflag:$0x1] =	stream.indirect_vreg.gather [hbm4b:s3+s10], $0x1, v58, vm0, $0xb8;
	[tilespmem:$0x1B380] =	vst v63  }
0x267: {  	s6 =	sadd.s32 $0x7A120, s17;
	s20 =	sadd.s32 $0xD70, s20;
	[tilespmem:$0x1F940] =	vst v56  }
0x268: {  	v26 =	vadd.s32 s6, v11;
	[tilespmem:s20], [sflag:$0x1] =	stream.indirect_vreg.gather [hbm4b:s3+s10], $0x1, v60, vm0, $0xb8;
	v60 =	vadd.s32 s19, v3;
	[tilespmem:$0x1B380] =	vst v63  }
0x269: {  	v28 =	vadd.s32 s6, v1;
	v8 =	vadd.s32 s4, v1;
	[tilespmem:$0x1F920] =	vst v60;
	v60 =	vadd.s32 s19, v7  }
0x26a: {  	s8 =	sor.u32 $0x14, s18;
	v24 =	vadd.s32 s6, v2;
	v23 =	vadd.s32 s6, v3;
	v21 =	vadd.s32 s6, v4;
	s9 =	sadd.s32 $0xD00, s5;
	[tilespmem:$0x1F950] =	vst v60  }
0x26b: {  	v25 =	vadd.s32 s6, v6;
	v16 =	vadd.s32 s6, v5;
	v60 =	vadd.s32 s19, v6;
	[tilespmem:s9], [sflag:$0x1] =	stream.indirect_vreg.gather [hbm4b:s3+s10], $0x1, v0, vm0, $0xb8;
	[tilespmem:$0x1B380] =	vst v63  }
0x26c: {  	v17 =	vadd.s32 s6, v7;
	s6 =	sshll.u32 s8, $0x7;
	v9 =	vadd.s32 s4, v2;
	[tilespmem:$0x1F960] =	vst v60;
	v60 =	vadd.s32 s11, v11  }
0x26d: {  	s29 =	sand.u32 $0x3FFFFA00, s6;
	s9 =	sadd.s32 $0xD10, s5;
	[tilespmem:$0x1F970] =	vst v60  }
0x26e: {  	v60 =	vadd.s32 s11, v1;
	[tilespmem:s9], [sflag:$0x1] =	stream.indirect_vreg.gather [hbm4b:s3+s10], $0x1, v8, vm0, $0xb8;
	[tilespmem:$0x1B380] =	vst v63  }
0x26f: {  	s6 =	sor.u32 $0x16, s18;
	s25 =	sand.u32 $0x3FFFFB80, s14;
	s15 =	sor.u32 $0x1C, s18;
	v12 =	vadd.s32 s4, v5;
	v13 =	vadd.s32 s4, v7;
	[tilespmem:$0x1F980] =	vst v60;
	v60 =	vadd.s32 s11, v5  }
0x270: {  	v15 =	vadd.s32 s4, v6;
	v10 =	vadd.s32 s4, v3;
	s0 =	sshll.u32 s15, $0x7;
	v55 =	vadd.s32 s4, v4;
	s4 =	sor.u32 $0x1D, s18;
	s9 =	sadd.s32 $0xD20, s5;
	[tilespmem:$0x1F9C0] =	vst v60  }
0x271: {  	v60 =	vadd.s32 s11, v3;
	[tilespmem:s9], [sflag:$0x1] =	stream.indirect_vreg.gather [hbm4b:s3+s10], $0x1, v9, vm0, $0xb8;
	[tilespmem:$0x1B380] =	vst v63  }
0x272: {  	v14 =	vadd.s32 s11, v4;
	s20 =	sand.u32 $0x3FFFFE00, s0;
	s0 =	sshll.u32 s4, $0x7;
	[tilespmem:$0x1F9A0] =	vst v60;
	v60 =	vadd.s32 s11, v6;
	s11 =	rddreg [dreg:$0x6]  }
0x273: {  	s14 =	sor.u32 $0x1B, s18;
	v56 =	vadd.s32 s19, v2;
	[tilespmem:$0x1F9B0] =	vst v14;
	v57 =	vadd.s32 s19, v1;
	v58 =	vadd.s32 s19, v11;
	s19 =	sand.u32 $0x3FFFFE80, s0;
	s0 =	smul.u32 $0x186A0, s11  }
0x274: {  	[tilespmem:$0x1F9E0] =	vst v60;
	s11 =	sor.u32 $0x1E, s18;
	s18 =	smul.u32 $0x186A0, s1;
	s1 =	sadd.s32 $0xD30, s5  }
0x275: {  	[tilespmem:s1], [sflag:$0x1] =	stream.indirect_vreg.gather [hbm4b:s3+s10], $0x1, v10, vm0, $0xb8;
	v8 =	vadd.s32 s0, v11;
	[tilespmem:$0x1B380] =	vst v63  }
0x276: {  	v14 =	vadd.s32 s0, v1;
	[tilespmem:$0x1F9F0] =	vst v8  }
0x277: {  	v60 =	vadd.s32 s0, v2;
	[tilespmem:$0x1FA00] =	vst v14  }
0x278: {  	v9 =	vadd.s32 s0, v4;
	[tilespmem:$0x1FA10] =	vst v60  }
0x279: {  	v10 =	vadd.s32 s18, v5;
	[tilespmem:$0x1FA30] =	vst v9  }
0x27a: {  	s2 =	sadd.s32 $0xD40, s5;
	[tilespmem:$0x1FAC0] =	vst v10  }
0x27b: {  	v8 =	vadd.s32 s0, v3;
	[tilespmem:s2], [sflag:$0x1] =	stream.indirect_vreg.gather [hbm4b:s3+s10], $0x1, v55, vm0, $0xb8;
	[tilespmem:$0x1B380] =	vst v63  }
0x27c: {  	v14 =	vadd.s32 s0, v5;
	[tilespmem:$0x1FA20] =	vst v8  }
0x27d: {  	v60 =	vadd.s32 s0, v7;
	[tilespmem:$0x1FA40] =	vst v14  }
0x27e: {  	s8 =	smul.u32 $0x186A0, s8;
	v9 =	vadd.s32 s18, v11;
	[tilespmem:$0x1FA50] =	vst v60  }
0x27f: {  	v55 =	vadd.s32 s18, v6;
	[tilespmem:$0x1FA70] =	vst v9  }
0x280: {  	v10 =	vadd.s32 s8, v3;
	[tilespmem:$0x1FAE0] =	vst v55  }
0x281: {  	v8 =	vadd.s32 s0, v6;
	[tilespmem:$0x1FB20] =	vst v10  }
0x282: {  	v14 =	vadd.s32 s18, v1;
	[tilespmem:$0x1FA60] =	vst v8  }
0x283: {  	v60 =	vadd.s32 s18, v2;
	[tilespmem:$0x1FA80] =	vst v14  }
0x284: {  	v9 =	vadd.s32 s18, v4;
	[tilespmem:$0x1FA90] =	vst v60  }
0x285: {  	s0 =	sadd.s32 $0xD50, s5;
	[tilespmem:$0x1FAB0] =	vst v9  }
0x286: {  	v8 =	vadd.s32 s18, v3;
	[tilespmem:s0], [sflag:$0x1] =	stream.indirect_vreg.gather [hbm4b:s3+s10], $0x1, v12, vm0, $0xb8;
	[tilespmem:$0x1B380] =	vst v63  }
0x287: {  	v14 =	vadd.s32 s18, v7;
	[tilespmem:$0x1FAA0] =	vst v8  }
0x288: {  	v60 =	vadd.s32 s8, v11;
	[tilespmem:$0x1FAD0] =	vst v14  }
0x289: {  	v9 =	vadd.s32 s8, v2;
	[tilespmem:$0x1FAF0] =	vst v60  }
0x28a: {  	v8 =	vadd.s32 s8, v1;
	[tilespmem:$0x1FB10] =	vst v9  }
0x28b: {  	v14 =	vadd.s32 s8, v4;
	[tilespmem:$0x1FB00] =	vst v8  }
0x28c: {  	s1 =	rddreg [dreg:$0x7];
	s2 =	sadd.s32 $0xD60, s5;
	s18 =	sadd.s32 $0x61A80, s17;
	[tilespmem:$0x1FB30] =	vst v14  }
0x28d: {  	v60 =	vadd.s32 s8, v5;
	[tilespmem:s2], [sflag:$0x1] =	stream.indirect_vreg.gather [hbm4b:s3+s10], $0x1, v13, vm0, $0xb8;
	[tilespmem:$0x1B380] =	vst v63  }
0x28e: {  	s1 =	smul.u32 $0x186A0, s1;
	v10 =	vadd.s32 s18, v11;
	[tilespmem:$0x1FB40] =	vst v60;
	v60 =	vadd.s32 s8, v7  }
0x28f: {  	s5 =	sadd.s32 $0xD70, s5;
	[tilespmem:$0x1FB50] =	vst v60  }
0x290: {  	v0 =	vadd.s32 s18, v1;
	v9 =	vadd.s32 s18, v7;
	[tilespmem:s5], [sflag:$0x1] =	stream.indirect_vreg.gather [hbm4b:s3+s10], $0x1, v15, vm0, $0xb8;
	v15 =	vadd.s32 s1, v2;
	[tilespmem:$0x1B380] =	vst v63  }
0x291: {  	v12 =	vadd.s32 s18, v3;
	v55 =	vadd.s32 s18, v4;
	[tilespmem:$0x1FB80] =	vst v15;
	v15 =	vadd.s32 s1, v3  }
0x292: {  	s26 =	sshll.u32 s6, $0x7;
	s6 =	smul.u32 $0x186A0, s6;
	v14 =	vadd.s32 s18, v6;
	v13 =	vadd.s32 s18, v2;
	v8 =	vadd.s32 s18, v5;
	s18 =	sadd.s32 $0xD00, s16;
	[tilespmem:$0x1FB90] =	vst v15  }
0x293: {  	v15 =	vadd.s32 s1, v4;
	[tilespmem:s18], [sflag:$0x1] =	stream.indirect_vreg.gather [hbm4b:s3+s10], $0x1, v10, vm0, $0xb8;
	[tilespmem:$0x1B380] =	vst v63  }
0x294: {  	s0 =	rddreg [dreg:$0x8];
	v10 =	vadd.s32 s6, v7;
	[tilespmem:$0x1FBA0] =	vst v15  }
0x295: {  	s0 =	smul.u32 $0x186A0, s0;
	v15 =	vadd.s32 s1, v5;
	[tilespmem:$0x1FC40] =	vst v10  }
0x296: {  	s2 =	sadd.s32 $0xD10, s16;
	[tilespmem:$0x1FBB0] =	vst v15  }
0x297: {  	v10 =	vadd.s32 s0, v11;
	[tilespmem:s2], [sflag:$0x1] =	stream.indirect_vreg.gather [hbm4b:s3+s10], $0x1, v0, vm0, $0xb8;
	[tilespmem:$0x1B380] =	vst v63  }
0x298: {  	v15 =	vadd.s32 s1, v7;
	[tilespmem:$0x1FC60] =	vst v10  }
0x299: {  	v10 =	vadd.s32 s0, v2;
	[tilespmem:$0x1FBC0] =	vst v15  }
0x29a: {  	v15 =	vadd.s32 s1, v6;
	[tilespmem:$0x1FC80] =	vst v10  }
0x29b: {  	s2 =	sadd.s32 $0xD20, s16;
	[tilespmem:$0x1FBD0] =	vst v15  }
0x29c: {  	v10 =	vadd.s32 s0, v4;
	[tilespmem:s2], [sflag:$0x1] =	stream.indirect_vreg.gather [hbm4b:s3+s10], $0x1, v13, vm0, $0xb8;
	[tilespmem:$0x1B380] =	vst v63  }
0x29d: {  	v15 =	vadd.s32 s6, v11;
	[tilespmem:$0x1FCA0] =	vst v10  }
0x29e: {  	v13 =	vadd.s32 s0, v5;
	[tilespmem:$0x1FBE0] =	vst v15  }
0x29f: {  	v60 =	vadd.s32 s8, v6;
	s8 =	smul.u32 $0x186A0, s7;
	v10 =	vadd.s32 s0, v6;
	[tilespmem:$0x1FCB0] =	vst v13  }
0x2a0: {  	v15 =	vadd.s32 s6, v1;
	[tilespmem:$0x1FCD0] =	vst v10  }
0x2a1: {  	v13 =	vadd.s32 s8, v11;
	[tilespmem:$0x1FBF0] =	vst v15  }
0x2a2: {  	v10 =	vadd.s32 s8, v2;
	[tilespmem:$0x1FCE0] =	vst v13  }
0x2a3: {  	v15 =	vadd.s32 s6, v2;
	[tilespmem:$0x1FD00] =	vst v10  }
0x2a4: {  	v13 =	vadd.s32 s8, v4;
	[tilespmem:$0x1FC00] =	vst v15  }
0x2a5: {  	s13 =	smul.u32 $0x186A0, s13;
	v10 =	vadd.s32 s8, v6;
	[tilespmem:$0x1FD20] =	vst v13  }
0x2a6: {  	v15 =	vadd.s32 s6, v3;
	[tilespmem:$0x1FD50] =	vst v10  }
0x2a7: {  	v13 =	vadd.s32 s13, v11;
	[tilespmem:$0x1FC10] =	vst v15  }
0x2a8: {  	v10 =	vadd.s32 s13, v3;
	[tilespmem:$0x1FD60] =	vst v13  }
0x2a9: {  	s7 =	smul.u32 $0x186A0, s12;
	v15 =	vadd.s32 s6, v4;
	[tilespmem:$0x1FD90] =	vst v10  }
0x2aa: {  	v13 =	vadd.s32 s13, v5;
	[tilespmem:$0x1FC20] =	vst v15  }
0x2ab: {  	v10 =	vadd.s32 s7, v1;
	[tilespmem:$0x1FDB0] =	vst v13  }
0x2ac: {  	v15 =	vadd.s32 s6, v5;
	[tilespmem:$0x1FDF0] =	vst v10  }
0x2ad: {  	v13 =	vadd.s32 s7, v3;
	[tilespmem:$0x1FC30] =	vst v15  }
0x2ae: {  	v15 =	vadd.s32 s6, v6;
	[tilespmem:$0x1FE10] =	vst v13  }
0x2af: {  	s23 =	sshll.u32 s14, $0x7;
	s6 =	smul.u32 $0x186A0, s14;
	s14 =	sadd.s32 $0xD30, s16;
	[tilespmem:$0x1FC50] =	vst v15  }
0x2b0: {  	v15 =	vadd.s32 s0, v1;
	[tilespmem:s14], [sflag:$0x1] =	stream.indirect_vreg.gather [hbm4b:s3+s10], $0x1, v12, vm0, $0xb8;
	[tilespmem:$0x1B380] =	vst v63  }
0x2b1: {  	v12 =	vadd.s32 s8, v3;
	[tilespmem:$0x1FC70] =	vst v15  }
0x2b2: {  	v15 =	vadd.s32 s0, v3;
	[tilespmem:$0x1FD10] =	vst v12  }
0x2b3: {  	s2 =	sadd.s32 $0xD40, s16;
	[tilespmem:$0x1FC90] =	vst v15  }
0x2b4: {  	v12 =	vadd.s32 s8, v7;
	[tilespmem:s2], [sflag:$0x1] =	stream.indirect_vreg.gather [hbm4b:s3+s10], $0x1, v55, vm0, $0xb8;
	[tilespmem:$0x1B380] =	vst v63  }
0x2b5: {  	v10 =	vadd.s32 s6, v11;
	[tilespmem:$0x1FD40] =	vst v12  }
0x2b6: {  	v13 =	vadd.s32 s6, v2;
	[tilespmem:$0x1FE60] =	vst v10  }
0x2b7: {  	v15 =	vadd.s32 s0, v7;
	[tilespmem:$0x1FE80] =	vst v13  }
0x2b8: {  	s18 =	smul.u32 $0x186A0, s15;
	v55 =	vadd.s32 s13, v2;
	[tilespmem:$0x1FCC0] =	vst v15  }
0x2b9: {  	v12 =	vadd.s32 s13, v4;
	[tilespmem:$0x1FD80] =	vst v55  }
0x2ba: {  	v10 =	vadd.s32 s18, v11;
	[tilespmem:$0x1FDA0] =	vst v12  }
0x2bb: {  	v13 =	vadd.s32 s18, v2;
	[tilespmem:$0x1FEE0] =	vst v10  }
0x2bc: {  	v15 =	vadd.s32 s8, v1;
	[tilespmem:$0x1FF00] =	vst v13  }
0x2bd: {  	s4 =	smul.u32 $0x186A0, s4;
	s5 =	sadd.s32 $0xD50, s16;
	[tilespmem:$0x1FCF0] =	vst v15  }
0x2be: {  	v55 =	vadd.s32 s13, v6;
	[tilespmem:s5], [sflag:$0x1] =	stream.indirect_vreg.gather [hbm4b:s3+s10], $0x1, v8, vm0, $0xb8;
	[tilespmem:$0x1B380] =	vst v63  }
0x2bf: {  	v12 =	vadd.s32 s7, v2;
	[tilespmem:$0x1FDD0] =	vst v55  }
0x2c0: {  	v10 =	vadd.s32 s4, v2;
	[tilespmem:$0x1FE00] =	vst v12  }
0x2c1: {  	v15 =	vadd.s32 s8, v5;
	[tilespmem:$0x1FF80] =	vst v10  }
0x2c2: {  	v8 =	vadd.s32 s7, v11;
	[tilespmem:$0x1FD30] =	vst v15  }
0x2c3: {  	v55 =	vadd.s32 s7, v5;
	[tilespmem:$0x1FDE0] =	vst v8  }
0x2c4: {  	v12 =	vadd.s32 s6, v1;
	[tilespmem:$0x1FE30] =	vst v55  }
0x2c5: {  	v15 =	vadd.s32 s13, v1;
	[tilespmem:$0x1FE70] =	vst v12  }
0x2c6: {  	v8 =	vadd.s32 s7, v7;
	[tilespmem:$0x1FD70] =	vst v15  }
0x2c7: {  	v55 =	vadd.s32 s6, v5;
	[tilespmem:$0x1FE40] =	vst v8  }
0x2c8: {  	v12 =	vadd.s32 s18, v1;
	[tilespmem:$0x1FEB0] =	vst v55  }
0x2c9: {  	v15 =	vadd.s32 s13, v7;
	[tilespmem:$0x1FEF0] =	vst v12  }
0x2ca: {  	s13 =	sadd.s32 $0xD60, s16;
	[tilespmem:$0x1FDC0] =	vst v15  }
0x2cb: {  	v8 =	vadd.s32 s6, v7;
	[tilespmem:s13], [sflag:$0x1] =	stream.indirect_vreg.gather [hbm4b:s3+s10], $0x1, v9, vm0, $0xb8;
	[tilespmem:$0x1B380] =	vst v63  }
0x2cc: {  	v55 =	vadd.s32 s18, v6;
	[tilespmem:$0x1FEC0] =	vst v8  }
0x2cd: {  	v15 =	vadd.s32 s7, v4;
	[tilespmem:$0x1FF50] =	vst v55  }
0x2ce: {  	v9 =	vadd.s32 s7, v6;
	[tilespmem:$0x1FE20] =	vst v15  }
0x2cf: {  	v8 =	vadd.s32 s4, v11;
	[tilespmem:$0x1FE50] =	vst v9  }
0x2d0: {  	s14 =	sadd.s32 $0xD70, s16;
	[tilespmem:$0x1FF60] =	vst v8  }
0x2d1: {  	v15 =	vadd.s32 s6, v4;
	[tilespmem:s14], [sflag:$0x1] =	stream.indirect_vreg.gather [hbm4b:s3+s10], $0x1, v14, vm0, $0xb8;
	[tilespmem:$0x1B380] =	vst v63  }
0x2d2: {  	v9 =	vadd.s32 s6, v6;
	[tilespmem:$0x1FEA0] =	vst v15  }
0x2d3: {  	s15 =	sadd.s32 $0xD00, s31;
	[tilespmem:$0x1FED0] =	vst v9  }
0x2d4: {  	v14 =	vadd.s32 s6, v3;
	[tilespmem:s15], [sflag:$0x1] =	stream.indirect_vreg.gather [hbm4b:s3+s10], $0x1, v26, vm0, $0xb8;
	[tilespmem:$0x1B380] =	vst v63  }
0x2d5: {  	s16 =	sadd.s32 $0xD10, s31;
	[tilespmem:$0x1FE90] =	vst v14  }
0x2d6: {  	v15 =	vadd.s32 s18, v4;
	[tilespmem:s16], [sflag:$0x1] =	stream.indirect_vreg.gather [hbm4b:s3+s10], $0x1, v28, vm0, $0xb8;
	[tilespmem:$0x1B380] =	vst v63  }
0x2d7: {  	v14 =	vadd.s32 s18, v3;
	[tilespmem:$0x1FF20] =	vst v15;
	v26 =	vadd.s32 s18, v5;
	v28 =	vadd.s32 s18, v7;
	s18 =	sadd.s32 $0xD20, s31  }
0x2d8: {  	v9 =	vadd.s32 s4, v1;
	[tilespmem:s18], [sflag:$0x1] =	stream.indirect_vreg.gather [hbm4b:s3+s10], $0x1, v24, vm0, $0xb8;
	[tilespmem:$0x1B380] =	vst v63  }
0x2d9: {  	s2 =	sadd.s32 $0xD30, s31;
	[tilespmem:$0x1FF70] =	vst v9  }
0x2da: {  	v13 =	vadd.s32 s4, v4;
	v12 =	vadd.s32 s4, v3;
	[tilespmem:s2], [sflag:$0x1] =	stream.indirect_vreg.gather [hbm4b:s3+s10], $0x1, v23, vm0, $0xb8;
	[tilespmem:$0x1B380] =	vst v63  }
0x2db: {  	s12 =	smul.u32 $0x186A0, s11;
	v15 =	vadd.s32 s4, v7;
	[tilespmem:$0x1FF10] =	vst v14;
	v14 =	vadd.s32 s4, v5;
	v24 =	vadd.s32 s4, v6;
	s4 =	sadd.s32 $0xD40, s31  }
0x2dc: {  	[tilespmem:s4], [sflag:$0x1] =	stream.indirect_vreg.gather [hbm4b:s3+s10], $0x1, v21, vm0, $0xb8;
	[tilespmem:$0x1B380] =	vst v63  }
0x2dd: {  	s5 =	sadd.s32 $0xD50, s31;
	s6 =	sadd.s32 $0x927C0, s17;
	[tilespmem:$0x1FF30] =	vst v26  }
0x2de: {  	v26 =	vadd.s32 s12, v11;
	[tilespmem:s5], [sflag:$0x1] =	stream.indirect_vreg.gather [hbm4b:s3+s10], $0x1, v16, vm0, $0xb8;
	[tilespmem:$0x1B380] =	vst v63  }
0x2df: {  	s7 =	sadd.s32 $0xD60, s31;
	v10 =	vadd.s32 s6, v11;
	[tilespmem:$0x1FFE0] =	vst v26  }
0x2e0: {  	[tilespmem:s7], [sflag:$0x1] =	stream.indirect_vreg.gather [hbm4b:s3+s10], $0x1, v17, vm0, $0xb8;
	[tilespmem:$0x1B380] =	vst v63  }
0x2e1: {  	s8 =	sadd.s32 $0xD70, s31;
	v0 =	vadd.s32 s6, v1;
	[tilespmem:$0x1FF40] =	vst v28  }
0x2e2: {  	v28 =	vadd.s32 s12, v1;
	[tilespmem:s8], [sflag:$0x1] =	stream.indirect_vreg.gather [hbm4b:s3+s10], $0x1, v25, vm0, $0xb8;
	[tilespmem:$0x1B380] =	vst v63  }
0x2e3: {  	s9 =	sshll.u32 s11, $0x7;
	s11 =	sadd.s32 $0xD00, s30;
	v55 =	vadd.s32 s12, v2;
	v8 =	vadd.s32 s6, v2;
	[tilespmem:$0x1FFF0] =	vst v28  }
0x2e4: {  	v9 =	vadd.s32 s6, v3;
	v26 =	vadd.s32 s12, v4;
	v28 =	vadd.s32 s12, v3;
	[tilespmem:s11], [sflag:$0x1] =	stream.indirect_vreg.gather [hbm4b:s3+s10], $0x1, v10, vm0, $0xb8;
	[tilespmem:$0x1B380] =	vst v63  }
0x2e5: {  	[tilespmem:$0x1FFD0] =	vst v24;
	v24 =	vadd.s32 s12, v5;
	v23 =	vadd.s32 s12, v7;
	v21 =	vadd.s32 s12, v6;
	s12 =	sadd.s32 $0xD10, s30  }
0x2e6: {  	[tilespmem:s12], [sflag:$0x1] =	stream.indirect_vreg.gather [hbm4b:s3+s10], $0x1, v0, vm0, $0xb8;
	[tilespmem:$0x1B380] =	vst v63  }
0x2e7: {  	[tilespmem:$0x1FF90] =	vst v12;
	s13 =	sadd.s32 $0xD20, s30;
	v12 =	vadd.s32 s6, v4  }
0x2e8: {  	[tilespmem:s13], [sflag:$0x1] =	stream.indirect_vreg.gather [hbm4b:s3+s10], $0x1, v8, vm0, $0xb8;
	[tilespmem:$0x1B380] =	vst v63  }
0x2e9: {  	[tilespmem:$0x1FFA0] =	vst v13;
	s14 =	sadd.s32 $0xD30, s30;
	v13 =	vadd.s32 s6, v5  }
0x2ea: {  	[tilespmem:s14], [sflag:$0x1] =	stream.indirect_vreg.gather [hbm4b:s3+s10], $0x1, v9, vm0, $0xb8;
	[tilespmem:$0x1B380] =	vst v63  }
0x2eb: {  	s15 =	sadd.s32 $0xD40, s30;
	[tilespmem:$0x1FFB0] =	vst v14;
	v14 =	vadd.s32 s6, v7  }
0x2ec: {  	[tilespmem:s15], [sflag:$0x1] =	stream.indirect_vreg.gather [hbm4b:s3+s10], $0x1, v12, vm0, $0xb8;
	[tilespmem:$0x1B380] =	vst v63  }
0x2ed: {  	[tilespmem:$0x1FFC0] =	vst v15;
	v15 =	vadd.s32 s6, v6;
	s16 =	sadd.s32 $0xD50, s30  }
0x2ee: {  	[tilespmem:s16], [sflag:$0x1] =	stream.indirect_vreg.gather [hbm4b:s3+s10], $0x1, v13, vm0, $0xb8;
	[tilespmem:$0x1B380] =	vst v63  }
0x2ef: {  	s18 =	sadd.s32 $0xD60, s30  }
0x2f0: {  	[tilespmem:s18], [sflag:$0x1] =	stream.indirect_vreg.gather [hbm4b:s3+s10], $0x1, v14, vm0, $0xb8;
	[tilespmem:$0x1B380] =	vst v63  }
0x2f1: {  	[tilespmem:$0x1FB60] =	vst v60;
	s31 =	sadd.s32 $0xD70, s30  }
0x2f2: {  	v60 =	vadd.s32 s1, v11;
	[tilespmem:s31], [sflag:$0x1] =	stream.indirect_vreg.gather [hbm4b:s3+s10], $0x1, v15, vm0, $0xb8;
	[tilespmem:$0x1B380] =	vst v63  }
0x2f3: {  	[tilespmem:$0x1FB70] =	vst v60;
	v60 =	vadd.s32 s1, v1;
	s1 =	sadd.s32 $0xD00, s29  }
0x2f4: {  	[tilespmem:s1], [sflag:$0x1] =	stream.indirect_vreg.gather [hbm4b:s3+s10], $0x1, v47, vm0, $0xb8;
	[tilespmem:$0x1B380] =	vst v63  }
0x2f5: {  	s2 =	sadd.s32 $0xD10, s29  }
0x2f6: {  	[tilespmem:s2], [sflag:$0x1] =	stream.indirect_vreg.gather [hbm4b:s3+s10], $0x1, v44, vm0, $0xb8;
	[tilespmem:$0x1B380] =	vst v63  }
0x2f7: {  	s4 =	sadd.s32 $0xD20, s29  }
0x2f8: {  	[tilespmem:s4], [sflag:$0x1] =	stream.indirect_vreg.gather [hbm4b:s3+s10], $0x1, v42, vm0, $0xb8;
	[tilespmem:$0x1B380] =	vst v63  }
0x2f9: {  	s5 =	sadd.s32 $0xD30, s29  }
0x2fa: {  	[tilespmem:s5], [sflag:$0x1] =	stream.indirect_vreg.gather [hbm4b:s3+s10], $0x1, v41, vm0, $0xb8;
	[tilespmem:$0x1B380] =	vst v63  }
0x2fb: {  	s6 =	sadd.s32 $0xD40, s29  }
0x2fc: {  	[tilespmem:s6], [sflag:$0x1] =	stream.indirect_vreg.gather [hbm4b:s3+s10], $0x1, v34, vm0, $0xb8;
	[tilespmem:$0x1B380] =	vst v63  }
0x2fd: {  	s7 =	sadd.s32 $0xD50, s29;
	s8 =	sadd.s32 $0xC3500, s17  }
0x2fe: {  	[tilespmem:s7], [sflag:$0x1] =	stream.indirect_vreg.gather [hbm4b:s3+s10], $0x1, v29, vm0, $0xb8;
	[tilespmem:$0x1B380] =	vst v63  }
0x2ff: {  	s11 =	sadd.s32 $0xD60, s29;
	v44 =	vadd.s32 s8, v11  }
0x300: {  	[tilespmem:s11], [sflag:$0x1] =	stream.indirect_vreg.gather [hbm4b:s3+s10], $0x1, v18, vm0, $0xb8;
	[tilespmem:$0x1B380] =	vst v63  }
0x301: {  	v0 =	vadd.s32 s8, v1;
	s12 =	sadd.s32 $0xD70, s29  }
0x302: {  	[tilespmem:s12], [sflag:$0x1] =	stream.indirect_vreg.gather [hbm4b:s3+s10], $0x1, v36, vm0, $0xb8;
	[tilespmem:$0x1B380] =	vst v63  }
0x303: {  	s13 =	sadd.s32 $0xD00, s28;
	v41 =	vadd.s32 s8, v2  }
0x304: {  	[tilespmem:s13], [sflag:$0x1] =	stream.indirect_vreg.gather [hbm4b:s3+s10], $0x1, v44, vm0, $0xb8;
	[tilespmem:$0x1B380] =	vst v63  }
0x305: {  	s14 =	sadd.s32 $0xD10, s28;
	v42 =	vadd.s32 s8, v3  }
0x306: {  	[tilespmem:s14], [sflag:$0x1] =	stream.indirect_vreg.gather [hbm4b:s3+s10], $0x1, v0, vm0, $0xb8;
	[tilespmem:$0x1B380] =	vst v63  }
0x307: {  	s15 =	sadd.s32 $0xD20, s28;
	v47 =	vadd.s32 s8, v4  }
0x308: {  	[tilespmem:s15], [sflag:$0x1] =	stream.indirect_vreg.gather [hbm4b:s3+s10], $0x1, v41, vm0, $0xb8;
	[tilespmem:$0x1B380] =	vst v63  }
0x309: {  	v25 =	vadd.s32 s8, v5;
	s16 =	sadd.s32 $0xD30, s28  }
0x30a: {  	[tilespmem:s16], [sflag:$0x1] =	stream.indirect_vreg.gather [hbm4b:s3+s10], $0x1, v42, vm0, $0xb8;
	[tilespmem:$0x1B380] =	vst v63  }
0x30b: {  	s18 =	sadd.s32 $0xD40, s28;
	v29 =	vadd.s32 s8, v7  }
0x30c: {  	[tilespmem:s18], [sflag:$0x1] =	stream.indirect_vreg.gather [hbm4b:s3+s10], $0x1, v47, vm0, $0xb8;
	[tilespmem:$0x1B380] =	vst v63  }
0x30d: {  	s29 =	sadd.s32 $0xD50, s28;
	v34 =	vadd.s32 s8, v6  }
0x30e: {  	[tilespmem:s29], [sflag:$0x1] =	stream.indirect_vreg.gather [hbm4b:s3+s10], $0x1, v25, vm0, $0xb8;
	[tilespmem:$0x1B380] =	vst v63  }
0x30f: {  	s30 =	sadd.s32 $0xD60, s28  }
0x310: {  	[tilespmem:s30], [sflag:$0x1] =	stream.indirect_vreg.gather [hbm4b:s3+s10], $0x1, v29, vm0, $0xb8;
	[tilespmem:$0x1B380] =	vst v63  }
0x311: {  	s26 =	sand.u32 $0x3FFFFB00, s26;
	s31 =	sadd.s32 $0xD70, s28  }
0x312: {  	[tilespmem:s31], [sflag:$0x1] =	stream.indirect_vreg.gather [hbm4b:s3+s10], $0x1, v34, vm0, $0xb8;
	[tilespmem:$0x1B380] =	vst v63  }
0x313: {  	s1 =	sadd.s32 $0xD00, s26  }
0x314: {  	[tilespmem:s1], [sflag:$0x1] =	stream.indirect_vreg.gather [hbm4b:s3+s10], $0x1, v20, vm0, $0xb8;
	[tilespmem:$0x1B380] =	vst v63  }
0x315: {  	s2 =	sadd.s32 $0xD10, s26  }
0x316: {  	[tilespmem:s2], [sflag:$0x1] =	stream.indirect_vreg.gather [hbm4b:s3+s10], $0x1, v19, vm0, $0xb8;
	[tilespmem:$0x1B380] =	vst v63  }
0x317: {  	s4 =	sadd.s32 $0xD20, s26  }
0x318: {  	[tilespmem:s4], [sflag:$0x1] =	stream.indirect_vreg.gather [hbm4b:s3+s10], $0x1, v22, vm0, $0xb8;
	[tilespmem:$0x1B380] =	vst v63  }
0x319: {  	s5 =	sadd.s32 $0xD30, s26  }
0x31a: {  	[tilespmem:s5], [sflag:$0x1] =	stream.indirect_vreg.gather [hbm4b:s3+s10], $0x1, v39, vm0, $0xb8;
	[tilespmem:$0x1B380] =	vst v63  }
0x31b: {  	s6 =	sadd.s32 $0xD40, s26  }
0x31c: {  	[tilespmem:s6], [sflag:$0x1] =	stream.indirect_vreg.gather [hbm4b:s3+s10], $0x1, v38, vm0, $0xb8;
	[tilespmem:$0x1B380] =	vst v63  }
0x31d: {  	s7 =	sadd.s32 $0xD50, s26;
	s8 =	sadd.s32 $0xF4240, s17  }
0x31e: {  	[tilespmem:s7], [sflag:$0x1] =	stream.indirect_vreg.gather [hbm4b:s3+s10], $0x1, v40, vm0, $0xb8;
	[tilespmem:$0x1B380] =	vst v63  }
0x31f: {  	s11 =	sadd.s32 $0xD60, s26;
	v40 =	vadd.s32 s8, v11  }
0x320: {  	[tilespmem:s11], [sflag:$0x1] =	stream.indirect_vreg.gather [hbm4b:s3+s10], $0x1, v27, vm0, $0xb8;
	[tilespmem:$0x1B380] =	vst v63  }
0x321: {  	s12 =	sadd.s32 $0xD70, s26;
	v41 =	vadd.s32 s8, v1  }
0x322: {  	[tilespmem:s12], [sflag:$0x1] =	stream.indirect_vreg.gather [hbm4b:s3+s10], $0x1, v43, vm0, $0xb8;
	[tilespmem:$0x1B380] =	vst v63  }
0x323: {  	v44 =	vadd.s32 s8, v2;
	s13 =	sadd.s32 $0xD00, s25  }
0x324: {  	[tilespmem:s13], [sflag:$0x1] =	stream.indirect_vreg.gather [hbm4b:s3+s10], $0x1, v40, vm0, $0xb8;
	[tilespmem:$0x1B380] =	vst v63  }
0x325: {  	v36 =	vadd.s32 s8, v3;
	s14 =	sadd.s32 $0xD10, s25  }
0x326: {  	[tilespmem:s14], [sflag:$0x1] =	stream.indirect_vreg.gather [hbm4b:s3+s10], $0x1, v41, vm0, $0xb8;
	[tilespmem:$0x1B380] =	vst v63  }
0x327: {  	s15 =	sadd.s32 $0xD20, s25;
	v38 =	vadd.s32 s8, v4  }
0x328: {  	[tilespmem:s15], [sflag:$0x1] =	stream.indirect_vreg.gather [hbm4b:s3+s10], $0x1, v44, vm0, $0xb8;
	[tilespmem:$0x1B380] =	vst v63  }
0x329: {  	s16 =	sadd.s32 $0xD30, s25;
	v39 =	vadd.s32 s8, v5  }
0x32a: {  	[tilespmem:s16], [sflag:$0x1] =	stream.indirect_vreg.gather [hbm4b:s3+s10], $0x1, v36, vm0, $0xb8;
	[tilespmem:$0x1B380] =	vst v63  }
0x32b: {  	s17 =	sadd.s32 $0xD40, s25;
	v47 =	vadd.s32 s8, v7  }
0x32c: {  	[tilespmem:s17], [sflag:$0x1] =	stream.indirect_vreg.gather [hbm4b:s3+s10], $0x1, v38, vm0, $0xb8;
	[tilespmem:$0x1B380] =	vst v63  }
0x32d: {  	v42 =	vadd.s32 s8, v6;
	s18 =	sadd.s32 $0xD50, s25  }
0x32e: {  	[tilespmem:s18], [sflag:$0x1] =	stream.indirect_vreg.gather [hbm4b:s3+s10], $0x1, v39, vm0, $0xb8;
	[tilespmem:$0x1B380] =	vst v63  }
0x32f: {  	s26 =	sadd.s32 $0xD60, s25  }
0x330: {  	[tilespmem:s26], [sflag:$0x1] =	stream.indirect_vreg.gather [hbm4b:s3+s10], $0x1, v47, vm0, $0xb8;
	[tilespmem:$0x1B380] =	vst v63  }
0x331: {  	s28 =	sadd.s32 $0xD70, s25  }
0x332: {  	[tilespmem:s28], [sflag:$0x1] =	stream.indirect_vreg.gather [hbm4b:s3+s10], $0x1, v42, vm0, $0xb8;
	[tilespmem:$0x1B380] =	vst v63  }
0x333: {  	s29 =	sadd.s32 $0xD00, s24  }
0x334: {  	[tilespmem:s29], [sflag:$0x1] =	stream.indirect_vreg.gather [hbm4b:s3+s10], $0x1, v32, vm0, $0xb8;
	[tilespmem:$0x1B380] =	vst v63  }
0x335: {  	s30 =	sadd.s32 $0xD10, s24  }
0x336: {  	[tilespmem:s30], [sflag:$0x1] =	stream.indirect_vreg.gather [hbm4b:s3+s10], $0x1, v31, vm0, $0xb8;
	[tilespmem:$0x1B380] =	vst v63  }
0x337: {  	s31 =	sadd.s32 $0xD20, s24  }
0x338: {  	[tilespmem:s31], [sflag:$0x1] =	stream.indirect_vreg.gather [hbm4b:s3+s10], $0x1, v30, vm0, $0xb8;
	[tilespmem:$0x1B380] =	vst v63  }
0x339: {  	s1 =	sadd.s32 $0xD30, s24  }
0x33a: {  	[tilespmem:s1], [sflag:$0x1] =	stream.indirect_vreg.gather [hbm4b:s3+s10], $0x1, v33, vm0, $0xb8;
	[tilespmem:$0x1B380] =	vst v63  }
0x33b: {  	s2 =	sadd.s32 $0xD40, s24  }
0x33c: {  	[tilespmem:s2], [sflag:$0x1] =	stream.indirect_vreg.gather [hbm4b:s3+s10], $0x1, v46, vm0, $0xb8;
	[tilespmem:$0x1B380] =	vst v63  }
0x33d: {  	s4 =	sadd.s32 $0xD50, s24  }
0x33e: {  	[tilespmem:s4], [sflag:$0x1] =	stream.indirect_vreg.gather [hbm4b:s3+s10], $0x1, v52, vm0, $0xb8;
	[tilespmem:$0x1B380] =	vst v63  }
0x33f: {  	s5 =	sadd.s32 $0xD60, s24  }
0x340: {  	[tilespmem:s5], [sflag:$0x1] =	stream.indirect_vreg.gather [hbm4b:s3+s10], $0x1, v48, vm0, $0xb8;
	[tilespmem:$0x1B380] =	vst v63  }
0x341: {  	s6 =	sadd.s32 $0xD70, s24  }
0x342: {  	[tilespmem:s6], [sflag:$0x1] =	stream.indirect_vreg.gather [hbm4b:s3+s10], $0x1, v50, vm0, $0xb8;
	[tilespmem:$0x1B380] =	vst v63  }
0x343: {  	s7 =	sadd.s32 $0xD00, s21  }
0x344: {  	[tilespmem:s7], [sflag:$0x1] =	stream.indirect_vreg.gather [hbm4b:s3+s10], $0x1, v37, vm0, $0xb8;
	[tilespmem:$0x1B380] =	vst v63  }
0x345: {  	s8 =	sadd.s32 $0xD10, s21  }
0x346: {  	[tilespmem:s8], [sflag:$0x1] =	stream.indirect_vreg.gather [hbm4b:s3+s10], $0x1, v35, vm0, $0xb8;
	[tilespmem:$0x1B380] =	vst v63  }
0x347: {  	s11 =	sadd.s32 $0xD20, s21  }
0x348: {  	[tilespmem:s11], [sflag:$0x1] =	stream.indirect_vreg.gather [hbm4b:s3+s10], $0x1, v51, vm0, $0xb8;
	[tilespmem:$0x1B380] =	vst v63  }
0x349: {  	s12 =	sadd.s32 $0xD30, s21  }
0x34a: {  	v15 =	vld [tilespmem:$0x1F850];
	[tilespmem:s12], [sflag:$0x1] =	stream.indirect_vreg.gather [hbm4b:s3+s10], $0x1, v53, vm0, $0xb8  }
0x34b: {  	s13 =	sadd.s32 $0xD40, s21  }
0x34c: {  	[tilespmem:s13], [sflag:$0x1] =	stream.indirect_vreg.gather [hbm4b:s3+s10], $0x1, v45, vm0, $0xb8;
	[tilespmem:$0x1B380] =	vst v63  }
0x34d: {  	s14 =	sadd.s32 $0xD50, s21  }
0x34e: {  	[tilespmem:s14], [sflag:$0x1] =	stream.indirect_vreg.gather [hbm4b:s3+s10], $0x1, v54, vm0, $0xb8;
	[tilespmem:$0x1B380] =	vst v63  }
0x34f: {  	s15 =	sadd.s32 $0xD60, s21  }
0x350: {  	[tilespmem:s15], [sflag:$0x1] =	stream.indirect_vreg.gather [hbm4b:s3+s10], $0x1, v63, vm0, $0xb8;
	[tilespmem:$0x1B380] =	vst v63  }
0x351: {  	s16 =	sadd.s32 $0xD70, s21  }
0x352: {  	[tilespmem:s16], [sflag:$0x1] =	stream.indirect_vreg.gather [hbm4b:s3+s10], $0x1, v15, vm0, $0xb8;
	[tilespmem:$0x1B380] =	vst v63  }
0x353: {  	s17 =	sadd.s32 $0xD00, s22  }
0x354: {  	v16 =	vld [tilespmem:$0x1F860];
	[tilespmem:s17], [sflag:$0x1] =	stream.indirect_vreg.gather [hbm4b:s3+s10], $0x1, v59, vm0, $0xb8  }
0x355: {  	s18 =	sadd.s32 $0xD10, s22  }
0x356: {  	v17 =	vld [tilespmem:$0x1F870];
	[tilespmem:s18], [sflag:$0x1] =	stream.indirect_vreg.gather [hbm4b:s3+s10], $0x1, v61, vm0, $0xb8  }
0x357: {  	s21 =	sadd.s32 $0xD20, s22  }
0x358: {  	v18 =	vld [tilespmem:$0x1F880];
	[tilespmem:s21], [sflag:$0x1] =	stream.indirect_vreg.gather [hbm4b:s3+s10], $0x1, v62, vm0, $0xb8  }
0x359: {  	s24 =	sadd.s32 $0xD30, s22  }
0x35a: {  	v19 =	vld [tilespmem:$0x1F890];
	[tilespmem:s24], [sflag:$0x1] =	stream.indirect_vreg.gather [hbm4b:s3+s10], $0x1, v49, vm0, $0xb8  }
0x35b: {  	s25 =	sadd.s32 $0xD40, s22  }
0x35c: {  	v20 =	vld [tilespmem:$0x1F8A0];
	[tilespmem:s25], [sflag:$0x1] =	stream.indirect_vreg.gather [hbm4b:s3+s10], $0x1, v16, vm0, $0xb8  }
0x35d: {  	s26 =	sadd.s32 $0xD50, s22  }
0x35e: {  	v22 =	vld [tilespmem:$0x1F8B0];
	[tilespmem:s26], [sflag:$0x1] =	stream.indirect_vreg.gather [hbm4b:s3+s10], $0x1, v17, vm0, $0xb8  }
0x35f: {  	s28 =	sadd.s32 $0xD60, s22  }
0x360: {  	v25 =	vld [tilespmem:$0x1F8C0];
	[tilespmem:s28], [sflag:$0x1] =	stream.indirect_vreg.gather [hbm4b:s3+s10], $0x1, v18, vm0, $0xb8  }
0x361: {  	s29 =	sadd.s32 $0xD70, s22;
	s30 =	sand.u32 $0x3FFFFD80, s23  }
0x362: {  	v27 =	vld [tilespmem:$0x1F8D0];
	[tilespmem:s29], [sflag:$0x1] =	stream.indirect_vreg.gather [hbm4b:s3+s10], $0x1, v19, vm0, $0xb8  }
0x363: {  	s31 =	sadd.s32 $0xD00, s30  }
0x364: {  	v29 =	vld [tilespmem:$0x1F8E0];
	[tilespmem:s31], [sflag:$0x1] =	stream.indirect_vreg.gather [hbm4b:s3+s10], $0x1, v20, vm0, $0xb8  }
0x365: {  	s2 =	sadd.s32 $0xD10, s30  }
0x366: {  	v30 =	vld [tilespmem:$0x1F8F0];
	[tilespmem:s2], [sflag:$0x1] =	stream.indirect_vreg.gather [hbm4b:s3+s10], $0x1, v22, vm0, $0xb8  }
0x367: {  	s4 =	sadd.s32 $0xD20, s30  }
0x368: {  	v31 =	vld [tilespmem:$0x1F900];
	[tilespmem:s4], [sflag:$0x1] =	stream.indirect_vreg.gather [hbm4b:s3+s10], $0x1, v25, vm0, $0xb8  }
0x369: {  	s5 =	sadd.s32 $0xD30, s30  }
0x36a: {  	v32 =	vld [tilespmem:$0x1F910];
	[tilespmem:s5], [sflag:$0x1] =	stream.indirect_vreg.gather [hbm4b:s3+s10], $0x1, v27, vm0, $0xb8  }
0x36b: {  	s6 =	sadd.s32 $0xD40, s30  }
0x36c: {  	[tilespmem:s6], [sflag:$0x1] =	stream.indirect_vreg.gather [hbm4b:s3+s10], $0x1, v29, vm0, $0xb8;
	[tilespmem:$0x1B380] =	vst v63  }
0x36d: {  	s7 =	sadd.s32 $0xD50, s30  }
0x36e: {  	[tilespmem:s7], [sflag:$0x1] =	stream.indirect_vreg.gather [hbm4b:s3+s10], $0x1, v30, vm0, $0xb8;
	[tilespmem:$0x1B380] =	vst v63  }
0x36f: {  	s8 =	sadd.s32 $0xD60, s30  }
0x370: {  	[tilespmem:s8], [sflag:$0x1] =	stream.indirect_vreg.gather [hbm4b:s3+s10], $0x1, v31, vm0, $0xb8;
	[tilespmem:$0x1B380] =	vst v63  }
0x371: {  	s11 =	sadd.s32 $0xD70, s30  }
0x372: {  	v33 =	vld [tilespmem:$0x1F920];
	[tilespmem:s11], [sflag:$0x1] =	stream.indirect_vreg.gather [hbm4b:s3+s10], $0x1, v32, vm0, $0xb8  }
0x373: {  	s12 =	sadd.s32 $0xD00, s20  }
0x374: {  	v34 =	vld [tilespmem:$0x1F930];
	[tilespmem:s12], [sflag:$0x1] =	stream.indirect_vreg.gather [hbm4b:s3+s10], $0x1, v58, vm0, $0xb8  }
0x375: {  	s13 =	sadd.s32 $0xD10, s20  }
0x376: {  	v35 =	vld [tilespmem:$0x1F940];
	[tilespmem:s13], [sflag:$0x1] =	stream.indirect_vreg.gather [hbm4b:s3+s10], $0x1, v57, vm0, $0xb8  }
0x377: {  	s14 =	sadd.s32 $0xD20, s20  }
0x378: {  	v36 =	vld [tilespmem:$0x1F950];
	[tilespmem:s14], [sflag:$0x1] =	stream.indirect_vreg.gather [hbm4b:s3+s10], $0x1, v56, vm0, $0xb8  }
0x379: {  	s15 =	sadd.s32 $0xD30, s20  }
0x37a: {  	v37 =	vld [tilespmem:$0x1F960];
	[tilespmem:s15], [sflag:$0x1] =	stream.indirect_vreg.gather [hbm4b:s3+s10], $0x1, v33, vm0, $0xb8  }
0x37b: {  	s16 =	sadd.s32 $0xD40, s20  }
0x37c: {  	v38 =	vld [tilespmem:$0x1F970];
	[tilespmem:s16], [sflag:$0x1] =	stream.indirect_vreg.gather [hbm4b:s3+s10], $0x1, v34, vm0, $0xb8  }
0x37d: {  	s17 =	sadd.s32 $0xD50, s20  }
0x37e: {  	v39 =	vld [tilespmem:$0x1F980];
	[tilespmem:s17], [sflag:$0x1] =	stream.indirect_vreg.gather [hbm4b:s3+s10], $0x1, v35, vm0, $0xb8  }
0x37f: {  	s18 =	sadd.s32 $0xD60, s20  }
0x380: {  	v40 =	vld [tilespmem:$0x1F990];
	[tilespmem:s18], [sflag:$0x1] =	stream.indirect_vreg.gather [hbm4b:s3+s10], $0x1, v36, vm0, $0xb8  }
0x381: {  	s21 =	sadd.s32 $0xD70, s20  }
0x382: {  	v41 =	vld [tilespmem:$0x1F9A0];
	[tilespmem:s21], [sflag:$0x1] =	stream.indirect_vreg.gather [hbm4b:s3+s10], $0x1, v37, vm0, $0xb8  }
0x383: {  	s22 =	sadd.s32 $0xD00, s19  }
0x384: {  	v42 =	vld [tilespmem:$0x1F9B0];
	[tilespmem:s22], [sflag:$0x1] =	stream.indirect_vreg.gather [hbm4b:s3+s10], $0x1, v38, vm0, $0xb8  }
0x385: {  	s23 =	sadd.s32 $0xD10, s19  }
0x386: {  	v43 =	vld [tilespmem:$0x1F9C0];
	[tilespmem:s23], [sflag:$0x1] =	stream.indirect_vreg.gather [hbm4b:s3+s10], $0x1, v39, vm0, $0xb8  }
0x387: {  	s24 =	sadd.s32 $0xD20, s19  }
0x388: {  	v44 =	vld [tilespmem:$0x1F9D0];
	[tilespmem:s24], [sflag:$0x1] =	stream.indirect_vreg.gather [hbm4b:s3+s10], $0x1, v40, vm0, $0xb8  }
0x389: {  	s25 =	sadd.s32 $0xD30, s19  }
0x38a: {  	v45 =	vld [tilespmem:$0x1F9E0];
	[tilespmem:s25], [sflag:$0x1] =	stream.indirect_vreg.gather [hbm4b:s3+s10], $0x1, v41, vm0, $0xb8  }
0x38b: {  	s26 =	sadd.s32 $0xD40, s19  }
0x38c: {  	v46 =	vld [tilespmem:$0x1F9F0];
	[tilespmem:s26], [sflag:$0x1] =	stream.indirect_vreg.gather [hbm4b:s3+s10], $0x1, v42, vm0, $0xb8  }
0x38d: {  	s28 =	sadd.s32 $0xD50, s19  }
0x38e: {  	v47 =	vld [tilespmem:$0x1FA00];
	[tilespmem:s28], [sflag:$0x1] =	stream.indirect_vreg.gather [hbm4b:s3+s10], $0x1, v43, vm0, $0xb8  }
0x38f: {  	s29 =	sadd.s32 $0xD60, s19  }
0x390: {  	v48 =	vld [tilespmem:$0x1FA10];
	[tilespmem:s29], [sflag:$0x1] =	stream.indirect_vreg.gather [hbm4b:s3+s10], $0x1, v44, vm0, $0xb8  }
0x391: {  	s9 =	sand.u32 $0x3FFFFF00, s9;
	s30 =	sadd.s32 $0xD70, s19  }
0x392: {  	v49 =	vld [tilespmem:$0x1FA20];
	[tilespmem:s30], [sflag:$0x1] =	stream.indirect_vreg.gather [hbm4b:s3+s10], $0x1, v45, vm0, $0xb8  }
0x393: {  	s31 =	sadd.s32 $0xD00, s9  }
0x394: {  	v50 =	vld [tilespmem:$0x1FA30];
	[tilespmem:s31], [sflag:$0x1] =	stream.indirect_vreg.gather [hbm4b:s3+s10], $0x1, v46, vm0, $0xb8  }
0x395: {  	s1 =	sadd.s32 $0xD10, s9  }
0x396: {  	[tilespmem:s1], [sflag:$0x1] =	stream.indirect_vreg.gather [hbm4b:s3+s10], $0x1, v47, vm0, $0xb8;
	[tilespmem:$0x1B380] =	vst v63  }
0x397: {  	v51 =	vld [tilespmem:$0x1FA40];
	s2 =	sadd.s32 $0xD20, s9  }
0x398: {  	[tilespmem:s2], [sflag:$0x1] =	stream.indirect_vreg.gather [hbm4b:s3+s10], $0x1, v48, vm0, $0xb8;
	[tilespmem:$0x1B380] =	vst v63  }
0x399: {  	s4 =	sadd.s32 $0xD30, s9;
	v56 =	vld [tilespmem:$0x1FA50]  }
0x39a: {  	[tilespmem:s4], [sflag:$0x1] =	stream.indirect_vreg.gather [hbm4b:s3+s10], $0x1, v49, vm0, $0xb8;
	[tilespmem:$0x1B380] =	vst v63  }
0x39b: {  	v63 =	vld [tilespmem:$0x1FA60];
	s5 =	sadd.s32 $0xD40, s9;
	s7 =	rddreg [dreg:$0x5]  }
0x39c: {  	[tilespmem:s5], [sflag:$0x1] =	stream.indirect_vreg.gather [hbm4b:s3+s10], $0x1, v50, vm0, $0xb8;
	[tilespmem:$0x1B380] =	vst v63  }
0x39d: {  	s5 =	rddreg [dreg:$0x4]  }
0x39e: {  	s6 =	sadd.s32 $0xD50, s9;
	s1 =	smul.u32 $0x186A0, s7;
	s11 =	sshllo.u32 s5, $0x5  }
0x39f: {  	[tilespmem:s6], [sflag:$0x1] =	stream.indirect_vreg.gather [hbm4b:s3+s10], $0x1, v51, vm0, $0xb8;
	[tilespmem:$0x1B380] =	vst v63  }
0x3a0: {  	s8 =	sadd.s32 $0xD60, s9;
	v52 =	vadd.s32 s1, v11;
	s13 =	sshll.u32 s11, $0x7  }
0x3a1: {  	[tilespmem:s8], [sflag:$0x1] =	stream.indirect_vreg.gather [hbm4b:s3+s10], $0x1, v56, vm0, $0xb8;
	[tilespmem:$0x1B380] =	vst v63  }
0x3a2: {  	s12 =	sadd.s32 $0xD70, s9;
	v53 =	vadd.s32 s1, v1;
	s15 =	sand.u32 $0x3FFFFF80, s13  }
0x3a3: {  	[tilespmem:s12], [sflag:$0x1] =	stream.indirect_vreg.gather [hbm4b:s3+s10], $0x1, v63, vm0, $0xb8;
	[tilespmem:$0x1B380] =	vst v63  }
0x3a4: {  	v54 =	vadd.s32 s1, v2;
	s16 =	sadd.s32 $0xD00, s15  }
0x3a5: {  	[tilespmem:s16], [sflag:$0x1] =	stream.indirect_vreg.gather [hbm4b:s3+s10], $0x1, v52, vm0, $0xb8;
	[tilespmem:$0x1B380] =	vst v63  }
0x3a6: {  	v57 =	vadd.s32 s1, v3;
	s4 =	sadd.s32 $0xD10, s15  }
0x3a7: {  	[tilespmem:s4], [sflag:$0x1] =	stream.indirect_vreg.gather [hbm4b:s3+s10], $0x1, v53, vm0, $0xb8;
	[tilespmem:$0x1B380] =	vst v63  }
0x3a8: {  	v58 =	vadd.s32 s1, v4;
	s17 =	sadd.s32 $0xD20, s15  }
0x3a9: {  	[tilespmem:s17], [sflag:$0x1] =	stream.indirect_vreg.gather [hbm4b:s3+s10], $0x1, v54, vm0, $0xb8;
	[tilespmem:$0x1B380] =	vst v63  }
0x3aa: {  	v59 =	vadd.s32 s1, v5;
	s18 =	sadd.s32 $0xD30, s15  }
0x3ab: {  	[tilespmem:s18], [sflag:$0x1] =	stream.indirect_vreg.gather [hbm4b:s3+s10], $0x1, v57, vm0, $0xb8;
	[tilespmem:$0x1B380] =	vst v63  }
0x3ac: {  	v61 =	vadd.s32 s1, v7;
	s19 =	sadd.s32 $0xD40, s15  }
0x3ad: {  	v15 =	vld [tilespmem:$0x1FA70];
	[tilespmem:s19], [sflag:$0x1] =	stream.indirect_vreg.gather [hbm4b:s3+s10], $0x1, v58, vm0, $0xb8  }
0x3ae: {  	v62 =	vadd.s32 s1, v6;
	s20 =	sadd.s32 $0xD50, s15  }
0x3af: {  	v16 =	vld [tilespmem:$0x1FA80];
	[tilespmem:s20], [sflag:$0x1] =	stream.indirect_vreg.gather [hbm4b:s3+s10], $0x1, v59, vm0, $0xb8  }
0x3b0: {  	s22 =	sshll.u32 s5, $0xC;
	s21 =	sadd.s32 $0xD60, s15  }
0x3b1: {  	v17 =	vld [tilespmem:$0x1FA90];
	[tilespmem:s21], [sflag:$0x1] =	stream.indirect_vreg.gather [hbm4b:s3+s10], $0x1, v61, vm0, $0xb8  }
0x3b2: {  	s0 =	sadd.s32 $0xD70, s15;
	s16 =	sand.u32 $0x3FFFF000, s22  }
0x3b3: {  	v18 =	vld [tilespmem:$0x1FAA0];
	[tilespmem:s0], [sflag:$0x1] =	stream.indirect_vreg.gather [hbm4b:s3+s10], $0x1, v62, vm0, $0xb8  }
0x3b4: {  	s23 =	sadd.s32 $0x1D00, s16  }
0x3b5: {  	v19 =	vld [tilespmem:$0x1FAB0];
	[tilespmem:s23], [sflag:$0x1] =	stream.indirect_vreg.gather [hbm4b:s3+s10], $0x1, v15, vm0, $0xb8  }
0x3b6: {  	s24 =	sadd.s32 $0x1D10, s16  }
0x3b7: {  	v20 =	vld [tilespmem:$0x1FAC0];
	[tilespmem:s24], [sflag:$0x1] =	stream.indirect_vreg.gather [hbm4b:s3+s10], $0x1, v16, vm0, $0xb8  }
0x3b8: {  	s25 =	sadd.s32 $0x1D20, s16  }
0x3b9: {  	v22 =	vld [tilespmem:$0x1FAD0];
	[tilespmem:s25], [sflag:$0x1] =	stream.indirect_vreg.gather [hbm4b:s3+s10], $0x1, v17, vm0, $0xb8  }
0x3ba: {  	s26 =	sadd.s32 $0x1D30, s16  }
0x3bb: {  	v25 =	vld [tilespmem:$0x1FAE0];
	[tilespmem:s26], [sflag:$0x1] =	stream.indirect_vreg.gather [hbm4b:s3+s10], $0x1, v18, vm0, $0xb8  }
0x3bc: {  	s28 =	sadd.s32 $0x1D40, s16  }
0x3bd: {  	v27 =	vld [tilespmem:$0x1FAF0];
	[tilespmem:s28], [sflag:$0x1] =	stream.indirect_vreg.gather [hbm4b:s3+s10], $0x1, v19, vm0, $0xb8  }
0x3be: {  	s29 =	sadd.s32 $0x1D50, s16  }
0x3bf: {  	v29 =	vld [tilespmem:$0x1FB00];
	[tilespmem:s29], [sflag:$0x1] =	stream.indirect_vreg.gather [hbm4b:s3+s10], $0x1, v20, vm0, $0xb8  }
0x3c0: {  	s30 =	sadd.s32 $0x1D60, s16  }
0x3c1: {  	v30 =	vld [tilespmem:$0x1FB10];
	[tilespmem:s30], [sflag:$0x1] =	stream.indirect_vreg.gather [hbm4b:s3+s10], $0x1, v22, vm0, $0xb8  }
0x3c2: {  	s31 =	sadd.s32 $0x1D70, s16  }
0x3c3: {  	v31 =	vld [tilespmem:$0x1FB20];
	[tilespmem:s31], [sflag:$0x1] =	stream.indirect_vreg.gather [hbm4b:s3+s10], $0x1, v25, vm0, $0xb8  }
0x3c4: {  	s4 =	sadd.s32 $0x1D80, s16  }
0x3c5: {  	v32 =	vld [tilespmem:$0x1FB30];
	[tilespmem:s4], [sflag:$0x1] =	stream.indirect_vreg.gather [hbm4b:s3+s10], $0x1, v27, vm0, $0xb8  }
0x3c6: {  	s6 =	sadd.s32 $0x1D90, s16  }
0x3c7: {  	v33 =	vld [tilespmem:$0x1FB40];
	[tilespmem:s6], [sflag:$0x1] =	stream.indirect_vreg.gather [hbm4b:s3+s10], $0x1, v29, vm0, $0xb8  }
0x3c8: {  	s7 =	sadd.s32 $0x1DA0, s16  }
0x3c9: {  	v34 =	vld [tilespmem:$0x1FB50];
	[tilespmem:s7], [sflag:$0x1] =	stream.indirect_vreg.gather [hbm4b:s3+s10], $0x1, v30, vm0, $0xb8  }
0x3ca: {  	s8 =	sadd.s32 $0x1DB0, s16  }
0x3cb: {  	v35 =	vld [tilespmem:$0x1FB60];
	[tilespmem:s8], [sflag:$0x1] =	stream.indirect_vreg.gather [hbm4b:s3+s10], $0x1, v31, vm0, $0xb8  }
0x3cc: {  	s9 =	sadd.s32 $0x1DC0, s16  }
0x3cd: {  	v36 =	vld [tilespmem:$0x1FB70];
	[tilespmem:s9], [sflag:$0x1] =	stream.indirect_vreg.gather [hbm4b:s3+s10], $0x1, v32, vm0, $0xb8  }
0x3ce: {  	s14 =	smul.u32 $0x186A0, s11;
	s11 =	sadd.s32 $0x1DD0, s16  }
0x3cf: {  	[tilespmem:s11], [sflag:$0x1] =	stream.indirect_vreg.gather [hbm4b:s3+s10], $0x1, v33, vm0, $0xb8;
	[tilespmem:$0x1B380] =	vst v63  }
0x3d0: {  	s12 =	sadd.s32 $0x1DE0, s16  }
0x3d1: {  	v37 =	vld [tilespmem:$0x1FB80];
	[tilespmem:s12], [sflag:$0x1] =	stream.indirect_vreg.gather [hbm4b:s3+s10], $0x1, v34, vm0, $0xb8  }
0x3d2: {  	v11 =	vadd.s32 s14, v11;
	v10 =	vadd.s32 s14, v1;
	s13 =	sadd.s32 $0x1DF0, s16  }
0x3d3: {  	v38 =	vld [tilespmem:$0x1FB90];
	v8 =	vadd.s32 s14, v2;
	v9 =	vadd.s32 s14, v3;
	v3 =	vadd.s32 s14, v4;
	[tilespmem:s13], [sflag:$0x1] =	stream.indirect_vreg.gather [hbm4b:s3+s10], $0x1, v35, vm0, $0xb8  }
0x3d4: {  	v2 =	vadd.s32 s14, v5;
	v1 =	vadd.s32 s14, v7;
	v0 =	vadd.s32 s14, v6;
	s14 =	sadd.s32 $0x1E00, s16  }
0x3d5: {  	v39 =	vld [tilespmem:$0x1FBA0];
	[tilespmem:s14], [sflag:$0x1] =	stream.indirect_vreg.gather [hbm4b:s3+s10], $0x1, v36, vm0, $0xb8  }
0x3d6: {  	s15 =	sadd.s32 $0x1E10, s16  }
0x3d7: {  	v40 =	vld [tilespmem:$0x1FBB0];
	[tilespmem:s15], [sflag:$0x1] =	stream.indirect_vreg.gather [hbm4b:s3+s10], $0x1, v60, vm0, $0xb8  }
0x3d8: {  	s17 =	sadd.s32 $0x1E20, s16  }
0x3d9: {  	v41 =	vld [tilespmem:$0x1FBC0];
	[tilespmem:s17], [sflag:$0x1] =	stream.indirect_vreg.gather [hbm4b:s3+s10], $0x1, v37, vm0, $0xb8  }
0x3da: {  	s18 =	sadd.s32 $0x1E30, s16  }
0x3db: {  	v42 =	vld [tilespmem:$0x1FBD0];
	[tilespmem:s18], [sflag:$0x1] =	stream.indirect_vreg.gather [hbm4b:s3+s10], $0x1, v38, vm0, $0xb8  }
0x3dc: {  	s19 =	sadd.s32 $0x1E40, s16  }
0x3dd: {  	v43 =	vld [tilespmem:$0x1FBE0];
	[tilespmem:s19], [sflag:$0x1] =	stream.indirect_vreg.gather [hbm4b:s3+s10], $0x1, v39, vm0, $0xb8  }
0x3de: {  	s20 =	sadd.s32 $0x1E50, s16  }
0x3df: {  	v44 =	vld [tilespmem:$0x1FBF0];
	[tilespmem:s20], [sflag:$0x1] =	stream.indirect_vreg.gather [hbm4b:s3+s10], $0x1, v40, vm0, $0xb8  }
0x3e0: {  	s21 =	sadd.s32 $0x1E60, s16  }
0x3e1: {  	v45 =	vld [tilespmem:$0x1FC00];
	[tilespmem:s21], [sflag:$0x1] =	stream.indirect_vreg.gather [hbm4b:s3+s10], $0x1, v41, vm0, $0xb8  }
0x3e2: {  	s22 =	sadd.s32 $0x1E70, s16  }
0x3e3: {  	v46 =	vld [tilespmem:$0x1FC10];
	[tilespmem:s22], [sflag:$0x1] =	stream.indirect_vreg.gather [hbm4b:s3+s10], $0x1, v42, vm0, $0xb8  }
0x3e4: {  	s23 =	sadd.s32 $0x1E80, s16  }
0x3e5: {  	v47 =	vld [tilespmem:$0x1FC20];
	[tilespmem:s23], [sflag:$0x1] =	stream.indirect_vreg.gather [hbm4b:s3+s10], $0x1, v43, vm0, $0xb8  }
0x3e6: {  	s24 =	sadd.s32 $0x1E90, s16  }
0x3e7: {  	v48 =	vld [tilespmem:$0x1FC30];
	[tilespmem:s24], [sflag:$0x1] =	stream.indirect_vreg.gather [hbm4b:s3+s10], $0x1, v44, vm0, $0xb8  }
0x3e8: {  	s25 =	sadd.s32 $0x1EA0, s16  }
0x3e9: {  	v49 =	vld [tilespmem:$0x1FC40];
	[tilespmem:s25], [sflag:$0x1] =	stream.indirect_vreg.gather [hbm4b:s3+s10], $0x1, v45, vm0, $0xb8  }
0x3ea: {  	s26 =	sadd.s32 $0x1EB0, s16  }
0x3eb: {  	v50 =	vld [tilespmem:$0x1FC50];
	[tilespmem:s26], [sflag:$0x1] =	stream.indirect_vreg.gather [hbm4b:s3+s10], $0x1, v46, vm0, $0xb8  }
0x3ec: {  	s28 =	sadd.s32 $0x1EC0, s16  }
0x3ed: {  	v51 =	vld [tilespmem:$0x1FC60];
	[tilespmem:s28], [sflag:$0x1] =	stream.indirect_vreg.gather [hbm4b:s3+s10], $0x1, v47, vm0, $0xb8  }
0x3ee: {  	s29 =	sadd.s32 $0x1ED0, s16  }
0x3ef: {  	v52 =	vld [tilespmem:$0x1FC70];
	[tilespmem:s29], [sflag:$0x1] =	stream.indirect_vreg.gather [hbm4b:s3+s10], $0x1, v48, vm0, $0xb8  }
0x3f0: {  	s30 =	sadd.s32 $0x1EE0, s16  }
0x3f1: {  	v53 =	vld [tilespmem:$0x1FC80];
	[tilespmem:s30], [sflag:$0x1] =	stream.indirect_vreg.gather [hbm4b:s3+s10], $0x1, v49, vm0, $0xb8  }
0x3f2: {  	s31 =	sadd.s32 $0x1EF0, s16  }
0x3f3: {  	v54 =	vld [tilespmem:$0x1FC90];
	[tilespmem:s31], [sflag:$0x1] =	stream.indirect_vreg.gather [hbm4b:s3+s10], $0x1, v50, vm0, $0xb8  }
0x3f4: {  	s4 =	sadd.s32 $0x1F00, s16  }
0x3f5: {  	v56 =	vld [tilespmem:$0x1FCA0];
	[tilespmem:s4], [sflag:$0x1] =	stream.indirect_vreg.gather [hbm4b:s3+s10], $0x1, v51, vm0, $0xb8  }
0x3f6: {  	s6 =	sadd.s32 $0x1F10, s16  }
0x3f7: {  	v57 =	vld [tilespmem:$0x1FCB0];
	[tilespmem:s6], [sflag:$0x1] =	stream.indirect_vreg.gather [hbm4b:s3+s10], $0x1, v52, vm0, $0xb8  }
0x3f8: {  	s7 =	sadd.s32 $0x1F20, s16  }
0x3f9: {  	v58 =	vld [tilespmem:$0x1FCC0];
	[tilespmem:s7], [sflag:$0x1] =	stream.indirect_vreg.gather [hbm4b:s3+s10], $0x1, v53, vm0, $0xb8  }
0x3fa: {  	s8 =	sadd.s32 $0x1F30, s16  }
0x3fb: {  	v59 =	vld [tilespmem:$0x1FCD0];
	[tilespmem:s8], [sflag:$0x1] =	stream.indirect_vreg.gather [hbm4b:s3+s10], $0x1, v54, vm0, $0xb8  }
0x3fc: {  	s9 =	sadd.s32 $0x1F40, s16  }
0x3fd: {  	v60 =	vld [tilespmem:$0x1FCE0];
	[tilespmem:s9], [sflag:$0x1] =	stream.indirect_vreg.gather [hbm4b:s3+s10], $0x1, v56, vm0, $0xb8  }
0x3fe: {  	s11 =	sadd.s32 $0x1F50, s16  }
0x3ff: {  	v61 =	vld [tilespmem:$0x1FCF0];
	[tilespmem:s11], [sflag:$0x1] =	stream.indirect_vreg.gather [hbm4b:s3+s10], $0x1, v57, vm0, $0xb8  }
0x400: {  	s12 =	sadd.s32 $0x1F60, s16  }
0x401: {  	v62 =	vld [tilespmem:$0x1FD00];
	[tilespmem:s12], [sflag:$0x1] =	stream.indirect_vreg.gather [hbm4b:s3+s10], $0x1, v58, vm0, $0xb8  }
0x402: {  	s13 =	sadd.s32 $0x1F70, s16  }
0x403: {  	v63 =	vld [tilespmem:$0x1FD10];
	[tilespmem:s13], [sflag:$0x1] =	stream.indirect_vreg.gather [hbm4b:s3+s10], $0x1, v59, vm0, $0xb8  }
0x404: {  	s14 =	sadd.s32 $0x1F80, s16  }
0x405: {  	v12 =	vld [tilespmem:$0x1FD20];
	[tilespmem:s14], [sflag:$0x1] =	stream.indirect_vreg.gather [hbm4b:s3+s10], $0x1, v60, vm0, $0xb8  }
0x406: {  	s15 =	sadd.s32 $0x1F90, s16  }
0x407: {  	v13 =	vld [tilespmem:$0x1FD30];
	[tilespmem:s15], [sflag:$0x1] =	stream.indirect_vreg.gather [hbm4b:s3+s10], $0x1, v61, vm0, $0xb8  }
0x408: {  	s17 =	sadd.s32 $0x1FA0, s16  }
0x409: {  	v14 =	vld [tilespmem:$0x1FD40];
	[tilespmem:s17], [sflag:$0x1] =	stream.indirect_vreg.gather [hbm4b:s3+s10], $0x1, v62, vm0, $0xb8  }
0x40a: {  	s18 =	sadd.s32 $0x1FB0, s16  }
0x40b: {  	v15 =	vld [tilespmem:$0x1FD50];
	[tilespmem:s18], [sflag:$0x1] =	stream.indirect_vreg.gather [hbm4b:s3+s10], $0x1, v63, vm0, $0xb8  }
0x40c: {  	s19 =	sadd.s32 $0x1FC0, s16  }
0x40d: {  	v16 =	vld [tilespmem:$0x1FD60];
	[tilespmem:s19], [sflag:$0x1] =	stream.indirect_vreg.gather [hbm4b:s3+s10], $0x1, v12, vm0, $0xb8  }
0x40e: {  	s20 =	sadd.s32 $0x1FD0, s16  }
0x40f: {  	v17 =	vld [tilespmem:$0x1FD70];
	[tilespmem:s20], [sflag:$0x1] =	stream.indirect_vreg.gather [hbm4b:s3+s10], $0x1, v13, vm0, $0xb8  }
0x410: {  	s21 =	sadd.s32 $0x1FE0, s16  }
0x411: {  	v18 =	vld [tilespmem:$0x1FD80];
	[tilespmem:s21], [sflag:$0x1] =	stream.indirect_vreg.gather [hbm4b:s3+s10], $0x1, v14, vm0, $0xb8  }
0x412: {  	s22 =	sadd.s32 $0x1FF0, s16  }
0x413: {  	v19 =	vld [tilespmem:$0x1FD90];
	[tilespmem:s22], [sflag:$0x1] =	stream.indirect_vreg.gather [hbm4b:s3+s10], $0x1, v15, vm0, $0xb8  }
0x414: {  	s23 =	sadd.s32 $0x2000, s16  }
0x415: {  	v20 =	vld [tilespmem:$0x1FDA0];
	[tilespmem:s23], [sflag:$0x1] =	stream.indirect_vreg.gather [hbm4b:s3+s10], $0x1, v16, vm0, $0xb8  }
0x416: {  	s24 =	sadd.s32 $0x2010, s16  }
0x417: {  	v22 =	vld [tilespmem:$0x1FDB0];
	[tilespmem:s24], [sflag:$0x1] =	stream.indirect_vreg.gather [hbm4b:s3+s10], $0x1, v17, vm0, $0xb8  }
0x418: {  	s25 =	sadd.s32 $0x2020, s16  }
0x419: {  	v25 =	vld [tilespmem:$0x1FDC0];
	[tilespmem:s25], [sflag:$0x1] =	stream.indirect_vreg.gather [hbm4b:s3+s10], $0x1, v18, vm0, $0xb8  }
0x41a: {  	s26 =	sadd.s32 $0x2030, s16  }
0x41b: {  	v27 =	vld [tilespmem:$0x1FDD0];
	[tilespmem:s26], [sflag:$0x1] =	stream.indirect_vreg.gather [hbm4b:s3+s10], $0x1, v19, vm0, $0xb8  }
0x41c: {  	s28 =	sadd.s32 $0x2040, s16  }
0x41d: {  	v29 =	vld [tilespmem:$0x1FDE0];
	[tilespmem:s28], [sflag:$0x1] =	stream.indirect_vreg.gather [hbm4b:s3+s10], $0x1, v20, vm0, $0xb8  }
0x41e: {  	s29 =	sadd.s32 $0x2050, s16  }
0x41f: {  	v30 =	vld [tilespmem:$0x1FDF0];
	[tilespmem:s29], [sflag:$0x1] =	stream.indirect_vreg.gather [hbm4b:s3+s10], $0x1, v22, vm0, $0xb8  }
0x420: {  	s30 =	sadd.s32 $0x2060, s16  }
0x421: {  	v31 =	vld [tilespmem:$0x1FE00];
	[tilespmem:s30], [sflag:$0x1] =	stream.indirect_vreg.gather [hbm4b:s3+s10], $0x1, v25, vm0, $0xb8  }
0x422: {  	s31 =	sadd.s32 $0x2070, s16  }
0x423: {  	v32 =	vld [tilespmem:$0x1FE10];
	[tilespmem:s31], [sflag:$0x1] =	stream.indirect_vreg.gather [hbm4b:s3+s10], $0x1, v27, vm0, $0xb8  }
0x424: {  	s4 =	sadd.s32 $0x2080, s16  }
0x425: {  	v33 =	vld [tilespmem:$0x1FE20];
	[tilespmem:s4], [sflag:$0x1] =	stream.indirect_vreg.gather [hbm4b:s3+s10], $0x1, v29, vm0, $0xb8  }
0x426: {  	s6 =	sadd.s32 $0x2090, s16  }
0x427: {  	v34 =	vld [tilespmem:$0x1FE30];
	[tilespmem:s6], [sflag:$0x1] =	stream.indirect_vreg.gather [hbm4b:s3+s10], $0x1, v30, vm0, $0xb8  }
0x428: {  	s7 =	sadd.s32 $0x20A0, s16  }
0x429: {  	v35 =	vld [tilespmem:$0x1FE40];
	[tilespmem:s7], [sflag:$0x1] =	stream.indirect_vreg.gather [hbm4b:s3+s10], $0x1, v31, vm0, $0xb8  }
0x42a: {  	s8 =	sadd.s32 $0x20B0, s16  }
0x42b: {  	v36 =	vld [tilespmem:$0x1FE50];
	[tilespmem:s8], [sflag:$0x1] =	stream.indirect_vreg.gather [hbm4b:s3+s10], $0x1, v32, vm0, $0xb8  }
0x42c: {  	s9 =	sadd.s32 $0x20C0, s16  }
0x42d: {  	v37 =	vld [tilespmem:$0x1FE60];
	[tilespmem:s9], [sflag:$0x1] =	stream.indirect_vreg.gather [hbm4b:s3+s10], $0x1, v33, vm0, $0xb8  }
0x42e: {  	s11 =	sadd.s32 $0x20D0, s16  }
0x42f: {  	v38 =	vld [tilespmem:$0x1FE70];
	[tilespmem:s11], [sflag:$0x1] =	stream.indirect_vreg.gather [hbm4b:s3+s10], $0x1, v34, vm0, $0xb8  }
0x430: {  	s12 =	sadd.s32 $0x20E0, s16  }
0x431: {  	v39 =	vld [tilespmem:$0x1FE80];
	[tilespmem:s12], [sflag:$0x1] =	stream.indirect_vreg.gather [hbm4b:s3+s10], $0x1, v35, vm0, $0xb8  }
0x432: {  	s13 =	sadd.s32 $0x20F0, s16  }
0x433: {  	v40 =	vld [tilespmem:$0x1FE90];
	[tilespmem:s13], [sflag:$0x1] =	stream.indirect_vreg.gather [hbm4b:s3+s10], $0x1, v36, vm0, $0xb8  }
0x434: {  	s14 =	sadd.s32 $0x2100, s16  }
0x435: {  	v41 =	vld [tilespmem:$0x1FEA0];
	[tilespmem:s14], [sflag:$0x1] =	stream.indirect_vreg.gather [hbm4b:s3+s10], $0x1, v37, vm0, $0xb8  }
0x436: {  	s15 =	sadd.s32 $0x2110, s16  }
0x437: {  	v42 =	vld [tilespmem:$0x1FEB0];
	[tilespmem:s15], [sflag:$0x1] =	stream.indirect_vreg.gather [hbm4b:s3+s10], $0x1, v38, vm0, $0xb8  }
0x438: {  	s17 =	sadd.s32 $0x2120, s16  }
0x439: {  	v43 =	vld [tilespmem:$0x1FEC0];
	[tilespmem:s17], [sflag:$0x1] =	stream.indirect_vreg.gather [hbm4b:s3+s10], $0x1, v39, vm0, $0xb8  }
0x43a: {  	s18 =	sadd.s32 $0x2130, s16  }
0x43b: {  	v44 =	vld [tilespmem:$0x1FED0];
	[tilespmem:s18], [sflag:$0x1] =	stream.indirect_vreg.gather [hbm4b:s3+s10], $0x1, v40, vm0, $0xb8  }
0x43c: {  	s19 =	sadd.s32 $0x2140, s16  }
0x43d: {  	v45 =	vld [tilespmem:$0x1FEE0];
	[tilespmem:s19], [sflag:$0x1] =	stream.indirect_vreg.gather [hbm4b:s3+s10], $0x1, v41, vm0, $0xb8  }
0x43e: {  	s20 =	sadd.s32 $0x2150, s16  }
0x43f: {  	v46 =	vld [tilespmem:$0x1FEF0];
	[tilespmem:s20], [sflag:$0x1] =	stream.indirect_vreg.gather [hbm4b:s3+s10], $0x1, v42, vm0, $0xb8  }
0x440: {  	s21 =	sadd.s32 $0x2160, s16  }
0x441: {  	v47 =	vld [tilespmem:$0x1FF00];
	[tilespmem:s21], [sflag:$0x1] =	stream.indirect_vreg.gather [hbm4b:s3+s10], $0x1, v43, vm0, $0xb8  }
0x442: {  	s22 =	sadd.s32 $0x2170, s16  }
0x443: {  	v48 =	vld [tilespmem:$0x1FF10];
	[tilespmem:s22], [sflag:$0x1] =	stream.indirect_vreg.gather [hbm4b:s3+s10], $0x1, v44, vm0, $0xb8  }
0x444: {  	s23 =	sadd.s32 $0x2180, s16  }
0x445: {  	v49 =	vld [tilespmem:$0x1FF20];
	[tilespmem:s23], [sflag:$0x1] =	stream.indirect_vreg.gather [hbm4b:s3+s10], $0x1, v45, vm0, $0xb8  }
0x446: {  	s24 =	sadd.s32 $0x2190, s16  }
0x447: {  	v50 =	vld [tilespmem:$0x1FF30];
	[tilespmem:s24], [sflag:$0x1] =	stream.indirect_vreg.gather [hbm4b:s3+s10], $0x1, v46, vm0, $0xb8  }
0x448: {  	s25 =	sadd.s32 $0x21A0, s16  }
0x449: {  	v51 =	vld [tilespmem:$0x1FF40];
	[tilespmem:s25], [sflag:$0x1] =	stream.indirect_vreg.gather [hbm4b:s3+s10], $0x1, v47, vm0, $0xb8  }
0x44a: {  	s26 =	sadd.s32 $0x21B0, s16  }
0x44b: {  	v52 =	vld [tilespmem:$0x1FF50];
	[tilespmem:s26], [sflag:$0x1] =	stream.indirect_vreg.gather [hbm4b:s3+s10], $0x1, v48, vm0, $0xb8  }
0x44c: {  	s28 =	sadd.s32 $0x21C0, s16  }
0x44d: {  	v53 =	vld [tilespmem:$0x1FF60];
	[tilespmem:s28], [sflag:$0x1] =	stream.indirect_vreg.gather [hbm4b:s3+s10], $0x1, v49, vm0, $0xb8  }
0x44e: {  	s29 =	sadd.s32 $0x21D0, s16  }
0x44f: {  	v54 =	vld [tilespmem:$0x1FF70];
	[tilespmem:s29], [sflag:$0x1] =	stream.indirect_vreg.gather [hbm4b:s3+s10], $0x1, v50, vm0, $0xb8  }
0x450: {  	s30 =	sadd.s32 $0x21E0, s16  }
0x451: {  	v56 =	vld [tilespmem:$0x1FF80];
	[tilespmem:s30], [sflag:$0x1] =	stream.indirect_vreg.gather [hbm4b:s3+s10], $0x1, v51, vm0, $0xb8  }
0x452: {  	s31 =	sadd.s32 $0x21F0, s16  }
0x453: {  	v57 =	vld [tilespmem:$0x1FF90];
	[tilespmem:s31], [sflag:$0x1] =	stream.indirect_vreg.gather [hbm4b:s3+s10], $0x1, v52, vm0, $0xb8  }
0x454: {  	s4 =	sadd.s32 $0x2200, s16  }
0x455: {  	v58 =	vld [tilespmem:$0x1FFA0];
	[tilespmem:s4], [sflag:$0x1] =	stream.indirect_vreg.gather [hbm4b:s3+s10], $0x1, v53, vm0, $0xb8  }
0x456: {  	s6 =	sadd.s32 $0x2210, s16  }
0x457: {  	v59 =	vld [tilespmem:$0x1FFB0];
	[tilespmem:s6], [sflag:$0x1] =	stream.indirect_vreg.gather [hbm4b:s3+s10], $0x1, v54, vm0, $0xb8  }
0x458: {  	s7 =	sadd.s32 $0x2220, s16  }
0x459: {  	v60 =	vld [tilespmem:$0x1FFC0];
	[tilespmem:s7], [sflag:$0x1] =	stream.indirect_vreg.gather [hbm4b:s3+s10], $0x1, v56, vm0, $0xb8  }
0x45a: {  	s8 =	sadd.s32 $0x2230, s16  }
0x45b: {  	v61 =	vld [tilespmem:$0x1FFD0];
	[tilespmem:s8], [sflag:$0x1] =	stream.indirect_vreg.gather [hbm4b:s3+s10], $0x1, v57, vm0, $0xb8  }
0x45c: {  	s9 =	sadd.s32 $0x2240, s16  }
0x45d: {  	v62 =	vld [tilespmem:$0x1FFE0];
	[tilespmem:s9], [sflag:$0x1] =	stream.indirect_vreg.gather [hbm4b:s3+s10], $0x1, v58, vm0, $0xb8  }
0x45e: {  	s11 =	sadd.s32 $0x2250, s16  }
0x45f: {  	v63 =	vld [tilespmem:$0x1FFF0];
	[tilespmem:s11], [sflag:$0x1] =	stream.indirect_vreg.gather [hbm4b:s3+s10], $0x1, v59, vm0, $0xb8  }
0x460: {  	s12 =	sadd.s32 $0x2260, s16  }
0x461: {  	[tilespmem:s12], [sflag:$0x1] =	stream.indirect_vreg.gather [hbm4b:s3+s10], $0x1, v60, vm0, $0xb8;
	[tilespmem:$0x1B380] =	vst v63  }
0x462: {  	s13 =	sadd.s32 $0x2270, s16  }
0x463: {  	[tilespmem:s13], [sflag:$0x1] =	stream.indirect_vreg.gather [hbm4b:s3+s10], $0x1, v61, vm0, $0xb8;
	[tilespmem:$0x1B380] =	vst v63  }
0x464: {  	s14 =	sadd.s32 $0x2280, s16  }
0x465: {  	[tilespmem:s14], [sflag:$0x1] =	stream.indirect_vreg.gather [hbm4b:s3+s10], $0x1, v62, vm0, $0xb8;
	[tilespmem:$0x1B380] =	vst v63  }
0x466: {  	s15 =	sadd.s32 $0x2290, s16  }
0x467: {  	[tilespmem:s15], [sflag:$0x1] =	stream.indirect_vreg.gather [hbm4b:s3+s10], $0x1, v63, vm0, $0xb8;
	[tilespmem:$0x1B380] =	vst v63  }
0x468: {  	s17 =	sadd.s32 $0x22A0, s16  }
0x469: {  	[tilespmem:s17], [sflag:$0x1] =	stream.indirect_vreg.gather [hbm4b:s3+s10], $0x1, v55, vm0, $0xb8;
	[tilespmem:$0x1B380] =	vst v63  }
0x46a: {  	s18 =	sadd.s32 $0x22B0, s16  }
0x46b: {  	[tilespmem:s18], [sflag:$0x1] =	stream.indirect_vreg.gather [hbm4b:s3+s10], $0x1, v28, vm0, $0xb8;
	[tilespmem:$0x1B380] =	vst v63  }
0x46c: {  	s19 =	sadd.s32 $0x22C0, s16  }
0x46d: {  	[tilespmem:s19], [sflag:$0x1] =	stream.indirect_vreg.gather [hbm4b:s3+s10], $0x1, v26, vm0, $0xb8;
	[tilespmem:$0x1B380] =	vst v63  }
0x46e: {  	s20 =	sadd.s32 $0x22D0, s16  }
0x46f: {  	[tilespmem:s20], [sflag:$0x1] =	stream.indirect_vreg.gather [hbm4b:s3+s10], $0x1, v24, vm0, $0xb8;
	[tilespmem:$0x1B380] =	vst v63  }
0x470: {  	s21 =	sadd.s32 $0x22E0, s16  }
0x471: {  	[tilespmem:s21], [sflag:$0x1] =	stream.indirect_vreg.gather [hbm4b:s3+s10], $0x1, v23, vm0, $0xb8;
	[tilespmem:$0x1B380] =	vst v63  }
0x472: {  	s22 =	sadd.s32 $0x22F0, s16  }
0x473: {  	[tilespmem:s22], [sflag:$0x1] =	stream.indirect_vreg.gather [hbm4b:s3+s10], $0x1, v21, vm0, $0xb8;
	[tilespmem:$0x1B380] =	vst v63  }
0x474: {  	s23 =	sadd.s32 $0x2300, s16  }
0x475: {  	[tilespmem:s23], [sflag:$0x1] =	stream.indirect_vreg.gather [hbm4b:s3+s10], $0x1, v11, vm0, $0xb8;
	[tilespmem:$0x1B380] =	vst v63  }
0x476: {  	s24 =	sadd.s32 $0x2310, s16  }
0x477: {  	[tilespmem:s24], [sflag:$0x1] =	stream.indirect_vreg.gather [hbm4b:s3+s10], $0x1, v10, vm0, $0xb8;
	[tilespmem:$0x1B380] =	vst v63  }
0x478: {  	s25 =	sadd.s32 $0x2320, s16  }
0x479: {  	[tilespmem:s25], [sflag:$0x1] =	stream.indirect_vreg.gather [hbm4b:s3+s10], $0x1, v8, vm0, $0xb8;
	[tilespmem:$0x1B380] =	vst v63  }
0x47a: {  	s26 =	sadd.s32 $0x2330, s16  }
0x47b: {  	[tilespmem:s26], [sflag:$0x1] =	stream.indirect_vreg.gather [hbm4b:s3+s10], $0x1, v9, vm0, $0xb8;
	[tilespmem:$0x1B380] =	vst v63  }
0x47c: {  	s28 =	sadd.s32 $0x2340, s16  }
0x47d: {  	[tilespmem:s28], [sflag:$0x1] =	stream.indirect_vreg.gather [hbm4b:s3+s10], $0x1, v3, vm0, $0xb8;
	[tilespmem:$0x1B380] =	vst v63  }
0x47e: {  	s29 =	sadd.s32 $0x2350, s16  }
0x47f: {  	[tilespmem:s29], [sflag:$0x1] =	stream.indirect_vreg.gather [hbm4b:s3+s10], $0x1, v2, vm0, $0xb8;
	[tilespmem:$0x1B380] =	vst v63  }
.Ltmp0:
0x480: {  	p1 =	slt.u32 s5, $0x8;
	s30 =	sadd.s32 $0x2360, s16;
	(pc) =	sbr.rel @p0 .LBB2_2-.Ltmp0, $4  }
0x481: {  	[tilespmem:s30], [sflag:$0x1] =	stream.indirect_vreg.gather [hbm4b:s3+s10], $0x1, v1, vm0, $0xb8;
	[tilespmem:$0x1B380] =	vst v63  }
0x482: {  	s0 =	simm.s32 @!p1 $0x1;
	s31 =	sadd.s32 $0x2370, s16  }
0x483: {  	[tilespmem:s31], [sflag:$0x1] =	stream.indirect_vreg.gather [hbm4b:s3+s10], $0x1, v0, vm0, $0xb8;
	[tilespmem:$0x1B380] =	vst v63  }
0x484: {  	s2 =	rddreg [dreg:$0x3];
	_ =	swait.ge @!p1 [sflag:s0], $0x1000  }
0x485: {  	[sflag:s0] =	ssyncset.done @!p1 $0x0  }
0x486: {  	s29 =	simm.s32 $0x1;
	[sflag:s0] =	ssyncadd.s32 @!p1 $0xFFFFF000  }
0x487: {  	_ =	swait.ge [sflag:s29], $0x1000  }
0x488: {  	[sflag:s29] =	ssyncset.done $0x0  }
0x489: {  	[sflag:s29] =	ssyncadd.s32 $0xFFFFF000  }
0x48a: {  	_ =	swait.ge [sflag:s29], $0x1000  }
0x48b: {  	[sflag:s29] =	ssyncset.done $0x0  }
0x48c: {  	[sflag:s29] =	ssyncadd.s32 $0xFFFFF000  }
0x48d: {  	_ =	swait.ge [sflag:s29], $0x1000  }
0x48e: {  	[sflag:s29] =	ssyncset.done $0x0  }
0x48f: {  	[sflag:s29] =	ssyncadd.s32 $0xFFFFF000  }
0x490: {  	_ =	swait.ge [sflag:s29], $0x1000  }
0x491: {  	[sflag:s29] =	ssyncset.done $0x0  }
0x492: {  	[sflag:s29] =	ssyncadd.s32 $0xFFFFF000  }
0x493: {  	_ =	swait.ge [sflag:s29], $0x1000  }
0x494: {  	[sflag:s29] =	ssyncset.done $0x0  }
0x495: {  	[sflag:s29] =	ssyncadd.s32 $0xFFFFF000  }
0x496: {  	_ =	swait.ge [sflag:s29], $0x1000  }
0x497: {  	[sflag:s29] =	ssyncset.done $0x0  }
0x498: {  	[sflag:s29] =	ssyncadd.s32 $0xFFFFF000  }
0x499: {  	_ =	swait.ge [sflag:s29], $0x1000  }
0x49a: {  	[sflag:s29] =	ssyncset.done $0x0  }
0x49b: {  	[sflag:s29] =	ssyncadd.s32 $0xFFFFF000  }
0x49c: {  	s1 =	simm.s32 $0x80;
	_ =	swait.ge [sflag:s29], $0x1000  }
0x49d: {  	s2 =	simm.s32 $0x1000;
	s5 =	simm.s32 $0xD00;
	[sflag:s29] =	ssyncset.done $0x0  }
0x49e: {  	s4 =	simm.s32 $0x2;
	s30 =	rddreg [dreg:$0xb];
	[sflag:s29] =	ssyncadd.s32 $0xFFFFF000  }
0x49f: {  	[hbm4b:s30+s1] =	stream.strided.scatter [tilespmem:s5], [sflag:$0x2], $0x1A680, s2, s1, $0x38;
	[tilespmem:$0x1B380] =	vst v63  }
0x4a0: {  	_ =	swait.ge [sflag:s4], $0x1A680  }
0x4a1: {  	s6 =	rddreg [dreg:$0xd]  }
0x4a2: {  	s31 =	rddreg [dreg:$0xc];
	s6 =	sadd.s32 $0x1, s6  }
0x4a3: {  	p0 =	sne.s32 s6, s31  }
.Ltmp1:
0x4a4: {  	_ = 	snop;
	(pc) =	sbr.rel @p0 .LBB2_1-.Ltmp1, $3  }
0x4a5: {  	_ =	sdelay $0x1  }
0x4a6: {  	[sflag:s4] =	ssyncset.done $0x0  }
0x4a7: {  	[sflag:s4] =	ssyncadd.s32 $0xFFFE5980  }
0x4a8: {  	_ =	sfence.sel $0x180000  }
0x4a9: {  	[bflag:$0x0] =	sbarrier.arrive $0xFFFF  }
0x4aa: {  	_ =	strace $0x90000047  }
0x4ab: {  	s0 =	stileid.u32;
	[bflag:$0x2] =	sbarrier.arrive $0xFFFF  }
0x4ac: {  	p0 =	sne.s32 s0, $0x0;
	s0 =	rddreg [dreg:$0x2]  }
0x4ad: {  	s0 =	sadd.s32 @!p0 $0x100000, s0  }
0x4ae: {  	[sflag:s0] =	ssyncadd.tile.s32 @!p0 $0x1;
	_ =	shalt  }
.Lfunc_end2:
_tile_overlayer_lowered:
.L_overlay_start_2:
0x4af: {  	(tag) =	ssettag $0x2  }
0x4b0: {  	s0 =	rddreg [dreg:$0x0];
	s2 =	stileid.u32  }
0x4b1: {  	s1 =	rddreg [dreg:$0x1];
	p0 =	sne.s32 s2, $0x0  }
0x4b2: {  	s3 =	rddreg [dreg:$0x2];
	[bflag:$0x3] =	sbarrier.arrive $0xFFFF;
	s2 =	simm.s32 @!p0 $0x1C02  }
0x4b3: {  	[timem:s3], [sflag:s2] =	dma.local @!p0 [hbm:s0], s1  }
0x4b4: {  	s0 =	simm.s32 @!p0 $0x2  }
0x4b5: {  	_ =	swait.ge @!p0 [sflag:s0], s1  }
0x4b6: {  	s1 =	ssub.s32 @!p0 $0x0, s1;
	[sflag:s0] =	ssyncset.done @!p0 $0x0  }
0x4b7: {  	[sflag:s0] =	ssyncadd.s32 @!p0 s1  }
0x4b8: {  	[bflag:$0x3] =	sbarrier.arrive $0xFFFF  }
0x4b9: {  	_ =	shalt  }

</sc_bundles>
